<compile_context>
chip_gen: v7x
topology: tpu7x:2x2x1
jax: 0.10.2.dev20260603
libtpu: 0.0.44.dev20260713+nightly
codegen_flags: <defaults>
</compile_context>

<pallas_src>
import functools

import jax
import jax.numpy as jnp
from jax import lax
from jax.experimental import pallas as pl
from jax.experimental.pallas import tpu as pltpu
from jax.experimental.pallas import tpu_sc as plsc

NC = 2
NS = 16
NW = NC * NS
CH = 128


def _sc_deg(dstm, dstt, zeros1, np_, nps):
    mpw = dstm.shape[0] // NW
    tpw = dstt.shape[0] // NW
    rpw = mpw + tpw
    mesh = plsc.VectorSubcoreMesh(core_axis_name="c", subcore_axis_name="s")

    @functools.partial(
        pl.kernel,
        out_type=jax.ShapeDtypeStruct((NC, NS, nps), jnp.float32),
        mesh=mesh,
        scratch_types=[
            pltpu.VMEM((rpw, CH), jnp.int32),
            pltpu.VMEM((CH,), jnp.float32),
            pltpu.VMEM_SHARED((np_,), jnp.float32),
        ],
    )
    def k(dstm_hbm, dstt_hbm, z_hbm, out_hbm, idx_v, ones_v, deg_sh):
        cid = lax.axis_index("c")
        sid = lax.axis_index("s")
        wid = sid * NC + cid
        pltpu.sync_copy(z_hbm, deg_sh.at[pl.ds(sid * nps, nps)])

        @pl.loop(0, CH, step=16)
        def _(i):
            ones_v[pl.ds(i, 16)] = jnp.ones((16,), jnp.float32)

        pltpu.sync_copy(dstm_hbm.at[pl.ds(wid * mpw, mpw)],
                        idx_v.at[pl.ds(0, mpw)])
        pltpu.sync_copy(dstt_hbm.at[pl.ds(wid * tpw, tpw)],
                        idx_v.at[pl.ds(mpw, tpw)])
        plsc.subcore_barrier()

        @pl.loop(0, rpw)
        def _(j):
            pltpu.sync_copy(ones_v, deg_sh.at[idx_v.at[j]], add=True)

        plsc.subcore_barrier()
        pltpu.sync_copy(deg_sh.at[pl.ds(sid * nps, nps)], out_hbm.at[cid, sid])

    return k(dstm, dstt, zeros1)


CB = 24


def _sc_agg(h, srcm, dstm, srct, dstt, np_, nps):
    mpw = srcm.shape[0] // NW
    tpw = srct.shape[0] // NW
    d = h.shape[1]
    assert mpw % 8 == 0 and tpw % 8 == 0 and CB % 8 == 0
    mesh = plsc.VectorSubcoreMesh(core_axis_name="c", subcore_axis_name="s")

    nbuf = 2

    @functools.partial(
        pl.kernel,
        out_type=jax.ShapeDtypeStruct((NC, NS, nps, d), jnp.float32),
        mesh=mesh,
        scratch_types=[
            pltpu.VMEM((2, CB, CH), jnp.int32),
            pltpu.VMEM((2, CB, CH), jnp.int32),
            pltpu.VMEM((CH, d), jnp.float32),
            pltpu.VMEM((CH, d), jnp.float32),
            pltpu.VMEM_SHARED((np_, d), jnp.float32),
            pltpu.SemaphoreType.DMA,
            pltpu.SemaphoreType.DMA,
            pltpu.SemaphoreType.DMA,
            pltpu.SemaphoreType.DMA,
        ],
    )
    def k(h_hbm, sm_hbm, dm_hbm, st_hbm, dt_hbm, out_hbm, src_v, dst_v,
          r0, r1, acc_sh, sem0, sem1, isem0, isem1):
        sems = [sem0, sem1]
        isems = [isem0, isem1]
        rows = [r0, r1]
        cid = lax.axis_index("c")
        sid = lax.axis_index("s")

        @pl.loop(0, CH)
        def _(r):
            @pl.loop(0, d, step=16)
            def _(c):
                r0[r, pl.ds(c, 16)] = jnp.zeros((16,), jnp.float32)

        @pl.loop(0, nps - CH, step=CH)
        def _(r):
            pltpu.sync_copy(r0, acc_sh.at[pl.ds(sid * nps + r, CH)])
        rem = nps % CH if nps % CH else CH
        pltpu.sync_copy(
            r0.at[pl.ds(0, rem)],
            acc_sh.at[pl.ds(sid * nps + nps - rem, rem)])
        plsc.subcore_barrier()

        def run(s_hbm, d_hbm, nblk, base):
            if nblk == 0:
                return
            nchunks = (nblk + CB - 1) // CB

            def load_idx(c, buf):
                nb = min(CB, nblk - c * CB)
                cbase = base + c * CB
                pltpu.async_copy(s_hbm.at[pl.ds(cbase, nb)],
                                 src_v.at[buf].at[pl.ds(0, nb)], isems[0])
                pltpu.async_copy(d_hbm.at[pl.ds(cbase, nb)],
                                 dst_v.at[buf].at[pl.ds(0, nb)], isems[1])

            def wait_idx(c, buf):
                nb = min(CB, nblk - c * CB)
                cbase = base + c * CB
                pltpu.make_async_copy(
                    s_hbm.at[pl.ds(cbase, nb)],
                    src_v.at[buf].at[pl.ds(0, nb)], isems[0]).wait()
                pltpu.make_async_copy(
                    d_hbm.at[pl.ds(cbase, nb)],
                    dst_v.at[buf].at[pl.ds(0, nb)], isems[1]).wait()

            load_idx(0, 0)
            for c in range(nchunks):
                cur = c % 2
                nb = min(CB, nblk - c * CB)
                wait_idx(c, cur)
                if c + 1 < nchunks:
                    load_idx(c + 1, 1 - cur)
                sv = src_v.at[cur]
                dv = dst_v.at[cur]

                for b in range(nbuf):
                    pltpu.async_copy(h_hbm.at[sv.at[b]], rows[b], sems[b])

                @pl.loop(0, nb - nbuf, step=nbuf)
                def _(j):
                    for b in range(nbuf):
                        jj = j + b
                        pltpu.make_async_copy(
                            h_hbm.at[sv.at[jj]], rows[b], sems[b]).wait()
                        pltpu.sync_copy(rows[b], acc_sh.at[dv.at[jj]],
                                        add=True)
                        pltpu.async_copy(
                            h_hbm.at[sv.at[jj + nbuf]], rows[b], sems[b])

                for b in range(nbuf):
                    jj = nb - nbuf + b
                    pltpu.make_async_copy(
                        h_hbm.at[sv.at[jj]], rows[b], sems[b]).wait()
                    pltpu.sync_copy(rows[b], acc_sh.at[dv.at[jj]],
                                    add=True)

        wid = sid * NC + cid
        run(sm_hbm, dm_hbm, mpw, wid * mpw)
        run(st_hbm, dt_hbm, tpw, wid * tpw)
        plsc.subcore_barrier()

        pltpu.sync_copy(acc_sh.at[pl.ds(sid * nps, nps)],
                        out_hbm.at[cid, sid])

    return k(h, srcm, dstm, srct, dstt)


def _tc_mm1(x, w1, br):
    n, d = x.shape

    def body(x_ref, w_ref, out_ref):
        out_ref[...] = jnp.dot(x_ref[...], w_ref[...],
                               preferred_element_type=jnp.float32)

    return pl.pallas_call(
        body,
        grid=(n // br,),
        in_specs=[
            pl.BlockSpec((br, d), lambda i: (i, 0)),
            pl.BlockSpec((d, d), lambda i: (0, 0)),
        ],
        out_specs=pl.BlockSpec((br, d), lambda i: (i, 0)),
        out_shape=jax.ShapeDtypeStruct((n, d), jnp.float32),
    )(x, w1)


def _tc_scale1(h1, deg0, deg1, br):
    n, d = h1.shape

    def body(h_ref, d0_ref, d1_ref, ht_ref, dinv_ref):
        deg = d0_ref[...] + d1_ref[...] + 1.0
        dinv = lax.rsqrt(deg)
        dinv_ref[...] = dinv
        ht_ref[...] = h_ref[...] * dinv

    return pl.pallas_call(
        body,
        grid=(n // br,),
        in_specs=[
            pl.BlockSpec((br, d), lambda i: (i, 0)),
            pl.BlockSpec((br, 1), lambda i: (i, 0)),
            pl.BlockSpec((br, 1), lambda i: (i, 0)),
        ],
        out_specs=[
            pl.BlockSpec((br, d), lambda i: (i, 0)),
            pl.BlockSpec((br, 1), lambda i: (i, 0)),
        ],
        out_shape=[
            jax.ShapeDtypeStruct((n, d), jnp.float32),
            jax.ShapeDtypeStruct((n, 1), jnp.float32),
        ],
    )(h1, deg0, deg1)


def _tc_mid(accp, ht1, dinv, b1, w2, br):
    n, d = ht1.shape

    def body(accp_ref, ht1_ref, dinv_ref, b1_ref, w2_ref, out_ref):
        acc = accp_ref[0] + accp_ref[1] + ht1_ref[...]
        z = jnp.maximum(acc * dinv_ref[...] + b1_ref[...], 0.0)
        h2 = jnp.dot(z, w2_ref[...], preferred_element_type=jnp.float32)
        out_ref[...] = h2 * dinv_ref[...]

    return pl.pallas_call(
        body,
        grid=(n // br,),
        in_specs=[
            pl.BlockSpec((NC, br, d), lambda i: (0, i, 0)),
            pl.BlockSpec((br, d), lambda i: (i, 0)),
            pl.BlockSpec((br, 1), lambda i: (i, 0)),
            pl.BlockSpec((1, d), lambda i: (0, 0)),
            pl.BlockSpec((d, d), lambda i: (0, 0)),
        ],
        out_specs=pl.BlockSpec((br, d), lambda i: (i, 0)),
        out_shape=jax.ShapeDtypeStruct((n, d), jnp.float32),
    )(accp, ht1, dinv, b1, w2)


def _tc_final(accp2, ht2, dinv, b2, br):
    n, d = ht2.shape
    inv_n = 1.0 / n

    def body(accp_ref, ht2_ref, dinv_ref, b2_ref, out_ref):
        i = pl.program_id(0)
        acc = accp_ref[0] + accp_ref[1] + ht2_ref[...]
        z = jnp.maximum(acc * dinv_ref[...] + b2_ref[...], 0.0)

        @pl.when(i == 0)
        def _():
            out_ref[...] = jnp.zeros_like(out_ref)

        out_ref[...] += jnp.sum(z, axis=0, keepdims=True)

        @pl.when(i == pl.num_programs(0) - 1)
        def _():
            out_ref[...] *= inv_n

    return pl.pallas_call(
        body,
        grid=(n // br,),
        in_specs=[
            pl.BlockSpec((NC, br, d), lambda i: (0, i, 0)),
            pl.BlockSpec((br, d), lambda i: (i, 0)),
            pl.BlockSpec((br, 1), lambda i: (i, 0)),
            pl.BlockSpec((1, d), lambda i: (0, 0)),
        ],
        out_specs=pl.BlockSpec((1, d), lambda i: (0, 0)),
        out_shape=jax.ShapeDtypeStruct((1, d), jnp.float32),
    )(accp2, ht2, dinv, b2)


def kernel(x, edge_index, W1, b1, W2, b2):
    n, d = x.shape
    e = edge_index.shape[1]

    np_deg = ((n + NS * CH - 1) // (NS * CH)) * (NS * CH)
    if np_deg == n:
        np_deg += NS * CH
    nps_deg = np_deg // NS
    np_acc = ((n + NS * 8 - 1) // (NS * 8)) * (NS * 8)
    if np_acc == n:
        np_acc += NS * 8
    nps_acc = np_acc // NS

    ceil = lambda a, q: -(-a // q)
    mpw = (e // CH // NW) // 8 * 8
    mcnt = mpw * NW * CH
    tail_real = e - mcnt
    tpw = ceil(ceil(ceil(tail_real, CH), NW), 8) * 8
    tcnt = tpw * NW * CH
    pad = tcnt - tail_real

    src = edge_index[0].astype(jnp.int32)
    dst = edge_index[1].astype(jnp.int32)
    pad_i = jnp.arange(pad, dtype=jnp.int32)
    srcm = src[:mcnt].reshape(NW * mpw, CH)
    dstm = dst[:mcnt].reshape(NW * mpw, CH)
    srct = jnp.concatenate([src[mcnt:], pad_i % n]).reshape(NW * tpw, CH)
    dstt = jnp.concatenate([dst[mcnt:], n + pad_i % (np_acc - n)])
    dstt = dstt.reshape(NW * tpw, CH)

    zeros1 = jnp.zeros((nps_deg,), jnp.float32)

    br = n
    for cand in (2000, 1600, 1040, 400, 80, 16):
        if n % cand == 0:
            br = cand
            break

    h1 = _tc_mm1(x, W1, br)
    degp = _sc_deg(dstm, dstt, zeros1, np_deg, nps_deg)
    degf = degp.reshape(NC * np_deg)
    deg0 = lax.slice(degf, (0,), (np_deg,)).reshape(np_deg, 1)
    deg1 = lax.slice(degf, (np_deg,), (2 * np_deg,)).reshape(np_deg, 1)
    ht1, dinv = _tc_scale1(h1, deg0, deg1, br)
    accp1 = _sc_agg(ht1, srcm, dstm, srct, dstt, np_acc, nps_acc)
    accp1 = accp1.reshape(NC, np_acc, d)
    ht2 = _tc_mid(accp1, ht1, dinv, b1.reshape(1, d), W2, br)
    accp2 = _sc_agg(ht2, srcm, dstm, srct, dstt, np_acc, nps_acc)
    accp2 = accp2.reshape(NC, np_acc, d)
    return _tc_final(accp2, ht2, dinv, b2.reshape(1, d), br)

# --- scband reference (transcript-rebuilt; emitter-appended) ---
"""Pipeline reference for scband-graph-encoder-14267881357787 (READ-ONLY COPY).

The authoritative reference and input builder live on the scoring server;
editing this copy changes nothing except your own understanding.
"""

import jax, jax.numpy as jnp
import numpy as np

N = 10000
E = 320000
D_IN = 128
D_H = 128


def setup_inputs(seed: int = 0) -> dict:
    key = jax.random.key(seed)
    k1, k2, k3, k4, k5, k6 = jax.random.split(key, 6)
    x = jax.random.normal(k1, (N, D_IN), dtype=jnp.float32)
    edge_index = jax.random.randint(k2, (2, E), 0, N)
    s1 = 1.0 / np.sqrt(D_IN)
    s2 = 1.0 / np.sqrt(D_H)
    W1 = jax.random.uniform(k3, (D_IN, D_H), jnp.float32, -s1, s1)
    b1 = jnp.zeros((D_H,), jnp.float32)
    W2 = jax.random.uniform(k4, (D_H, D_H), jnp.float32, -s2, s2)
    b2 = jnp.zeros((D_H,), jnp.float32)
    return {"x": x, "edge_index": edge_index, "W1": W1, "b1": b1, "W2": W2, "b2": b2}


def _gcn_conv(x, edge_index, W, b):
    # Faithful GCNConv: linear transform, add self-loops, symmetric deg^{-1/2} normalization,
    # scatter-add aggregation over destination nodes, then bias.
    n = x.shape[0]
    src = edge_index[0]
    dst = edge_index[1]
    loop = jnp.arange(n, dtype=src.dtype)
    src = jnp.concatenate([src, loop])
    dst = jnp.concatenate([dst, loop])
    h = x @ W
    deg = jnp.zeros((n,), h.dtype).at[dst].add(1.0)
    deg_inv_sqrt = jnp.where(deg > 0, jax.lax.rsqrt(jnp.maximum(deg, 1e-12)), 0.0)
    norm = deg_inv_sqrt[src] * deg_inv_sqrt[dst]
    msgs = norm[:, None] * jnp.take(h, src, axis=0)
    out = jnp.zeros((n, h.shape[1]), h.dtype).at[dst].add(msgs)
    return out + b


def reference(x, edge_index, W1, b1, W2, b2):
    h = jax.nn.relu(_gcn_conv(x, edge_index, W1, b1))
    h = jax.nn.relu(_gcn_conv(h, edge_index, W2, b2))
    # data has no 'batch' attribute -> global mean over all nodes
    return jnp.mean(h, axis=0, keepdims=True)

if __name__ == "__main__":
    import jax
    _d = setup_inputs()
    print(jax.jit(kernel)(*tuple(_d.values())))

</pallas_src>

<mosaic_0001>
#map = affine_map<(d0, d1) -> (0, 0)>
#map1 = affine_map<(d0, d1) -> (0, 0, 0, 0)>
module attributes {stable_mosaic.version = 14 : i64} {
  func.func @k(%arg0: i32, %arg1: i32, %arg2: memref<10000x128xf32, #tpu.memory_space<hbm>>, %arg3: memref<2304x128xi32, #tpu.memory_space<hbm>>, %arg4: memref<2304x128xi32, #tpu.memory_space<hbm>>, %arg5: memref<256x128xi32, #tpu.memory_space<hbm>>, %arg6: memref<256x128xi32, #tpu.memory_space<hbm>>, %arg7: memref<2x16x632x128xf32, #tpu.memory_space<hbm>>, %arg8: memref<2x24x128xi32, #tpu.memory_space<vmem>>, %arg9: memref<2x24x128xi32, #tpu.memory_space<vmem>>, %arg10: memref<128x128xf32, #tpu.memory_space<vmem>>, %arg11: memref<128x128xf32, #tpu.memory_space<vmem>>, %arg12: memref<10112x128xf32, #tpu.memory_space<vmem_shared>>, %arg13: memref<!tpu.dma_semaphore, #tpu.memory_space<semaphore_mem>>, %arg14: memref<!tpu.dma_semaphore, #tpu.memory_space<semaphore_mem>>, %arg15: memref<!tpu.dma_semaphore, #tpu.memory_space<semaphore_mem>>, %arg16: memref<!tpu.dma_semaphore, #tpu.memory_space<semaphore_mem>>) attributes {dimension_semantics = [#tpu.dimension_semantics<core_parallel>, #tpu.dimension_semantics<subcore_parallel>], iteration_bounds = array<i64: 2, 16>, scalar_prefetch = 0 : i64, scratch_operands = 9 : i64, tpu.core_type = #tpu.core_type<sc_vector_subcore>, window_params = [{transform_indices = #map}, {transform_indices = #map}, {transform_indices = #map}, {transform_indices = #map}, {transform_indices = #map}, {transform_indices = #map1}]} {
    %scan3A = arith.constant 0 : i32
    %scan3A_0 = arith.constant 128 : i32
    %scan3A_1 = arith.addi %scan3A, %scan3A_0 : i32
    %scan3A_2 = arith.constant 1 : i32
    scf.for %scan3A_575 = %scan3A to %scan3A_1 step %scan3A_2  : i32 {
      %mul3A_576 = arith.constant 1 : i32
      %mul3A_577 = arith.muli %scan3A_575, %mul3A_576 : i32
      %add3A_578 = arith.constant 0 : i32
      %add3A_579 = arith.addi %add3A_578, %mul3A_577 : i32
      %scan3A_580 = arith.constant 0 : i32
      %scan3A_581 = arith.constant 8 : i32
      %scan3A_582 = arith.addi %scan3A_580, %scan3A_581 : i32
      %scan3A_583 = arith.constant 1 : i32
      scf.for %scan3A_585 = %scan3A_580 to %scan3A_582 step %scan3A_583  : i32 {
        %mul3A_586 = arith.constant 16 : i32
        %mul3A_587 = arith.muli %scan3A_585, %mul3A_586 : i32
        %add3A_588 = arith.constant 0 : i32
        %add3A_589 = arith.addi %add3A_588, %mul3A_587 : i32
        %broadcast_in_dim3A = arith.constant 0.000000e+00 : f32
        %broadcast_in_dim3A_590 = vector.broadcast %broadcast_in_dim3A : f32 to vector<16xf32>
        %swap3A = arith.index_cast %add3A_579 : i32 to index
        %swap3A_591 = arith.index_cast %add3A_589 : i32 to index
        %swap3A_592 = tpu.vector_load %arg10[%swap3A, %swap3A_591] {strides = array<i32>} : memref<128x128xf32, #tpu.memory_space<vmem>>, vector<1x16xf32>,
        %swap3A_593 = vector.shape_cast %swap3A_592 : vector<1x16xf32> to vector<16xf32>
        %swap3A_594 = vector.shape_cast %broadcast_in_dim3A_590 : vector<16xf32> to vector<1x16xf32>
        tpu.vector_store %arg10[%swap3A, %swap3A_591], %swap3A_594 {strides = array<i32>} : memref<128x128xf32, #tpu.memory_space<vmem>>, vector<1x16xf32>,
      }
      %scan3A_584 = arith.constant 8 : i32
    }
    %scan3A_3 = arith.constant 128 : i32
    %scan3A_4 = arith.constant 0 : i32
    %scan3A_5 = arith.constant 4 : i32
    %scan3A_6 = arith.addi %scan3A_4, %scan3A_5 : i32
    %scan3A_7 = arith.constant 1 : i32
    scf.for %scan3A_575 = %scan3A_4 to %scan3A_6 step %scan3A_7  : i32 {
      %mul3A_576 = arith.constant 128 : i32
      %mul3A_577 = arith.muli %scan3A_575, %mul3A_576 : i32
      %add3A_578 = arith.constant 0 : i32
      %add3A_579 = arith.addi %add3A_578, %mul3A_577 : i32
      %mul3A_580 = arith.constant 632 : i32
      %mul3A_581 = arith.muli %arg1, %mul3A_580 : i32
      %add3A_582 = arith.addi %mul3A_581, %add3A_579 : i32
      "tpu.region"() ({
        %run_scoped3A_583 = tpu.sem_alloc : memref<!tpu.dma_semaphore, #tpu.memory_space<semaphore_mem>>
        %dma_start3A_584 = arith.constant 0 : i32
        %dma_start3A_585 = tpu.memref_slice %arg12[%add3A_582, %dma_start3A_584] : memref<10112x128xf32, #tpu.memory_space<vmem_shared>> -> memref<128x128xf32, #tpu.memory_space<vmem_shared>>
        %dma_start3A_586 = arith.constant 0 : i32
        %dma_start3A_587 = tpu.memref_slice %arg12[%add3A_582, %dma_start3A_586] : memref<10112x128xf32, #tpu.memory_space<vmem_shared>> -> memref<128x128xf32, #tpu.memory_space<vmem_shared>>
        tpu.enqueue_dma source(%arg10 : memref<128x128xf32, #tpu.memory_space<vmem>>) target(%dma_start3A_587 : memref<128x128xf32, #tpu.memory_space<vmem_shared>>) target_semaphore(%run_scoped3A_583 : memref<!tpu.dma_semaphore, #tpu.memory_space<semaphore_mem>>)
        %dma_wait3A_588 = arith.constant 0 : i32
        %dma_wait3A_589 = tpu.memref_slice %arg12[%add3A_582, %dma_wait3A_588] : memref<10112x128xf32, #tpu.memory_space<vmem_shared>> -> memref<128x128xf32, #tpu.memory_space<vmem_shared>>
        %dma_wait3A_590 = arith.constant 0 : i32
        %dma_wait3A_591 = tpu.memref_slice %arg12[%add3A_582, %dma_wait3A_590] : memref<10112x128xf32, #tpu.memory_space<vmem_shared>> -> memref<128x128xf32, #tpu.memory_space<vmem_shared>>
        tpu.wait_dma2 semaphore(%run_scoped3A_583 : memref<!tpu.dma_semaphore, #tpu.memory_space<semaphore_mem>>) src(%arg10 : memref<128x128xf32, #tpu.memory_space<vmem>>) dst(%dma_wait3A_591 : memref<128x128xf32, #tpu.memory_space<vmem_shared>>)
        tpu.yield
      }) : () -> ()
    }
    %scan3A_8 = arith.constant 4 : i32
    %mul3A = arith.constant 632 : i32
    %mul3A_9 = arith.muli %arg1, %mul3A : i32
    %add3A = arith.constant 632 : i32
    %add3A_10 = arith.addi %mul3A_9, %add3A : i32
    %sub3A = arith.constant 120 : i32
    %sub3A_11 = arith.subi %add3A_10, %sub3A : i32
    "tpu.region"() ({
      %run_scoped3A_575 = tpu.sem_alloc : memref<!tpu.dma_semaphore, #tpu.memory_space<semaphore_mem>>
      %dma_start3A_576 = arith.constant 0 : i32
      %dma_start3A_577 = arith.constant 0 : i32
      %dma_start3A_578 = tpu.memref_slice %arg10[%dma_start3A_576, %dma_start3A_577] : memref<128x128xf32, #tpu.memory_space<vmem>> -> memref<120x128xf32, #tpu.memory_space<vmem>>
      %dma_start3A_579 = arith.constant 0 : i32
      %dma_start3A_580 = tpu.memref_slice %arg12[%sub3A_11, %dma_start3A_579] : memref<10112x128xf32, #tpu.memory_space<vmem_shared>> -> memref<120x128xf32, #tpu.memory_space<vmem_shared>>
      %dma_start3A_581 = arith.constant 0 : i32
      %dma_start3A_582 = tpu.memref_slice %arg12[%sub3A_11, %dma_start3A_581] : memref<10112x128xf32, #tpu.memory_space<vmem_shared>> -> memref<120x128xf32, #tpu.memory_space<vmem_shared>>
      %dma_start3A_583 = arith.constant 0 : i32
      %dma_start3A_584 = arith.constant 0 : i32
      %dma_start3A_585 = tpu.memref_slice %arg10[%dma_start3A_583, %dma_start3A_584] : memref<128x128xf32, #tpu.memory_space<vmem>> -> memref<120x128xf32, #tpu.memory_space<vmem>>
      tpu.enqueue_dma source(%dma_start3A_585 : memref<120x128xf32, #tpu.memory_space<vmem>>) target(%dma_start3A_582 : memref<120x128xf32, #tpu.memory_space<vmem_shared>>) target_semaphore(%run_scoped3A_575 : memref<!tpu.dma_semaphore, #tpu.memory_space<semaphore_mem>>)
      %dma_wait3A_586 = arith.constant 0 : i32
      %dma_wait3A_587 = arith.constant 0 : i32
      %dma_wait3A_588 = tpu.memref_slice %arg10[%dma_wait3A_586, %dma_wait3A_587] : memref<128x128xf32, #tpu.memory_space<vmem>> -> memref<120x128xf32, #tpu.memory_space<vmem>>
      %dma_wait3A_589 = arith.constant 0 : i32
      %dma_wait3A_590 = tpu.memref_slice %arg12[%sub3A_11, %dma_wait3A_589] : memref<10112x128xf32, #tpu.memory_space<vmem_shared>> -> memref<120x128xf32, #tpu.memory_space<vmem_shared>>
      %dma_wait3A_591 = arith.constant 0 : i32
      %dma_wait3A_592 = tpu.memref_slice %arg12[%sub3A_11, %dma_wait3A_591] : memref<10112x128xf32, #tpu.memory_space<vmem_shared>> -> memref<120x128xf32, #tpu.memory_space<vmem_shared>>
      %dma_wait3A_593 = arith.constant 0 : i32
      %dma_wait3A_594 = arith.constant 0 : i32
      %dma_wait3A_595 = tpu.memref_slice %arg10[%dma_wait3A_593, %dma_wait3A_594] : memref<128x128xf32, #tpu.memory_space<vmem>> -> memref<120x128xf32, #tpu.memory_space<vmem>>
      tpu.wait_dma2 semaphore(%run_scoped3A_575 : memref<!tpu.dma_semaphore, #tpu.memory_space<semaphore_mem>>) src(%dma_wait3A_595 : memref<120x128xf32, #tpu.memory_space<vmem>>) dst(%dma_wait3A_592 : memref<120x128xf32, #tpu.memory_space<vmem_shared>>)
      tpu.yield
    }) : () -> ()
    %barrier3A = arith.constant 0 : index
    tpu.barrier barrier_id(%barrier3A)
    %mul3A_12 = arith.constant 2 : i32
    %mul3A_13 = arith.muli %arg1, %mul3A_12 : i32
    %add3A_14 = arith.addi %mul3A_13, %arg0 : i32
    %mul3A_15 = arith.constant 72 : i32
    %mul3A_16 = arith.muli %add3A_14, %mul3A_15 : i32
    %add3A_17 = arith.constant 0 : i32
    %add3A_18 = arith.addi %mul3A_16, %add3A_17 : i32
    %dma_start3A = arith.constant 0 : i32
    %dma_start3A_19 = arith.constant 0 : i32
    %dma_start3A_20 = arith.constant 0 : i32
    %dma_start3A_21 = tpu.memref_slice %arg8[%dma_start3A, %dma_start3A_19, %dma_start3A_20] : memref<2x24x128xi32, #tpu.memory_space<vmem>> -> memref<1x24x128xi32, #tpu.memory_space<vmem>>
    %dma_start3A_22 = tpu.memref_squeeze %dma_start3A_21 : memref<1x24x128xi32, #tpu.memory_space<vmem>> -> memref<24x128xi32, #tpu.memory_space<vmem>>
    %dma_start3A_23 = arith.constant 0 : i32
    %dma_start3A_24 = arith.constant 0 : i32
    %dma_start3A_25 = tpu.memref_slice %dma_start3A_22[%dma_start3A_23, %dma_start3A_24] : memref<24x128xi32, #tpu.memory_space<vmem>> -> memref<24x128xi32, #tpu.memory_space<vmem>>
    %dma_start3A_26 = arith.constant 0 : i32
    %dma_start3A_27 = tpu.memref_slice %arg3[%add3A_18, %dma_start3A_26] : memref<2304x128xi32, #tpu.memory_space<hbm>> -> memref<24x128xi32, #tpu.memory_space<hbm>>
    %dma_start3A_28 = arith.constant 0 : i32
    %dma_start3A_29 = arith.constant 0 : i32
    %dma_start3A_30 = tpu.memref_slice %arg8[%dma_start3A, %dma_start3A_28, %dma_start3A_29] : memref<2x24x128xi32, #tpu.memory_space<vmem>> -> memref<1x24x128xi32, #tpu.memory_space<vmem>>
    %dma_start3A_31 = tpu.memref_squeeze %dma_start3A_30 : memref<1x24x128xi32, #tpu.memory_space<vmem>> -> memref<24x128xi32, #tpu.memory_space<vmem>>
    %dma_start3A_32 = arith.constant 0 : i32
    %dma_start3A_33 = arith.constant 0 : i32
    %dma_start3A_34 = tpu.memref_slice %dma_start3A_31[%dma_start3A_32, %dma_start3A_33] : memref<24x128xi32, #tpu.memory_space<vmem>> -> memref<24x128xi32, #tpu.memory_space<vmem>>
    %dma_start3A_35 = arith.constant 0 : i32
    %dma_start3A_36 = tpu.memref_slice %arg3[%add3A_18, %dma_start3A_35] : memref<2304x128xi32, #tpu.memory_space<hbm>> -> memref<24x128xi32, #tpu.memory_space<hbm>>
    tpu.enqueue_dma source(%dma_start3A_36 : memref<24x128xi32, #tpu.memory_space<hbm>>) target(%dma_start3A_34 : memref<24x128xi32, #tpu.memory_space<vmem>>) target_semaphore(%arg15 : memref<!tpu.dma_semaphore, #tpu.memory_space<semaphore_mem>>)
    %dma_start3A_37 = arith.constant 0 : i32
    %dma_start3A_38 = arith.constant 0 : i32
    %dma_start3A_39 = arith.constant 0 : i32
    %dma_start3A_40 = tpu.memref_slice %arg9[%dma_start3A_37, %dma_start3A_38, %dma_start3A_39] : memref<2x24x128xi32, #tpu.memory_space<vmem>> -> memref<1x24x128xi32, #tpu.memory_space<vmem>>
    %dma_start3A_41 = tpu.memref_squeeze %dma_start3A_40 : memref<1x24x128xi32, #tpu.memory_space<vmem>> -> memref<24x128xi32, #tpu.memory_space<vmem>>
    %dma_start3A_42 = arith.constant 0 : i32
    %dma_start3A_43 = arith.constant 0 : i32
    %dma_start3A_44 = tpu.memref_slice %dma_start3A_41[%dma_start3A_42, %dma_start3A_43] : memref<24x128xi32, #tpu.memory_space<vmem>> -> memref<24x128xi32, #tpu.memory_space<vmem>>
    %dma_start3A_45 = arith.constant 0 : i32
    %dma_start3A_46 = tpu.memref_slice %arg4[%add3A_18, %dma_start3A_45] : memref<2304x128xi32, #tpu.memory_space<hbm>> -> memref<24x128xi32, #tpu.memory_space<hbm>>
    %dma_start3A_47 = arith.constant 0 : i32
    %dma_start3A_48 = arith.constant 0 : i32
    %dma_start3A_49 = tpu.memref_slice %arg9[%dma_start3A_37, %dma_start3A_47, %dma_start3A_48] : memref<2x24x128xi32, #tpu.memory_space<vmem>> -> memref<1x24x128xi32, #tpu.memory_space<vmem>>
    %dma_start3A_50 = tpu.memref_squeeze %dma_start3A_49 : memref<1x24x128xi32, #tpu.memory_space<vmem>> -> memref<24x128xi32, #tpu.memory_space<vmem>>
    %dma_start3A_51 = arith.constant 0 : i32
    %dma_start3A_52 = arith.constant 0 : i32
    %dma_start3A_53 = tpu.memref_slice %dma_start3A_50[%dma_start3A_51, %dma_start3A_52] : memref<24x128xi32, #tpu.memory_space<vmem>> -> memref<24x128xi32, #tpu.memory_space<vmem>>
    %dma_start3A_54 = arith.constant 0 : i32
    %dma_start3A_55 = tpu.memref_slice %arg4[%add3A_18, %dma_start3A_54] : memref<2304x128xi32, #tpu.memory_space<hbm>> -> memref<24x128xi32, #tpu.memory_space<hbm>>
    tpu.enqueue_dma source(%dma_start3A_55 : memref<24x128xi32, #tpu.memory_space<hbm>>) target(%dma_start3A_53 : memref<24x128xi32, #tpu.memory_space<vmem>>) target_semaphore(%arg16 : memref<!tpu.dma_semaphore, #tpu.memory_space<semaphore_mem>>)
    %add3A_56 = arith.constant 0 : i32
    %add3A_57 = arith.addi %mul3A_16, %add3A_56 : i32
    %dma_wait3A = arith.constant 0 : i32
    %dma_wait3A_58 = arith.constant 0 : i32
    %dma_wait3A_59 = arith.constant 0 : i32
    %dma_wait3A_60 = tpu.memref_slice %arg8[%dma_wait3A, %dma_wait3A_58, %dma_wait3A_59] : memref<2x24x128xi32, #tpu.memory_space<vmem>> -> memref<1x24x128xi32, #tpu.memory_space<vmem>>
    %dma_wait3A_61 = tpu.memref_squeeze %dma_wait3A_60 : memref<1x24x128xi32, #tpu.memory_space<vmem>> -> memref<24x128xi32, #tpu.memory_space<vmem>>
    %dma_wait3A_62 = arith.constant 0 : i32
    %dma_wait3A_63 = arith.constant 0 : i32
    %dma_wait3A_64 = tpu.memref_slice %dma_wait3A_61[%dma_wait3A_62, %dma_wait3A_63] : memref<24x128xi32, #tpu.memory_space<vmem>> -> memref<24x128xi32, #tpu.memory_space<vmem>>
    %dma_wait3A_65 = arith.constant 0 : i32
    %dma_wait3A_66 = tpu.memref_slice %arg3[%add3A_57, %dma_wait3A_65] : memref<2304x128xi32, #tpu.memory_space<hbm>> -> memref<24x128xi32, #tpu.memory_space<hbm>>
    %dma_wait3A_67 = arith.constant 0 : i32
    %dma_wait3A_68 = arith.constant 0 : i32
    %dma_wait3A_69 = tpu.memref_slice %arg8[%dma_wait3A, %dma_wait3A_67, %dma_wait3A_68] : memref<2x24x128xi32, #tpu.memory_space<vmem>> -> memref<1x24x128xi32, #tpu.memory_space<vmem>>
    %dma_wait3A_70 = tpu.memref_squeeze %dma_wait3A_69 : memref<1x24x128xi32, #tpu.memory_space<vmem>> -> memref<24x128xi32, #tpu.memory_space<vmem>>
    %dma_wait3A_71 = arith.constant 0 : i32
    %dma_wait3A_72 = arith.constant 0 : i32
    %dma_wait3A_73 = tpu.memref_slice %dma_wait3A_70[%dma_wait3A_71, %dma_wait3A_72] : memref<24x128xi32, #tpu.memory_space<vmem>> -> memref<24x128xi32, #tpu.memory_space<vmem>>
    %dma_wait3A_74 = arith.constant 0 : i32
    %dma_wait3A_75 = tpu.memref_slice %arg3[%add3A_57, %dma_wait3A_74] : memref<2304x128xi32, #tpu.memory_space<hbm>> -> memref<24x128xi32, #tpu.memory_space<hbm>>
    tpu.wait_dma2 semaphore(%arg15 : memref<!tpu.dma_semaphore, #tpu.memory_space<semaphore_mem>>) src(%dma_wait3A_75 : memref<24x128xi32, #tpu.memory_space<hbm>>) dst(%dma_wait3A_73 : memref<24x128xi32, #tpu.memory_space<vmem>>)
    %dma_wait3A_76 = arith.constant 0 : i32
    %dma_wait3A_77 = arith.constant 0 : i32
    %dma_wait3A_78 = arith.constant 0 : i32
    %dma_wait3A_79 = tpu.memref_slice %arg9[%dma_wait3A_76, %dma_wait3A_77, %dma_wait3A_78] : memref<2x24x128xi32, #tpu.memory_space<vmem>> -> memref<1x24x128xi32, #tpu.memory_space<vmem>>
    %dma_wait3A_80 = tpu.memref_squeeze %dma_wait3A_79 : memref<1x24x128xi32, #tpu.memory_space<vmem>> -> memref<24x128xi32, #tpu.memory_space<vmem>>
    %dma_wait3A_81 = arith.constant 0 : i32
    %dma_wait3A_82 = arith.constant 0 : i32
    %dma_wait3A_83 = tpu.memref_slice %dma_wait3A_80[%dma_wait3A_81, %dma_wait3A_82] : memref<24x128xi32, #tpu.memory_space<vmem>> -> memref<24x128xi32, #tpu.memory_space<vmem>>
    %dma_wait3A_84 = arith.constant 0 : i32
    %dma_wait3A_85 = tpu.memref_slice %arg4[%add3A_57, %dma_wait3A_84] : memref<2304x128xi32, #tpu.memory_space<hbm>> -> memref<24x128xi32, #tpu.memory_space<hbm>>
    %dma_wait3A_86 = arith.constant 0 : i32
    %dma_wait3A_87 = arith.constant 0 : i32
    %dma_wait3A_88 = tpu.memref_slice %arg9[%dma_wait3A_76, %dma_wait3A_86, %dma_wait3A_87] : memref<2x24x128xi32, #tpu.memory_space<vmem>> -> memref<1x24x128xi32, #tpu.memory_space<vmem>>
    %dma_wait3A_89 = tpu.memref_squeeze %dma_wait3A_88 : memref<1x24x128xi32, #tpu.memory_space<vmem>> -> memref<24x128xi32, #tpu.memory_space<vmem>>
    %dma_wait3A_90 = arith.constant 0 : i32
    %dma_wait3A_91 = arith.constant 0 : i32
    %dma_wait3A_92 = tpu.memref_slice %dma_wait3A_89[%dma_wait3A_90, %dma_wait3A_91] : memref<24x128xi32, #tpu.memory_space<vmem>> -> memref<24x128xi32, #tpu.memory_space<vmem>>
    %dma_wait3A_93 = arith.constant 0 : i32
    %dma_wait3A_94 = tpu.memref_slice %arg4[%add3A_57, %dma_wait3A_93] : memref<2304x128xi32, #tpu.memory_space<hbm>> -> memref<24x128xi32, #tpu.memory_space<hbm>>
    tpu.wait_dma2 semaphore(%arg16 : memref<!tpu.dma_semaphore, #tpu.memory_space<semaphore_mem>>) src(%dma_wait3A_94 : memref<24x128xi32, #tpu.memory_space<hbm>>) dst(%dma_wait3A_92 : memref<24x128xi32, #tpu.memory_space<vmem>>)
    %add3A_95 = arith.constant 24 : i32
    %add3A_96 = arith.addi %mul3A_16, %add3A_95 : i32
    %dma_start3A_97 = arith.constant 1 : i32
    %dma_start3A_98 = arith.constant 0 : i32
    %dma_start3A_99 = arith.constant 0 : i32
    %dma_start3A_100 = tpu.memref_slice %arg8[%dma_start3A_97, %dma_start3A_98, %dma_start3A_99] : memref<2x24x128xi32, #tpu.memory_space<vmem>> -> memref<1x24x128xi32, #tpu.memory_space<vmem>>
    %dma_start3A_101 = tpu.memref_squeeze %dma_start3A_100 : memref<1x24x128xi32, #tpu.memory_space<vmem>> -> memref<24x128xi32, #tpu.memory_space<vmem>>
    %dma_start3A_102 = arith.constant 0 : i32
    %dma_start3A_103 = arith.constant 0 : i32
    %dma_start3A_104 = tpu.memref_slice %dma_start3A_101[%dma_start3A_102, %dma_start3A_103] : memref<24x128xi32, #tpu.memory_space<vmem>> -> memref<24x128xi32, #tpu.memory_space<vmem>>
    %dma_start3A_105 = arith.constant 0 : i32
    %dma_start3A_106 = tpu.memref_slice %arg3[%add3A_96, %dma_start3A_105] : memref<2304x128xi32, #tpu.memory_space<hbm>> -> memref<24x128xi32, #tpu.memory_space<hbm>>
    %dma_start3A_107 = arith.constant 0 : i32
    %dma_start3A_108 = arith.constant 0 : i32
    %dma_start3A_109 = tpu.memref_slice %arg8[%dma_start3A_97, %dma_start3A_107, %dma_start3A_108] : memref<2x24x128xi32, #tpu.memory_space<vmem>> -> memref<1x24x128xi32, #tpu.memory_space<vmem>>
    %dma_start3A_110 = tpu.memref_squeeze %dma_start3A_109 : memref<1x24x128xi32, #tpu.memory_space<vmem>> -> memref<24x128xi32, #tpu.memory_space<vmem>>
    %dma_start3A_111 = arith.constant 0 : i32
    %dma_start3A_112 = arith.constant 0 : i32
    %dma_start3A_113 = tpu.memref_slice %dma_start3A_110[%dma_start3A_111, %dma_start3A_112] : memref<24x128xi32, #tpu.memory_space<vmem>> -> memref<24x128xi32, #tpu.memory_space<vmem>>
    %dma_start3A_114 = arith.constant 0 : i32
    %dma_start3A_115 = tpu.memref_slice %arg3[%add3A_96, %dma_start3A_114] : memref<2304x128xi32, #tpu.memory_space<hbm>> -> memref<24x128xi32, #tpu.memory_space<hbm>>
    tpu.enqueue_dma source(%dma_start3A_115 : memref<24x128xi32, #tpu.memory_space<hbm>>) target(%dma_start3A_113 : memref<24x128xi32, #tpu.memory_space<vmem>>) target_semaphore(%arg15 : memref<!tpu.dma_semaphore, #tpu.memory_space<semaphore_mem>>)
    %dma_start3A_116 = arith.constant 1 : i32
    %dma_start3A_117 = arith.constant 0 : i32
    %dma_start3A_118 = arith.constant 0 : i32
    %dma_start3A_119 = tpu.memref_slice %arg9[%dma_start3A_116, %dma_start3A_117, %dma_start3A_118] : memref<2x24x128xi32, #tpu.memory_space<vmem>> -> memref<1x24x128xi32, #tpu.memory_space<vmem>>
    %dma_start3A_120 = tpu.memref_squeeze %dma_start3A_119 : memref<1x24x128xi32, #tpu.memory_space<vmem>> -> memref<24x128xi32, #tpu.memory_space<vmem>>
    %dma_start3A_121 = arith.constant 0 : i32
    %dma_start3A_122 = arith.constant 0 : i32
    %dma_start3A_123 = tpu.memref_slice %dma_start3A_120[%dma_start3A_121, %dma_start3A_122] : memref<24x128xi32, #tpu.memory_space<vmem>> -> memref<24x128xi32, #tpu.memory_space<vmem>>
    %dma_start3A_124 = arith.constant 0 : i32
    %dma_start3A_125 = tpu.memref_slice %arg4[%add3A_96, %dma_start3A_124] : memref<2304x128xi32, #tpu.memory_space<hbm>> -> memref<24x128xi32, #tpu.memory_space<hbm>>
    %dma_start3A_126 = arith.constant 0 : i32
    %dma_start3A_127 = arith.constant 0 : i32
    %dma_start3A_128 = tpu.memref_slice %arg9[%dma_start3A_116, %dma_start3A_126, %dma_start3A_127] : memref<2x24x128xi32, #tpu.memory_space<vmem>> -> memref<1x24x128xi32, #tpu.memory_space<vmem>>
    %dma_start3A_129 = tpu.memref_squeeze %dma_start3A_128 : memref<1x24x128xi32, #tpu.memory_space<vmem>> -> memref<24x128xi32, #tpu.memory_space<vmem>>
    %dma_start3A_130 = arith.constant 0 : i32
    %dma_start3A_131 = arith.constant 0 : i32
    %dma_start3A_132 = tpu.memref_slice %dma_start3A_129[%dma_start3A_130, %dma_start3A_131] : memref<24x128xi32, #tpu.memory_space<vmem>> -> memref<24x128xi32, #tpu.memory_space<vmem>>
    %dma_start3A_133 = arith.constant 0 : i32
    %dma_start3A_134 = tpu.memref_slice %arg4[%add3A_96, %dma_start3A_133] : memref<2304x128xi32, #tpu.memory_space<hbm>> -> memref<24x128xi32, #tpu.memory_space<hbm>>
    tpu.enqueue_dma source(%dma_start3A_134 : memref<24x128xi32, #tpu.memory_space<hbm>>) target(%dma_start3A_132 : memref<24x128xi32, #tpu.memory_space<vmem>>) target_semaphore(%arg16 : memref<!tpu.dma_semaphore, #tpu.memory_space<semaphore_mem>>)
    %dma_start3A_135 = arith.constant 0 : i32
    %dma_start3A_136 = arith.constant 0 : i32
    %dma_start3A_137 = arith.constant 0 : i32
    %dma_start3A_138 = arith.constant 0 : i32
    %dma_start3A_139 = tpu.memref_slice %arg8[%dma_start3A_135, %dma_start3A_137, %dma_start3A_138] : memref<2x24x128xi32, #tpu.memory_space<vmem>> -> memref<1x24x128xi32, #tpu.memory_space<vmem>>
    %dma_start3A_140 = tpu.memref_squeeze %dma_start3A_139 : memref<1x24x128xi32, #tpu.memory_space<vmem>> -> memref<24x128xi32, #tpu.memory_space<vmem>>
    %dma_start3A_141 = arith.constant 0 : i32
    %dma_start3A_142 = tpu.memref_slice %dma_start3A_140[%dma_start3A_136, %dma_start3A_141] : memref<24x128xi32, #tpu.memory_space<vmem>> -> memref<1x128xi32, #tpu.memory_space<vmem>>
    %dma_start3A_143 = tpu.memref_squeeze %dma_start3A_142 : memref<1x128xi32, #tpu.memory_space<vmem>> -> memref<128xi32, #tpu.memory_space<vmem>>
    %dma_start3A_144 = arith.constant 0 : i32
    %dma_start3A_145 = arith.constant 0 : i32
    %dma_start3A_146 = tpu.memref_slice %arg2[%dma_start3A_144, %dma_start3A_145] : memref<10000x128xf32, #tpu.memory_space<hbm>> -> memref<10000x128xf32, #tpu.memory_space<hbm>>
    tpu.enqueue_indirect_dma source(%dma_start3A_146 : memref<10000x128xf32, #tpu.memory_space<hbm>>) target(%arg10 : memref<128x128xf32, #tpu.memory_space<vmem>>) offsets(%dma_start3A_143 : memref<128xi32, #tpu.memory_space<vmem>>) semaphore(%arg13 : memref<!tpu.dma_semaphore, #tpu.memory_space<semaphore_mem>>)
    %dma_start3A_147 = arith.constant 0 : i32
    %dma_start3A_148 = arith.constant 1 : i32
    %dma_start3A_149 = arith.constant 0 : i32
    %dma_start3A_150 = arith.constant 0 : i32
    %dma_start3A_151 = tpu.memref_slice %arg8[%dma_start3A_147, %dma_start3A_149, %dma_start3A_150] : memref<2x24x128xi32, #tpu.memory_space<vmem>> -> memref<1x24x128xi32, #tpu.memory_space<vmem>>
    %dma_start3A_152 = tpu.memref_squeeze %dma_start3A_151 : memref<1x24x128xi32, #tpu.memory_space<vmem>> -> memref<24x128xi32, #tpu.memory_space<vmem>>
    %dma_start3A_153 = arith.constant 0 : i32
    %dma_start3A_154 = tpu.memref_slice %dma_start3A_152[%dma_start3A_148, %dma_start3A_153] : memref<24x128xi32, #tpu.memory_space<vmem>> -> memref<1x128xi32, #tpu.memory_space<vmem>>
    %dma_start3A_155 = tpu.memref_squeeze %dma_start3A_154 : memref<1x128xi32, #tpu.memory_space<vmem>> -> memref<128xi32, #tpu.memory_space<vmem>>
    %dma_start3A_156 = arith.constant 0 : i32
    %dma_start3A_157 = arith.constant 0 : i32
    %dma_start3A_158 = tpu.memref_slice %arg2[%dma_start3A_156, %dma_start3A_157] : memref<10000x128xf32, #tpu.memory_space<hbm>> -> memref<10000x128xf32, #tpu.memory_space<hbm>>
    tpu.enqueue_indirect_dma source(%dma_start3A_158 : memref<10000x128xf32, #tpu.memory_space<hbm>>) target(%arg11 : memref<128x128xf32, #tpu.memory_space<vmem>>) offsets(%dma_start3A_155 : memref<128xi32, #tpu.memory_space<vmem>>) semaphore(%arg14 : memref<!tpu.dma_semaphore, #tpu.memory_space<semaphore_mem>>)
    %scan3A_159 = arith.constant 0 : i32
    %scan3A_160 = arith.constant 0 : i32
    %scan3A_161 = arith.constant 0 : i32
    %scan3A_162 = arith.constant 11 : i32
    %scan3A_163 = arith.addi %scan3A_161, %scan3A_162 : i32
    %scan3A_164 = arith.constant 1 : i32
    scf.for %scan3A_575 = %scan3A_161 to %scan3A_163 step %scan3A_164  : i32 {
      %mul3A_576 = arith.constant 2 : i32
      %mul3A_577 = arith.muli %scan3A_575, %mul3A_576 : i32
      %add3A_578 = arith.constant 0 : i32
      %add3A_579 = arith.addi %add3A_578, %mul3A_577 : i32
      %add3A_580 = arith.constant 0 : i32
      %add3A_581 = arith.addi %add3A_579, %add3A_580 : i32
      %dma_wait3A_582 = arith.constant 0 : i32
      %dma_wait3A_583 = arith.constant 0 : i32
      %dma_wait3A_584 = tpu.memref_slice %arg8[%scan3A_159, %dma_wait3A_582, %dma_wait3A_583] : memref<2x24x128xi32, #tpu.memory_space<vmem>> -> memref<1x24x128xi32, #tpu.memory_space<vmem>>
      %dma_wait3A_585 = tpu.memref_squeeze %dma_wait3A_584 : memref<1x24x128xi32, #tpu.memory_space<vmem>> -> memref<24x128xi32, #tpu.memory_space<vmem>>
      %dma_wait3A_586 = arith.constant 0 : i32
      %dma_wait3A_587 = tpu.memref_slice %dma_wait3A_585[%add3A_581, %dma_wait3A_586] : memref<24x128xi32, #tpu.memory_space<vmem>> -> memref<1x128xi32, #tpu.memory_space<vmem>>
      %dma_wait3A_588 = tpu.memref_squeeze %dma_wait3A_587 : memref<1x128xi32, #tpu.memory_space<vmem>> -> memref<128xi32, #tpu.memory_space<vmem>>
      %dma_wait3A_589 = arith.constant 0 : i32
      %dma_wait3A_590 = arith.constant 0 : i32
      %dma_wait3A_591 = tpu.memref_slice %arg2[%dma_wait3A_589, %dma_wait3A_590] : memref<10000x128xf32, #tpu.memory_space<hbm>> -> memref<10000x128xf32, #tpu.memory_space<hbm>>
      tpu.wait_indirect_dma semaphore(%arg13 : memref<!tpu.dma_semaphore, #tpu.memory_space<semaphore_mem>>) src(%dma_wait3A_591 : memref<10000x128xf32, #tpu.memory_space<hbm>>) dst(%arg10 : memref<128x128xf32, #tpu.memory_space<vmem>>)
      "tpu.region"() ({
        %run_scoped3A_628 = tpu.sem_alloc : memref<!tpu.dma_semaphore, #tpu.memory_space<semaphore_mem>>
        %dma_start3A_629 = arith.constant 0 : i32
        %dma_start3A_630 = arith.constant 0 : i32
        %dma_start3A_631 = tpu.memref_slice %arg9[%scan3A_160, %dma_start3A_629, %dma_start3A_630] : memref<2x24x128xi32, #tpu.memory_space<vmem>> -> memref<1x24x128xi32, #tpu.memory_space<vmem>>
        %dma_start3A_632 = tpu.memref_squeeze %dma_start3A_631 : memref<1x24x128xi32, #tpu.memory_space<vmem>> -> memref<24x128xi32, #tpu.memory_space<vmem>>
        %dma_start3A_633 = arith.constant 0 : i32
        %dma_start3A_634 = tpu.memref_slice %dma_start3A_632[%add3A_581, %dma_start3A_633] : memref<24x128xi32, #tpu.memory_space<vmem>> -> memref<1x128xi32, #tpu.memory_space<vmem>>
        %dma_start3A_635 = tpu.memref_squeeze %dma_start3A_634 : memref<1x128xi32, #tpu.memory_space<vmem>> -> memref<128xi32, #tpu.memory_space<vmem>>
        %dma_start3A_636 = arith.constant 0 : i32
        %dma_start3A_637 = arith.constant 0 : i32
        %dma_start3A_638 = tpu.memref_slice %arg12[%dma_start3A_636, %dma_start3A_637] : memref<10112x128xf32, #tpu.memory_space<vmem_shared>> -> memref<10112x128xf32, #tpu.memory_space<vmem_shared>>
        tpu.enqueue_indirect_dma source(%arg10 : memref<128x128xf32, #tpu.memory_space<vmem>>) target(%dma_start3A_638 : memref<10112x128xf32, #tpu.memory_space<vmem_shared>>) offsets(%dma_start3A_635 : memref<128xi32, #tpu.memory_space<vmem>>) semaphore(%run_scoped3A_628 : memref<!tpu.dma_semaphore, #tpu.memory_space<semaphore_mem>>) {add = true}
        %dma_wait3A_639 = arith.constant 0 : i32
        %dma_wait3A_640 = arith.constant 0 : i32
        %dma_wait3A_641 = tpu.memref_slice %arg9[%scan3A_160, %dma_wait3A_639, %dma_wait3A_640] : memref<2x24x128xi32, #tpu.memory_space<vmem>> -> memref<1x24x128xi32, #tpu.memory_space<vmem>>
        %dma_wait3A_642 = tpu.memref_squeeze %dma_wait3A_641 : memref<1x24x128xi32, #tpu.memory_space<vmem>> -> memref<24x128xi32, #tpu.memory_space<vmem>>
        %dma_wait3A_643 = arith.constant 0 : i32
        %dma_wait3A_644 = tpu.memref_slice %dma_wait3A_642[%add3A_581, %dma_wait3A_643] : memref<24x128xi32, #tpu.memory_space<vmem>> -> memref<1x128xi32, #tpu.memory_space<vmem>>
        %dma_wait3A_645 = tpu.memref_squeeze %dma_wait3A_644 : memref<1x128xi32, #tpu.memory_space<vmem>> -> memref<128xi32, #tpu.memory_space<vmem>>
        %dma_wait3A_646 = arith.constant 0 : i32
        %dma_wait3A_647 = arith.constant 0 : i32
        %dma_wait3A_648 = tpu.memref_slice %arg12[%dma_wait3A_646, %dma_wait3A_647] : memref<10112x128xf32, #tpu.memory_space<vmem_shared>> -> memref<10112x128xf32, #tpu.memory_space<vmem_shared>>
        tpu.wait_indirect_dma semaphore(%run_scoped3A_628 : memref<!tpu.dma_semaphore, #tpu.memory_space<semaphore_mem>>) src(%arg10 : memref<128x128xf32, #tpu.memory_space<vmem>>) dst(%dma_wait3A_648 : memref<10112x128xf32, #tpu.memory_space<vmem_shared>>)
        tpu.yield
      }) : () -> ()
      %add3A_592 = arith.constant 2 : i32
      %add3A_593 = arith.addi %add3A_581, %add3A_592 : i32
      %dma_start3A_594 = arith.constant 0 : i32
      %dma_start3A_595 = arith.constant 0 : i32
      %dma_start3A_596 = tpu.memref_slice %arg8[%scan3A_159, %dma_start3A_594, %dma_start3A_595] : memref<2x24x128xi32, #tpu.memory_space<vmem>> -> memref<1x24x128xi32, #tpu.memory_space<vmem>>
      %dma_start3A_597 = tpu.memref_squeeze %dma_start3A_596 : memref<1x24x128xi32, #tpu.memory_space<vmem>> -> memref<24x128xi32, #tpu.memory_space<vmem>>
      %dma_start3A_598 = arith.constant 0 : i32
      %dma_start3A_599 = tpu.memref_slice %dma_start3A_597[%add3A_593, %dma_start3A_598] : memref<24x128xi32, #tpu.memory_space<vmem>> -> memref<1x128xi32, #tpu.memory_space<vmem>>
      %dma_start3A_600 = tpu.memref_squeeze %dma_start3A_599 : memref<1x128xi32, #tpu.memory_space<vmem>> -> memref<128xi32, #tpu.memory_space<vmem>>
      %dma_start3A_601 = arith.constant 0 : i32
      %dma_start3A_602 = arith.constant 0 : i32
      %dma_start3A_603 = tpu.memref_slice %arg2[%dma_start3A_601, %dma_start3A_602] : memref<10000x128xf32, #tpu.memory_space<hbm>> -> memref<10000x128xf32, #tpu.memory_space<hbm>>
      tpu.enqueue_indirect_dma source(%dma_start3A_603 : memref<10000x128xf32, #tpu.memory_space<hbm>>) target(%arg10 : memref<128x128xf32, #tpu.memory_space<vmem>>) offsets(%dma_start3A_600 : memref<128xi32, #tpu.memory_space<vmem>>) semaphore(%arg13 : memref<!tpu.dma_semaphore, #tpu.memory_space<semaphore_mem>>)
      %add3A_604 = arith.constant 1 : i32
      %add3A_605 = arith.addi %add3A_579, %add3A_604 : i32
      %dma_wait3A_606 = arith.constant 0 : i32
      %dma_wait3A_607 = arith.constant 0 : i32
      %dma_wait3A_608 = tpu.memref_slice %arg8[%scan3A_159, %dma_wait3A_606, %dma_wait3A_607] : memref<2x24x128xi32, #tpu.memory_space<vmem>> -> memref<1x24x128xi32, #tpu.memory_space<vmem>>
      %dma_wait3A_609 = tpu.memref_squeeze %dma_wait3A_608 : memref<1x24x128xi32, #tpu.memory_space<vmem>> -> memref<24x128xi32, #tpu.memory_space<vmem>>
      %dma_wait3A_610 = arith.constant 0 : i32
      %dma_wait3A_611 = tpu.memref_slice %dma_wait3A_609[%add3A_605, %dma_wait3A_610] : memref<24x128xi32, #tpu.memory_space<vmem>> -> memref<1x128xi32, #tpu.memory_space<vmem>>
      %dma_wait3A_612 = tpu.memref_squeeze %dma_wait3A_611 : memref<1x128xi32, #tpu.memory_space<vmem>> -> memref<128xi32, #tpu.memory_space<vmem>>
      %dma_wait3A_613 = arith.constant 0 : i32
      %dma_wait3A_614 = arith.constant 0 : i32
      %dma_wait3A_615 = tpu.memref_slice %arg2[%dma_wait3A_613, %dma_wait3A_614] : memref<10000x128xf32, #tpu.memory_space<hbm>> -> memref<10000x128xf32, #tpu.memory_space<hbm>>
      tpu.wait_indirect_dma semaphore(%arg14 : memref<!tpu.dma_semaphore, #tpu.memory_space<semaphore_mem>>) src(%dma_wait3A_615 : memref<10000x128xf32, #tpu.memory_space<hbm>>) dst(%arg11 : memref<128x128xf32, #tpu.memory_space<vmem>>)
      "tpu.region"() ({
        %run_scoped3A_628 = tpu.sem_alloc : memref<!tpu.dma_semaphore, #tpu.memory_space<semaphore_mem>>
        %dma_start3A_629 = arith.constant 0 : i32
        %dma_start3A_630 = arith.constant 0 : i32
        %dma_start3A_631 = tpu.memref_slice %arg9[%scan3A_160, %dma_start3A_629, %dma_start3A_630] : memref<2x24x128xi32, #tpu.memory_space<vmem>> -> memref<1x24x128xi32, #tpu.memory_space<vmem>>
        %dma_start3A_632 = tpu.memref_squeeze %dma_start3A_631 : memref<1x24x128xi32, #tpu.memory_space<vmem>> -> memref<24x128xi32, #tpu.memory_space<vmem>>
        %dma_start3A_633 = arith.constant 0 : i32
        %dma_start3A_634 = tpu.memref_slice %dma_start3A_632[%add3A_605, %dma_start3A_633] : memref<24x128xi32, #tpu.memory_space<vmem>> -> memref<1x128xi32, #tpu.memory_space<vmem>>
        %dma_start3A_635 = tpu.memref_squeeze %dma_start3A_634 : memref<1x128xi32, #tpu.memory_space<vmem>> -> memref<128xi32, #tpu.memory_space<vmem>>
        %dma_start3A_636 = arith.constant 0 : i32
        %dma_start3A_637 = arith.constant 0 : i32
        %dma_start3A_638 = tpu.memref_slice %arg12[%dma_start3A_636, %dma_start3A_637] : memref<10112x128xf32, #tpu.memory_space<vmem_shared>> -> memref<10112x128xf32, #tpu.memory_space<vmem_shared>>
        tpu.enqueue_indirect_dma source(%arg11 : memref<128x128xf32, #tpu.memory_space<vmem>>) target(%dma_start3A_638 : memref<10112x128xf32, #tpu.memory_space<vmem_shared>>) offsets(%dma_start3A_635 : memref<128xi32, #tpu.memory_space<vmem>>) semaphore(%run_scoped3A_628 : memref<!tpu.dma_semaphore, #tpu.memory_space<semaphore_mem>>) {add = true}
        %dma_wait3A_639 = arith.constant 0 : i32
        %dma_wait3A_640 = arith.constant 0 : i32
        %dma_wait3A_641 = tpu.memref_slice %arg9[%scan3A_160, %dma_wait3A_639, %dma_wait3A_640] : memref<2x24x128xi32, #tpu.memory_space<vmem>> -> memref<1x24x128xi32, #tpu.memory_space<vmem>>
        %dma_wait3A_642 = tpu.memref_squeeze %dma_wait3A_641 : memref<1x24x128xi32, #tpu.memory_space<vmem>> -> memref<24x128xi32, #tpu.memory_space<vmem>>
        %dma_wait3A_643 = arith.constant 0 : i32
        %dma_wait3A_644 = tpu.memref_slice %dma_wait3A_642[%add3A_605, %dma_wait3A_643] : memref<24x128xi32, #tpu.memory_space<vmem>> -> memref<1x128xi32, #tpu.memory_space<vmem>>
        %dma_wait3A_645 = tpu.memref_squeeze %dma_wait3A_644 : memref<1x128xi32, #tpu.memory_space<vmem>> -> memref<128xi32, #tpu.memory_space<vmem>>
        %dma_wait3A_646 = arith.constant 0 : i32
        %dma_wait3A_647 = arith.constant 0 : i32
        %dma_wait3A_648 = tpu.memref_slice %arg12[%dma_wait3A_646, %dma_wait3A_647] : memref<10112x128xf32, #tpu.memory_space<vmem_shared>> -> memref<10112x128xf32, #tpu.memory_space<vmem_shared>>
        tpu.wait_indirect_dma semaphore(%run_scoped3A_628 : memref<!tpu.dma_semaphore, #tpu.memory_space<semaphore_mem>>) src(%arg11 : memref<128x128xf32, #tpu.memory_space<vmem>>) dst(%dma_wait3A_648 : memref<10112x128xf32, #tpu.memory_space<vmem_shared>>)
        tpu.yield
      }) : () -> ()
      %add3A_616 = arith.constant 2 : i32
      %add3A_617 = arith.addi %add3A_605, %add3A_616 : i32
      %dma_start3A_618 = arith.constant 0 : i32
      %dma_start3A_619 = arith.constant 0 : i32
      %dma_start3A_620 = tpu.memref_slice %arg8[%scan3A_159, %dma_start3A_618, %dma_start3A_619] : memref<2x24x128xi32, #tpu.memory_space<vmem>> -> memref<1x24x128xi32, #tpu.memory_space<vmem>>
      %dma_start3A_621 = tpu.memref_squeeze %dma_start3A_620 : memref<1x24x128xi32, #tpu.memory_space<vmem>> -> memref<24x128xi32, #tpu.memory_space<vmem>>
      %dma_start3A_622 = arith.constant 0 : i32
      %dma_start3A_623 = tpu.memref_slice %dma_start3A_621[%add3A_617, %dma_start3A_622] : memref<24x128xi32, #tpu.memory_space<vmem>> -> memref<1x128xi32, #tpu.memory_space<vmem>>
      %dma_start3A_624 = tpu.memref_squeeze %dma_start3A_623 : memref<1x128xi32, #tpu.memory_space<vmem>> -> memref<128xi32, #tpu.memory_space<vmem>>
      %dma_start3A_625 = arith.constant 0 : i32
      %dma_start3A_626 = arith.constant 0 : i32
      %dma_start3A_627 = tpu.memref_slice %arg2[%dma_start3A_625, %dma_start3A_626] : memref<10000x128xf32, #tpu.memory_space<hbm>> -> memref<10000x128xf32, #tpu.memory_space<hbm>>
      tpu.enqueue_indirect_dma source(%dma_start3A_627 : memref<10000x128xf32, #tpu.memory_space<hbm>>) target(%arg11 : memref<128x128xf32, #tpu.memory_space<vmem>>) offsets(%dma_start3A_624 : memref<128xi32, #tpu.memory_space<vmem>>) semaphore(%arg14 : memref<!tpu.dma_semaphore, #tpu.memory_space<semaphore_mem>>)
    }
    %scan3A_165 = arith.constant 11 : i32
    %dma_wait3A_166 = arith.constant 0 : i32
    %dma_wait3A_167 = arith.constant 22 : i32
    %dma_wait3A_168 = arith.constant 0 : i32
    %dma_wait3A_169 = arith.constant 0 : i32
    %dma_wait3A_170 = tpu.memref_slice %arg8[%dma_wait3A_166, %dma_wait3A_168, %dma_wait3A_169] : memref<2x24x128xi32, #tpu.memory_space<vmem>> -> memref<1x24x128xi32, #tpu.memory_space<vmem>>
    %dma_wait3A_171 = tpu.memref_squeeze %dma_wait3A_170 : memref<1x24x128xi32, #tpu.memory_space<vmem>> -> memref<24x128xi32, #tpu.memory_space<vmem>>
    %dma_wait3A_172 = arith.constant 0 : i32
    %dma_wait3A_173 = tpu.memref_slice %dma_wait3A_171[%dma_wait3A_167, %dma_wait3A_172] : memref<24x128xi32, #tpu.memory_space<vmem>> -> memref<1x128xi32, #tpu.memory_space<vmem>>
    %dma_wait3A_174 = tpu.memref_squeeze %dma_wait3A_173 : memref<1x128xi32, #tpu.memory_space<vmem>> -> memref<128xi32, #tpu.memory_space<vmem>>
    %dma_wait3A_175 = arith.constant 0 : i32
    %dma_wait3A_176 = arith.constant 0 : i32
    %dma_wait3A_177 = tpu.memref_slice %arg2[%dma_wait3A_175, %dma_wait3A_176] : memref<10000x128xf32, #tpu.memory_space<hbm>> -> memref<10000x128xf32, #tpu.memory_space<hbm>>
    tpu.wait_indirect_dma semaphore(%arg13 : memref<!tpu.dma_semaphore, #tpu.memory_space<semaphore_mem>>) src(%dma_wait3A_177 : memref<10000x128xf32, #tpu.memory_space<hbm>>) dst(%arg10 : memref<128x128xf32, #tpu.memory_space<vmem>>)
    %run_scoped3A = arith.constant 0 : i32
    %run_scoped3A_178 = arith.constant 22 : i32
    "tpu.region"() ({
      %run_scoped3A_575 = tpu.sem_alloc : memref<!tpu.dma_semaphore, #tpu.memory_space<semaphore_mem>>
      %dma_start3A_576 = arith.constant 0 : i32
      %dma_start3A_577 = arith.constant 0 : i32
      %dma_start3A_578 = tpu.memref_slice %arg9[%run_scoped3A, %dma_start3A_576, %dma_start3A_577] : memref<2x24x128xi32, #tpu.memory_space<vmem>> -> memref<1x24x128xi32, #tpu.memory_space<vmem>>
      %dma_start3A_579 = tpu.memref_squeeze %dma_start3A_578 : memref<1x24x128xi32, #tpu.memory_space<vmem>> -> memref<24x128xi32, #tpu.memory_space<vmem>>
      %dma_start3A_580 = arith.constant 0 : i32
      %dma_start3A_581 = tpu.memref_slice %dma_start3A_579[%run_scoped3A_178, %dma_start3A_580] : memref<24x128xi32, #tpu.memory_space<vmem>> -> memref<1x128xi32, #tpu.memory_space<vmem>>
      %dma_start3A_582 = tpu.memref_squeeze %dma_start3A_581 : memref<1x128xi32, #tpu.memory_space<vmem>> -> memref<128xi32, #tpu.memory_space<vmem>>
      %dma_start3A_583 = arith.constant 0 : i32
      %dma_start3A_584 = arith.constant 0 : i32
      %dma_start3A_585 = tpu.memref_slice %arg12[%dma_start3A_583, %dma_start3A_584] : memref<10112x128xf32, #tpu.memory_space<vmem_shared>> -> memref<10112x128xf32, #tpu.memory_space<vmem_shared>>
      tpu.enqueue_indirect_dma source(%arg10 : memref<128x128xf32, #tpu.memory_space<vmem>>) target(%dma_start3A_585 : memref<10112x128xf32, #tpu.memory_space<vmem_shared>>) offsets(%dma_start3A_582 : memref<128xi32, #tpu.memory_space<vmem>>) semaphore(%run_scoped3A_575 : memref<!tpu.dma_semaphore, #tpu.memory_space<semaphore_mem>>) {add = true}
      %dma_wait3A_586 = arith.constant 0 : i32
      %dma_wait3A_587 = arith.constant 0 : i32
      %dma_wait3A_588 = tpu.memref_slice %arg9[%run_scoped3A, %dma_wait3A_586, %dma_wait3A_587] : memref<2x24x128xi32, #tpu.memory_space<vmem>> -> memref<1x24x128xi32, #tpu.memory_space<vmem>>
      %dma_wait3A_589 = tpu.memref_squeeze %dma_wait3A_588 : memref<1x24x128xi32, #tpu.memory_space<vmem>> -> memref<24x128xi32, #tpu.memory_space<vmem>>
      %dma_wait3A_590 = arith.constant 0 : i32
      %dma_wait3A_591 = tpu.memref_slice %dma_wait3A_589[%run_scoped3A_178, %dma_wait3A_590] : memref<24x128xi32, #tpu.memory_space<vmem>> -> memref<1x128xi32, #tpu.memory_space<vmem>>
      %dma_wait3A_592 = tpu.memref_squeeze %dma_wait3A_591 : memref<1x128xi32, #tpu.memory_space<vmem>> -> memref<128xi32, #tpu.memory_space<vmem>>
      %dma_wait3A_593 = arith.constant 0 : i32
      %dma_wait3A_594 = arith.constant 0 : i32
      %dma_wait3A_595 = tpu.memref_slice %arg12[%dma_wait3A_593, %dma_wait3A_594] : memref<10112x128xf32, #tpu.memory_space<vmem_shared>> -> memref<10112x128xf32, #tpu.memory_space<vmem_shared>>
      tpu.wait_indirect_dma semaphore(%run_scoped3A_575 : memref<!tpu.dma_semaphore, #tpu.memory_space<semaphore_mem>>) src(%arg10 : memref<128x128xf32, #tpu.memory_space<vmem>>) dst(%dma_wait3A_595 : memref<10112x128xf32, #tpu.memory_space<vmem_shared>>)
      tpu.yield
    }) : () -> ()
    %dma_wait3A_179 = arith.constant 0 : i32
    %dma_wait3A_180 = arith.constant 23 : i32
    %dma_wait3A_181 = arith.constant 0 : i32
    %dma_wait3A_182 = arith.constant 0 : i32
    %dma_wait3A_183 = tpu.memref_slice %arg8[%dma_wait3A_179, %dma_wait3A_181, %dma_wait3A_182] : memref<2x24x128xi32, #tpu.memory_space<vmem>> -> memref<1x24x128xi32, #tpu.memory_space<vmem>>
    %dma_wait3A_184 = tpu.memref_squeeze %dma_wait3A_183 : memref<1x24x128xi32, #tpu.memory_space<vmem>> -> memref<24x128xi32, #tpu.memory_space<vmem>>
    %dma_wait3A_185 = arith.constant 0 : i32
    %dma_wait3A_186 = tpu.memref_slice %dma_wait3A_184[%dma_wait3A_180, %dma_wait3A_185] : memref<24x128xi32, #tpu.memory_space<vmem>> -> memref<1x128xi32, #tpu.memory_space<vmem>>
    %dma_wait3A_187 = tpu.memref_squeeze %dma_wait3A_186 : memref<1x128xi32, #tpu.memory_space<vmem>> -> memref<128xi32, #tpu.memory_space<vmem>>
    %dma_wait3A_188 = arith.constant 0 : i32
    %dma_wait3A_189 = arith.constant 0 : i32
    %dma_wait3A_190 = tpu.memref_slice %arg2[%dma_wait3A_188, %dma_wait3A_189] : memref<10000x128xf32, #tpu.memory_space<hbm>> -> memref<10000x128xf32, #tpu.memory_space<hbm>>
    tpu.wait_indirect_dma semaphore(%arg14 : memref<!tpu.dma_semaphore, #tpu.memory_space<semaphore_mem>>) src(%dma_wait3A_190 : memref<10000x128xf32, #tpu.memory_space<hbm>>) dst(%arg11 : memref<128x128xf32, #tpu.memory_space<vmem>>)
    %run_scoped3A_191 = arith.constant 0 : i32
    %run_scoped3A_192 = arith.constant 23 : i32
    "tpu.region"() ({
      %run_scoped3A_575 = tpu.sem_alloc : memref<!tpu.dma_semaphore, #tpu.memory_space<semaphore_mem>>
      %dma_start3A_576 = arith.constant 0 : i32
      %dma_start3A_577 = arith.constant 0 : i32
      %dma_start3A_578 = tpu.memref_slice %arg9[%run_scoped3A_191, %dma_start3A_576, %dma_start3A_577] : memref<2x24x128xi32, #tpu.memory_space<vmem>> -> memref<1x24x128xi32, #tpu.memory_space<vmem>>
      %dma_start3A_579 = tpu.memref_squeeze %dma_start3A_578 : memref<1x24x128xi32, #tpu.memory_space<vmem>> -> memref<24x128xi32, #tpu.memory_space<vmem>>
      %dma_start3A_580 = arith.constant 0 : i32
      %dma_start3A_581 = tpu.memref_slice %dma_start3A_579[%run_scoped3A_192, %dma_start3A_580] : memref<24x128xi32, #tpu.memory_space<vmem>> -> memref<1x128xi32, #tpu.memory_space<vmem>>
      %dma_start3A_582 = tpu.memref_squeeze %dma_start3A_581 : memref<1x128xi32, #tpu.memory_space<vmem>> -> memref<128xi32, #tpu.memory_space<vmem>>
      %dma_start3A_583 = arith.constant 0 : i32
      %dma_start3A_584 = arith.constant 0 : i32
      %dma_start3A_585 = tpu.memref_slice %arg12[%dma_start3A_583, %dma_start3A_584] : memref<10112x128xf32, #tpu.memory_space<vmem_shared>> -> memref<10112x128xf32, #tpu.memory_space<vmem_shared>>
      tpu.enqueue_indirect_dma source(%arg11 : memref<128x128xf32, #tpu.memory_space<vmem>>) target(%dma_start3A_585 : memref<10112x128xf32, #tpu.memory_space<vmem_shared>>) offsets(%dma_start3A_582 : memref<128xi32, #tpu.memory_space<vmem>>) semaphore(%run_scoped3A_575 : memref<!tpu.dma_semaphore, #tpu.memory_space<semaphore_mem>>) {add = true}
      %dma_wait3A_586 = arith.constant 0 : i32
      %dma_wait3A_587 = arith.constant 0 : i32
      %dma_wait3A_588 = tpu.memref_slice %arg9[%run_scoped3A_191, %dma_wait3A_586, %dma_wait3A_587] : memref<2x24x128xi32, #tpu.memory_space<vmem>> -> memref<1x24x128xi32, #tpu.memory_space<vmem>>
      %dma_wait3A_589 = tpu.memref_squeeze %dma_wait3A_588 : memref<1x24x128xi32, #tpu.memory_space<vmem>> -> memref<24x128xi32, #tpu.memory_space<vmem>>
      %dma_wait3A_590 = arith.constant 0 : i32
      %dma_wait3A_591 = tpu.memref_slice %dma_wait3A_589[%run_scoped3A_192, %dma_wait3A_590] : memref<24x128xi32, #tpu.memory_space<vmem>> -> memref<1x128xi32, #tpu.memory_space<vmem>>
      %dma_wait3A_592 = tpu.memref_squeeze %dma_wait3A_591 : memref<1x128xi32, #tpu.memory_space<vmem>> -> memref<128xi32, #tpu.memory_space<vmem>>
      %dma_wait3A_593 = arith.constant 0 : i32
      %dma_wait3A_594 = arith.constant 0 : i32
      %dma_wait3A_595 = tpu.memref_slice %arg12[%dma_wait3A_593, %dma_wait3A_594] : memref<10112x128xf32, #tpu.memory_space<vmem_shared>> -> memref<10112x128xf32, #tpu.memory_space<vmem_shared>>
      tpu.wait_indirect_dma semaphore(%run_scoped3A_575 : memref<!tpu.dma_semaphore, #tpu.memory_space<semaphore_mem>>) src(%arg11 : memref<128x128xf32, #tpu.memory_space<vmem>>) dst(%dma_wait3A_595 : memref<10112x128xf32, #tpu.memory_space<vmem_shared>>)
      tpu.yield
    }) : () -> ()
    %add3A_193 = arith.constant 24 : i32
    %add3A_194 = arith.addi %mul3A_16, %add3A_193 : i32
    %dma_wait3A_195 = arith.constant 1 : i32
    %dma_wait3A_196 = arith.constant 0 : i32
    %dma_wait3A_197 = arith.constant 0 : i32
    %dma_wait3A_198 = tpu.memref_slice %arg8[%dma_wait3A_195, %dma_wait3A_196, %dma_wait3A_197] : memref<2x24x128xi32, #tpu.memory_space<vmem>> -> memref<1x24x128xi32, #tpu.memory_space<vmem>>
    %dma_wait3A_199 = tpu.memref_squeeze %dma_wait3A_198 : memref<1x24x128xi32, #tpu.memory_space<vmem>> -> memref<24x128xi32, #tpu.memory_space<vmem>>
    %dma_wait3A_200 = arith.constant 0 : i32
    %dma_wait3A_201 = arith.constant 0 : i32
    %dma_wait3A_202 = tpu.memref_slice %dma_wait3A_199[%dma_wait3A_200, %dma_wait3A_201] : memref<24x128xi32, #tpu.memory_space<vmem>> -> memref<24x128xi32, #tpu.memory_space<vmem>>
    %dma_wait3A_203 = arith.constant 0 : i32
    %dma_wait3A_204 = tpu.memref_slice %arg3[%add3A_194, %dma_wait3A_203] : memref<2304x128xi32, #tpu.memory_space<hbm>> -> memref<24x128xi32, #tpu.memory_space<hbm>>
    %dma_wait3A_205 = arith.constant 0 : i32
    %dma_wait3A_206 = arith.constant 0 : i32
    %dma_wait3A_207 = tpu.memref_slice %arg8[%dma_wait3A_195, %dma_wait3A_205, %dma_wait3A_206] : memref<2x24x128xi32, #tpu.memory_space<vmem>> -> memref<1x24x128xi32, #tpu.memory_space<vmem>>
    %dma_wait3A_208 = tpu.memref_squeeze %dma_wait3A_207 : memref<1x24x128xi32, #tpu.memory_space<vmem>> -> memref<24x128xi32, #tpu.memory_space<vmem>>
    %dma_wait3A_209 = arith.constant 0 : i32
    %dma_wait3A_210 = arith.constant 0 : i32
    %dma_wait3A_211 = tpu.memref_slice %dma_wait3A_208[%dma_wait3A_209, %dma_wait3A_210] : memref<24x128xi32, #tpu.memory_space<vmem>> -> memref<24x128xi32, #tpu.memory_space<vmem>>
    %dma_wait3A_212 = arith.constant 0 : i32
    %dma_wait3A_213 = tpu.memref_slice %arg3[%add3A_194, %dma_wait3A_212] : memref<2304x128xi32, #tpu.memory_space<hbm>> -> memref<24x128xi32, #tpu.memory_space<hbm>>
    tpu.wait_dma2 semaphore(%arg15 : memref<!tpu.dma_semaphore, #tpu.memory_space<semaphore_mem>>) src(%dma_wait3A_213 : memref<24x128xi32, #tpu.memory_space<hbm>>) dst(%dma_wait3A_211 : memref<24x128xi32, #tpu.memory_space<vmem>>)
    %dma_wait3A_214 = arith.constant 1 : i32
    %dma_wait3A_215 = arith.constant 0 : i32
    %dma_wait3A_216 = arith.constant 0 : i32
    %dma_wait3A_217 = tpu.memref_slice %arg9[%dma_wait3A_214, %dma_wait3A_215, %dma_wait3A_216] : memref<2x24x128xi32, #tpu.memory_space<vmem>> -> memref<1x24x128xi32, #tpu.memory_space<vmem>>
    %dma_wait3A_218 = tpu.memref_squeeze %dma_wait3A_217 : memref<1x24x128xi32, #tpu.memory_space<vmem>> -> memref<24x128xi32, #tpu.memory_space<vmem>>
    %dma_wait3A_219 = arith.constant 0 : i32
    %dma_wait3A_220 = arith.constant 0 : i32
    %dma_wait3A_221 = tpu.memref_slice %dma_wait3A_218[%dma_wait3A_219, %dma_wait3A_220] : memref<24x128xi32, #tpu.memory_space<vmem>> -> memref<24x128xi32, #tpu.memory_space<vmem>>
    %dma_wait3A_222 = arith.constant 0 : i32
    %dma_wait3A_223 = tpu.memref_slice %arg4[%add3A_194, %dma_wait3A_222] : memref<2304x128xi32, #tpu.memory_space<hbm>> -> memref<24x128xi32, #tpu.memory_space<hbm>>
    %dma_wait3A_224 = arith.constant 0 : i32
    %dma_wait3A_225 = arith.constant 0 : i32
    %dma_wait3A_226 = tpu.memref_slice %arg9[%dma_wait3A_214, %dma_wait3A_224, %dma_wait3A_225] : memref<2x24x128xi32, #tpu.memory_space<vmem>> -> memref<1x24x128xi32, #tpu.memory_space<vmem>>
    %dma_wait3A_227 = tpu.memref_squeeze %dma_wait3A_226 : memref<1x24x128xi32, #tpu.memory_space<vmem>> -> memref<24x128xi32, #tpu.memory_space<vmem>>
    %dma_wait3A_228 = arith.constant 0 : i32
    %dma_wait3A_229 = arith.constant 0 : i32
    %dma_wait3A_230 = tpu.memref_slice %dma_wait3A_227[%dma_wait3A_228, %dma_wait3A_229] : memref<24x128xi32, #tpu.memory_space<vmem>> -> memref<24x128xi32, #tpu.memory_space<vmem>>
    %dma_wait3A_231 = arith.constant 0 : i32
    %dma_wait3A_232 = tpu.memref_slice %arg4[%add3A_194, %dma_wait3A_231] : memref<2304x128xi32, #tpu.memory_space<hbm>> -> memref<24x128xi32, #tpu.memory_space<hbm>>
    tpu.wait_dma2 semaphore(%arg16 : memref<!tpu.dma_semaphore, #tpu.memory_space<semaphore_mem>>) src(%dma_wait3A_232 : memref<24x128xi32, #tpu.memory_space<hbm>>) dst(%dma_wait3A_230 : memref<24x128xi32, #tpu.memory_space<vmem>>)
    %add3A_233 = arith.constant 48 : i32
    %add3A_234 = arith.addi %mul3A_16, %add3A_233 : i32
    %dma_start3A_235 = arith.constant 0 : i32
    %dma_start3A_236 = arith.constant 0 : i32
    %dma_start3A_237 = arith.constant 0 : i32
    %dma_start3A_238 = tpu.memref_slice %arg8[%dma_start3A_235, %dma_start3A_236, %dma_start3A_237] : memref<2x24x128xi32, #tpu.memory_space<vmem>> -> memref<1x24x128xi32, #tpu.memory_space<vmem>>
    %dma_start3A_239 = tpu.memref_squeeze %dma_start3A_238 : memref<1x24x128xi32, #tpu.memory_space<vmem>> -> memref<24x128xi32, #tpu.memory_space<vmem>>
    %dma_start3A_240 = arith.constant 0 : i32
    %dma_start3A_241 = arith.constant 0 : i32
    %dma_start3A_242 = tpu.memref_slice %dma_start3A_239[%dma_start3A_240, %dma_start3A_241] : memref<24x128xi32, #tpu.memory_space<vmem>> -> memref<24x128xi32, #tpu.memory_space<vmem>>
    %dma_start3A_243 = arith.constant 0 : i32
    %dma_start3A_244 = tpu.memref_slice %arg3[%add3A_234, %dma_start3A_243] : memref<2304x128xi32, #tpu.memory_space<hbm>> -> memref<24x128xi32, #tpu.memory_space<hbm>>
    %dma_start3A_245 = arith.constant 0 : i32
    %dma_start3A_246 = arith.constant 0 : i32
    %dma_start3A_247 = tpu.memref_slice %arg8[%dma_start3A_235, %dma_start3A_245, %dma_start3A_246] : memref<2x24x128xi32, #tpu.memory_space<vmem>> -> memref<1x24x128xi32, #tpu.memory_space<vmem>>
    %dma_start3A_248 = tpu.memref_squeeze %dma_start3A_247 : memref<1x24x128xi32, #tpu.memory_space<vmem>> -> memref<24x128xi32, #tpu.memory_space<vmem>>
    %dma_start3A_249 = arith.constant 0 : i32
    %dma_start3A_250 = arith.constant 0 : i32
    %dma_start3A_251 = tpu.memref_slice %dma_start3A_248[%dma_start3A_249, %dma_start3A_250] : memref<24x128xi32, #tpu.memory_space<vmem>> -> memref<24x128xi32, #tpu.memory_space<vmem>>
    %dma_start3A_252 = arith.constant 0 : i32
    %dma_start3A_253 = tpu.memref_slice %arg3[%add3A_234, %dma_start3A_252] : memref<2304x128xi32, #tpu.memory_space<hbm>> -> memref<24x128xi32, #tpu.memory_space<hbm>>
    tpu.enqueue_dma source(%dma_start3A_253 : memref<24x128xi32, #tpu.memory_space<hbm>>) target(%dma_start3A_251 : memref<24x128xi32, #tpu.memory_space<vmem>>) target_semaphore(%arg15 : memref<!tpu.dma_semaphore, #tpu.memory_space<semaphore_mem>>)
    %dma_start3A_254 = arith.constant 0 : i32
    %dma_start3A_255 = arith.constant 0 : i32
    %dma_start3A_256 = arith.constant 0 : i32
    %dma_start3A_257 = tpu.memref_slice %arg9[%dma_start3A_254, %dma_start3A_255, %dma_start3A_256] : memref<2x24x128xi32, #tpu.memory_space<vmem>> -> memref<1x24x128xi32, #tpu.memory_space<vmem>>
    %dma_start3A_258 = tpu.memref_squeeze %dma_start3A_257 : memref<1x24x128xi32, #tpu.memory_space<vmem>> -> memref<24x128xi32, #tpu.memory_space<vmem>>
    %dma_start3A_259 = arith.constant 0 : i32
    %dma_start3A_260 = arith.constant 0 : i32
    %dma_start3A_261 = tpu.memref_slice %dma_start3A_258[%dma_start3A_259, %dma_start3A_260] : memref<24x128xi32, #tpu.memory_space<vmem>> -> memref<24x128xi32, #tpu.memory_space<vmem>>
    %dma_start3A_262 = arith.constant 0 : i32
    %dma_start3A_263 = tpu.memref_slice %arg4[%add3A_234, %dma_start3A_262] : memref<2304x128xi32, #tpu.memory_space<hbm>> -> memref<24x128xi32, #tpu.memory_space<hbm>>
    %dma_start3A_264 = arith.constant 0 : i32
    %dma_start3A_265 = arith.constant 0 : i32
    %dma_start3A_266 = tpu.memref_slice %arg9[%dma_start3A_254, %dma_start3A_264, %dma_start3A_265] : memref<2x24x128xi32, #tpu.memory_space<vmem>> -> memref<1x24x128xi32, #tpu.memory_space<vmem>>
    %dma_start3A_267 = tpu.memref_squeeze %dma_start3A_266 : memref<1x24x128xi32, #tpu.memory_space<vmem>> -> memref<24x128xi32, #tpu.memory_space<vmem>>
    %dma_start3A_268 = arith.constant 0 : i32
    %dma_start3A_269 = arith.constant 0 : i32
    %dma_start3A_270 = tpu.memref_slice %dma_start3A_267[%dma_start3A_268, %dma_start3A_269] : memref<24x128xi32, #tpu.memory_space<vmem>> -> memref<24x128xi32, #tpu.memory_space<vmem>>
    %dma_start3A_271 = arith.constant 0 : i32
    %dma_start3A_272 = tpu.memref_slice %arg4[%add3A_234, %dma_start3A_271] : memref<2304x128xi32, #tpu.memory_space<hbm>> -> memref<24x128xi32, #tpu.memory_space<hbm>>
    tpu.enqueue_dma source(%dma_start3A_272 : memref<24x128xi32, #tpu.memory_space<hbm>>) target(%dma_start3A_270 : memref<24x128xi32, #tpu.memory_space<vmem>>) target_semaphore(%arg16 : memref<!tpu.dma_semaphore, #tpu.memory_space<semaphore_mem>>)
    %dma_start3A_273 = arith.constant 1 : i32
    %dma_start3A_274 = arith.constant 0 : i32
    %dma_start3A_275 = arith.constant 0 : i32
    %dma_start3A_276 = arith.constant 0 : i32
    %dma_start3A_277 = tpu.memref_slice %arg8[%dma_start3A_273, %dma_start3A_275, %dma_start3A_276] : memref<2x24x128xi32, #tpu.memory_space<vmem>> -> memref<1x24x128xi32, #tpu.memory_space<vmem>>
    %dma_start3A_278 = tpu.memref_squeeze %dma_start3A_277 : memref<1x24x128xi32, #tpu.memory_space<vmem>> -> memref<24x128xi32, #tpu.memory_space<vmem>>
    %dma_start3A_279 = arith.constant 0 : i32
    %dma_start3A_280 = tpu.memref_slice %dma_start3A_278[%dma_start3A_274, %dma_start3A_279] : memref<24x128xi32, #tpu.memory_space<vmem>> -> memref<1x128xi32, #tpu.memory_space<vmem>>
    %dma_start3A_281 = tpu.memref_squeeze %dma_start3A_280 : memref<1x128xi32, #tpu.memory_space<vmem>> -> memref<128xi32, #tpu.memory_space<vmem>>
    %dma_start3A_282 = arith.constant 0 : i32
    %dma_start3A_283 = arith.constant 0 : i32
    %dma_start3A_284 = tpu.memref_slice %arg2[%dma_start3A_282, %dma_start3A_283] : memref<10000x128xf32, #tpu.memory_space<hbm>> -> memref<10000x128xf32, #tpu.memory_space<hbm>>
    tpu.enqueue_indirect_dma source(%dma_start3A_284 : memref<10000x128xf32, #tpu.memory_space<hbm>>) target(%arg10 : memref<128x128xf32, #tpu.memory_space<vmem>>) offsets(%dma_start3A_281 : memref<128xi32, #tpu.memory_space<vmem>>) semaphore(%arg13 : memref<!tpu.dma_semaphore, #tpu.memory_space<semaphore_mem>>)
    %dma_start3A_285 = arith.constant 1 : i32
    %dma_start3A_286 = arith.constant 1 : i32
    %dma_start3A_287 = arith.constant 0 : i32
    %dma_start3A_288 = arith.constant 0 : i32
    %dma_start3A_289 = tpu.memref_slice %arg8[%dma_start3A_285, %dma_start3A_287, %dma_start3A_288] : memref<2x24x128xi32, #tpu.memory_space<vmem>> -> memref<1x24x128xi32, #tpu.memory_space<vmem>>
    %dma_start3A_290 = tpu.memref_squeeze %dma_start3A_289 : memref<1x24x128xi32, #tpu.memory_space<vmem>> -> memref<24x128xi32, #tpu.memory_space<vmem>>
    %dma_start3A_291 = arith.constant 0 : i32
    %dma_start3A_292 = tpu.memref_slice %dma_start3A_290[%dma_start3A_286, %dma_start3A_291] : memref<24x128xi32, #tpu.memory_space<vmem>> -> memref<1x128xi32, #tpu.memory_space<vmem>>
    %dma_start3A_293 = tpu.memref_squeeze %dma_start3A_292 : memref<1x128xi32, #tpu.memory_space<vmem>> -> memref<128xi32, #tpu.memory_space<vmem>>
    %dma_start3A_294 = arith.constant 0 : i32
    %dma_start3A_295 = arith.constant 0 : i32
    %dma_start3A_296 = tpu.memref_slice %arg2[%dma_start3A_294, %dma_start3A_295] : memref<10000x128xf32, #tpu.memory_space<hbm>> -> memref<10000x128xf32, #tpu.memory_space<hbm>>
    tpu.enqueue_indirect_dma source(%dma_start3A_296 : memref<10000x128xf32, #tpu.memory_space<hbm>>) target(%arg11 : memref<128x128xf32, #tpu.memory_space<vmem>>) offsets(%dma_start3A_293 : memref<128xi32, #tpu.memory_space<vmem>>) semaphore(%arg14 : memref<!tpu.dma_semaphore, #tpu.memory_space<semaphore_mem>>)
    %scan3A_297 = arith.constant 1 : i32
    %scan3A_298 = arith.constant 1 : i32
    %scan3A_299 = arith.constant 0 : i32
    %scan3A_300 = arith.constant 11 : i32
    %scan3A_301 = arith.addi %scan3A_299, %scan3A_300 : i32
    %scan3A_302 = arith.constant 1 : i32
    scf.for %scan3A_575 = %scan3A_299 to %scan3A_301 step %scan3A_302  : i32 {
      %mul3A_576 = arith.constant 2 : i32
      %mul3A_577 = arith.muli %scan3A_575, %mul3A_576 : i32
      %add3A_578 = arith.constant 0 : i32
      %add3A_579 = arith.addi %add3A_578, %mul3A_577 : i32
      %add3A_580 = arith.constant 0 : i32
      %add3A_581 = arith.addi %add3A_579, %add3A_580 : i32
      %dma_wait3A_582 = arith.constant 0 : i32
      %dma_wait3A_583 = arith.constant 0 : i32
      %dma_wait3A_584 = tpu.memref_slice %arg8[%scan3A_297, %dma_wait3A_582, %dma_wait3A_583] : memref<2x24x128xi32, #tpu.memory_space<vmem>> -> memref<1x24x128xi32, #tpu.memory_space<vmem>>
      %dma_wait3A_585 = tpu.memref_squeeze %dma_wait3A_584 : memref<1x24x128xi32, #tpu.memory_space<vmem>> -> memref<24x128xi32, #tpu.memory_space<vmem>>
      %dma_wait3A_586 = arith.constant 0 : i32
      %dma_wait3A_587 = tpu.memref_slice %dma_wait3A_585[%add3A_581, %dma_wait3A_586] : memref<24x128xi32, #tpu.memory_space<vmem>> -> memref<1x128xi32, #tpu.memory_space<vmem>>
      %dma_wait3A_588 = tpu.memref_squeeze %dma_wait3A_587 : memref<1x128xi32, #tpu.memory_space<vmem>> -> memref<128xi32, #tpu.memory_space<vmem>>
      %dma_wait3A_589 = arith.constant 0 : i32
      %dma_wait3A_590 = arith.constant 0 : i32
      %dma_wait3A_591 = tpu.memref_slice %arg2[%dma_wait3A_589, %dma_wait3A_590] : memref<10000x128xf32, #tpu.memory_space<hbm>> -> memref<10000x128xf32, #tpu.memory_space<hbm>>
      tpu.wait_indirect_dma semaphore(%arg13 : memref<!tpu.dma_semaphore, #tpu.memory_space<semaphore_mem>>) src(%dma_wait3A_591 : memref<10000x128xf32, #tpu.memory_space<hbm>>) dst(%arg10 : memref<128x128xf32, #tpu.memory_space<vmem>>)
      "tpu.region"() ({
        %run_scoped3A_628 = tpu.sem_alloc : memref<!tpu.dma_semaphore, #tpu.memory_space<semaphore_mem>>
        %dma_start3A_629 = arith.constant 0 : i32
        %dma_start3A_630 = arith.constant 0 : i32
        %dma_start3A_631 = tpu.memref_slice %arg9[%scan3A_298, %dma_start3A_629, %dma_start3A_630] : memref<2x24x128xi32, #tpu.memory_space<vmem>> -> memref<1x24x128xi32, #tpu.memory_space<vmem>>
        %dma_start3A_632 = tpu.memref_squeeze %dma_start3A_631 : memref<1x24x128xi32, #tpu.memory_space<vmem>> -> memref<24x128xi32, #tpu.memory_space<vmem>>
        %dma_start3A_633 = arith.constant 0 : i32
        %dma_start3A_634 = tpu.memref_slice %dma_start3A_632[%add3A_581, %dma_start3A_633] : memref<24x128xi32, #tpu.memory_space<vmem>> -> memref<1x128xi32, #tpu.memory_space<vmem>>
        %dma_start3A_635 = tpu.memref_squeeze %dma_start3A_634 : memref<1x128xi32, #tpu.memory_space<vmem>> -> memref<128xi32, #tpu.memory_space<vmem>>
        %dma_start3A_636 = arith.constant 0 : i32
        %dma_start3A_637 = arith.constant 0 : i32
        %dma_start3A_638 = tpu.memref_slice %arg12[%dma_start3A_636, %dma_start3A_637] : memref<10112x128xf32, #tpu.memory_space<vmem_shared>> -> memref<10112x128xf32, #tpu.memory_space<vmem_shared>>
        tpu.enqueue_indirect_dma source(%arg10 : memref<128x128xf32, #tpu.memory_space<vmem>>) target(%dma_start3A_638 : memref<10112x128xf32, #tpu.memory_space<vmem_shared>>) offsets(%dma_start3A_635 : memref<128xi32, #tpu.memory_space<vmem>>) semaphore(%run_scoped3A_628 : memref<!tpu.dma_semaphore, #tpu.memory_space<semaphore_mem>>) {add = true}
        %dma_wait3A_639 = arith.constant 0 : i32
        %dma_wait3A_640 = arith.constant 0 : i32
        %dma_wait3A_641 = tpu.memref_slice %arg9[%scan3A_298, %dma_wait3A_639, %dma_wait3A_640] : memref<2x24x128xi32, #tpu.memory_space<vmem>> -> memref<1x24x128xi32, #tpu.memory_space<vmem>>
        %dma_wait3A_642 = tpu.memref_squeeze %dma_wait3A_641 : memref<1x24x128xi32, #tpu.memory_space<vmem>> -> memref<24x128xi32, #tpu.memory_space<vmem>>
        %dma_wait3A_643 = arith.constant 0 : i32
        %dma_wait3A_644 = tpu.memref_slice %dma_wait3A_642[%add3A_581, %dma_wait3A_643] : memref<24x128xi32, #tpu.memory_space<vmem>> -> memref<1x128xi32, #tpu.memory_space<vmem>>
        %dma_wait3A_645 = tpu.memref_squeeze %dma_wait3A_644 : memref<1x128xi32, #tpu.memory_space<vmem>> -> memref<128xi32, #tpu.memory_space<vmem>>
        %dma_wait3A_646 = arith.constant 0 : i32
        %dma_wait3A_647 = arith.constant 0 : i32
        %dma_wait3A_648 = tpu.memref_slice %arg12[%dma_wait3A_646, %dma_wait3A_647] : memref<10112x128xf32, #tpu.memory_space<vmem_shared>> -> memref<10112x128xf32, #tpu.memory_space<vmem_shared>>
        tpu.wait_indirect_dma semaphore(%run_scoped3A_628 : memref<!tpu.dma_semaphore, #tpu.memory_space<semaphore_mem>>) src(%arg10 : memref<128x128xf32, #tpu.memory_space<vmem>>) dst(%dma_wait3A_648 : memref<10112x128xf32, #tpu.memory_space<vmem_shared>>)
        tpu.yield
      }) : () -> ()
      %add3A_592 = arith.constant 2 : i32
      %add3A_593 = arith.addi %add3A_581, %add3A_592 : i32
      %dma_start3A_594 = arith.constant 0 : i32
      %dma_start3A_595 = arith.constant 0 : i32
      %dma_start3A_596 = tpu.memref_slice %arg8[%scan3A_297, %dma_start3A_594, %dma_start3A_595] : memref<2x24x128xi32, #tpu.memory_space<vmem>> -> memref<1x24x128xi32, #tpu.memory_space<vmem>>
      %dma_start3A_597 = tpu.memref_squeeze %dma_start3A_596 : memref<1x24x128xi32, #tpu.memory_space<vmem>> -> memref<24x128xi32, #tpu.memory_space<vmem>>
      %dma_start3A_598 = arith.constant 0 : i32
      %dma_start3A_599 = tpu.memref_slice %dma_start3A_597[%add3A_593, %dma_start3A_598] : memref<24x128xi32, #tpu.memory_space<vmem>> -> memref<1x128xi32, #tpu.memory_space<vmem>>
      %dma_start3A_600 = tpu.memref_squeeze %dma_start3A_599 : memref<1x128xi32, #tpu.memory_space<vmem>> -> memref<128xi32, #tpu.memory_space<vmem>>
      %dma_start3A_601 = arith.constant 0 : i32
      %dma_start3A_602 = arith.constant 0 : i32
      %dma_start3A_603 = tpu.memref_slice %arg2[%dma_start3A_601, %dma_start3A_602] : memref<10000x128xf32, #tpu.memory_space<hbm>> -> memref<10000x128xf32, #tpu.memory_space<hbm>>
      tpu.enqueue_indirect_dma source(%dma_start3A_603 : memref<10000x128xf32, #tpu.memory_space<hbm>>) target(%arg10 : memref<128x128xf32, #tpu.memory_space<vmem>>) offsets(%dma_start3A_600 : memref<128xi32, #tpu.memory_space<vmem>>) semaphore(%arg13 : memref<!tpu.dma_semaphore, #tpu.memory_space<semaphore_mem>>)
      %add3A_604 = arith.constant 1 : i32
      %add3A_605 = arith.addi %add3A_579, %add3A_604 : i32
      %dma_wait3A_606 = arith.constant 0 : i32
      %dma_wait3A_607 = arith.constant 0 : i32
      %dma_wait3A_608 = tpu.memref_slice %arg8[%scan3A_297, %dma_wait3A_606, %dma_wait3A_607] : memref<2x24x128xi32, #tpu.memory_space<vmem>> -> memref<1x24x128xi32, #tpu.memory_space<vmem>>
      %dma_wait3A_609 = tpu.memref_squeeze %dma_wait3A_608 : memref<1x24x128xi32, #tpu.memory_space<vmem>> -> memref<24x128xi32, #tpu.memory_space<vmem>>
      %dma_wait3A_610 = arith.constant 0 : i32
      %dma_wait3A_611 = tpu.memref_slice %dma_wait3A_609[%add3A_605, %dma_wait3A_610] : memref<24x128xi32, #tpu.memory_space<vmem>> -> memref<1x128xi32, #tpu.memory_space<vmem>>
      %dma_wait3A_612 = tpu.memref_squeeze %dma_wait3A_611 : memref<1x128xi32, #tpu.memory_space<vmem>> -> memref<128xi32, #tpu.memory_space<vmem>>
      %dma_wait3A_613 = arith.constant 0 : i32
      %dma_wait3A_614 = arith.constant 0 : i32
      %dma_wait3A_615 = tpu.memref_slice %arg2[%dma_wait3A_613, %dma_wait3A_614] : memref<10000x128xf32, #tpu.memory_space<hbm>> -> memref<10000x128xf32, #tpu.memory_space<hbm>>
      tpu.wait_indirect_dma semaphore(%arg14 : memref<!tpu.dma_semaphore, #tpu.memory_space<semaphore_mem>>) src(%dma_wait3A_615 : memref<10000x128xf32, #tpu.memory_space<hbm>>) dst(%arg11 : memref<128x128xf32, #tpu.memory_space<vmem>>)
      "tpu.region"() ({
        %run_scoped3A_628 = tpu.sem_alloc : memref<!tpu.dma_semaphore, #tpu.memory_space<semaphore_mem>>
        %dma_start3A_629 = arith.constant 0 : i32
        %dma_start3A_630 = arith.constant 0 : i32
        %dma_start3A_631 = tpu.memref_slice %arg9[%scan3A_298, %dma_start3A_629, %dma_start3A_630] : memref<2x24x128xi32, #tpu.memory_space<vmem>> -> memref<1x24x128xi32, #tpu.memory_space<vmem>>
        %dma_start3A_632 = tpu.memref_squeeze %dma_start3A_631 : memref<1x24x128xi32, #tpu.memory_space<vmem>> -> memref<24x128xi32, #tpu.memory_space<vmem>>
        %dma_start3A_633 = arith.constant 0 : i32
        %dma_start3A_634 = tpu.memref_slice %dma_start3A_632[%add3A_605, %dma_start3A_633] : memref<24x128xi32, #tpu.memory_space<vmem>> -> memref<1x128xi32, #tpu.memory_space<vmem>>
        %dma_start3A_635 = tpu.memref_squeeze %dma_start3A_634 : memref<1x128xi32, #tpu.memory_space<vmem>> -> memref<128xi32, #tpu.memory_space<vmem>>
        %dma_start3A_636 = arith.constant 0 : i32
        %dma_start3A_637 = arith.constant 0 : i32
        %dma_start3A_638 = tpu.memref_slice %arg12[%dma_start3A_636, %dma_start3A_637] : memref<10112x128xf32, #tpu.memory_space<vmem_shared>> -> memref<10112x128xf32, #tpu.memory_space<vmem_shared>>
        tpu.enqueue_indirect_dma source(%arg11 : memref<128x128xf32, #tpu.memory_space<vmem>>) target(%dma_start3A_638 : memref<10112x128xf32, #tpu.memory_space<vmem_shared>>) offsets(%dma_start3A_635 : memref<128xi32, #tpu.memory_space<vmem>>) semaphore(%run_scoped3A_628 : memref<!tpu.dma_semaphore, #tpu.memory_space<semaphore_mem>>) {add = true}
        %dma_wait3A_639 = arith.constant 0 : i32
        %dma_wait3A_640 = arith.constant 0 : i32
        %dma_wait3A_641 = tpu.memref_slice %arg9[%scan3A_298, %dma_wait3A_639, %dma_wait3A_640] : memref<2x24x128xi32, #tpu.memory_space<vmem>> -> memref<1x24x128xi32, #tpu.memory_space<vmem>>
        %dma_wait3A_642 = tpu.memref_squeeze %dma_wait3A_641 : memref<1x24x128xi32, #tpu.memory_space<vmem>> -> memref<24x128xi32, #tpu.memory_space<vmem>>
        %dma_wait3A_643 = arith.constant 0 : i32
        %dma_wait3A_644 = tpu.memref_slice %dma_wait3A_642[%add3A_605, %dma_wait3A_643] : memref<24x128xi32, #tpu.memory_space<vmem>> -> memref<1x128xi32, #tpu.memory_space<vmem>>
        %dma_wait3A_645 = tpu.memref_squeeze %dma_wait3A_644 : memref<1x128xi32, #tpu.memory_space<vmem>> -> memref<128xi32, #tpu.memory_space<vmem>>
        %dma_wait3A_646 = arith.constant 0 : i32
        %dma_wait3A_647 = arith.constant 0 : i32
        %dma_wait3A_648 = tpu.memref_slice %arg12[%dma_wait3A_646, %dma_wait3A_647] : memref<10112x128xf32, #tpu.memory_space<vmem_shared>> -> memref<10112x128xf32, #tpu.memory_space<vmem_shared>>
        tpu.wait_indirect_dma semaphore(%run_scoped3A_628 : memref<!tpu.dma_semaphore, #tpu.memory_space<semaphore_mem>>) src(%arg11 : memref<128x128xf32, #tpu.memory_space<vmem>>) dst(%dma_wait3A_648 : memref<10112x128xf32, #tpu.memory_space<vmem_shared>>)
        tpu.yield
      }) : () -> ()
      %add3A_616 = arith.constant 2 : i32
      %add3A_617 = arith.addi %add3A_605, %add3A_616 : i32
      %dma_start3A_618 = arith.constant 0 : i32
      %dma_start3A_619 = arith.constant 0 : i32
      %dma_start3A_620 = tpu.memref_slice %arg8[%scan3A_297, %dma_start3A_618, %dma_start3A_619] : memref<2x24x128xi32, #tpu.memory_space<vmem>> -> memref<1x24x128xi32, #tpu.memory_space<vmem>>
      %dma_start3A_621 = tpu.memref_squeeze %dma_start3A_620 : memref<1x24x128xi32, #tpu.memory_space<vmem>> -> memref<24x128xi32, #tpu.memory_space<vmem>>
      %dma_start3A_622 = arith.constant 0 : i32
      %dma_start3A_623 = tpu.memref_slice %dma_start3A_621[%add3A_617, %dma_start3A_622] : memref<24x128xi32, #tpu.memory_space<vmem>> -> memref<1x128xi32, #tpu.memory_space<vmem>>
      %dma_start3A_624 = tpu.memref_squeeze %dma_start3A_623 : memref<1x128xi32, #tpu.memory_space<vmem>> -> memref<128xi32, #tpu.memory_space<vmem>>
      %dma_start3A_625 = arith.constant 0 : i32
      %dma_start3A_626 = arith.constant 0 : i32
      %dma_start3A_627 = tpu.memref_slice %arg2[%dma_start3A_625, %dma_start3A_626] : memref<10000x128xf32, #tpu.memory_space<hbm>> -> memref<10000x128xf32, #tpu.memory_space<hbm>>
      tpu.enqueue_indirect_dma source(%dma_start3A_627 : memref<10000x128xf32, #tpu.memory_space<hbm>>) target(%arg11 : memref<128x128xf32, #tpu.memory_space<vmem>>) offsets(%dma_start3A_624 : memref<128xi32, #tpu.memory_space<vmem>>) semaphore(%arg14 : memref<!tpu.dma_semaphore, #tpu.memory_space<semaphore_mem>>)
    }
    %scan3A_303 = arith.constant 11 : i32
    %dma_wait3A_304 = arith.constant 1 : i32
    %dma_wait3A_305 = arith.constant 22 : i32
    %dma_wait3A_306 = arith.constant 0 : i32
    %dma_wait3A_307 = arith.constant 0 : i32
    %dma_wait3A_308 = tpu.memref_slice %arg8[%dma_wait3A_304, %dma_wait3A_306, %dma_wait3A_307] : memref<2x24x128xi32, #tpu.memory_space<vmem>> -> memref<1x24x128xi32, #tpu.memory_space<vmem>>
    %dma_wait3A_309 = tpu.memref_squeeze %dma_wait3A_308 : memref<1x24x128xi32, #tpu.memory_space<vmem>> -> memref<24x128xi32, #tpu.memory_space<vmem>>
    %dma_wait3A_310 = arith.constant 0 : i32
    %dma_wait3A_311 = tpu.memref_slice %dma_wait3A_309[%dma_wait3A_305, %dma_wait3A_310] : memref<24x128xi32, #tpu.memory_space<vmem>> -> memref<1x128xi32, #tpu.memory_space<vmem>>
    %dma_wait3A_312 = tpu.memref_squeeze %dma_wait3A_311 : memref<1x128xi32, #tpu.memory_space<vmem>> -> memref<128xi32, #tpu.memory_space<vmem>>
    %dma_wait3A_313 = arith.constant 0 : i32
    %dma_wait3A_314 = arith.constant 0 : i32
    %dma_wait3A_315 = tpu.memref_slice %arg2[%dma_wait3A_313, %dma_wait3A_314] : memref<10000x128xf32, #tpu.memory_space<hbm>> -> memref<10000x128xf32, #tpu.memory_space<hbm>>
    tpu.wait_indirect_dma semaphore(%arg13 : memref<!tpu.dma_semaphore, #tpu.memory_space<semaphore_mem>>) src(%dma_wait3A_315 : memref<10000x128xf32, #tpu.memory_space<hbm>>) dst(%arg10 : memref<128x128xf32, #tpu.memory_space<vmem>>)
    %run_scoped3A_316 = arith.constant 1 : i32
    %run_scoped3A_317 = arith.constant 22 : i32
    "tpu.region"() ({
      %run_scoped3A_575 = tpu.sem_alloc : memref<!tpu.dma_semaphore, #tpu.memory_space<semaphore_mem>>
      %dma_start3A_576 = arith.constant 0 : i32
      %dma_start3A_577 = arith.constant 0 : i32
      %dma_start3A_578 = tpu.memref_slice %arg9[%run_scoped3A_316, %dma_start3A_576, %dma_start3A_577] : memref<2x24x128xi32, #tpu.memory_space<vmem>> -> memref<1x24x128xi32, #tpu.memory_space<vmem>>
      %dma_start3A_579 = tpu.memref_squeeze %dma_start3A_578 : memref<1x24x128xi32, #tpu.memory_space<vmem>> -> memref<24x128xi32, #tpu.memory_space<vmem>>
      %dma_start3A_580 = arith.constant 0 : i32
      %dma_start3A_581 = tpu.memref_slice %dma_start3A_579[%run_scoped3A_317, %dma_start3A_580] : memref<24x128xi32, #tpu.memory_space<vmem>> -> memref<1x128xi32, #tpu.memory_space<vmem>>
      %dma_start3A_582 = tpu.memref_squeeze %dma_start3A_581 : memref<1x128xi32, #tpu.memory_space<vmem>> -> memref<128xi32, #tpu.memory_space<vmem>>
      %dma_start3A_583 = arith.constant 0 : i32
      %dma_start3A_584 = arith.constant 0 : i32
      %dma_start3A_585 = tpu.memref_slice %arg12[%dma_start3A_583, %dma_start3A_584] : memref<10112x128xf32, #tpu.memory_space<vmem_shared>> -> memref<10112x128xf32, #tpu.memory_space<vmem_shared>>
      tpu.enqueue_indirect_dma source(%arg10 : memref<128x128xf32, #tpu.memory_space<vmem>>) target(%dma_start3A_585 : memref<10112x128xf32, #tpu.memory_space<vmem_shared>>) offsets(%dma_start3A_582 : memref<128xi32, #tpu.memory_space<vmem>>) semaphore(%run_scoped3A_575 : memref<!tpu.dma_semaphore, #tpu.memory_space<semaphore_mem>>) {add = true}
      %dma_wait3A_586 = arith.constant 0 : i32
      %dma_wait3A_587 = arith.constant 0 : i32
      %dma_wait3A_588 = tpu.memref_slice %arg9[%run_scoped3A_316, %dma_wait3A_586, %dma_wait3A_587] : memref<2x24x128xi32, #tpu.memory_space<vmem>> -> memref<1x24x128xi32, #tpu.memory_space<vmem>>
      %dma_wait3A_589 = tpu.memref_squeeze %dma_wait3A_588 : memref<1x24x128xi32, #tpu.memory_space<vmem>> -> memref<24x128xi32, #tpu.memory_space<vmem>>
      %dma_wait3A_590 = arith.constant 0 : i32
      %dma_wait3A_591 = tpu.memref_slice %dma_wait3A_589[%run_scoped3A_317, %dma_wait3A_590] : memref<24x128xi32, #tpu.memory_space<vmem>> -> memref<1x128xi32, #tpu.memory_space<vmem>>
      %dma_wait3A_592 = tpu.memref_squeeze %dma_wait3A_591 : memref<1x128xi32, #tpu.memory_space<vmem>> -> memref<128xi32, #tpu.memory_space<vmem>>
      %dma_wait3A_593 = arith.constant 0 : i32
      %dma_wait3A_594 = arith.constant 0 : i32
      %dma_wait3A_595 = tpu.memref_slice %arg12[%dma_wait3A_593, %dma_wait3A_594] : memref<10112x128xf32, #tpu.memory_space<vmem_shared>> -> memref<10112x128xf32, #tpu.memory_space<vmem_shared>>
      tpu.wait_indirect_dma semaphore(%run_scoped3A_575 : memref<!tpu.dma_semaphore, #tpu.memory_space<semaphore_mem>>) src(%arg10 : memref<128x128xf32, #tpu.memory_space<vmem>>) dst(%dma_wait3A_595 : memref<10112x128xf32, #tpu.memory_space<vmem_shared>>)
      tpu.yield
    }) : () -> ()
    %dma_wait3A_318 = arith.constant 1 : i32
    %dma_wait3A_319 = arith.constant 23 : i32
    %dma_wait3A_320 = arith.constant 0 : i32
    %dma_wait3A_321 = arith.constant 0 : i32
    %dma_wait3A_322 = tpu.memref_slice %arg8[%dma_wait3A_318, %dma_wait3A_320, %dma_wait3A_321] : memref<2x24x128xi32, #tpu.memory_space<vmem>> -> memref<1x24x128xi32, #tpu.memory_space<vmem>>
    %dma_wait3A_323 = tpu.memref_squeeze %dma_wait3A_322 : memref<1x24x128xi32, #tpu.memory_space<vmem>> -> memref<24x128xi32, #tpu.memory_space<vmem>>
    %dma_wait3A_324 = arith.constant 0 : i32
    %dma_wait3A_325 = tpu.memref_slice %dma_wait3A_323[%dma_wait3A_319, %dma_wait3A_324] : memref<24x128xi32, #tpu.memory_space<vmem>> -> memref<1x128xi32, #tpu.memory_space<vmem>>
    %dma_wait3A_326 = tpu.memref_squeeze %dma_wait3A_325 : memref<1x128xi32, #tpu.memory_space<vmem>> -> memref<128xi32, #tpu.memory_space<vmem>>
    %dma_wait3A_327 = arith.constant 0 : i32
    %dma_wait3A_328 = arith.constant 0 : i32
    %dma_wait3A_329 = tpu.memref_slice %arg2[%dma_wait3A_327, %dma_wait3A_328] : memref<10000x128xf32, #tpu.memory_space<hbm>> -> memref<10000x128xf32, #tpu.memory_space<hbm>>
    tpu.wait_indirect_dma semaphore(%arg14 : memref<!tpu.dma_semaphore, #tpu.memory_space<semaphore_mem>>) src(%dma_wait3A_329 : memref<10000x128xf32, #tpu.memory_space<hbm>>) dst(%arg11 : memref<128x128xf32, #tpu.memory_space<vmem>>)
    %run_scoped3A_330 = arith.constant 1 : i32
    %run_scoped3A_331 = arith.constant 23 : i32
    "tpu.region"() ({
      %run_scoped3A_575 = tpu.sem_alloc : memref<!tpu.dma_semaphore, #tpu.memory_space<semaphore_mem>>
      %dma_start3A_576 = arith.constant 0 : i32
      %dma_start3A_577 = arith.constant 0 : i32
      %dma_start3A_578 = tpu.memref_slice %arg9[%run_scoped3A_330, %dma_start3A_576, %dma_start3A_577] : memref<2x24x128xi32, #tpu.memory_space<vmem>> -> memref<1x24x128xi32, #tpu.memory_space<vmem>>
      %dma_start3A_579 = tpu.memref_squeeze %dma_start3A_578 : memref<1x24x128xi32, #tpu.memory_space<vmem>> -> memref<24x128xi32, #tpu.memory_space<vmem>>
      %dma_start3A_580 = arith.constant 0 : i32
      %dma_start3A_581 = tpu.memref_slice %dma_start3A_579[%run_scoped3A_331, %dma_start3A_580] : memref<24x128xi32, #tpu.memory_space<vmem>> -> memref<1x128xi32, #tpu.memory_space<vmem>>
      %dma_start3A_582 = tpu.memref_squeeze %dma_start3A_581 : memref<1x128xi32, #tpu.memory_space<vmem>> -> memref<128xi32, #tpu.memory_space<vmem>>
      %dma_start3A_583 = arith.constant 0 : i32
      %dma_start3A_584 = arith.constant 0 : i32
      %dma_start3A_585 = tpu.memref_slice %arg12[%dma_start3A_583, %dma_start3A_584] : memref<10112x128xf32, #tpu.memory_space<vmem_shared>> -> memref<10112x128xf32, #tpu.memory_space<vmem_shared>>
      tpu.enqueue_indirect_dma source(%arg11 : memref<128x128xf32, #tpu.memory_space<vmem>>) target(%dma_start3A_585 : memref<10112x128xf32, #tpu.memory_space<vmem_shared>>) offsets(%dma_start3A_582 : memref<128xi32, #tpu.memory_space<vmem>>) semaphore(%run_scoped3A_575 : memref<!tpu.dma_semaphore, #tpu.memory_space<semaphore_mem>>) {add = true}
      %dma_wait3A_586 = arith.constant 0 : i32
      %dma_wait3A_587 = arith.constant 0 : i32
      %dma_wait3A_588 = tpu.memref_slice %arg9[%run_scoped3A_330, %dma_wait3A_586, %dma_wait3A_587] : memref<2x24x128xi32, #tpu.memory_space<vmem>> -> memref<1x24x128xi32, #tpu.memory_space<vmem>>
      %dma_wait3A_589 = tpu.memref_squeeze %dma_wait3A_588 : memref<1x24x128xi32, #tpu.memory_space<vmem>> -> memref<24x128xi32, #tpu.memory_space<vmem>>
      %dma_wait3A_590 = arith.constant 0 : i32
      %dma_wait3A_591 = tpu.memref_slice %dma_wait3A_589[%run_scoped3A_331, %dma_wait3A_590] : memref<24x128xi32, #tpu.memory_space<vmem>> -> memref<1x128xi32, #tpu.memory_space<vmem>>
      %dma_wait3A_592 = tpu.memref_squeeze %dma_wait3A_591 : memref<1x128xi32, #tpu.memory_space<vmem>> -> memref<128xi32, #tpu.memory_space<vmem>>
      %dma_wait3A_593 = arith.constant 0 : i32
      %dma_wait3A_594 = arith.constant 0 : i32
      %dma_wait3A_595 = tpu.memref_slice %arg12[%dma_wait3A_593, %dma_wait3A_594] : memref<10112x128xf32, #tpu.memory_space<vmem_shared>> -> memref<10112x128xf32, #tpu.memory_space<vmem_shared>>
      tpu.wait_indirect_dma semaphore(%run_scoped3A_575 : memref<!tpu.dma_semaphore, #tpu.memory_space<semaphore_mem>>) src(%arg11 : memref<128x128xf32, #tpu.memory_space<vmem>>) dst(%dma_wait3A_595 : memref<10112x128xf32, #tpu.memory_space<vmem_shared>>)
      tpu.yield
    }) : () -> ()
    %add3A_332 = arith.constant 48 : i32
    %add3A_333 = arith.addi %mul3A_16, %add3A_332 : i32
    %dma_wait3A_334 = arith.constant 0 : i32
    %dma_wait3A_335 = arith.constant 0 : i32
    %dma_wait3A_336 = arith.constant 0 : i32
    %dma_wait3A_337 = tpu.memref_slice %arg8[%dma_wait3A_334, %dma_wait3A_335, %dma_wait3A_336] : memref<2x24x128xi32, #tpu.memory_space<vmem>> -> memref<1x24x128xi32, #tpu.memory_space<vmem>>
    %dma_wait3A_338 = tpu.memref_squeeze %dma_wait3A_337 : memref<1x24x128xi32, #tpu.memory_space<vmem>> -> memref<24x128xi32, #tpu.memory_space<vmem>>
    %dma_wait3A_339 = arith.constant 0 : i32
    %dma_wait3A_340 = arith.constant 0 : i32
    %dma_wait3A_341 = tpu.memref_slice %dma_wait3A_338[%dma_wait3A_339, %dma_wait3A_340] : memref<24x128xi32, #tpu.memory_space<vmem>> -> memref<24x128xi32, #tpu.memory_space<vmem>>
    %dma_wait3A_342 = arith.constant 0 : i32
    %dma_wait3A_343 = tpu.memref_slice %arg3[%add3A_333, %dma_wait3A_342] : memref<2304x128xi32, #tpu.memory_space<hbm>> -> memref<24x128xi32, #tpu.memory_space<hbm>>
    %dma_wait3A_344 = arith.constant 0 : i32
    %dma_wait3A_345 = arith.constant 0 : i32
    %dma_wait3A_346 = tpu.memref_slice %arg8[%dma_wait3A_334, %dma_wait3A_344, %dma_wait3A_345] : memref<2x24x128xi32, #tpu.memory_space<vmem>> -> memref<1x24x128xi32, #tpu.memory_space<vmem>>
    %dma_wait3A_347 = tpu.memref_squeeze %dma_wait3A_346 : memref<1x24x128xi32, #tpu.memory_space<vmem>> -> memref<24x128xi32, #tpu.memory_space<vmem>>
    %dma_wait3A_348 = arith.constant 0 : i32
    %dma_wait3A_349 = arith.constant 0 : i32
    %dma_wait3A_350 = tpu.memref_slice %dma_wait3A_347[%dma_wait3A_348, %dma_wait3A_349] : memref<24x128xi32, #tpu.memory_space<vmem>> -> memref<24x128xi32, #tpu.memory_space<vmem>>
    %dma_wait3A_351 = arith.constant 0 : i32
    %dma_wait3A_352 = tpu.memref_slice %arg3[%add3A_333, %dma_wait3A_351] : memref<2304x128xi32, #tpu.memory_space<hbm>> -> memref<24x128xi32, #tpu.memory_space<hbm>>
    tpu.wait_dma2 semaphore(%arg15 : memref<!tpu.dma_semaphore, #tpu.memory_space<semaphore_mem>>) src(%dma_wait3A_352 : memref<24x128xi32, #tpu.memory_space<hbm>>) dst(%dma_wait3A_350 : memref<24x128xi32, #tpu.memory_space<vmem>>)
    %dma_wait3A_353 = arith.constant 0 : i32
    %dma_wait3A_354 = arith.constant 0 : i32
    %dma_wait3A_355 = arith.constant 0 : i32
    %dma_wait3A_356 = tpu.memref_slice %arg9[%dma_wait3A_353, %dma_wait3A_354, %dma_wait3A_355] : memref<2x24x128xi32, #tpu.memory_space<vmem>> -> memref<1x24x128xi32, #tpu.memory_space<vmem>>
    %dma_wait3A_357 = tpu.memref_squeeze %dma_wait3A_356 : memref<1x24x128xi32, #tpu.memory_space<vmem>> -> memref<24x128xi32, #tpu.memory_space<vmem>>
    %dma_wait3A_358 = arith.constant 0 : i32
    %dma_wait3A_359 = arith.constant 0 : i32
    %dma_wait3A_360 = tpu.memref_slice %dma_wait3A_357[%dma_wait3A_358, %dma_wait3A_359] : memref<24x128xi32, #tpu.memory_space<vmem>> -> memref<24x128xi32, #tpu.memory_space<vmem>>
    %dma_wait3A_361 = arith.constant 0 : i32
    %dma_wait3A_362 = tpu.memref_slice %arg4[%add3A_333, %dma_wait3A_361] : memref<2304x128xi32, #tpu.memory_space<hbm>> -> memref<24x128xi32, #tpu.memory_space<hbm>>
    %dma_wait3A_363 = arith.constant 0 : i32
    %dma_wait3A_364 = arith.constant 0 : i32
    %dma_wait3A_365 = tpu.memref_slice %arg9[%dma_wait3A_353, %dma_wait3A_363, %dma_wait3A_364] : memref<2x24x128xi32, #tpu.memory_space<vmem>> -> memref<1x24x128xi32, #tpu.memory_space<vmem>>
    %dma_wait3A_366 = tpu.memref_squeeze %dma_wait3A_365 : memref<1x24x128xi32, #tpu.memory_space<vmem>> -> memref<24x128xi32, #tpu.memory_space<vmem>>
    %dma_wait3A_367 = arith.constant 0 : i32
    %dma_wait3A_368 = arith.constant 0 : i32
    %dma_wait3A_369 = tpu.memref_slice %dma_wait3A_366[%dma_wait3A_367, %dma_wait3A_368] : memref<24x128xi32, #tpu.memory_space<vmem>> -> memref<24x128xi32, #tpu.memory_space<vmem>>
    %dma_wait3A_370 = arith.constant 0 : i32
    %dma_wait3A_371 = tpu.memref_slice %arg4[%add3A_333, %dma_wait3A_370] : memref<2304x128xi32, #tpu.memory_space<hbm>> -> memref<24x128xi32, #tpu.memory_space<hbm>>
    tpu.wait_dma2 semaphore(%arg16 : memref<!tpu.dma_semaphore, #tpu.memory_space<semaphore_mem>>) src(%dma_wait3A_371 : memref<24x128xi32, #tpu.memory_space<hbm>>) dst(%dma_wait3A_369 : memref<24x128xi32, #tpu.memory_space<vmem>>)
    %dma_start3A_372 = arith.constant 0 : i32
    %dma_start3A_373 = arith.constant 0 : i32
    %dma_start3A_374 = arith.constant 0 : i32
    %dma_start3A_375 = arith.constant 0 : i32
    %dma_start3A_376 = tpu.memref_slice %arg8[%dma_start3A_372, %dma_start3A_374, %dma_start3A_375] : memref<2x24x128xi32, #tpu.memory_space<vmem>> -> memref<1x24x128xi32, #tpu.memory_space<vmem>>
    %dma_start3A_377 = tpu.memref_squeeze %dma_start3A_376 : memref<1x24x128xi32, #tpu.memory_space<vmem>> -> memref<24x128xi32, #tpu.memory_space<vmem>>
    %dma_start3A_378 = arith.constant 0 : i32
    %dma_start3A_379 = tpu.memref_slice %dma_start3A_377[%dma_start3A_373, %dma_start3A_378] : memref<24x128xi32, #tpu.memory_space<vmem>> -> memref<1x128xi32, #tpu.memory_space<vmem>>
    %dma_start3A_380 = tpu.memref_squeeze %dma_start3A_379 : memref<1x128xi32, #tpu.memory_space<vmem>> -> memref<128xi32, #tpu.memory_space<vmem>>
    %dma_start3A_381 = arith.constant 0 : i32
    %dma_start3A_382 = arith.constant 0 : i32
    %dma_start3A_383 = tpu.memref_slice %arg2[%dma_start3A_381, %dma_start3A_382] : memref<10000x128xf32, #tpu.memory_space<hbm>> -> memref<10000x128xf32, #tpu.memory_space<hbm>>
    tpu.enqueue_indirect_dma source(%dma_start3A_383 : memref<10000x128xf32, #tpu.memory_space<hbm>>) target(%arg10 : memref<128x128xf32, #tpu.memory_space<vmem>>) offsets(%dma_start3A_380 : memref<128xi32, #tpu.memory_space<vmem>>) semaphore(%arg13 : memref<!tpu.dma_semaphore, #tpu.memory_space<semaphore_mem>>)
    %dma_start3A_384 = arith.constant 0 : i32
    %dma_start3A_385 = arith.constant 1 : i32
    %dma_start3A_386 = arith.constant 0 : i32
    %dma_start3A_387 = arith.constant 0 : i32
    %dma_start3A_388 = tpu.memref_slice %arg8[%dma_start3A_384, %dma_start3A_386, %dma_start3A_387] : memref<2x24x128xi32, #tpu.memory_space<vmem>> -> memref<1x24x128xi32, #tpu.memory_space<vmem>>
    %dma_start3A_389 = tpu.memref_squeeze %dma_start3A_388 : memref<1x24x128xi32, #tpu.memory_space<vmem>> -> memref<24x128xi32, #tpu.memory_space<vmem>>
    %dma_start3A_390 = arith.constant 0 : i32
    %dma_start3A_391 = tpu.memref_slice %dma_start3A_389[%dma_start3A_385, %dma_start3A_390] : memref<24x128xi32, #tpu.memory_space<vmem>> -> memref<1x128xi32, #tpu.memory_space<vmem>>
    %dma_start3A_392 = tpu.memref_squeeze %dma_start3A_391 : memref<1x128xi32, #tpu.memory_space<vmem>> -> memref<128xi32, #tpu.memory_space<vmem>>
    %dma_start3A_393 = arith.constant 0 : i32
    %dma_start3A_394 = arith.constant 0 : i32
    %dma_start3A_395 = tpu.memref_slice %arg2[%dma_start3A_393, %dma_start3A_394] : memref<10000x128xf32, #tpu.memory_space<hbm>> -> memref<10000x128xf32, #tpu.memory_space<hbm>>
    tpu.enqueue_indirect_dma source(%dma_start3A_395 : memref<10000x128xf32, #tpu.memory_space<hbm>>) target(%arg11 : memref<128x128xf32, #tpu.memory_space<vmem>>) offsets(%dma_start3A_392 : memref<128xi32, #tpu.memory_space<vmem>>) semaphore(%arg14 : memref<!tpu.dma_semaphore, #tpu.memory_space<semaphore_mem>>)
    %scan3A_396 = arith.constant 0 : i32
    %scan3A_397 = arith.constant 0 : i32
    %scan3A_398 = arith.constant 0 : i32
    %scan3A_399 = arith.constant 11 : i32
    %scan3A_400 = arith.addi %scan3A_398, %scan3A_399 : i32
    %scan3A_401 = arith.constant 1 : i32
    scf.for %scan3A_575 = %scan3A_398 to %scan3A_400 step %scan3A_401  : i32 {
      %mul3A_576 = arith.constant 2 : i32
      %mul3A_577 = arith.muli %scan3A_575, %mul3A_576 : i32
      %add3A_578 = arith.constant 0 : i32
      %add3A_579 = arith.addi %add3A_578, %mul3A_577 : i32
      %add3A_580 = arith.constant 0 : i32
      %add3A_581 = arith.addi %add3A_579, %add3A_580 : i32
      %dma_wait3A_582 = arith.constant 0 : i32
      %dma_wait3A_583 = arith.constant 0 : i32
      %dma_wait3A_584 = tpu.memref_slice %arg8[%scan3A_396, %dma_wait3A_582, %dma_wait3A_583] : memref<2x24x128xi32, #tpu.memory_space<vmem>> -> memref<1x24x128xi32, #tpu.memory_space<vmem>>
      %dma_wait3A_585 = tpu.memref_squeeze %dma_wait3A_584 : memref<1x24x128xi32, #tpu.memory_space<vmem>> -> memref<24x128xi32, #tpu.memory_space<vmem>>
      %dma_wait3A_586 = arith.constant 0 : i32
      %dma_wait3A_587 = tpu.memref_slice %dma_wait3A_585[%add3A_581, %dma_wait3A_586] : memref<24x128xi32, #tpu.memory_space<vmem>> -> memref<1x128xi32, #tpu.memory_space<vmem>>
      %dma_wait3A_588 = tpu.memref_squeeze %dma_wait3A_587 : memref<1x128xi32, #tpu.memory_space<vmem>> -> memref<128xi32, #tpu.memory_space<vmem>>
      %dma_wait3A_589 = arith.constant 0 : i32
      %dma_wait3A_590 = arith.constant 0 : i32
      %dma_wait3A_591 = tpu.memref_slice %arg2[%dma_wait3A_589, %dma_wait3A_590] : memref<10000x128xf32, #tpu.memory_space<hbm>> -> memref<10000x128xf32, #tpu.memory_space<hbm>>
      tpu.wait_indirect_dma semaphore(%arg13 : memref<!tpu.dma_semaphore, #tpu.memory_space<semaphore_mem>>) src(%dma_wait3A_591 : memref<10000x128xf32, #tpu.memory_space<hbm>>) dst(%arg10 : memref<128x128xf32, #tpu.memory_space<vmem>>)
      "tpu.region"() ({
        %run_scoped3A_628 = tpu.sem_alloc : memref<!tpu.dma_semaphore, #tpu.memory_space<semaphore_mem>>
        %dma_start3A_629 = arith.constant 0 : i32
        %dma_start3A_630 = arith.constant 0 : i32
        %dma_start3A_631 = tpu.memref_slice %arg9[%scan3A_397, %dma_start3A_629, %dma_start3A_630] : memref<2x24x128xi32, #tpu.memory_space<vmem>> -> memref<1x24x128xi32, #tpu.memory_space<vmem>>
        %dma_start3A_632 = tpu.memref_squeeze %dma_start3A_631 : memref<1x24x128xi32, #tpu.memory_space<vmem>> -> memref<24x128xi32, #tpu.memory_space<vmem>>
        %dma_start3A_633 = arith.constant 0 : i32
        %dma_start3A_634 = tpu.memref_slice %dma_start3A_632[%add3A_581, %dma_start3A_633] : memref<24x128xi32, #tpu.memory_space<vmem>> -> memref<1x128xi32, #tpu.memory_space<vmem>>
        %dma_start3A_635 = tpu.memref_squeeze %dma_start3A_634 : memref<1x128xi32, #tpu.memory_space<vmem>> -> memref<128xi32, #tpu.memory_space<vmem>>
        %dma_start3A_636 = arith.constant 0 : i32
        %dma_start3A_637 = arith.constant 0 : i32
        %dma_start3A_638 = tpu.memref_slice %arg12[%dma_start3A_636, %dma_start3A_637] : memref<10112x128xf32, #tpu.memory_space<vmem_shared>> -> memref<10112x128xf32, #tpu.memory_space<vmem_shared>>
        tpu.enqueue_indirect_dma source(%arg10 : memref<128x128xf32, #tpu.memory_space<vmem>>) target(%dma_start3A_638 : memref<10112x128xf32, #tpu.memory_space<vmem_shared>>) offsets(%dma_start3A_635 : memref<128xi32, #tpu.memory_space<vmem>>) semaphore(%run_scoped3A_628 : memref<!tpu.dma_semaphore, #tpu.memory_space<semaphore_mem>>) {add = true}
        %dma_wait3A_639 = arith.constant 0 : i32
        %dma_wait3A_640 = arith.constant 0 : i32
        %dma_wait3A_641 = tpu.memref_slice %arg9[%scan3A_397, %dma_wait3A_639, %dma_wait3A_640] : memref<2x24x128xi32, #tpu.memory_space<vmem>> -> memref<1x24x128xi32, #tpu.memory_space<vmem>>
        %dma_wait3A_642 = tpu.memref_squeeze %dma_wait3A_641 : memref<1x24x128xi32, #tpu.memory_space<vmem>> -> memref<24x128xi32, #tpu.memory_space<vmem>>
        %dma_wait3A_643 = arith.constant 0 : i32
        %dma_wait3A_644 = tpu.memref_slice %dma_wait3A_642[%add3A_581, %dma_wait3A_643] : memref<24x128xi32, #tpu.memory_space<vmem>> -> memref<1x128xi32, #tpu.memory_space<vmem>>
        %dma_wait3A_645 = tpu.memref_squeeze %dma_wait3A_644 : memref<1x128xi32, #tpu.memory_space<vmem>> -> memref<128xi32, #tpu.memory_space<vmem>>
        %dma_wait3A_646 = arith.constant 0 : i32
        %dma_wait3A_647 = arith.constant 0 : i32
        %dma_wait3A_648 = tpu.memref_slice %arg12[%dma_wait3A_646, %dma_wait3A_647] : memref<10112x128xf32, #tpu.memory_space<vmem_shared>> -> memref<10112x128xf32, #tpu.memory_space<vmem_shared>>
        tpu.wait_indirect_dma semaphore(%run_scoped3A_628 : memref<!tpu.dma_semaphore, #tpu.memory_space<semaphore_mem>>) src(%arg10 : memref<128x128xf32, #tpu.memory_space<vmem>>) dst(%dma_wait3A_648 : memref<10112x128xf32, #tpu.memory_space<vmem_shared>>)
        tpu.yield
      }) : () -> ()
      %add3A_592 = arith.constant 2 : i32
      %add3A_593 = arith.addi %add3A_581, %add3A_592 : i32
      %dma_start3A_594 = arith.constant 0 : i32
      %dma_start3A_595 = arith.constant 0 : i32
      %dma_start3A_596 = tpu.memref_slice %arg8[%scan3A_396, %dma_start3A_594, %dma_start3A_595] : memref<2x24x128xi32, #tpu.memory_space<vmem>> -> memref<1x24x128xi32, #tpu.memory_space<vmem>>
      %dma_start3A_597 = tpu.memref_squeeze %dma_start3A_596 : memref<1x24x128xi32, #tpu.memory_space<vmem>> -> memref<24x128xi32, #tpu.memory_space<vmem>>
      %dma_start3A_598 = arith.constant 0 : i32
      %dma_start3A_599 = tpu.memref_slice %dma_start3A_597[%add3A_593, %dma_start3A_598] : memref<24x128xi32, #tpu.memory_space<vmem>> -> memref<1x128xi32, #tpu.memory_space<vmem>>
      %dma_start3A_600 = tpu.memref_squeeze %dma_start3A_599 : memref<1x128xi32, #tpu.memory_space<vmem>> -> memref<128xi32, #tpu.memory_space<vmem>>
      %dma_start3A_601 = arith.constant 0 : i32
      %dma_start3A_602 = arith.constant 0 : i32
      %dma_start3A_603 = tpu.memref_slice %arg2[%dma_start3A_601, %dma_start3A_602] : memref<10000x128xf32, #tpu.memory_space<hbm>> -> memref<10000x128xf32, #tpu.memory_space<hbm>>
      tpu.enqueue_indirect_dma source(%dma_start3A_603 : memref<10000x128xf32, #tpu.memory_space<hbm>>) target(%arg10 : memref<128x128xf32, #tpu.memory_space<vmem>>) offsets(%dma_start3A_600 : memref<128xi32, #tpu.memory_space<vmem>>) semaphore(%arg13 : memref<!tpu.dma_semaphore, #tpu.memory_space<semaphore_mem>>)
      %add3A_604 = arith.constant 1 : i32
      %add3A_605 = arith.addi %add3A_579, %add3A_604 : i32
      %dma_wait3A_606 = arith.constant 0 : i32
      %dma_wait3A_607 = arith.constant 0 : i32
      %dma_wait3A_608 = tpu.memref_slice %arg8[%scan3A_396, %dma_wait3A_606, %dma_wait3A_607] : memref<2x24x128xi32, #tpu.memory_space<vmem>> -> memref<1x24x128xi32, #tpu.memory_space<vmem>>
      %dma_wait3A_609 = tpu.memref_squeeze %dma_wait3A_608 : memref<1x24x128xi32, #tpu.memory_space<vmem>> -> memref<24x128xi32, #tpu.memory_space<vmem>>
      %dma_wait3A_610 = arith.constant 0 : i32
      %dma_wait3A_611 = tpu.memref_slice %dma_wait3A_609[%add3A_605, %dma_wait3A_610] : memref<24x128xi32, #tpu.memory_space<vmem>> -> memref<1x128xi32, #tpu.memory_space<vmem>>
      %dma_wait3A_612 = tpu.memref_squeeze %dma_wait3A_611 : memref<1x128xi32, #tpu.memory_space<vmem>> -> memref<128xi32, #tpu.memory_space<vmem>>
      %dma_wait3A_613 = arith.constant 0 : i32
      %dma_wait3A_614 = arith.constant 0 : i32
      %dma_wait3A_615 = tpu.memref_slice %arg2[%dma_wait3A_613, %dma_wait3A_614] : memref<10000x128xf32, #tpu.memory_space<hbm>> -> memref<10000x128xf32, #tpu.memory_space<hbm>>
      tpu.wait_indirect_dma semaphore(%arg14 : memref<!tpu.dma_semaphore, #tpu.memory_space<semaphore_mem>>) src(%dma_wait3A_615 : memref<10000x128xf32, #tpu.memory_space<hbm>>) dst(%arg11 : memref<128x128xf32, #tpu.memory_space<vmem>>)
      "tpu.region"() ({
        %run_scoped3A_628 = tpu.sem_alloc : memref<!tpu.dma_semaphore, #tpu.memory_space<semaphore_mem>>
        %dma_start3A_629 = arith.constant 0 : i32
        %dma_start3A_630 = arith.constant 0 : i32
        %dma_start3A_631 = tpu.memref_slice %arg9[%scan3A_397, %dma_start3A_629, %dma_start3A_630] : memref<2x24x128xi32, #tpu.memory_space<vmem>> -> memref<1x24x128xi32, #tpu.memory_space<vmem>>
        %dma_start3A_632 = tpu.memref_squeeze %dma_start3A_631 : memref<1x24x128xi32, #tpu.memory_space<vmem>> -> memref<24x128xi32, #tpu.memory_space<vmem>>
        %dma_start3A_633 = arith.constant 0 : i32
        %dma_start3A_634 = tpu.memref_slice %dma_start3A_632[%add3A_605, %dma_start3A_633] : memref<24x128xi32, #tpu.memory_space<vmem>> -> memref<1x128xi32, #tpu.memory_space<vmem>>
        %dma_start3A_635 = tpu.memref_squeeze %dma_start3A_634 : memref<1x128xi32, #tpu.memory_space<vmem>> -> memref<128xi32, #tpu.memory_space<vmem>>
        %dma_start3A_636 = arith.constant 0 : i32
        %dma_start3A_637 = arith.constant 0 : i32
        %dma_start3A_638 = tpu.memref_slice %arg12[%dma_start3A_636, %dma_start3A_637] : memref<10112x128xf32, #tpu.memory_space<vmem_shared>> -> memref<10112x128xf32, #tpu.memory_space<vmem_shared>>
        tpu.enqueue_indirect_dma source(%arg11 : memref<128x128xf32, #tpu.memory_space<vmem>>) target(%dma_start3A_638 : memref<10112x128xf32, #tpu.memory_space<vmem_shared>>) offsets(%dma_start3A_635 : memref<128xi32, #tpu.memory_space<vmem>>) semaphore(%run_scoped3A_628 : memref<!tpu.dma_semaphore, #tpu.memory_space<semaphore_mem>>) {add = true}
        %dma_wait3A_639 = arith.constant 0 : i32
        %dma_wait3A_640 = arith.constant 0 : i32
        %dma_wait3A_641 = tpu.memref_slice %arg9[%scan3A_397, %dma_wait3A_639, %dma_wait3A_640] : memref<2x24x128xi32, #tpu.memory_space<vmem>> -> memref<1x24x128xi32, #tpu.memory_space<vmem>>
        %dma_wait3A_642 = tpu.memref_squeeze %dma_wait3A_641 : memref<1x24x128xi32, #tpu.memory_space<vmem>> -> memref<24x128xi32, #tpu.memory_space<vmem>>
        %dma_wait3A_643 = arith.constant 0 : i32
        %dma_wait3A_644 = tpu.memref_slice %dma_wait3A_642[%add3A_605, %dma_wait3A_643] : memref<24x128xi32, #tpu.memory_space<vmem>> -> memref<1x128xi32, #tpu.memory_space<vmem>>
        %dma_wait3A_645 = tpu.memref_squeeze %dma_wait3A_644 : memref<1x128xi32, #tpu.memory_space<vmem>> -> memref<128xi32, #tpu.memory_space<vmem>>
        %dma_wait3A_646 = arith.constant 0 : i32
        %dma_wait3A_647 = arith.constant 0 : i32
        %dma_wait3A_648 = tpu.memref_slice %arg12[%dma_wait3A_646, %dma_wait3A_647] : memref<10112x128xf32, #tpu.memory_space<vmem_shared>> -> memref<10112x128xf32, #tpu.memory_space<vmem_shared>>
        tpu.wait_indirect_dma semaphore(%run_scoped3A_628 : memref<!tpu.dma_semaphore, #tpu.memory_space<semaphore_mem>>) src(%arg11 : memref<128x128xf32, #tpu.memory_space<vmem>>) dst(%dma_wait3A_648 : memref<10112x128xf32, #tpu.memory_space<vmem_shared>>)
        tpu.yield
      }) : () -> ()
      %add3A_616 = arith.constant 2 : i32
      %add3A_617 = arith.addi %add3A_605, %add3A_616 : i32
      %dma_start3A_618 = arith.constant 0 : i32
      %dma_start3A_619 = arith.constant 0 : i32
      %dma_start3A_620 = tpu.memref_slice %arg8[%scan3A_396, %dma_start3A_618, %dma_start3A_619] : memref<2x24x128xi32, #tpu.memory_space<vmem>> -> memref<1x24x128xi32, #tpu.memory_space<vmem>>
      %dma_start3A_621 = tpu.memref_squeeze %dma_start3A_620 : memref<1x24x128xi32, #tpu.memory_space<vmem>> -> memref<24x128xi32, #tpu.memory_space<vmem>>
      %dma_start3A_622 = arith.constant 0 : i32
      %dma_start3A_623 = tpu.memref_slice %dma_start3A_621[%add3A_617, %dma_start3A_622] : memref<24x128xi32, #tpu.memory_space<vmem>> -> memref<1x128xi32, #tpu.memory_space<vmem>>
      %dma_start3A_624 = tpu.memref_squeeze %dma_start3A_623 : memref<1x128xi32, #tpu.memory_space<vmem>> -> memref<128xi32, #tpu.memory_space<vmem>>
      %dma_start3A_625 = arith.constant 0 : i32
      %dma_start3A_626 = arith.constant 0 : i32
      %dma_start3A_627 = tpu.memref_slice %arg2[%dma_start3A_625, %dma_start3A_626] : memref<10000x128xf32, #tpu.memory_space<hbm>> -> memref<10000x128xf32, #tpu.memory_space<hbm>>
      tpu.enqueue_indirect_dma source(%dma_start3A_627 : memref<10000x128xf32, #tpu.memory_space<hbm>>) target(%arg11 : memref<128x128xf32, #tpu.memory_space<vmem>>) offsets(%dma_start3A_624 : memref<128xi32, #tpu.memory_space<vmem>>) semaphore(%arg14 : memref<!tpu.dma_semaphore, #tpu.memory_space<semaphore_mem>>)
    }
    %scan3A_402 = arith.constant 11 : i32
    %dma_wait3A_403 = arith.constant 0 : i32
    %dma_wait3A_404 = arith.constant 22 : i32
    %dma_wait3A_405 = arith.constant 0 : i32
    %dma_wait3A_406 = arith.constant 0 : i32
    %dma_wait3A_407 = tpu.memref_slice %arg8[%dma_wait3A_403, %dma_wait3A_405, %dma_wait3A_406] : memref<2x24x128xi32, #tpu.memory_space<vmem>> -> memref<1x24x128xi32, #tpu.memory_space<vmem>>
    %dma_wait3A_408 = tpu.memref_squeeze %dma_wait3A_407 : memref<1x24x128xi32, #tpu.memory_space<vmem>> -> memref<24x128xi32, #tpu.memory_space<vmem>>
    %dma_wait3A_409 = arith.constant 0 : i32
    %dma_wait3A_410 = tpu.memref_slice %dma_wait3A_408[%dma_wait3A_404, %dma_wait3A_409] : memref<24x128xi32, #tpu.memory_space<vmem>> -> memref<1x128xi32, #tpu.memory_space<vmem>>
    %dma_wait3A_411 = tpu.memref_squeeze %dma_wait3A_410 : memref<1x128xi32, #tpu.memory_space<vmem>> -> memref<128xi32, #tpu.memory_space<vmem>>
    %dma_wait3A_412 = arith.constant 0 : i32
    %dma_wait3A_413 = arith.constant 0 : i32
    %dma_wait3A_414 = tpu.memref_slice %arg2[%dma_wait3A_412, %dma_wait3A_413] : memref<10000x128xf32, #tpu.memory_space<hbm>> -> memref<10000x128xf32, #tpu.memory_space<hbm>>
    tpu.wait_indirect_dma semaphore(%arg13 : memref<!tpu.dma_semaphore, #tpu.memory_space<semaphore_mem>>) src(%dma_wait3A_414 : memref<10000x128xf32, #tpu.memory_space<hbm>>) dst(%arg10 : memref<128x128xf32, #tpu.memory_space<vmem>>)
    %run_scoped3A_415 = arith.constant 0 : i32
    %run_scoped3A_416 = arith.constant 22 : i32
    "tpu.region"() ({
      %run_scoped3A_575 = tpu.sem_alloc : memref<!tpu.dma_semaphore, #tpu.memory_space<semaphore_mem>>
      %dma_start3A_576 = arith.constant 0 : i32
      %dma_start3A_577 = arith.constant 0 : i32
      %dma_start3A_578 = tpu.memref_slice %arg9[%run_scoped3A_415, %dma_start3A_576, %dma_start3A_577] : memref<2x24x128xi32, #tpu.memory_space<vmem>> -> memref<1x24x128xi32, #tpu.memory_space<vmem>>
      %dma_start3A_579 = tpu.memref_squeeze %dma_start3A_578 : memref<1x24x128xi32, #tpu.memory_space<vmem>> -> memref<24x128xi32, #tpu.memory_space<vmem>>
      %dma_start3A_580 = arith.constant 0 : i32
      %dma_start3A_581 = tpu.memref_slice %dma_start3A_579[%run_scoped3A_416, %dma_start3A_580] : memref<24x128xi32, #tpu.memory_space<vmem>> -> memref<1x128xi32, #tpu.memory_space<vmem>>
      %dma_start3A_582 = tpu.memref_squeeze %dma_start3A_581 : memref<1x128xi32, #tpu.memory_space<vmem>> -> memref<128xi32, #tpu.memory_space<vmem>>
      %dma_start3A_583 = arith.constant 0 : i32
      %dma_start3A_584 = arith.constant 0 : i32
      %dma_start3A_585 = tpu.memref_slice %arg12[%dma_start3A_583, %dma_start3A_584] : memref<10112x128xf32, #tpu.memory_space<vmem_shared>> -> memref<10112x128xf32, #tpu.memory_space<vmem_shared>>
      tpu.enqueue_indirect_dma source(%arg10 : memref<128x128xf32, #tpu.memory_space<vmem>>) target(%dma_start3A_585 : memref<10112x128xf32, #tpu.memory_space<vmem_shared>>) offsets(%dma_start3A_582 : memref<128xi32, #tpu.memory_space<vmem>>) semaphore(%run_scoped3A_575 : memref<!tpu.dma_semaphore, #tpu.memory_space<semaphore_mem>>) {add = true}
      %dma_wait3A_586 = arith.constant 0 : i32
      %dma_wait3A_587 = arith.constant 0 : i32
      %dma_wait3A_588 = tpu.memref_slice %arg9[%run_scoped3A_415, %dma_wait3A_586, %dma_wait3A_587] : memref<2x24x128xi32, #tpu.memory_space<vmem>> -> memref<1x24x128xi32, #tpu.memory_space<vmem>>
      %dma_wait3A_589 = tpu.memref_squeeze %dma_wait3A_588 : memref<1x24x128xi32, #tpu.memory_space<vmem>> -> memref<24x128xi32, #tpu.memory_space<vmem>>
      %dma_wait3A_590 = arith.constant 0 : i32
      %dma_wait3A_591 = tpu.memref_slice %dma_wait3A_589[%run_scoped3A_416, %dma_wait3A_590] : memref<24x128xi32, #tpu.memory_space<vmem>> -> memref<1x128xi32, #tpu.memory_space<vmem>>
      %dma_wait3A_592 = tpu.memref_squeeze %dma_wait3A_591 : memref<1x128xi32, #tpu.memory_space<vmem>> -> memref<128xi32, #tpu.memory_space<vmem>>
      %dma_wait3A_593 = arith.constant 0 : i32
      %dma_wait3A_594 = arith.constant 0 : i32
      %dma_wait3A_595 = tpu.memref_slice %arg12[%dma_wait3A_593, %dma_wait3A_594] : memref<10112x128xf32, #tpu.memory_space<vmem_shared>> -> memref<10112x128xf32, #tpu.memory_space<vmem_shared>>
      tpu.wait_indirect_dma semaphore(%run_scoped3A_575 : memref<!tpu.dma_semaphore, #tpu.memory_space<semaphore_mem>>) src(%arg10 : memref<128x128xf32, #tpu.memory_space<vmem>>) dst(%dma_wait3A_595 : memref<10112x128xf32, #tpu.memory_space<vmem_shared>>)
      tpu.yield
    }) : () -> ()
    %dma_wait3A_417 = arith.constant 0 : i32
    %dma_wait3A_418 = arith.constant 23 : i32
    %dma_wait3A_419 = arith.constant 0 : i32
    %dma_wait3A_420 = arith.constant 0 : i32
    %dma_wait3A_421 = tpu.memref_slice %arg8[%dma_wait3A_417, %dma_wait3A_419, %dma_wait3A_420] : memref<2x24x128xi32, #tpu.memory_space<vmem>> -> memref<1x24x128xi32, #tpu.memory_space<vmem>>
    %dma_wait3A_422 = tpu.memref_squeeze %dma_wait3A_421 : memref<1x24x128xi32, #tpu.memory_space<vmem>> -> memref<24x128xi32, #tpu.memory_space<vmem>>
    %dma_wait3A_423 = arith.constant 0 : i32
    %dma_wait3A_424 = tpu.memref_slice %dma_wait3A_422[%dma_wait3A_418, %dma_wait3A_423] : memref<24x128xi32, #tpu.memory_space<vmem>> -> memref<1x128xi32, #tpu.memory_space<vmem>>
    %dma_wait3A_425 = tpu.memref_squeeze %dma_wait3A_424 : memref<1x128xi32, #tpu.memory_space<vmem>> -> memref<128xi32, #tpu.memory_space<vmem>>
    %dma_wait3A_426 = arith.constant 0 : i32
    %dma_wait3A_427 = arith.constant 0 : i32
    %dma_wait3A_428 = tpu.memref_slice %arg2[%dma_wait3A_426, %dma_wait3A_427] : memref<10000x128xf32, #tpu.memory_space<hbm>> -> memref<10000x128xf32, #tpu.memory_space<hbm>>
    tpu.wait_indirect_dma semaphore(%arg14 : memref<!tpu.dma_semaphore, #tpu.memory_space<semaphore_mem>>) src(%dma_wait3A_428 : memref<10000x128xf32, #tpu.memory_space<hbm>>) dst(%arg11 : memref<128x128xf32, #tpu.memory_space<vmem>>)
    %run_scoped3A_429 = arith.constant 0 : i32
    %run_scoped3A_430 = arith.constant 23 : i32
    "tpu.region"() ({
      %run_scoped3A_575 = tpu.sem_alloc : memref<!tpu.dma_semaphore, #tpu.memory_space<semaphore_mem>>
      %dma_start3A_576 = arith.constant 0 : i32
      %dma_start3A_577 = arith.constant 0 : i32
      %dma_start3A_578 = tpu.memref_slice %arg9[%run_scoped3A_429, %dma_start3A_576, %dma_start3A_577] : memref<2x24x128xi32, #tpu.memory_space<vmem>> -> memref<1x24x128xi32, #tpu.memory_space<vmem>>
      %dma_start3A_579 = tpu.memref_squeeze %dma_start3A_578 : memref<1x24x128xi32, #tpu.memory_space<vmem>> -> memref<24x128xi32, #tpu.memory_space<vmem>>
      %dma_start3A_580 = arith.constant 0 : i32
      %dma_start3A_581 = tpu.memref_slice %dma_start3A_579[%run_scoped3A_430, %dma_start3A_580] : memref<24x128xi32, #tpu.memory_space<vmem>> -> memref<1x128xi32, #tpu.memory_space<vmem>>
      %dma_start3A_582 = tpu.memref_squeeze %dma_start3A_581 : memref<1x128xi32, #tpu.memory_space<vmem>> -> memref<128xi32, #tpu.memory_space<vmem>>
      %dma_start3A_583 = arith.constant 0 : i32
      %dma_start3A_584 = arith.constant 0 : i32
      %dma_start3A_585 = tpu.memref_slice %arg12[%dma_start3A_583, %dma_start3A_584] : memref<10112x128xf32, #tpu.memory_space<vmem_shared>> -> memref<10112x128xf32, #tpu.memory_space<vmem_shared>>
      tpu.enqueue_indirect_dma source(%arg11 : memref<128x128xf32, #tpu.memory_space<vmem>>) target(%dma_start3A_585 : memref<10112x128xf32, #tpu.memory_space<vmem_shared>>) offsets(%dma_start3A_582 : memref<128xi32, #tpu.memory_space<vmem>>) semaphore(%run_scoped3A_575 : memref<!tpu.dma_semaphore, #tpu.memory_space<semaphore_mem>>) {add = true}
      %dma_wait3A_586 = arith.constant 0 : i32
      %dma_wait3A_587 = arith.constant 0 : i32
      %dma_wait3A_588 = tpu.memref_slice %arg9[%run_scoped3A_429, %dma_wait3A_586, %dma_wait3A_587] : memref<2x24x128xi32, #tpu.memory_space<vmem>> -> memref<1x24x128xi32, #tpu.memory_space<vmem>>
      %dma_wait3A_589 = tpu.memref_squeeze %dma_wait3A_588 : memref<1x24x128xi32, #tpu.memory_space<vmem>> -> memref<24x128xi32, #tpu.memory_space<vmem>>
      %dma_wait3A_590 = arith.constant 0 : i32
      %dma_wait3A_591 = tpu.memref_slice %dma_wait3A_589[%run_scoped3A_430, %dma_wait3A_590] : memref<24x128xi32, #tpu.memory_space<vmem>> -> memref<1x128xi32, #tpu.memory_space<vmem>>
      %dma_wait3A_592 = tpu.memref_squeeze %dma_wait3A_591 : memref<1x128xi32, #tpu.memory_space<vmem>> -> memref<128xi32, #tpu.memory_space<vmem>>
      %dma_wait3A_593 = arith.constant 0 : i32
      %dma_wait3A_594 = arith.constant 0 : i32
      %dma_wait3A_595 = tpu.memref_slice %arg12[%dma_wait3A_593, %dma_wait3A_594] : memref<10112x128xf32, #tpu.memory_space<vmem_shared>> -> memref<10112x128xf32, #tpu.memory_space<vmem_shared>>
      tpu.wait_indirect_dma semaphore(%run_scoped3A_575 : memref<!tpu.dma_semaphore, #tpu.memory_space<semaphore_mem>>) src(%arg11 : memref<128x128xf32, #tpu.memory_space<vmem>>) dst(%dma_wait3A_595 : memref<10112x128xf32, #tpu.memory_space<vmem_shared>>)
      tpu.yield
    }) : () -> ()
    %mul3A_431 = arith.constant 8 : i32
    %mul3A_432 = arith.muli %add3A_14, %mul3A_431 : i32
    %add3A_433 = arith.constant 0 : i32
    %add3A_434 = arith.addi %mul3A_432, %add3A_433 : i32
    %dma_start3A_435 = arith.constant 0 : i32
    %dma_start3A_436 = arith.constant 0 : i32
    %dma_start3A_437 = arith.constant 0 : i32
    %dma_start3A_438 = tpu.memref_slice %arg8[%dma_start3A_435, %dma_start3A_436, %dma_start3A_437] : memref<2x24x128xi32, #tpu.memory_space<vmem>> -> memref<1x24x128xi32, #tpu.memory_space<vmem>>
    %dma_start3A_439 = tpu.memref_squeeze %dma_start3A_438 : memref<1x24x128xi32, #tpu.memory_space<vmem>> -> memref<24x128xi32, #tpu.memory_space<vmem>>
    %dma_start3A_440 = arith.constant 0 : i32
    %dma_start3A_441 = arith.constant 0 : i32
    %dma_start3A_442 = tpu.memref_slice %dma_start3A_439[%dma_start3A_440, %dma_start3A_441] : memref<24x128xi32, #tpu.memory_space<vmem>> -> memref<8x128xi32, #tpu.memory_space<vmem>>
    %dma_start3A_443 = arith.constant 0 : i32
    %dma_start3A_444 = tpu.memref_slice %arg5[%add3A_434, %dma_start3A_443] : memref<256x128xi32, #tpu.memory_space<hbm>> -> memref<8x128xi32, #tpu.memory_space<hbm>>
    %dma_start3A_445 = arith.constant 0 : i32
    %dma_start3A_446 = arith.constant 0 : i32
    %dma_start3A_447 = tpu.memref_slice %arg8[%dma_start3A_435, %dma_start3A_445, %dma_start3A_446] : memref<2x24x128xi32, #tpu.memory_space<vmem>> -> memref<1x24x128xi32, #tpu.memory_space<vmem>>
    %dma_start3A_448 = tpu.memref_squeeze %dma_start3A_447 : memref<1x24x128xi32, #tpu.memory_space<vmem>> -> memref<24x128xi32, #tpu.memory_space<vmem>>
    %dma_start3A_449 = arith.constant 0 : i32
    %dma_start3A_450 = arith.constant 0 : i32
    %dma_start3A_451 = tpu.memref_slice %dma_start3A_448[%dma_start3A_449, %dma_start3A_450] : memref<24x128xi32, #tpu.memory_space<vmem>> -> memref<8x128xi32, #tpu.memory_space<vmem>>
    %dma_start3A_452 = arith.constant 0 : i32
    %dma_start3A_453 = tpu.memref_slice %arg5[%add3A_434, %dma_start3A_452] : memref<256x128xi32, #tpu.memory_space<hbm>> -> memref<8x128xi32, #tpu.memory_space<hbm>>
    tpu.enqueue_dma source(%dma_start3A_453 : memref<8x128xi32, #tpu.memory_space<hbm>>) target(%dma_start3A_451 : memref<8x128xi32, #tpu.memory_space<vmem>>) target_semaphore(%arg15 : memref<!tpu.dma_semaphore, #tpu.memory_space<semaphore_mem>>)
    %dma_start3A_454 = arith.constant 0 : i32
    %dma_start3A_455 = arith.constant 0 : i32
    %dma_start3A_456 = arith.constant 0 : i32
    %dma_start3A_457 = tpu.memref_slice %arg9[%dma_start3A_454, %dma_start3A_455, %dma_start3A_456] : memref<2x24x128xi32, #tpu.memory_space<vmem>> -> memref<1x24x128xi32, #tpu.memory_space<vmem>>
    %dma_start3A_458 = tpu.memref_squeeze %dma_start3A_457 : memref<1x24x128xi32, #tpu.memory_space<vmem>> -> memref<24x128xi32, #tpu.memory_space<vmem>>
    %dma_start3A_459 = arith.constant 0 : i32
    %dma_start3A_460 = arith.constant 0 : i32
    %dma_start3A_461 = tpu.memref_slice %dma_start3A_458[%dma_start3A_459, %dma_start3A_460] : memref<24x128xi32, #tpu.memory_space<vmem>> -> memref<8x128xi32, #tpu.memory_space<vmem>>
    %dma_start3A_462 = arith.constant 0 : i32
    %dma_start3A_463 = tpu.memref_slice %arg6[%add3A_434, %dma_start3A_462] : memref<256x128xi32, #tpu.memory_space<hbm>> -> memref<8x128xi32, #tpu.memory_space<hbm>>
    %dma_start3A_464 = arith.constant 0 : i32
    %dma_start3A_465 = arith.constant 0 : i32
    %dma_start3A_466 = tpu.memref_slice %arg9[%dma_start3A_454, %dma_start3A_464, %dma_start3A_465] : memref<2x24x128xi32, #tpu.memory_space<vmem>> -> memref<1x24x128xi32, #tpu.memory_space<vmem>>
    %dma_start3A_467 = tpu.memref_squeeze %dma_start3A_466 : memref<1x24x128xi32, #tpu.memory_space<vmem>> -> memref<24x128xi32, #tpu.memory_space<vmem>>
    %dma_start3A_468 = arith.constant 0 : i32
    %dma_start3A_469 = arith.constant 0 : i32
    %dma_start3A_470 = tpu.memref_slice %dma_start3A_467[%dma_start3A_468, %dma_start3A_469] : memref<24x128xi32, #tpu.memory_space<vmem>> -> memref<8x128xi32, #tpu.memory_space<vmem>>
    %dma_start3A_471 = arith.constant 0 : i32
    %dma_start3A_472 = tpu.memref_slice %arg6[%add3A_434, %dma_start3A_471] : memref<256x128xi32, #tpu.memory_space<hbm>> -> memref<8x128xi32, #tpu.memory_space<hbm>>
    tpu.enqueue_dma source(%dma_start3A_472 : memref<8x128xi32, #tpu.memory_space<hbm>>) target(%dma_start3A_470 : memref<8x128xi32, #tpu.memory_space<vmem>>) target_semaphore(%arg16 : memref<!tpu.dma_semaphore, #tpu.memory_space<semaphore_mem>>)
    %add3A_473 = arith.constant 0 : i32
    %add3A_474 = arith.addi %mul3A_432, %add3A_473 : i32
    %dma_wait3A_475 = arith.constant 0 : i32
    %dma_wait3A_476 = arith.constant 0 : i32
    %dma_wait3A_477 = arith.constant 0 : i32
    %dma_wait3A_478 = tpu.memref_slice %arg8[%dma_wait3A_475, %dma_wait3A_476, %dma_wait3A_477] : memref<2x24x128xi32, #tpu.memory_space<vmem>> -> memref<1x24x128xi32, #tpu.memory_space<vmem>>
    %dma_wait3A_479 = tpu.memref_squeeze %dma_wait3A_478 : memref<1x24x128xi32, #tpu.memory_space<vmem>> -> memref<24x128xi32, #tpu.memory_space<vmem>>
    %dma_wait3A_480 = arith.constant 0 : i32
    %dma_wait3A_481 = arith.constant 0 : i32
    %dma_wait3A_482 = tpu.memref_slice %dma_wait3A_479[%dma_wait3A_480, %dma_wait3A_481] : memref<24x128xi32, #tpu.memory_space<vmem>> -> memref<8x128xi32, #tpu.memory_space<vmem>>
    %dma_wait3A_483 = arith.constant 0 : i32
    %dma_wait3A_484 = tpu.memref_slice %arg5[%add3A_474, %dma_wait3A_483] : memref<256x128xi32, #tpu.memory_space<hbm>> -> memref<8x128xi32, #tpu.memory_space<hbm>>
    %dma_wait3A_485 = arith.constant 0 : i32
    %dma_wait3A_486 = arith.constant 0 : i32
    %dma_wait3A_487 = tpu.memref_slice %arg8[%dma_wait3A_475, %dma_wait3A_485, %dma_wait3A_486] : memref<2x24x128xi32, #tpu.memory_space<vmem>> -> memref<1x24x128xi32, #tpu.memory_space<vmem>>
    %dma_wait3A_488 = tpu.memref_squeeze %dma_wait3A_487 : memref<1x24x128xi32, #tpu.memory_space<vmem>> -> memref<24x128xi32, #tpu.memory_space<vmem>>
    %dma_wait3A_489 = arith.constant 0 : i32
    %dma_wait3A_490 = arith.constant 0 : i32
    %dma_wait3A_491 = tpu.memref_slice %dma_wait3A_488[%dma_wait3A_489, %dma_wait3A_490] : memref<24x128xi32, #tpu.memory_space<vmem>> -> memref<8x128xi32, #tpu.memory_space<vmem>>
    %dma_wait3A_492 = arith.constant 0 : i32
    %dma_wait3A_493 = tpu.memref_slice %arg5[%add3A_474, %dma_wait3A_492] : memref<256x128xi32, #tpu.memory_space<hbm>> -> memref<8x128xi32, #tpu.memory_space<hbm>>
    tpu.wait_dma2 semaphore(%arg15 : memref<!tpu.dma_semaphore, #tpu.memory_space<semaphore_mem>>) src(%dma_wait3A_493 : memref<8x128xi32, #tpu.memory_space<hbm>>) dst(%dma_wait3A_491 : memref<8x128xi32, #tpu.memory_space<vmem>>)
    %dma_wait3A_494 = arith.constant 0 : i32
    %dma_wait3A_495 = arith.constant 0 : i32
    %dma_wait3A_496 = arith.constant 0 : i32
    %dma_wait3A_497 = tpu.memref_slice %arg9[%dma_wait3A_494, %dma_wait3A_495, %dma_wait3A_496] : memref<2x24x128xi32, #tpu.memory_space<vmem>> -> memref<1x24x128xi32, #tpu.memory_space<vmem>>
    %dma_wait3A_498 = tpu.memref_squeeze %dma_wait3A_497 : memref<1x24x128xi32, #tpu.memory_space<vmem>> -> memref<24x128xi32, #tpu.memory_space<vmem>>
    %dma_wait3A_499 = arith.constant 0 : i32
    %dma_wait3A_500 = arith.constant 0 : i32
    %dma_wait3A_501 = tpu.memref_slice %dma_wait3A_498[%dma_wait3A_499, %dma_wait3A_500] : memref<24x128xi32, #tpu.memory_space<vmem>> -> memref<8x128xi32, #tpu.memory_space<vmem>>
    %dma_wait3A_502 = arith.constant 0 : i32
    %dma_wait3A_503 = tpu.memref_slice %arg6[%add3A_474, %dma_wait3A_502] : memref<256x128xi32, #tpu.memory_space<hbm>> -> memref<8x128xi32, #tpu.memory_space<hbm>>
    %dma_wait3A_504 = arith.constant 0 : i32
    %dma_wait3A_505 = arith.constant 0 : i32
    %dma_wait3A_506 = tpu.memref_slice %arg9[%dma_wait3A_494, %dma_wait3A_504, %dma_wait3A_505] : memref<2x24x128xi32, #tpu.memory_space<vmem>> -> memref<1x24x128xi32, #tpu.memory_space<vmem>>
    %dma_wait3A_507 = tpu.memref_squeeze %dma_wait3A_506 : memref<1x24x128xi32, #tpu.memory_space<vmem>> -> memref<24x128xi32, #tpu.memory_space<vmem>>
    %dma_wait3A_508 = arith.constant 0 : i32
    %dma_wait3A_509 = arith.constant 0 : i32
    %dma_wait3A_510 = tpu.memref_slice %dma_wait3A_507[%dma_wait3A_508, %dma_wait3A_509] : memref<24x128xi32, #tpu.memory_space<vmem>> -> memref<8x128xi32, #tpu.memory_space<vmem>>
    %dma_wait3A_511 = arith.constant 0 : i32
    %dma_wait3A_512 = tpu.memref_slice %arg6[%add3A_474, %dma_wait3A_511] : memref<256x128xi32, #tpu.memory_space<hbm>> -> memref<8x128xi32, #tpu.memory_space<hbm>>
    tpu.wait_dma2 semaphore(%arg16 : memref<!tpu.dma_semaphore, #tpu.memory_space<semaphore_mem>>) src(%dma_wait3A_512 : memref<8x128xi32, #tpu.memory_space<hbm>>) dst(%dma_wait3A_510 : memref<8x128xi32, #tpu.memory_space<vmem>>)
    %dma_start3A_513 = arith.constant 0 : i32
    %dma_start3A_514 = arith.constant 0 : i32
    %dma_start3A_515 = arith.constant 0 : i32
    %dma_start3A_516 = arith.constant 0 : i32
    %dma_start3A_517 = tpu.memref_slice %arg8[%dma_start3A_513, %dma_start3A_515, %dma_start3A_516] : memref<2x24x128xi32, #tpu.memory_space<vmem>> -> memref<1x24x128xi32, #tpu.memory_space<vmem>>
    %dma_start3A_518 = tpu.memref_squeeze %dma_start3A_517 : memref<1x24x128xi32, #tpu.memory_space<vmem>> -> memref<24x128xi32, #tpu.memory_space<vmem>>
    %dma_start3A_519 = arith.constant 0 : i32
    %dma_start3A_520 = tpu.memref_slice %dma_start3A_518[%dma_start3A_514, %dma_start3A_519] : memref<24x128xi32, #tpu.memory_space<vmem>> -> memref<1x128xi32, #tpu.memory_space<vmem>>
    %dma_start3A_521 = tpu.memref_squeeze %dma_start3A_520 : memref<1x128xi32, #tpu.memory_space<vmem>> -> memref<128xi32, #tpu.memory_space<vmem>>
    %dma_start3A_522 = arith.constant 0 : i32
    %dma_start3A_523 = arith.constant 0 : i32
    %dma_start3A_524 = tpu.memref_slice %arg2[%dma_start3A_522, %dma_start3A_523] : memref<10000x128xf32, #tpu.memory_space<hbm>> -> memref<10000x128xf32, #tpu.memory_space<hbm>>
    tpu.enqueue_indirect_dma source(%dma_start3A_524 : memref<10000x128xf32, #tpu.memory_space<hbm>>) target(%arg10 : memref<128x128xf32, #tpu.memory_space<vmem>>) offsets(%dma_start3A_521 : memref<128xi32, #tpu.memory_space<vmem>>) semaphore(%arg13 : memref<!tpu.dma_semaphore, #tpu.memory_space<semaphore_mem>>)
    %dma_start3A_525 = arith.constant 0 : i32
    %dma_start3A_526 = arith.constant 1 : i32
    %dma_start3A_527 = arith.constant 0 : i32
    %dma_start3A_528 = arith.constant 0 : i32
    %dma_start3A_529 = tpu.memref_slice %arg8[%dma_start3A_525, %dma_start3A_527, %dma_start3A_528] : memref<2x24x128xi32, #tpu.memory_space<vmem>> -> memref<1x24x128xi32, #tpu.memory_space<vmem>>
    %dma_start3A_530 = tpu.memref_squeeze %dma_start3A_529 : memref<1x24x128xi32, #tpu.memory_space<vmem>> -> memref<24x128xi32, #tpu.memory_space<vmem>>
    %dma_start3A_531 = arith.constant 0 : i32
    %dma_start3A_532 = tpu.memref_slice %dma_start3A_530[%dma_start3A_526, %dma_start3A_531] : memref<24x128xi32, #tpu.memory_space<vmem>> -> memref<1x128xi32, #tpu.memory_space<vmem>>
    %dma_start3A_533 = tpu.memref_squeeze %dma_start3A_532 : memref<1x128xi32, #tpu.memory_space<vmem>> -> memref<128xi32, #tpu.memory_space<vmem>>
    %dma_start3A_534 = arith.constant 0 : i32
    %dma_start3A_535 = arith.constant 0 : i32
    %dma_start3A_536 = tpu.memref_slice %arg2[%dma_start3A_534, %dma_start3A_535] : memref<10000x128xf32, #tpu.memory_space<hbm>> -> memref<10000x128xf32, #tpu.memory_space<hbm>>
    tpu.enqueue_indirect_dma source(%dma_start3A_536 : memref<10000x128xf32, #tpu.memory_space<hbm>>) target(%arg11 : memref<128x128xf32, #tpu.memory_space<vmem>>) offsets(%dma_start3A_533 : memref<128xi32, #tpu.memory_space<vmem>>) semaphore(%arg14 : memref<!tpu.dma_semaphore, #tpu.memory_space<semaphore_mem>>)
    %scan3A_537 = arith.constant 0 : i32
    %scan3A_538 = arith.constant 0 : i32
    %scan3A_539 = arith.constant 0 : i32
    %scan3A_540 = arith.constant 3 : i32
    %scan3A_541 = arith.addi %scan3A_539, %scan3A_540 : i32
    %scan3A_542 = arith.constant 1 : i32
    scf.for %scan3A_575 = %scan3A_539 to %scan3A_541 step %scan3A_542  : i32 {
      %mul3A_576 = arith.constant 2 : i32
      %mul3A_577 = arith.muli %scan3A_575, %mul3A_576 : i32
      %add3A_578 = arith.constant 0 : i32
      %add3A_579 = arith.addi %add3A_578, %mul3A_577 : i32
      %add3A_580 = arith.constant 0 : i32
      %add3A_581 = arith.addi %add3A_579, %add3A_580 : i32
      %dma_wait3A_582 = arith.constant 0 : i32
      %dma_wait3A_583 = arith.constant 0 : i32
      %dma_wait3A_584 = tpu.memref_slice %arg8[%scan3A_537, %dma_wait3A_582, %dma_wait3A_583] : memref<2x24x128xi32, #tpu.memory_space<vmem>> -> memref<1x24x128xi32, #tpu.memory_space<vmem>>
      %dma_wait3A_585 = tpu.memref_squeeze %dma_wait3A_584 : memref<1x24x128xi32, #tpu.memory_space<vmem>> -> memref<24x128xi32, #tpu.memory_space<vmem>>
      %dma_wait3A_586 = arith.constant 0 : i32
      %dma_wait3A_587 = tpu.memref_slice %dma_wait3A_585[%add3A_581, %dma_wait3A_586] : memref<24x128xi32, #tpu.memory_space<vmem>> -> memref<1x128xi32, #tpu.memory_space<vmem>>
      %dma_wait3A_588 = tpu.memref_squeeze %dma_wait3A_587 : memref<1x128xi32, #tpu.memory_space<vmem>> -> memref<128xi32, #tpu.memory_space<vmem>>
      %dma_wait3A_589 = arith.constant 0 : i32
      %dma_wait3A_590 = arith.constant 0 : i32
      %dma_wait3A_591 = tpu.memref_slice %arg2[%dma_wait3A_589, %dma_wait3A_590] : memref<10000x128xf32, #tpu.memory_space<hbm>> -> memref<10000x128xf32, #tpu.memory_space<hbm>>
      tpu.wait_indirect_dma semaphore(%arg13 : memref<!tpu.dma_semaphore, #tpu.memory_space<semaphore_mem>>) src(%dma_wait3A_591 : memref<10000x128xf32, #tpu.memory_space<hbm>>) dst(%arg10 : memref<128x128xf32, #tpu.memory_space<vmem>>)
      "tpu.region"() ({
        %run_scoped3A_628 = tpu.sem_alloc : memref<!tpu.dma_semaphore, #tpu.memory_space<semaphore_mem>>
        %dma_start3A_629 = arith.constant 0 : i32
        %dma_start3A_630 = arith.constant 0 : i32
        %dma_start3A_631 = tpu.memref_slice %arg9[%scan3A_538, %dma_start3A_629, %dma_start3A_630] : memref<2x24x128xi32, #tpu.memory_space<vmem>> -> memref<1x24x128xi32, #tpu.memory_space<vmem>>
        %dma_start3A_632 = tpu.memref_squeeze %dma_start3A_631 : memref<1x24x128xi32, #tpu.memory_space<vmem>> -> memref<24x128xi32, #tpu.memory_space<vmem>>
        %dma_start3A_633 = arith.constant 0 : i32
        %dma_start3A_634 = tpu.memref_slice %dma_start3A_632[%add3A_581, %dma_start3A_633] : memref<24x128xi32, #tpu.memory_space<vmem>> -> memref<1x128xi32, #tpu.memory_space<vmem>>
        %dma_start3A_635 = tpu.memref_squeeze %dma_start3A_634 : memref<1x128xi32, #tpu.memory_space<vmem>> -> memref<128xi32, #tpu.memory_space<vmem>>
        %dma_start3A_636 = arith.constant 0 : i32
        %dma_start3A_637 = arith.constant 0 : i32
        %dma_start3A_638 = tpu.memref_slice %arg12[%dma_start3A_636, %dma_start3A_637] : memref<10112x128xf32, #tpu.memory_space<vmem_shared>> -> memref<10112x128xf32, #tpu.memory_space<vmem_shared>>
        tpu.enqueue_indirect_dma source(%arg10 : memref<128x128xf32, #tpu.memory_space<vmem>>) target(%dma_start3A_638 : memref<10112x128xf32, #tpu.memory_space<vmem_shared>>) offsets(%dma_start3A_635 : memref<128xi32, #tpu.memory_space<vmem>>) semaphore(%run_scoped3A_628 : memref<!tpu.dma_semaphore, #tpu.memory_space<semaphore_mem>>) {add = true}
        %dma_wait3A_639 = arith.constant 0 : i32
        %dma_wait3A_640 = arith.constant 0 : i32
        %dma_wait3A_641 = tpu.memref_slice %arg9[%scan3A_538, %dma_wait3A_639, %dma_wait3A_640] : memref<2x24x128xi32, #tpu.memory_space<vmem>> -> memref<1x24x128xi32, #tpu.memory_space<vmem>>
        %dma_wait3A_642 = tpu.memref_squeeze %dma_wait3A_641 : memref<1x24x128xi32, #tpu.memory_space<vmem>> -> memref<24x128xi32, #tpu.memory_space<vmem>>
        %dma_wait3A_643 = arith.constant 0 : i32
        %dma_wait3A_644 = tpu.memref_slice %dma_wait3A_642[%add3A_581, %dma_wait3A_643] : memref<24x128xi32, #tpu.memory_space<vmem>> -> memref<1x128xi32, #tpu.memory_space<vmem>>
        %dma_wait3A_645 = tpu.memref_squeeze %dma_wait3A_644 : memref<1x128xi32, #tpu.memory_space<vmem>> -> memref<128xi32, #tpu.memory_space<vmem>>
        %dma_wait3A_646 = arith.constant 0 : i32
        %dma_wait3A_647 = arith.constant 0 : i32
        %dma_wait3A_648 = tpu.memref_slice %arg12[%dma_wait3A_646, %dma_wait3A_647] : memref<10112x128xf32, #tpu.memory_space<vmem_shared>> -> memref<10112x128xf32, #tpu.memory_space<vmem_shared>>
        tpu.wait_indirect_dma semaphore(%run_scoped3A_628 : memref<!tpu.dma_semaphore, #tpu.memory_space<semaphore_mem>>) src(%arg10 : memref<128x128xf32, #tpu.memory_space<vmem>>) dst(%dma_wait3A_648 : memref<10112x128xf32, #tpu.memory_space<vmem_shared>>)
        tpu.yield
      }) : () -> ()
      %add3A_592 = arith.constant 2 : i32
      %add3A_593 = arith.addi %add3A_581, %add3A_592 : i32
      %dma_start3A_594 = arith.constant 0 : i32
      %dma_start3A_595 = arith.constant 0 : i32
      %dma_start3A_596 = tpu.memref_slice %arg8[%scan3A_537, %dma_start3A_594, %dma_start3A_595] : memref<2x24x128xi32, #tpu.memory_space<vmem>> -> memref<1x24x128xi32, #tpu.memory_space<vmem>>
      %dma_start3A_597 = tpu.memref_squeeze %dma_start3A_596 : memref<1x24x128xi32, #tpu.memory_space<vmem>> -> memref<24x128xi32, #tpu.memory_space<vmem>>
      %dma_start3A_598 = arith.constant 0 : i32
      %dma_start3A_599 = tpu.memref_slice %dma_start3A_597[%add3A_593, %dma_start3A_598] : memref<24x128xi32, #tpu.memory_space<vmem>> -> memref<1x128xi32, #tpu.memory_space<vmem>>
      %dma_start3A_600 = tpu.memref_squeeze %dma_start3A_599 : memref<1x128xi32, #tpu.memory_space<vmem>> -> memref<128xi32, #tpu.memory_space<vmem>>
      %dma_start3A_601 = arith.constant 0 : i32
      %dma_start3A_602 = arith.constant 0 : i32
      %dma_start3A_603 = tpu.memref_slice %arg2[%dma_start3A_601, %dma_start3A_602] : memref<10000x128xf32, #tpu.memory_space<hbm>> -> memref<10000x128xf32, #tpu.memory_space<hbm>>
      tpu.enqueue_indirect_dma source(%dma_start3A_603 : memref<10000x128xf32, #tpu.memory_space<hbm>>) target(%arg10 : memref<128x128xf32, #tpu.memory_space<vmem>>) offsets(%dma_start3A_600 : memref<128xi32, #tpu.memory_space<vmem>>) semaphore(%arg13 : memref<!tpu.dma_semaphore, #tpu.memory_space<semaphore_mem>>)
      %add3A_604 = arith.constant 1 : i32
      %add3A_605 = arith.addi %add3A_579, %add3A_604 : i32
      %dma_wait3A_606 = arith.constant 0 : i32
      %dma_wait3A_607 = arith.constant 0 : i32
      %dma_wait3A_608 = tpu.memref_slice %arg8[%scan3A_537, %dma_wait3A_606, %dma_wait3A_607] : memref<2x24x128xi32, #tpu.memory_space<vmem>> -> memref<1x24x128xi32, #tpu.memory_space<vmem>>
      %dma_wait3A_609 = tpu.memref_squeeze %dma_wait3A_608 : memref<1x24x128xi32, #tpu.memory_space<vmem>> -> memref<24x128xi32, #tpu.memory_space<vmem>>
      %dma_wait3A_610 = arith.constant 0 : i32
      %dma_wait3A_611 = tpu.memref_slice %dma_wait3A_609[%add3A_605, %dma_wait3A_610] : memref<24x128xi32, #tpu.memory_space<vmem>> -> memref<1x128xi32, #tpu.memory_space<vmem>>
      %dma_wait3A_612 = tpu.memref_squeeze %dma_wait3A_611 : memref<1x128xi32, #tpu.memory_space<vmem>> -> memref<128xi32, #tpu.memory_space<vmem>>
      %dma_wait3A_613 = arith.constant 0 : i32
      %dma_wait3A_614 = arith.constant 0 : i32
      %dma_wait3A_615 = tpu.memref_slice %arg2[%dma_wait3A_613, %dma_wait3A_614] : memref<10000x128xf32, #tpu.memory_space<hbm>> -> memref<10000x128xf32, #tpu.memory_space<hbm>>
      tpu.wait_indirect_dma semaphore(%arg14 : memref<!tpu.dma_semaphore, #tpu.memory_space<semaphore_mem>>) src(%dma_wait3A_615 : memref<10000x128xf32, #tpu.memory_space<hbm>>) dst(%arg11 : memref<128x128xf32, #tpu.memory_space<vmem>>)
      "tpu.region"() ({
        %run_scoped3A_628 = tpu.sem_alloc : memref<!tpu.dma_semaphore, #tpu.memory_space<semaphore_mem>>
        %dma_start3A_629 = arith.constant 0 : i32
        %dma_start3A_630 = arith.constant 0 : i32
        %dma_start3A_631 = tpu.memref_slice %arg9[%scan3A_538, %dma_start3A_629, %dma_start3A_630] : memref<2x24x128xi32, #tpu.memory_space<vmem>> -> memref<1x24x128xi32, #tpu.memory_space<vmem>>
        %dma_start3A_632 = tpu.memref_squeeze %dma_start3A_631 : memref<1x24x128xi32, #tpu.memory_space<vmem>> -> memref<24x128xi32, #tpu.memory_space<vmem>>
        %dma_start3A_633 = arith.constant 0 : i32
        %dma_start3A_634 = tpu.memref_slice %dma_start3A_632[%add3A_605, %dma_start3A_633] : memref<24x128xi32, #tpu.memory_space<vmem>> -> memref<1x128xi32, #tpu.memory_space<vmem>>
        %dma_start3A_635 = tpu.memref_squeeze %dma_start3A_634 : memref<1x128xi32, #tpu.memory_space<vmem>> -> memref<128xi32, #tpu.memory_space<vmem>>
        %dma_start3A_636 = arith.constant 0 : i32
        %dma_start3A_637 = arith.constant 0 : i32
        %dma_start3A_638 = tpu.memref_slice %arg12[%dma_start3A_636, %dma_start3A_637] : memref<10112x128xf32, #tpu.memory_space<vmem_shared>> -> memref<10112x128xf32, #tpu.memory_space<vmem_shared>>
        tpu.enqueue_indirect_dma source(%arg11 : memref<128x128xf32, #tpu.memory_space<vmem>>) target(%dma_start3A_638 : memref<10112x128xf32, #tpu.memory_space<vmem_shared>>) offsets(%dma_start3A_635 : memref<128xi32, #tpu.memory_space<vmem>>) semaphore(%run_scoped3A_628 : memref<!tpu.dma_semaphore, #tpu.memory_space<semaphore_mem>>) {add = true}
        %dma_wait3A_639 = arith.constant 0 : i32
        %dma_wait3A_640 = arith.constant 0 : i32
        %dma_wait3A_641 = tpu.memref_slice %arg9[%scan3A_538, %dma_wait3A_639, %dma_wait3A_640] : memref<2x24x128xi32, #tpu.memory_space<vmem>> -> memref<1x24x128xi32, #tpu.memory_space<vmem>>
        %dma_wait3A_642 = tpu.memref_squeeze %dma_wait3A_641 : memref<1x24x128xi32, #tpu.memory_space<vmem>> -> memref<24x128xi32, #tpu.memory_space<vmem>>
        %dma_wait3A_643 = arith.constant 0 : i32
        %dma_wait3A_644 = tpu.memref_slice %dma_wait3A_642[%add3A_605, %dma_wait3A_643] : memref<24x128xi32, #tpu.memory_space<vmem>> -> memref<1x128xi32, #tpu.memory_space<vmem>>
        %dma_wait3A_645 = tpu.memref_squeeze %dma_wait3A_644 : memref<1x128xi32, #tpu.memory_space<vmem>> -> memref<128xi32, #tpu.memory_space<vmem>>
        %dma_wait3A_646 = arith.constant 0 : i32
        %dma_wait3A_647 = arith.constant 0 : i32
        %dma_wait3A_648 = tpu.memref_slice %arg12[%dma_wait3A_646, %dma_wait3A_647] : memref<10112x128xf32, #tpu.memory_space<vmem_shared>> -> memref<10112x128xf32, #tpu.memory_space<vmem_shared>>
        tpu.wait_indirect_dma semaphore(%run_scoped3A_628 : memref<!tpu.dma_semaphore, #tpu.memory_space<semaphore_mem>>) src(%arg11 : memref<128x128xf32, #tpu.memory_space<vmem>>) dst(%dma_wait3A_648 : memref<10112x128xf32, #tpu.memory_space<vmem_shared>>)
        tpu.yield
      }) : () -> ()
      %add3A_616 = arith.constant 2 : i32
      %add3A_617 = arith.addi %add3A_605, %add3A_616 : i32
      %dma_start3A_618 = arith.constant 0 : i32
      %dma_start3A_619 = arith.constant 0 : i32
      %dma_start3A_620 = tpu.memref_slice %arg8[%scan3A_537, %dma_start3A_618, %dma_start3A_619] : memref<2x24x128xi32, #tpu.memory_space<vmem>> -> memref<1x24x128xi32, #tpu.memory_space<vmem>>
      %dma_start3A_621 = tpu.memref_squeeze %dma_start3A_620 : memref<1x24x128xi32, #tpu.memory_space<vmem>> -> memref<24x128xi32, #tpu.memory_space<vmem>>
      %dma_start3A_622 = arith.constant 0 : i32
      %dma_start3A_623 = tpu.memref_slice %dma_start3A_621[%add3A_617, %dma_start3A_622] : memref<24x128xi32, #tpu.memory_space<vmem>> -> memref<1x128xi32, #tpu.memory_space<vmem>>
      %dma_start3A_624 = tpu.memref_squeeze %dma_start3A_623 : memref<1x128xi32, #tpu.memory_space<vmem>> -> memref<128xi32, #tpu.memory_space<vmem>>
      %dma_start3A_625 = arith.constant 0 : i32
      %dma_start3A_626 = arith.constant 0 : i32
      %dma_start3A_627 = tpu.memref_slice %arg2[%dma_start3A_625, %dma_start3A_626] : memref<10000x128xf32, #tpu.memory_space<hbm>> -> memref<10000x128xf32, #tpu.memory_space<hbm>>
      tpu.enqueue_indirect_dma source(%dma_start3A_627 : memref<10000x128xf32, #tpu.memory_space<hbm>>) target(%arg11 : memref<128x128xf32, #tpu.memory_space<vmem>>) offsets(%dma_start3A_624 : memref<128xi32, #tpu.memory_space<vmem>>) semaphore(%arg14 : memref<!tpu.dma_semaphore, #tpu.memory_space<semaphore_mem>>)
    }
    %scan3A_543 = arith.constant 3 : i32
    %dma_wait3A_544 = arith.constant 0 : i32
    %dma_wait3A_545 = arith.constant 6 : i32
    %dma_wait3A_546 = arith.constant 0 : i32
    %dma_wait3A_547 = arith.constant 0 : i32
    %dma_wait3A_548 = tpu.memref_slice %arg8[%dma_wait3A_544, %dma_wait3A_546, %dma_wait3A_547] : memref<2x24x128xi32, #tpu.memory_space<vmem>> -> memref<1x24x128xi32, #tpu.memory_space<vmem>>
    %dma_wait3A_549 = tpu.memref_squeeze %dma_wait3A_548 : memref<1x24x128xi32, #tpu.memory_space<vmem>> -> memref<24x128xi32, #tpu.memory_space<vmem>>
    %dma_wait3A_550 = arith.constant 0 : i32
    %dma_wait3A_551 = tpu.memref_slice %dma_wait3A_549[%dma_wait3A_545, %dma_wait3A_550] : memref<24x128xi32, #tpu.memory_space<vmem>> -> memref<1x128xi32, #tpu.memory_space<vmem>>
    %dma_wait3A_552 = tpu.memref_squeeze %dma_wait3A_551 : memref<1x128xi32, #tpu.memory_space<vmem>> -> memref<128xi32, #tpu.memory_space<vmem>>
    %dma_wait3A_553 = arith.constant 0 : i32
    %dma_wait3A_554 = arith.constant 0 : i32
    %dma_wait3A_555 = tpu.memref_slice %arg2[%dma_wait3A_553, %dma_wait3A_554] : memref<10000x128xf32, #tpu.memory_space<hbm>> -> memref<10000x128xf32, #tpu.memory_space<hbm>>
    tpu.wait_indirect_dma semaphore(%arg13 : memref<!tpu.dma_semaphore, #tpu.memory_space<semaphore_mem>>) src(%dma_wait3A_555 : memref<10000x128xf32, #tpu.memory_space<hbm>>) dst(%arg10 : memref<128x128xf32, #tpu.memory_space<vmem>>)
    %run_scoped3A_556 = arith.constant 0 : i32
    %run_scoped3A_557 = arith.constant 6 : i32
    "tpu.region"() ({
      %run_scoped3A_575 = tpu.sem_alloc : memref<!tpu.dma_semaphore, #tpu.memory_space<semaphore_mem>>
      %dma_start3A_576 = arith.constant 0 : i32
      %dma_start3A_577 = arith.constant 0 : i32
      %dma_start3A_578 = tpu.memref_slice %arg9[%run_scoped3A_556, %dma_start3A_576, %dma_start3A_577] : memref<2x24x128xi32, #tpu.memory_space<vmem>> -> memref<1x24x128xi32, #tpu.memory_space<vmem>>
      %dma_start3A_579 = tpu.memref_squeeze %dma_start3A_578 : memref<1x24x128xi32, #tpu.memory_space<vmem>> -> memref<24x128xi32, #tpu.memory_space<vmem>>
      %dma_start3A_580 = arith.constant 0 : i32
      %dma_start3A_581 = tpu.memref_slice %dma_start3A_579[%run_scoped3A_557, %dma_start3A_580] : memref<24x128xi32, #tpu.memory_space<vmem>> -> memref<1x128xi32, #tpu.memory_space<vmem>>
      %dma_start3A_582 = tpu.memref_squeeze %dma_start3A_581 : memref<1x128xi32, #tpu.memory_space<vmem>> -> memref<128xi32, #tpu.memory_space<vmem>>
      %dma_start3A_583 = arith.constant 0 : i32
      %dma_start3A_584 = arith.constant 0 : i32
      %dma_start3A_585 = tpu.memref_slice %arg12[%dma_start3A_583, %dma_start3A_584] : memref<10112x128xf32, #tpu.memory_space<vmem_shared>> -> memref<10112x128xf32, #tpu.memory_space<vmem_shared>>
      tpu.enqueue_indirect_dma source(%arg10 : memref<128x128xf32, #tpu.memory_space<vmem>>) target(%dma_start3A_585 : memref<10112x128xf32, #tpu.memory_space<vmem_shared>>) offsets(%dma_start3A_582 : memref<128xi32, #tpu.memory_space<vmem>>) semaphore(%run_scoped3A_575 : memref<!tpu.dma_semaphore, #tpu.memory_space<semaphore_mem>>) {add = true}
      %dma_wait3A_586 = arith.constant 0 : i32
      %dma_wait3A_587 = arith.constant 0 : i32
      %dma_wait3A_588 = tpu.memref_slice %arg9[%run_scoped3A_556, %dma_wait3A_586, %dma_wait3A_587] : memref<2x24x128xi32, #tpu.memory_space<vmem>> -> memref<1x24x128xi32, #tpu.memory_space<vmem>>
      %dma_wait3A_589 = tpu.memref_squeeze %dma_wait3A_588 : memref<1x24x128xi32, #tpu.memory_space<vmem>> -> memref<24x128xi32, #tpu.memory_space<vmem>>
      %dma_wait3A_590 = arith.constant 0 : i32
      %dma_wait3A_591 = tpu.memref_slice %dma_wait3A_589[%run_scoped3A_557, %dma_wait3A_590] : memref<24x128xi32, #tpu.memory_space<vmem>> -> memref<1x128xi32, #tpu.memory_space<vmem>>
      %dma_wait3A_592 = tpu.memref_squeeze %dma_wait3A_591 : memref<1x128xi32, #tpu.memory_space<vmem>> -> memref<128xi32, #tpu.memory_space<vmem>>
      %dma_wait3A_593 = arith.constant 0 : i32
      %dma_wait3A_594 = arith.constant 0 : i32
      %dma_wait3A_595 = tpu.memref_slice %arg12[%dma_wait3A_593, %dma_wait3A_594] : memref<10112x128xf32, #tpu.memory_space<vmem_shared>> -> memref<10112x128xf32, #tpu.memory_space<vmem_shared>>
      tpu.wait_indirect_dma semaphore(%run_scoped3A_575 : memref<!tpu.dma_semaphore, #tpu.memory_space<semaphore_mem>>) src(%arg10 : memref<128x128xf32, #tpu.memory_space<vmem>>) dst(%dma_wait3A_595 : memref<10112x128xf32, #tpu.memory_space<vmem_shared>>)
      tpu.yield
    }) : () -> ()
    %dma_wait3A_558 = arith.constant 0 : i32
    %dma_wait3A_559 = arith.constant 7 : i32
    %dma_wait3A_560 = arith.constant 0 : i32
    %dma_wait3A_561 = arith.constant 0 : i32
    %dma_wait3A_562 = tpu.memref_slice %arg8[%dma_wait3A_558, %dma_wait3A_560, %dma_wait3A_561] : memref<2x24x128xi32, #tpu.memory_space<vmem>> -> memref<1x24x128xi32, #tpu.memory_space<vmem>>
    %dma_wait3A_563 = tpu.memref_squeeze %dma_wait3A_562 : memref<1x24x128xi32, #tpu.memory_space<vmem>> -> memref<24x128xi32, #tpu.memory_space<vmem>>
    %dma_wait3A_564 = arith.constant 0 : i32
    %dma_wait3A_565 = tpu.memref_slice %dma_wait3A_563[%dma_wait3A_559, %dma_wait3A_564] : memref<24x128xi32, #tpu.memory_space<vmem>> -> memref<1x128xi32, #tpu.memory_space<vmem>>
    %dma_wait3A_566 = tpu.memref_squeeze %dma_wait3A_565 : memref<1x128xi32, #tpu.memory_space<vmem>> -> memref<128xi32, #tpu.memory_space<vmem>>
    %dma_wait3A_567 = arith.constant 0 : i32
    %dma_wait3A_568 = arith.constant 0 : i32
    %dma_wait3A_569 = tpu.memref_slice %arg2[%dma_wait3A_567, %dma_wait3A_568] : memref<10000x128xf32, #tpu.memory_space<hbm>> -> memref<10000x128xf32, #tpu.memory_space<hbm>>
    tpu.wait_indirect_dma semaphore(%arg14 : memref<!tpu.dma_semaphore, #tpu.memory_space<semaphore_mem>>) src(%dma_wait3A_569 : memref<10000x128xf32, #tpu.memory_space<hbm>>) dst(%arg11 : memref<128x128xf32, #tpu.memory_space<vmem>>)
    %run_scoped3A_570 = arith.constant 0 : i32
    %run_scoped3A_571 = arith.constant 7 : i32
    "tpu.region"() ({
      %run_scoped3A_575 = tpu.sem_alloc : memref<!tpu.dma_semaphore, #tpu.memory_space<semaphore_mem>>
      %dma_start3A_576 = arith.constant 0 : i32
      %dma_start3A_577 = arith.constant 0 : i32
      %dma_start3A_578 = tpu.memref_slice %arg9[%run_scoped3A_570, %dma_start3A_576, %dma_start3A_577] : memref<2x24x128xi32, #tpu.memory_space<vmem>> -> memref<1x24x128xi32, #tpu.memory_space<vmem>>
      %dma_start3A_579 = tpu.memref_squeeze %dma_start3A_578 : memref<1x24x128xi32, #tpu.memory_space<vmem>> -> memref<24x128xi32, #tpu.memory_space<vmem>>
      %dma_start3A_580 = arith.constant 0 : i32
      %dma_start3A_581 = tpu.memref_slice %dma_start3A_579[%run_scoped3A_571, %dma_start3A_580] : memref<24x128xi32, #tpu.memory_space<vmem>> -> memref<1x128xi32, #tpu.memory_space<vmem>>
      %dma_start3A_582 = tpu.memref_squeeze %dma_start3A_581 : memref<1x128xi32, #tpu.memory_space<vmem>> -> memref<128xi32, #tpu.memory_space<vmem>>
      %dma_start3A_583 = arith.constant 0 : i32
      %dma_start3A_584 = arith.constant 0 : i32
      %dma_start3A_585 = tpu.memref_slice %arg12[%dma_start3A_583, %dma_start3A_584] : memref<10112x128xf32, #tpu.memory_space<vmem_shared>> -> memref<10112x128xf32, #tpu.memory_space<vmem_shared>>
      tpu.enqueue_indirect_dma source(%arg11 : memref<128x128xf32, #tpu.memory_space<vmem>>) target(%dma_start3A_585 : memref<10112x128xf32, #tpu.memory_space<vmem_shared>>) offsets(%dma_start3A_582 : memref<128xi32, #tpu.memory_space<vmem>>) semaphore(%run_scoped3A_575 : memref<!tpu.dma_semaphore, #tpu.memory_space<semaphore_mem>>) {add = true}
      %dma_wait3A_586 = arith.constant 0 : i32
      %dma_wait3A_587 = arith.constant 0 : i32
      %dma_wait3A_588 = tpu.memref_slice %arg9[%run_scoped3A_570, %dma_wait3A_586, %dma_wait3A_587] : memref<2x24x128xi32, #tpu.memory_space<vmem>> -> memref<1x24x128xi32, #tpu.memory_space<vmem>>
      %dma_wait3A_589 = tpu.memref_squeeze %dma_wait3A_588 : memref<1x24x128xi32, #tpu.memory_space<vmem>> -> memref<24x128xi32, #tpu.memory_space<vmem>>
      %dma_wait3A_590 = arith.constant 0 : i32
      %dma_wait3A_591 = tpu.memref_slice %dma_wait3A_589[%run_scoped3A_571, %dma_wait3A_590] : memref<24x128xi32, #tpu.memory_space<vmem>> -> memref<1x128xi32, #tpu.memory_space<vmem>>
      %dma_wait3A_592 = tpu.memref_squeeze %dma_wait3A_591 : memref<1x128xi32, #tpu.memory_space<vmem>> -> memref<128xi32, #tpu.memory_space<vmem>>
      %dma_wait3A_593 = arith.constant 0 : i32
      %dma_wait3A_594 = arith.constant 0 : i32
      %dma_wait3A_595 = tpu.memref_slice %arg12[%dma_wait3A_593, %dma_wait3A_594] : memref<10112x128xf32, #tpu.memory_space<vmem_shared>> -> memref<10112x128xf32, #tpu.memory_space<vmem_shared>>
      tpu.wait_indirect_dma semaphore(%run_scoped3A_575 : memref<!tpu.dma_semaphore, #tpu.memory_space<semaphore_mem>>) src(%arg11 : memref<128x128xf32, #tpu.memory_space<vmem>>) dst(%dma_wait3A_595 : memref<10112x128xf32, #tpu.memory_space<vmem_shared>>)
      tpu.yield
    }) : () -> ()
    %barrier3A_572 = arith.constant 0 : index
    tpu.barrier barrier_id(%barrier3A_572)
    %mul3A_573 = arith.constant 632 : i32
    %mul3A_574 = arith.muli %arg1, %mul3A_573 : i32
    "tpu.region"() ({
      %run_scoped3A_575 = tpu.sem_alloc : memref<!tpu.dma_semaphore, #tpu.memory_space<semaphore_mem>>
      %dma_start3A_576 = arith.constant 0 : i32
      %dma_start3A_577 = arith.constant 0 : i32
      %dma_start3A_578 = tpu.memref_slice %arg7[%arg0, %arg1, %dma_start3A_576, %dma_start3A_577] : memref<2x16x632x128xf32, #tpu.memory_space<hbm>> -> memref<1x1x632x128xf32, #tpu.memory_space<hbm>>
      %dma_start3A_579 = tpu.memref_squeeze %dma_start3A_578 : memref<1x1x632x128xf32, #tpu.memory_space<hbm>> -> memref<632x128xf32, #tpu.memory_space<hbm>>
      %dma_start3A_580 = arith.constant 0 : i32
      %dma_start3A_581 = tpu.memref_slice %arg12[%mul3A_574, %dma_start3A_580] : memref<10112x128xf32, #tpu.memory_space<vmem_shared>> -> memref<632x128xf32, #tpu.memory_space<vmem_shared>>
      tpu.enqueue_dma source(%dma_start3A_581 : memref<632x128xf32, #tpu.memory_space<vmem_shared>>) target(%dma_start3A_579 : memref<632x128xf32, #tpu.memory_space<hbm>>) target_semaphore(%run_scoped3A_575 : memref<!tpu.dma_semaphore, #tpu.memory_space<semaphore_mem>>)
      %dma_wait3A_582 = arith.constant 0 : i32
      %dma_wait3A_583 = arith.constant 0 : i32
      %dma_wait3A_584 = tpu.memref_slice %arg7[%arg0, %arg1, %dma_wait3A_582, %dma_wait3A_583] : memref<2x16x632x128xf32, #tpu.memory_space<hbm>> -> memref<1x1x632x128xf32, #tpu.memory_space<hbm>>
      %dma_wait3A_585 = tpu.memref_squeeze %dma_wait3A_584 : memref<1x1x632x128xf32, #tpu.memory_space<hbm>> -> memref<632x128xf32, #tpu.memory_space<hbm>>
      %dma_wait3A_586 = arith.constant 0 : i32
      %dma_wait3A_587 = tpu.memref_slice %arg12[%mul3A_574, %dma_wait3A_586] : memref<10112x128xf32, #tpu.memory_space<vmem_shared>> -> memref<632x128xf32, #tpu.memory_space<vmem_shared>>
      tpu.wait_dma2 semaphore(%run_scoped3A_575 : memref<!tpu.dma_semaphore, #tpu.memory_space<semaphore_mem>>) src(%dma_wait3A_587 : memref<632x128xf32, #tpu.memory_space<vmem_shared>>) dst(%dma_wait3A_585 : memref<632x128xf32, #tpu.memory_space<hbm>>)
      tpu.yield
    }) : () -> ()
    return
  }
}

#map = affine_map<(d0, d1) -> (0, 0)>
#map1 = affine_map<(d0, d1) -> (0)>
#map2 = affine_map<(d0, d1) -> (0, 0, 0)>
module attributes {stable_mosaic.version = 14 : i64} {
  func.func @k(%arg0: i32, %arg1: i32, %arg2: memref<2304x128xi32, #tpu.memory_space<hbm>>, %arg3: memref<256x128xi32, #tpu.memory_space<hbm>>, %arg4: memref<640xf32, #tpu.memory_space<hbm>>, %arg5: memref<2x16x640xf32, #tpu.memory_space<hbm>>, %arg6: memref<80x128xi32, #tpu.memory_space<vmem>>, %arg7: memref<128xf32, #tpu.memory_space<vmem>>, %arg8: memref<10240xf32, #tpu.memory_space<vmem_shared>>) attributes {dimension_semantics = [#tpu.dimension_semantics<core_parallel>, #tpu.dimension_semantics<subcore_parallel>], iteration_bounds = array<i64: 2, 16>, scalar_prefetch = 0 : i64, scratch_operands = 3 : i64, tpu.core_type = #tpu.core_type<sc_vector_subcore>, window_params = [{transform_indices = #map}, {transform_indices = #map}, {transform_indices = #map1}, {transform_indices = #map2}]} {
    %mul3A = arith.constant 2 : i32
    %mul3A_0 = arith.muli %arg1, %mul3A : i32
    %add3A = arith.addi %mul3A_0, %arg0 : i32
    %mul3A_1 = arith.constant 640 : i32
    %mul3A_2 = arith.muli %arg1, %mul3A_1 : i32
    "tpu.region"() ({
      %run_scoped3A = tpu.sem_alloc : memref<!tpu.dma_semaphore, #tpu.memory_space<semaphore_mem>>
      %dma_start3A = tpu.memref_slice %arg8[%mul3A_2] : memref<10240xf32, #tpu.memory_space<vmem_shared>> -> memref<640xf32, #tpu.memory_space<vmem_shared>>
      tpu.enqueue_dma source(%arg4 : memref<640xf32, #tpu.memory_space<hbm>>) target(%dma_start3A : memref<640xf32, #tpu.memory_space<vmem_shared>>) target_semaphore(%run_scoped3A : memref<!tpu.dma_semaphore, #tpu.memory_space<semaphore_mem>>)
      %dma_wait3A = tpu.memref_slice %arg8[%mul3A_2] : memref<10240xf32, #tpu.memory_space<vmem_shared>> -> memref<640xf32, #tpu.memory_space<vmem_shared>>
      tpu.wait_dma2 semaphore(%run_scoped3A : memref<!tpu.dma_semaphore, #tpu.memory_space<semaphore_mem>>) src(%arg4 : memref<640xf32, #tpu.memory_space<hbm>>) dst(%dma_wait3A : memref<640xf32, #tpu.memory_space<vmem_shared>>)
      tpu.yield
    }) : () -> ()
    %scan3A = arith.constant 0 : i32
    %scan3A_3 = arith.constant 8 : i32
    %scan3A_4 = arith.addi %scan3A, %scan3A_3 : i32
    %scan3A_5 = arith.constant 1 : i32
    scf.for %scan3A_19 = %scan3A to %scan3A_4 step %scan3A_5  : i32 {
      %mul3A_20 = arith.constant 16 : i32
      %mul3A_21 = arith.muli %scan3A_19, %mul3A_20 : i32
      %add3A_22 = arith.constant 0 : i32
      %add3A_23 = arith.addi %add3A_22, %mul3A_21 : i32
      %broadcast_in_dim3A = arith.constant 1.000000e+00 : f32
      %broadcast_in_dim3A_24 = vector.broadcast %broadcast_in_dim3A : f32 to vector<16xf32>
      %swap3A = arith.index_cast %add3A_23 : i32 to index
      %swap3A_25 = tpu.vector_load %arg7[%swap3A] {strides = array<i32>} : memref<128xf32, #tpu.memory_space<vmem>>, vector<16xf32>,
      %swap3A_26 = vector.shape_cast %swap3A_25 : vector<16xf32> to vector<16xf32>
      %swap3A_27 = vector.shape_cast %broadcast_in_dim3A_24 : vector<16xf32> to vector<16xf32>
      tpu.vector_store %arg7[%swap3A], %swap3A_27 {strides = array<i32>} : memref<128xf32, #tpu.memory_space<vmem>>, vector<16xf32>,
    }
    %scan3A_6 = arith.constant 8 : i32
    %mul3A_7 = arith.constant 72 : i32
    %mul3A_8 = arith.muli %add3A, %mul3A_7 : i32
    "tpu.region"() ({
      %run_scoped3A = tpu.sem_alloc : memref<!tpu.dma_semaphore, #tpu.memory_space<semaphore_mem>>
      %dma_start3A = arith.constant 0 : i32
      %dma_start3A_19 = arith.constant 0 : i32
      %dma_start3A_20 = tpu.memref_slice %arg6[%dma_start3A, %dma_start3A_19] : memref<80x128xi32, #tpu.memory_space<vmem>> -> memref<72x128xi32, #tpu.memory_space<vmem>>
      %dma_start3A_21 = arith.constant 0 : i32
      %dma_start3A_22 = tpu.memref_slice %arg2[%mul3A_8, %dma_start3A_21] : memref<2304x128xi32, #tpu.memory_space<hbm>> -> memref<72x128xi32, #tpu.memory_space<hbm>>
      %dma_start3A_23 = arith.constant 0 : i32
      %dma_start3A_24 = arith.constant 0 : i32
      %dma_start3A_25 = tpu.memref_slice %arg6[%dma_start3A_23, %dma_start3A_24] : memref<80x128xi32, #tpu.memory_space<vmem>> -> memref<72x128xi32, #tpu.memory_space<vmem>>
      %dma_start3A_26 = arith.constant 0 : i32
      %dma_start3A_27 = tpu.memref_slice %arg2[%mul3A_8, %dma_start3A_26] : memref<2304x128xi32, #tpu.memory_space<hbm>> -> memref<72x128xi32, #tpu.memory_space<hbm>>
      tpu.enqueue_dma source(%dma_start3A_27 : memref<72x128xi32, #tpu.memory_space<hbm>>) target(%dma_start3A_25 : memref<72x128xi32, #tpu.memory_space<vmem>>) target_semaphore(%run_scoped3A : memref<!tpu.dma_semaphore, #tpu.memory_space<semaphore_mem>>)
      %dma_wait3A = arith.constant 0 : i32
      %dma_wait3A_28 = arith.constant 0 : i32
      %dma_wait3A_29 = tpu.memref_slice %arg6[%dma_wait3A, %dma_wait3A_28] : memref<80x128xi32, #tpu.memory_space<vmem>> -> memref<72x128xi32, #tpu.memory_space<vmem>>
      %dma_wait3A_30 = arith.constant 0 : i32
      %dma_wait3A_31 = tpu.memref_slice %arg2[%mul3A_8, %dma_wait3A_30] : memref<2304x128xi32, #tpu.memory_space<hbm>> -> memref<72x128xi32, #tpu.memory_space<hbm>>
      %dma_wait3A_32 = arith.constant 0 : i32
      %dma_wait3A_33 = arith.constant 0 : i32
      %dma_wait3A_34 = tpu.memref_slice %arg6[%dma_wait3A_32, %dma_wait3A_33] : memref<80x128xi32, #tpu.memory_space<vmem>> -> memref<72x128xi32, #tpu.memory_space<vmem>>
      %dma_wait3A_35 = arith.constant 0 : i32
      %dma_wait3A_36 = tpu.memref_slice %arg2[%mul3A_8, %dma_wait3A_35] : memref<2304x128xi32, #tpu.memory_space<hbm>> -> memref<72x128xi32, #tpu.memory_space<hbm>>
      tpu.wait_dma2 semaphore(%run_scoped3A : memref<!tpu.dma_semaphore, #tpu.memory_space<semaphore_mem>>) src(%dma_wait3A_36 : memref<72x128xi32, #tpu.memory_space<hbm>>) dst(%dma_wait3A_34 : memref<72x128xi32, #tpu.memory_space<vmem>>)
      tpu.yield
    }) : () -> ()
    %mul3A_9 = arith.constant 8 : i32
    %mul3A_10 = arith.muli %add3A, %mul3A_9 : i32
    "tpu.region"() ({
      %run_scoped3A = tpu.sem_alloc : memref<!tpu.dma_semaphore, #tpu.memory_space<semaphore_mem>>
      %dma_start3A = arith.constant 72 : i32
      %dma_start3A_19 = arith.constant 0 : i32
      %dma_start3A_20 = tpu.memref_slice %arg6[%dma_start3A, %dma_start3A_19] : memref<80x128xi32, #tpu.memory_space<vmem>> -> memref<8x128xi32, #tpu.memory_space<vmem>>
      %dma_start3A_21 = arith.constant 0 : i32
      %dma_start3A_22 = tpu.memref_slice %arg3[%mul3A_10, %dma_start3A_21] : memref<256x128xi32, #tpu.memory_space<hbm>> -> memref<8x128xi32, #tpu.memory_space<hbm>>
      %dma_start3A_23 = arith.constant 72 : i32
      %dma_start3A_24 = arith.constant 0 : i32
      %dma_start3A_25 = tpu.memref_slice %arg6[%dma_start3A_23, %dma_start3A_24] : memref<80x128xi32, #tpu.memory_space<vmem>> -> memref<8x128xi32, #tpu.memory_space<vmem>>
      %dma_start3A_26 = arith.constant 0 : i32
      %dma_start3A_27 = tpu.memref_slice %arg3[%mul3A_10, %dma_start3A_26] : memref<256x128xi32, #tpu.memory_space<hbm>> -> memref<8x128xi32, #tpu.memory_space<hbm>>
      tpu.enqueue_dma source(%dma_start3A_27 : memref<8x128xi32, #tpu.memory_space<hbm>>) target(%dma_start3A_25 : memref<8x128xi32, #tpu.memory_space<vmem>>) target_semaphore(%run_scoped3A : memref<!tpu.dma_semaphore, #tpu.memory_space<semaphore_mem>>)
      %dma_wait3A = arith.constant 72 : i32
      %dma_wait3A_28 = arith.constant 0 : i32
      %dma_wait3A_29 = tpu.memref_slice %arg6[%dma_wait3A, %dma_wait3A_28] : memref<80x128xi32, #tpu.memory_space<vmem>> -> memref<8x128xi32, #tpu.memory_space<vmem>>
      %dma_wait3A_30 = arith.constant 0 : i32
      %dma_wait3A_31 = tpu.memref_slice %arg3[%mul3A_10, %dma_wait3A_30] : memref<256x128xi32, #tpu.memory_space<hbm>> -> memref<8x128xi32, #tpu.memory_space<hbm>>
      %dma_wait3A_32 = arith.constant 72 : i32
      %dma_wait3A_33 = arith.constant 0 : i32
      %dma_wait3A_34 = tpu.memref_slice %arg6[%dma_wait3A_32, %dma_wait3A_33] : memref<80x128xi32, #tpu.memory_space<vmem>> -> memref<8x128xi32, #tpu.memory_space<vmem>>
      %dma_wait3A_35 = arith.constant 0 : i32
      %dma_wait3A_36 = tpu.memref_slice %arg3[%mul3A_10, %dma_wait3A_35] : memref<256x128xi32, #tpu.memory_space<hbm>> -> memref<8x128xi32, #tpu.memory_space<hbm>>
      tpu.wait_dma2 semaphore(%run_scoped3A : memref<!tpu.dma_semaphore, #tpu.memory_space<semaphore_mem>>) src(%dma_wait3A_36 : memref<8x128xi32, #tpu.memory_space<hbm>>) dst(%dma_wait3A_34 : memref<8x128xi32, #tpu.memory_space<vmem>>)
      tpu.yield
    }) : () -> ()
    %barrier3A = arith.constant 0 : index
    tpu.barrier barrier_id(%barrier3A)
    %scan3A_11 = arith.constant 0 : i32
    %scan3A_12 = arith.constant 80 : i32
    %scan3A_13 = arith.addi %scan3A_11, %scan3A_12 : i32
    %scan3A_14 = arith.constant 1 : i32
    scf.for %scan3A_19 = %scan3A_11 to %scan3A_13 step %scan3A_14  : i32 {
      %mul3A_20 = arith.constant 1 : i32
      %mul3A_21 = arith.muli %scan3A_19, %mul3A_20 : i32
      %add3A_22 = arith.constant 0 : i32
      %add3A_23 = arith.addi %add3A_22, %mul3A_21 : i32
      "tpu.region"() ({
        %run_scoped3A = tpu.sem_alloc : memref<!tpu.dma_semaphore, #tpu.memory_space<semaphore_mem>>
        %dma_start3A = arith.constant 0 : i32
        %dma_start3A_24 = tpu.memref_slice %arg6[%add3A_23, %dma_start3A] : memref<80x128xi32, #tpu.memory_space<vmem>> -> memref<1x128xi32, #tpu.memory_space<vmem>>
        %dma_start3A_25 = tpu.memref_squeeze %dma_start3A_24 : memref<1x128xi32, #tpu.memory_space<vmem>> -> memref<128xi32, #tpu.memory_space<vmem>>
        %dma_start3A_26 = arith.constant 0 : i32
        %dma_start3A_27 = tpu.memref_slice %arg8[%dma_start3A_26] : memref<10240xf32, #tpu.memory_space<vmem_shared>> -> memref<10240xf32, #tpu.memory_space<vmem_shared>>
        tpu.enqueue_indirect_dma source(%arg7 : memref<128xf32, #tpu.memory_space<vmem>>) target(%dma_start3A_27 : memref<10240xf32, #tpu.memory_space<vmem_shared>>) offsets(%dma_start3A_25 : memref<128xi32, #tpu.memory_space<vmem>>) semaphore(%run_scoped3A : memref<!tpu.dma_semaphore, #tpu.memory_space<semaphore_mem>>) {add = true}
        %dma_wait3A = arith.constant 0 : i32
        %dma_wait3A_28 = tpu.memref_slice %arg6[%add3A_23, %dma_wait3A] : memref<80x128xi32, #tpu.memory_space<vmem>> -> memref<1x128xi32, #tpu.memory_space<vmem>>
        %dma_wait3A_29 = tpu.memref_squeeze %dma_wait3A_28 : memref<1x128xi32, #tpu.memory_space<vmem>> -> memref<128xi32, #tpu.memory_space<vmem>>
        %dma_wait3A_30 = arith.constant 0 : i32
        %dma_wait3A_31 = tpu.memref_slice %arg8[%dma_wait3A_30] : memref<10240xf32, #tpu.memory_space<vmem_shared>> -> memref<10240xf32, #tpu.memory_space<vmem_shared>>
        tpu.wait_indirect_dma semaphore(%run_scoped3A : memref<!tpu.dma_semaphore, #tpu.memory_space<semaphore_mem>>) src(%arg7 : memref<128xf32, #tpu.memory_space<vmem>>) dst(%dma_wait3A_31 : memref<10240xf32, #tpu.memory_space<vmem_shared>>)
        tpu.yield
      }) : () -> ()
    }
    %scan3A_15 = arith.constant 80 : i32
    %barrier3A_16 = arith.constant 0 : index
    tpu.barrier barrier_id(%barrier3A_16)
    %mul3A_17 = arith.constant 640 : i32
    %mul3A_18 = arith.muli %arg1, %mul3A_17 : i32
    "tpu.region"() ({
      %run_scoped3A = tpu.sem_alloc : memref<!tpu.dma_semaphore, #tpu.memory_space<semaphore_mem>>
      %dma_start3A = arith.constant 0 : i32
      %dma_start3A_19 = tpu.memref_slice %arg5[%arg0, %arg1, %dma_start3A] : memref<2x16x640xf32, #tpu.memory_space<hbm>> -> memref<1x1x640xf32, #tpu.memory_space<hbm>>
      %dma_start3A_20 = tpu.memref_squeeze %dma_start3A_19 : memref<1x1x640xf32, #tpu.memory_space<hbm>> -> memref<640xf32, #tpu.memory_space<hbm>>
      %dma_start3A_21 = tpu.memref_slice %arg8[%mul3A_18] : memref<10240xf32, #tpu.memory_space<vmem_shared>> -> memref<640xf32, #tpu.memory_space<vmem_shared>>
      tpu.enqueue_dma source(%dma_start3A_21 : memref<640xf32, #tpu.memory_space<vmem_shared>>) target(%dma_start3A_20 : memref<640xf32, #tpu.memory_space<hbm>>) target_semaphore(%run_scoped3A : memref<!tpu.dma_semaphore, #tpu.memory_space<semaphore_mem>>)
      %dma_wait3A = arith.constant 0 : i32
      %dma_wait3A_22 = tpu.memref_slice %arg5[%arg0, %arg1, %dma_wait3A] : memref<2x16x640xf32, #tpu.memory_space<hbm>> -> memref<1x1x640xf32, #tpu.memory_space<hbm>>
      %dma_wait3A_23 = tpu.memref_squeeze %dma_wait3A_22 : memref<1x1x640xf32, #tpu.memory_space<hbm>> -> memref<640xf32, #tpu.memory_space<hbm>>
      %dma_wait3A_24 = tpu.memref_slice %arg8[%mul3A_18] : memref<10240xf32, #tpu.memory_space<vmem_shared>> -> memref<640xf32, #tpu.memory_space<vmem_shared>>
      tpu.wait_dma2 semaphore(%run_scoped3A : memref<!tpu.dma_semaphore, #tpu.memory_space<semaphore_mem>>) src(%dma_wait3A_24 : memref<640xf32, #tpu.memory_space<vmem_shared>>) dst(%dma_wait3A_23 : memref<640xf32, #tpu.memory_space<hbm>>)
      tpu.yield
    }) : () -> ()
    return
  }
}

#map = affine_map<(d0, d1) -> (0, 0)>
#map1 = affine_map<(d0, d1) -> (0, 0, 0, 0)>
module attributes {stable_mosaic.version = 14 : i64} {
  func.func @k(%arg0: i32, %arg1: i32, %arg2: memref<10000x128xf32, #tpu.memory_space<hbm>>, %arg3: memref<2304x128xi32, #tpu.memory_space<hbm>>, %arg4: memref<2304x128xi32, #tpu.memory_space<hbm>>, %arg5: memref<256x128xi32, #tpu.memory_space<hbm>>, %arg6: memref<256x128xi32, #tpu.memory_space<hbm>>, %arg7: memref<2x16x632x128xf32, #tpu.memory_space<hbm>>, %arg8: memref<2x24x128xi32, #tpu.memory_space<vmem>>, %arg9: memref<2x24x128xi32, #tpu.memory_space<vmem>>, %arg10: memref<128x128xf32, #tpu.memory_space<vmem>>, %arg11: memref<128x128xf32, #tpu.memory_space<vmem>>, %arg12: memref<10112x128xf32, #tpu.memory_space<vmem_shared>>, %arg13: memref<!tpu.dma_semaphore, #tpu.memory_space<semaphore_mem>>, %arg14: memref<!tpu.dma_semaphore, #tpu.memory_space<semaphore_mem>>, %arg15: memref<!tpu.dma_semaphore, #tpu.memory_space<semaphore_mem>>, %arg16: memref<!tpu.dma_semaphore, #tpu.memory_space<semaphore_mem>>) attributes {dimension_semantics = [#tpu.dimension_semantics<core_parallel>, #tpu.dimension_semantics<subcore_parallel>], iteration_bounds = array<i64: 2, 16>, scalar_prefetch = 0 : i64, scratch_operands = 9 : i64, tpu.core_type = #tpu.core_type<sc_vector_subcore>, window_params = [{transform_indices = #map}, {transform_indices = #map}, {transform_indices = #map}, {transform_indices = #map}, {transform_indices = #map}, {transform_indices = #map1}]} {
    %scan3A = arith.constant 0 : i32
    %scan3A_0 = arith.constant 128 : i32
    %scan3A_1 = arith.addi %scan3A, %scan3A_0 : i32
    %scan3A_2 = arith.constant 1 : i32
    scf.for %scan3A_575 = %scan3A to %scan3A_1 step %scan3A_2  : i32 {
      %mul3A_576 = arith.constant 1 : i32
      %mul3A_577 = arith.muli %scan3A_575, %mul3A_576 : i32
      %add3A_578 = arith.constant 0 : i32
      %add3A_579 = arith.addi %add3A_578, %mul3A_577 : i32
      %scan3A_580 = arith.constant 0 : i32
      %scan3A_581 = arith.constant 8 : i32
      %scan3A_582 = arith.addi %scan3A_580, %scan3A_581 : i32
      %scan3A_583 = arith.constant 1 : i32
      scf.for %scan3A_585 = %scan3A_580 to %scan3A_582 step %scan3A_583  : i32 {
        %mul3A_586 = arith.constant 16 : i32
        %mul3A_587 = arith.muli %scan3A_585, %mul3A_586 : i32
        %add3A_588 = arith.constant 0 : i32
        %add3A_589 = arith.addi %add3A_588, %mul3A_587 : i32
        %broadcast_in_dim3A = arith.constant 0.000000e+00 : f32
        %broadcast_in_dim3A_590 = vector.broadcast %broadcast_in_dim3A : f32 to vector<16xf32>
        %swap3A = arith.index_cast %add3A_579 : i32 to index
        %swap3A_591 = arith.index_cast %add3A_589 : i32 to index
        %swap3A_592 = tpu.vector_load %arg10[%swap3A, %swap3A_591] {strides = array<i32>} : memref<128x128xf32, #tpu.memory_space<vmem>>, vector<1x16xf32>,
        %swap3A_593 = vector.shape_cast %swap3A_592 : vector<1x16xf32> to vector<16xf32>
        %swap3A_594 = vector.shape_cast %broadcast_in_dim3A_590 : vector<16xf32> to vector<1x16xf32>
        tpu.vector_store %arg10[%swap3A, %swap3A_591], %swap3A_594 {strides = array<i32>} : memref<128x128xf32, #tpu.memory_space<vmem>>, vector<1x16xf32>,
      }
      %scan3A_584 = arith.constant 8 : i32
    }
    %scan3A_3 = arith.constant 128 : i32
    %scan3A_4 = arith.constant 0 : i32
    %scan3A_5 = arith.constant 4 : i32
    %scan3A_6 = arith.addi %scan3A_4, %scan3A_5 : i32
    %scan3A_7 = arith.constant 1 : i32
    scf.for %scan3A_575 = %scan3A_4 to %scan3A_6 step %scan3A_7  : i32 {
      %mul3A_576 = arith.constant 128 : i32
      %mul3A_577 = arith.muli %scan3A_575, %mul3A_576 : i32
      %add3A_578 = arith.constant 0 : i32
      %add3A_579 = arith.addi %add3A_578, %mul3A_577 : i32
      %mul3A_580 = arith.constant 632 : i32
      %mul3A_581 = arith.muli %arg1, %mul3A_580 : i32
      %add3A_582 = arith.addi %mul3A_581, %add3A_579 : i32
      "tpu.region"() ({
        %run_scoped3A_583 = tpu.sem_alloc : memref<!tpu.dma_semaphore, #tpu.memory_space<semaphore_mem>>
        %dma_start3A_584 = arith.constant 0 : i32
        %dma_start3A_585 = tpu.memref_slice %arg12[%add3A_582, %dma_start3A_584] : memref<10112x128xf32, #tpu.memory_space<vmem_shared>> -> memref<128x128xf32, #tpu.memory_space<vmem_shared>>
        %dma_start3A_586 = arith.constant 0 : i32
        %dma_start3A_587 = tpu.memref_slice %arg12[%add3A_582, %dma_start3A_586] : memref<10112x128xf32, #tpu.memory_space<vmem_shared>> -> memref<128x128xf32, #tpu.memory_space<vmem_shared>>
        tpu.enqueue_dma source(%arg10 : memref<128x128xf32, #tpu.memory_space<vmem>>) target(%dma_start3A_587 : memref<128x128xf32, #tpu.memory_space<vmem_shared>>) target_semaphore(%run_scoped3A_583 : memref<!tpu.dma_semaphore, #tpu.memory_space<semaphore_mem>>)
        %dma_wait3A_588 = arith.constant 0 : i32
        %dma_wait3A_589 = tpu.memref_slice %arg12[%add3A_582, %dma_wait3A_588] : memref<10112x128xf32, #tpu.memory_space<vmem_shared>> -> memref<128x128xf32, #tpu.memory_space<vmem_shared>>
        %dma_wait3A_590 = arith.constant 0 : i32
        %dma_wait3A_591 = tpu.memref_slice %arg12[%add3A_582, %dma_wait3A_590] : memref<10112x128xf32, #tpu.memory_space<vmem_shared>> -> memref<128x128xf32, #tpu.memory_space<vmem_shared>>
        tpu.wait_dma2 semaphore(%run_scoped3A_583 : memref<!tpu.dma_semaphore, #tpu.memory_space<semaphore_mem>>) src(%arg10 : memref<128x128xf32, #tpu.memory_space<vmem>>) dst(%dma_wait3A_591 : memref<128x128xf32, #tpu.memory_space<vmem_shared>>)
        tpu.yield
      }) : () -> ()
    }
    %scan3A_8 = arith.constant 4 : i32
    %mul3A = arith.constant 632 : i32
    %mul3A_9 = arith.muli %arg1, %mul3A : i32
    %add3A = arith.constant 632 : i32
    %add3A_10 = arith.addi %mul3A_9, %add3A : i32
    %sub3A = arith.constant 120 : i32
    %sub3A_11 = arith.subi %add3A_10, %sub3A : i32
    "tpu.region"() ({
      %run_scoped3A_575 = tpu.sem_alloc : memref<!tpu.dma_semaphore, #tpu.memory_space<semaphore_mem>>
      %dma_start3A_576 = arith.constant 0 : i32
      %dma_start3A_577 = arith.constant 0 : i32
      %dma_start3A_578 = tpu.memref_slice %arg10[%dma_start3A_576, %dma_start3A_577] : memref<128x128xf32, #tpu.memory_space<vmem>> -> memref<120x128xf32, #tpu.memory_space<vmem>>
      %dma_start3A_579 = arith.constant 0 : i32
      %dma_start3A_580 = tpu.memref_slice %arg12[%sub3A_11, %dma_start3A_579] : memref<10112x128xf32, #tpu.memory_space<vmem_shared>> -> memref<120x128xf32, #tpu.memory_space<vmem_shared>>
      %dma_start3A_581 = arith.constant 0 : i32
      %dma_start3A_582 = tpu.memref_slice %arg12[%sub3A_11, %dma_start3A_581] : memref<10112x128xf32, #tpu.memory_space<vmem_shared>> -> memref<120x128xf32, #tpu.memory_space<vmem_shared>>
      %dma_start3A_583 = arith.constant 0 : i32
      %dma_start3A_584 = arith.constant 0 : i32
      %dma_start3A_585 = tpu.memref_slice %arg10[%dma_start3A_583, %dma_start3A_584] : memref<128x128xf32, #tpu.memory_space<vmem>> -> memref<120x128xf32, #tpu.memory_space<vmem>>
      tpu.enqueue_dma source(%dma_start3A_585 : memref<120x128xf32, #tpu.memory_space<vmem>>) target(%dma_start3A_582 : memref<120x128xf32, #tpu.memory_space<vmem_shared>>) target_semaphore(%run_scoped3A_575 : memref<!tpu.dma_semaphore, #tpu.memory_space<semaphore_mem>>)
      %dma_wait3A_586 = arith.constant 0 : i32
      %dma_wait3A_587 = arith.constant 0 : i32
      %dma_wait3A_588 = tpu.memref_slice %arg10[%dma_wait3A_586, %dma_wait3A_587] : memref<128x128xf32, #tpu.memory_space<vmem>> -> memref<120x128xf32, #tpu.memory_space<vmem>>
      %dma_wait3A_589 = arith.constant 0 : i32
      %dma_wait3A_590 = tpu.memref_slice %arg12[%sub3A_11, %dma_wait3A_589] : memref<10112x128xf32, #tpu.memory_space<vmem_shared>> -> memref<120x128xf32, #tpu.memory_space<vmem_shared>>
      %dma_wait3A_591 = arith.constant 0 : i32
      %dma_wait3A_592 = tpu.memref_slice %arg12[%sub3A_11, %dma_wait3A_591] : memref<10112x128xf32, #tpu.memory_space<vmem_shared>> -> memref<120x128xf32, #tpu.memory_space<vmem_shared>>
      %dma_wait3A_593 = arith.constant 0 : i32
      %dma_wait3A_594 = arith.constant 0 : i32
      %dma_wait3A_595 = tpu.memref_slice %arg10[%dma_wait3A_593, %dma_wait3A_594] : memref<128x128xf32, #tpu.memory_space<vmem>> -> memref<120x128xf32, #tpu.memory_space<vmem>>
      tpu.wait_dma2 semaphore(%run_scoped3A_575 : memref<!tpu.dma_semaphore, #tpu.memory_space<semaphore_mem>>) src(%dma_wait3A_595 : memref<120x128xf32, #tpu.memory_space<vmem>>) dst(%dma_wait3A_592 : memref<120x128xf32, #tpu.memory_space<vmem_shared>>)
      tpu.yield
    }) : () -> ()
    %barrier3A = arith.constant 0 : index
    tpu.barrier barrier_id(%barrier3A)
    %mul3A_12 = arith.constant 2 : i32
    %mul3A_13 = arith.muli %arg1, %mul3A_12 : i32
    %add3A_14 = arith.addi %mul3A_13, %arg0 : i32
    %mul3A_15 = arith.constant 72 : i32
    %mul3A_16 = arith.muli %add3A_14, %mul3A_15 : i32
    %add3A_17 = arith.constant 0 : i32
    %add3A_18 = arith.addi %mul3A_16, %add3A_17 : i32
    %dma_start3A = arith.constant 0 : i32
    %dma_start3A_19 = arith.constant 0 : i32
    %dma_start3A_20 = arith.constant 0 : i32
    %dma_start3A_21 = tpu.memref_slice %arg8[%dma_start3A, %dma_start3A_19, %dma_start3A_20] : memref<2x24x128xi32, #tpu.memory_space<vmem>> -> memref<1x24x128xi32, #tpu.memory_space<vmem>>
    %dma_start3A_22 = tpu.memref_squeeze %dma_start3A_21 : memref<1x24x128xi32, #tpu.memory_space<vmem>> -> memref<24x128xi32, #tpu.memory_space<vmem>>
    %dma_start3A_23 = arith.constant 0 : i32
    %dma_start3A_24 = arith.constant 0 : i32
    %dma_start3A_25 = tpu.memref_slice %dma_start3A_22[%dma_start3A_23, %dma_start3A_24] : memref<24x128xi32, #tpu.memory_space<vmem>> -> memref<24x128xi32, #tpu.memory_space<vmem>>
    %dma_start3A_26 = arith.constant 0 : i32
    %dma_start3A_27 = tpu.memref_slice %arg3[%add3A_18, %dma_start3A_26] : memref<2304x128xi32, #tpu.memory_space<hbm>> -> memref<24x128xi32, #tpu.memory_space<hbm>>
    %dma_start3A_28 = arith.constant 0 : i32
    %dma_start3A_29 = arith.constant 0 : i32
    %dma_start3A_30 = tpu.memref_slice %arg8[%dma_start3A, %dma_start3A_28, %dma_start3A_29] : memref<2x24x128xi32, #tpu.memory_space<vmem>> -> memref<1x24x128xi32, #tpu.memory_space<vmem>>
    %dma_start3A_31 = tpu.memref_squeeze %dma_start3A_30 : memref<1x24x128xi32, #tpu.memory_space<vmem>> -> memref<24x128xi32, #tpu.memory_space<vmem>>
    %dma_start3A_32 = arith.constant 0 : i32
    %dma_start3A_33 = arith.constant 0 : i32
    %dma_start3A_34 = tpu.memref_slice %dma_start3A_31[%dma_start3A_32, %dma_start3A_33] : memref<24x128xi32, #tpu.memory_space<vmem>> -> memref<24x128xi32, #tpu.memory_space<vmem>>
    %dma_start3A_35 = arith.constant 0 : i32
    %dma_start3A_36 = tpu.memref_slice %arg3[%add3A_18, %dma_start3A_35] : memref<2304x128xi32, #tpu.memory_space<hbm>> -> memref<24x128xi32, #tpu.memory_space<hbm>>
    tpu.enqueue_dma source(%dma_start3A_36 : memref<24x128xi32, #tpu.memory_space<hbm>>) target(%dma_start3A_34 : memref<24x128xi32, #tpu.memory_space<vmem>>) target_semaphore(%arg15 : memref<!tpu.dma_semaphore, #tpu.memory_space<semaphore_mem>>)
    %dma_start3A_37 = arith.constant 0 : i32
    %dma_start3A_38 = arith.constant 0 : i32
    %dma_start3A_39 = arith.constant 0 : i32
    %dma_start3A_40 = tpu.memref_slice %arg9[%dma_start3A_37, %dma_start3A_38, %dma_start3A_39] : memref<2x24x128xi32, #tpu.memory_space<vmem>> -> memref<1x24x128xi32, #tpu.memory_space<vmem>>
    %dma_start3A_41 = tpu.memref_squeeze %dma_start3A_40 : memref<1x24x128xi32, #tpu.memory_space<vmem>> -> memref<24x128xi32, #tpu.memory_space<vmem>>
    %dma_start3A_42 = arith.constant 0 : i32
    %dma_start3A_43 = arith.constant 0 : i32
    %dma_start3A_44 = tpu.memref_slice %dma_start3A_41[%dma_start3A_42, %dma_start3A_43] : memref<24x128xi32, #tpu.memory_space<vmem>> -> memref<24x128xi32, #tpu.memory_space<vmem>>
    %dma_start3A_45 = arith.constant 0 : i32
    %dma_start3A_46 = tpu.memref_slice %arg4[%add3A_18, %dma_start3A_45] : memref<2304x128xi32, #tpu.memory_space<hbm>> -> memref<24x128xi32, #tpu.memory_space<hbm>>
    %dma_start3A_47 = arith.constant 0 : i32
    %dma_start3A_48 = arith.constant 0 : i32
    %dma_start3A_49 = tpu.memref_slice %arg9[%dma_start3A_37, %dma_start3A_47, %dma_start3A_48] : memref<2x24x128xi32, #tpu.memory_space<vmem>> -> memref<1x24x128xi32, #tpu.memory_space<vmem>>
    %dma_start3A_50 = tpu.memref_squeeze %dma_start3A_49 : memref<1x24x128xi32, #tpu.memory_space<vmem>> -> memref<24x128xi32, #tpu.memory_space<vmem>>
    %dma_start3A_51 = arith.constant 0 : i32
    %dma_start3A_52 = arith.constant 0 : i32
    %dma_start3A_53 = tpu.memref_slice %dma_start3A_50[%dma_start3A_51, %dma_start3A_52] : memref<24x128xi32, #tpu.memory_space<vmem>> -> memref<24x128xi32, #tpu.memory_space<vmem>>
    %dma_start3A_54 = arith.constant 0 : i32
    %dma_start3A_55 = tpu.memref_slice %arg4[%add3A_18, %dma_start3A_54] : memref<2304x128xi32, #tpu.memory_space<hbm>> -> memref<24x128xi32, #tpu.memory_space<hbm>>
    tpu.enqueue_dma source(%dma_start3A_55 : memref<24x128xi32, #tpu.memory_space<hbm>>) target(%dma_start3A_53 : memref<24x128xi32, #tpu.memory_space<vmem>>) target_semaphore(%arg16 : memref<!tpu.dma_semaphore, #tpu.memory_space<semaphore_mem>>)
    %add3A_56 = arith.constant 0 : i32
    %add3A_57 = arith.addi %mul3A_16, %add3A_56 : i32
    %dma_wait3A = arith.constant 0 : i32
    %dma_wait3A_58 = arith.constant 0 : i32
    %dma_wait3A_59 = arith.constant 0 : i32
    %dma_wait3A_60 = tpu.memref_slice %arg8[%dma_wait3A, %dma_wait3A_58, %dma_wait3A_59] : memref<2x24x128xi32, #tpu.memory_space<vmem>> -> memref<1x24x128xi32, #tpu.memory_space<vmem>>
    %dma_wait3A_61 = tpu.memref_squeeze %dma_wait3A_60 : memref<1x24x128xi32, #tpu.memory_space<vmem>> -> memref<24x128xi32, #tpu.memory_space<vmem>>
    %dma_wait3A_62 = arith.constant 0 : i32
    %dma_wait3A_63 = arith.constant 0 : i32
    %dma_wait3A_64 = tpu.memref_slice %dma_wait3A_61[%dma_wait3A_62, %dma_wait3A_63] : memref<24x128xi32, #tpu.memory_space<vmem>> -> memref<24x128xi32, #tpu.memory_space<vmem>>
    %dma_wait3A_65 = arith.constant 0 : i32
    %dma_wait3A_66 = tpu.memref_slice %arg3[%add3A_57, %dma_wait3A_65] : memref<2304x128xi32, #tpu.memory_space<hbm>> -> memref<24x128xi32, #tpu.memory_space<hbm>>
    %dma_wait3A_67 = arith.constant 0 : i32
    %dma_wait3A_68 = arith.constant 0 : i32
    %dma_wait3A_69 = tpu.memref_slice %arg8[%dma_wait3A, %dma_wait3A_67, %dma_wait3A_68] : memref<2x24x128xi32, #tpu.memory_space<vmem>> -> memref<1x24x128xi32, #tpu.memory_space<vmem>>
    %dma_wait3A_70 = tpu.memref_squeeze %dma_wait3A_69 : memref<1x24x128xi32, #tpu.memory_space<vmem>> -> memref<24x128xi32, #tpu.memory_space<vmem>>
    %dma_wait3A_71 = arith.constant 0 : i32
    %dma_wait3A_72 = arith.constant 0 : i32
    %dma_wait3A_73 = tpu.memref_slice %dma_wait3A_70[%dma_wait3A_71, %dma_wait3A_72] : memref<24x128xi32, #tpu.memory_space<vmem>> -> memref<24x128xi32, #tpu.memory_space<vmem>>
    %dma_wait3A_74 = arith.constant 0 : i32
    %dma_wait3A_75 = tpu.memref_slice %arg3[%add3A_57, %dma_wait3A_74] : memref<2304x128xi32, #tpu.memory_space<hbm>> -> memref<24x128xi32, #tpu.memory_space<hbm>>
    tpu.wait_dma2 semaphore(%arg15 : memref<!tpu.dma_semaphore, #tpu.memory_space<semaphore_mem>>) src(%dma_wait3A_75 : memref<24x128xi32, #tpu.memory_space<hbm>>) dst(%dma_wait3A_73 : memref<24x128xi32, #tpu.memory_space<vmem>>)
    %dma_wait3A_76 = arith.constant 0 : i32
    %dma_wait3A_77 = arith.constant 0 : i32
    %dma_wait3A_78 = arith.constant 0 : i32
    %dma_wait3A_79 = tpu.memref_slice %arg9[%dma_wait3A_76, %dma_wait3A_77, %dma_wait3A_78] : memref<2x24x128xi32, #tpu.memory_space<vmem>> -> memref<1x24x128xi32, #tpu.memory_space<vmem>>
    %dma_wait3A_80 = tpu.memref_squeeze %dma_wait3A_79 : memref<1x24x128xi32, #tpu.memory_space<vmem>> -> memref<24x128xi32, #tpu.memory_space<vmem>>
    %dma_wait3A_81 = arith.constant 0 : i32
    %dma_wait3A_82 = arith.constant 0 : i32
    %dma_wait3A_83 = tpu.memref_slice %dma_wait3A_80[%dma_wait3A_81, %dma_wait3A_82] : memref<24x128xi32, #tpu.memory_space<vmem>> -> memref<24x128xi32, #tpu.memory_space<vmem>>
    %dma_wait3A_84 = arith.constant 0 : i32
    %dma_wait3A_85 = tpu.memref_slice %arg4[%add3A_57, %dma_wait3A_84] : memref<2304x128xi32, #tpu.memory_space<hbm>> -> memref<24x128xi32, #tpu.memory_space<hbm>>
    %dma_wait3A_86 = arith.constant 0 : i32
    %dma_wait3A_87 = arith.constant 0 : i32
    %dma_wait3A_88 = tpu.memref_slice %arg9[%dma_wait3A_76, %dma_wait3A_86, %dma_wait3A_87] : memref<2x24x128xi32, #tpu.memory_space<vmem>> -> memref<1x24x128xi32, #tpu.memory_space<vmem>>
    %dma_wait3A_89 = tpu.memref_squeeze %dma_wait3A_88 : memref<1x24x128xi32, #tpu.memory_space<vmem>> -> memref<24x128xi32, #tpu.memory_space<vmem>>
    %dma_wait3A_90 = arith.constant 0 : i32
    %dma_wait3A_91 = arith.constant 0 : i32
    %dma_wait3A_92 = tpu.memref_slice %dma_wait3A_89[%dma_wait3A_90, %dma_wait3A_91] : memref<24x128xi32, #tpu.memory_space<vmem>> -> memref<24x128xi32, #tpu.memory_space<vmem>>
    %dma_wait3A_93 = arith.constant 0 : i32
    %dma_wait3A_94 = tpu.memref_slice %arg4[%add3A_57, %dma_wait3A_93] : memref<2304x128xi32, #tpu.memory_space<hbm>> -> memref<24x128xi32, #tpu.memory_space<hbm>>
    tpu.wait_dma2 semaphore(%arg16 : memref<!tpu.dma_semaphore, #tpu.memory_space<semaphore_mem>>) src(%dma_wait3A_94 : memref<24x128xi32, #tpu.memory_space<hbm>>) dst(%dma_wait3A_92 : memref<24x128xi32, #tpu.memory_space<vmem>>)
    %add3A_95 = arith.constant 24 : i32
    %add3A_96 = arith.addi %mul3A_16, %add3A_95 : i32
    %dma_start3A_97 = arith.constant 1 : i32
    %dma_start3A_98 = arith.constant 0 : i32
    %dma_start3A_99 = arith.constant 0 : i32
    %dma_start3A_100 = tpu.memref_slice %arg8[%dma_start3A_97, %dma_start3A_98, %dma_start3A_99] : memref<2x24x128xi32, #tpu.memory_space<vmem>> -> memref<1x24x128xi32, #tpu.memory_space<vmem>>
    %dma_start3A_101 = tpu.memref_squeeze %dma_start3A_100 : memref<1x24x128xi32, #tpu.memory_space<vmem>> -> memref<24x128xi32, #tpu.memory_space<vmem>>
    %dma_start3A_102 = arith.constant 0 : i32
    %dma_start3A_103 = arith.constant 0 : i32
    %dma_start3A_104 = tpu.memref_slice %dma_start3A_101[%dma_start3A_102, %dma_start3A_103] : memref<24x128xi32, #tpu.memory_space<vmem>> -> memref<24x128xi32, #tpu.memory_space<vmem>>
    %dma_start3A_105 = arith.constant 0 : i32
    %dma_start3A_106 = tpu.memref_slice %arg3[%add3A_96, %dma_start3A_105] : memref<2304x128xi32, #tpu.memory_space<hbm>> -> memref<24x128xi32, #tpu.memory_space<hbm>>
    %dma_start3A_107 = arith.constant 0 : i32
    %dma_start3A_108 = arith.constant 0 : i32
    %dma_start3A_109 = tpu.memref_slice %arg8[%dma_start3A_97, %dma_start3A_107, %dma_start3A_108] : memref<2x24x128xi32, #tpu.memory_space<vmem>> -> memref<1x24x128xi32, #tpu.memory_space<vmem>>
    %dma_start3A_110 = tpu.memref_squeeze %dma_start3A_109 : memref<1x24x128xi32, #tpu.memory_space<vmem>> -> memref<24x128xi32, #tpu.memory_space<vmem>>
    %dma_start3A_111 = arith.constant 0 : i32
    %dma_start3A_112 = arith.constant 0 : i32
    %dma_start3A_113 = tpu.memref_slice %dma_start3A_110[%dma_start3A_111, %dma_start3A_112] : memref<24x128xi32, #tpu.memory_space<vmem>> -> memref<24x128xi32, #tpu.memory_space<vmem>>
    %dma_start3A_114 = arith.constant 0 : i32
    %dma_start3A_115 = tpu.memref_slice %arg3[%add3A_96, %dma_start3A_114] : memref<2304x128xi32, #tpu.memory_space<hbm>> -> memref<24x128xi32, #tpu.memory_space<hbm>>
    tpu.enqueue_dma source(%dma_start3A_115 : memref<24x128xi32, #tpu.memory_space<hbm>>) target(%dma_start3A_113 : memref<24x128xi32, #tpu.memory_space<vmem>>) target_semaphore(%arg15 : memref<!tpu.dma_semaphore, #tpu.memory_space<semaphore_mem>>)
    %dma_start3A_116 = arith.constant 1 : i32
    %dma_start3A_117 = arith.constant 0 : i32
    %dma_start3A_118 = arith.constant 0 : i32
    %dma_start3A_119 = tpu.memref_slice %arg9[%dma_start3A_116, %dma_start3A_117, %dma_start3A_118] : memref<2x24x128xi32, #tpu.memory_space<vmem>> -> memref<1x24x128xi32, #tpu.memory_space<vmem>>
    %dma_start3A_120 = tpu.memref_squeeze %dma_start3A_119 : memref<1x24x128xi32, #tpu.memory_space<vmem>> -> memref<24x128xi32, #tpu.memory_space<vmem>>
    %dma_start3A_121 = arith.constant 0 : i32
    %dma_start3A_122 = arith.constant 0 : i32
    %dma_start3A_123 = tpu.memref_slice %dma_start3A_120[%dma_start3A_121, %dma_start3A_122] : memref<24x128xi32, #tpu.memory_space<vmem>> -> memref<24x128xi32, #tpu.memory_space<vmem>>
    %dma_start3A_124 = arith.constant 0 : i32
    %dma_start3A_125 = tpu.memref_slice %arg4[%add3A_96, %dma_start3A_124] : memref<2304x128xi32, #tpu.memory_space<hbm>> -> memref<24x128xi32, #tpu.memory_space<hbm>>
    %dma_start3A_126 = arith.constant 0 : i32
    %dma_start3A_127 = arith.constant 0 : i32
    %dma_start3A_128 = tpu.memref_slice %arg9[%dma_start3A_116, %dma_start3A_126, %dma_start3A_127] : memref<2x24x128xi32, #tpu.memory_space<vmem>> -> memref<1x24x128xi32, #tpu.memory_space<vmem>>
    %dma_start3A_129 = tpu.memref_squeeze %dma_start3A_128 : memref<1x24x128xi32, #tpu.memory_space<vmem>> -> memref<24x128xi32, #tpu.memory_space<vmem>>
    %dma_start3A_130 = arith.constant 0 : i32
    %dma_start3A_131 = arith.constant 0 : i32
    %dma_start3A_132 = tpu.memref_slice %dma_start3A_129[%dma_start3A_130, %dma_start3A_131] : memref<24x128xi32, #tpu.memory_space<vmem>> -> memref<24x128xi32, #tpu.memory_space<vmem>>
    %dma_start3A_133 = arith.constant 0 : i32
    %dma_start3A_134 = tpu.memref_slice %arg4[%add3A_96, %dma_start3A_133] : memref<2304x128xi32, #tpu.memory_space<hbm>> -> memref<24x128xi32, #tpu.memory_space<hbm>>
    tpu.enqueue_dma source(%dma_start3A_134 : memref<24x128xi32, #tpu.memory_space<hbm>>) target(%dma_start3A_132 : memref<24x128xi32, #tpu.memory_space<vmem>>) target_semaphore(%arg16 : memref<!tpu.dma_semaphore, #tpu.memory_space<semaphore_mem>>)
    %dma_start3A_135 = arith.constant 0 : i32
    %dma_start3A_136 = arith.constant 0 : i32
    %dma_start3A_137 = arith.constant 0 : i32
    %dma_start3A_138 = arith.constant 0 : i32
    %dma_start3A_139 = tpu.memref_slice %arg8[%dma_start3A_135, %dma_start3A_137, %dma_start3A_138] : memref<2x24x128xi32, #tpu.memory_space<vmem>> -> memref<1x24x128xi32, #tpu.memory_space<vmem>>
    %dma_start3A_140 = tpu.memref_squeeze %dma_start3A_139 : memref<1x24x128xi32, #tpu.memory_space<vmem>> -> memref<24x128xi32, #tpu.memory_space<vmem>>
    %dma_start3A_141 = arith.constant 0 : i32
    %dma_start3A_142 = tpu.memref_slice %dma_start3A_140[%dma_start3A_136, %dma_start3A_141] : memref<24x128xi32, #tpu.memory_space<vmem>> -> memref<1x128xi32, #tpu.memory_space<vmem>>
    %dma_start3A_143 = tpu.memref_squeeze %dma_start3A_142 : memref<1x128xi32, #tpu.memory_space<vmem>> -> memref<128xi32, #tpu.memory_space<vmem>>
    %dma_start3A_144 = arith.constant 0 : i32
    %dma_start3A_145 = arith.constant 0 : i32
    %dma_start3A_146 = tpu.memref_slice %arg2[%dma_start3A_144, %dma_start3A_145] : memref<10000x128xf32, #tpu.memory_space<hbm>> -> memref<10000x128xf32, #tpu.memory_space<hbm>>
    tpu.enqueue_indirect_dma source(%dma_start3A_146 : memref<10000x128xf32, #tpu.memory_space<hbm>>) target(%arg10 : memref<128x128xf32, #tpu.memory_space<vmem>>) offsets(%dma_start3A_143 : memref<128xi32, #tpu.memory_space<vmem>>) semaphore(%arg13 : memref<!tpu.dma_semaphore, #tpu.memory_space<semaphore_mem>>)
    %dma_start3A_147 = arith.constant 0 : i32
    %dma_start3A_148 = arith.constant 1 : i32
    %dma_start3A_149 = arith.constant 0 : i32
    %dma_start3A_150 = arith.constant 0 : i32
    %dma_start3A_151 = tpu.memref_slice %arg8[%dma_start3A_147, %dma_start3A_149, %dma_start3A_150] : memref<2x24x128xi32, #tpu.memory_space<vmem>> -> memref<1x24x128xi32, #tpu.memory_space<vmem>>
    %dma_start3A_152 = tpu.memref_squeeze %dma_start3A_151 : memref<1x24x128xi32, #tpu.memory_space<vmem>> -> memref<24x128xi32, #tpu.memory_space<vmem>>
    %dma_start3A_153 = arith.constant 0 : i32
    %dma_start3A_154 = tpu.memref_slice %dma_start3A_152[%dma_start3A_148, %dma_start3A_153] : memref<24x128xi32, #tpu.memory_space<vmem>> -> memref<1x128xi32, #tpu.memory_space<vmem>>
    %dma_start3A_155 = tpu.memref_squeeze %dma_start3A_154 : memref<1x128xi32, #tpu.memory_space<vmem>> -> memref<128xi32, #tpu.memory_space<vmem>>
    %dma_start3A_156 = arith.constant 0 : i32
    %dma_start3A_157 = arith.constant 0 : i32
    %dma_start3A_158 = tpu.memref_slice %arg2[%dma_start3A_156, %dma_start3A_157] : memref<10000x128xf32, #tpu.memory_space<hbm>> -> memref<10000x128xf32, #tpu.memory_space<hbm>>
    tpu.enqueue_indirect_dma source(%dma_start3A_158 : memref<10000x128xf32, #tpu.memory_space<hbm>>) target(%arg11 : memref<128x128xf32, #tpu.memory_space<vmem>>) offsets(%dma_start3A_155 : memref<128xi32, #tpu.memory_space<vmem>>) semaphore(%arg14 : memref<!tpu.dma_semaphore, #tpu.memory_space<semaphore_mem>>)
    %scan3A_159 = arith.constant 0 : i32
    %scan3A_160 = arith.constant 0 : i32
    %scan3A_161 = arith.constant 0 : i32
    %scan3A_162 = arith.constant 11 : i32
    %scan3A_163 = arith.addi %scan3A_161, %scan3A_162 : i32
    %scan3A_164 = arith.constant 1 : i32
    scf.for %scan3A_575 = %scan3A_161 to %scan3A_163 step %scan3A_164  : i32 {
      %mul3A_576 = arith.constant 2 : i32
      %mul3A_577 = arith.muli %scan3A_575, %mul3A_576 : i32
      %add3A_578 = arith.constant 0 : i32
      %add3A_579 = arith.addi %add3A_578, %mul3A_577 : i32
      %add3A_580 = arith.constant 0 : i32
      %add3A_581 = arith.addi %add3A_579, %add3A_580 : i32
      %dma_wait3A_582 = arith.constant 0 : i32
      %dma_wait3A_583 = arith.constant 0 : i32
      %dma_wait3A_584 = tpu.memref_slice %arg8[%scan3A_159, %dma_wait3A_582, %dma_wait3A_583] : memref<2x24x128xi32, #tpu.memory_space<vmem>> -> memref<1x24x128xi32, #tpu.memory_space<vmem>>
      %dma_wait3A_585 = tpu.memref_squeeze %dma_wait3A_584 : memref<1x24x128xi32, #tpu.memory_space<vmem>> -> memref<24x128xi32, #tpu.memory_space<vmem>>
      %dma_wait3A_586 = arith.constant 0 : i32
      %dma_wait3A_587 = tpu.memref_slice %dma_wait3A_585[%add3A_581, %dma_wait3A_586] : memref<24x128xi32, #tpu.memory_space<vmem>> -> memref<1x128xi32, #tpu.memory_space<vmem>>
      %dma_wait3A_588 = tpu.memref_squeeze %dma_wait3A_587 : memref<1x128xi32, #tpu.memory_space<vmem>> -> memref<128xi32, #tpu.memory_space<vmem>>
      %dma_wait3A_589 = arith.constant 0 : i32
      %dma_wait3A_590 = arith.constant 0 : i32
      %dma_wait3A_591 = tpu.memref_slice %arg2[%dma_wait3A_589, %dma_wait3A_590] : memref<10000x128xf32, #tpu.memory_space<hbm>> -> memref<10000x128xf32, #tpu.memory_space<hbm>>
      tpu.wait_indirect_dma semaphore(%arg13 : memref<!tpu.dma_semaphore, #tpu.memory_space<semaphore_mem>>) src(%dma_wait3A_591 : memref<10000x128xf32, #tpu.memory_space<hbm>>) dst(%arg10 : memref<128x128xf32, #tpu.memory_space<vmem>>)
      "tpu.region"() ({
        %run_scoped3A_628 = tpu.sem_alloc : memref<!tpu.dma_semaphore, #tpu.memory_space<semaphore_mem>>
        %dma_start3A_629 = arith.constant 0 : i32
        %dma_start3A_630 = arith.constant 0 : i32
        %dma_start3A_631 = tpu.memref_slice %arg9[%scan3A_160, %dma_start3A_629, %dma_start3A_630] : memref<2x24x128xi32, #tpu.memory_space<vmem>> -> memref<1x24x128xi32, #tpu.memory_space<vmem>>
        %dma_start3A_632 = tpu.memref_squeeze %dma_start3A_631 : memref<1x24x128xi32, #tpu.memory_space<vmem>> -> memref<24x128xi32, #tpu.memory_space<vmem>>
        %dma_start3A_633 = arith.constant 0 : i32
        %dma_start3A_634 = tpu.memref_slice %dma_start3A_632[%add3A_581, %dma_start3A_633] : memref<24x128xi32, #tpu.memory_space<vmem>> -> memref<1x128xi32, #tpu.memory_space<vmem>>
        %dma_start3A_635 = tpu.memref_squeeze %dma_start3A_634 : memref<1x128xi32, #tpu.memory_space<vmem>> -> memref<128xi32, #tpu.memory_space<vmem>>
        %dma_start3A_636 = arith.constant 0 : i32
        %dma_start3A_637 = arith.constant 0 : i32
        %dma_start3A_638 = tpu.memref_slice %arg12[%dma_start3A_636, %dma_start3A_637] : memref<10112x128xf32, #tpu.memory_space<vmem_shared>> -> memref<10112x128xf32, #tpu.memory_space<vmem_shared>>
        tpu.enqueue_indirect_dma source(%arg10 : memref<128x128xf32, #tpu.memory_space<vmem>>) target(%dma_start3A_638 : memref<10112x128xf32, #tpu.memory_space<vmem_shared>>) offsets(%dma_start3A_635 : memref<128xi32, #tpu.memory_space<vmem>>) semaphore(%run_scoped3A_628 : memref<!tpu.dma_semaphore, #tpu.memory_space<semaphore_mem>>) {add = true}
        %dma_wait3A_639 = arith.constant 0 : i32
        %dma_wait3A_640 = arith.constant 0 : i32
        %dma_wait3A_641 = tpu.memref_slice %arg9[%scan3A_160, %dma_wait3A_639, %dma_wait3A_640] : memref<2x24x128xi32, #tpu.memory_space<vmem>> -> memref<1x24x128xi32, #tpu.memory_space<vmem>>
        %dma_wait3A_642 = tpu.memref_squeeze %dma_wait3A_641 : memref<1x24x128xi32, #tpu.memory_space<vmem>> -> memref<24x128xi32, #tpu.memory_space<vmem>>
        %dma_wait3A_643 = arith.constant 0 : i32
        %dma_wait3A_644 = tpu.memref_slice %dma_wait3A_642[%add3A_581, %dma_wait3A_643] : memref<24x128xi32, #tpu.memory_space<vmem>> -> memref<1x128xi32, #tpu.memory_space<vmem>>
        %dma_wait3A_645 = tpu.memref_squeeze %dma_wait3A_644 : memref<1x128xi32, #tpu.memory_space<vmem>> -> memref<128xi32, #tpu.memory_space<vmem>>
        %dma_wait3A_646 = arith.constant 0 : i32
        %dma_wait3A_647 = arith.constant 0 : i32
        %dma_wait3A_648 = tpu.memref_slice %arg12[%dma_wait3A_646, %dma_wait3A_647] : memref<10112x128xf32, #tpu.memory_space<vmem_shared>> -> memref<10112x128xf32, #tpu.memory_space<vmem_shared>>
        tpu.wait_indirect_dma semaphore(%run_scoped3A_628 : memref<!tpu.dma_semaphore, #tpu.memory_space<semaphore_mem>>) src(%arg10 : memref<128x128xf32, #tpu.memory_space<vmem>>) dst(%dma_wait3A_648 : memref<10112x128xf32, #tpu.memory_space<vmem_shared>>)
        tpu.yield
      }) : () -> ()
      %add3A_592 = arith.constant 2 : i32
      %add3A_593 = arith.addi %add3A_581, %add3A_592 : i32
      %dma_start3A_594 = arith.constant 0 : i32
      %dma_start3A_595 = arith.constant 0 : i32
      %dma_start3A_596 = tpu.memref_slice %arg8[%scan3A_159, %dma_start3A_594, %dma_start3A_595] : memref<2x24x128xi32, #tpu.memory_space<vmem>> -> memref<1x24x128xi32, #tpu.memory_space<vmem>>
      %dma_start3A_597 = tpu.memref_squeeze %dma_start3A_596 : memref<1x24x128xi32, #tpu.memory_space<vmem>> -> memref<24x128xi32, #tpu.memory_space<vmem>>
      %dma_start3A_598 = arith.constant 0 : i32
      %dma_start3A_599 = tpu.memref_slice %dma_start3A_597[%add3A_593, %dma_start3A_598] : memref<24x128xi32, #tpu.memory_space<vmem>> -> memref<1x128xi32, #tpu.memory_space<vmem>>
      %dma_start3A_600 = tpu.memref_squeeze %dma_start3A_599 : memref<1x128xi32, #tpu.memory_space<vmem>> -> memref<128xi32, #tpu.memory_space<vmem>>
      %dma_start3A_601 = arith.constant 0 : i32
      %dma_start3A_602 = arith.constant 0 : i32
      %dma_start3A_603 = tpu.memref_slice %arg2[%dma_start3A_601, %dma_start3A_602] : memref<10000x128xf32, #tpu.memory_space<hbm>> -> memref<10000x128xf32, #tpu.memory_space<hbm>>
      tpu.enqueue_indirect_dma source(%dma_start3A_603 : memref<10000x128xf32, #tpu.memory_space<hbm>>) target(%arg10 : memref<128x128xf32, #tpu.memory_space<vmem>>) offsets(%dma_start3A_600 : memref<128xi32, #tpu.memory_space<vmem>>) semaphore(%arg13 : memref<!tpu.dma_semaphore, #tpu.memory_space<semaphore_mem>>)
      %add3A_604 = arith.constant 1 : i32
      %add3A_605 = arith.addi %add3A_579, %add3A_604 : i32
      %dma_wait3A_606 = arith.constant 0 : i32
      %dma_wait3A_607 = arith.constant 0 : i32
      %dma_wait3A_608 = tpu.memref_slice %arg8[%scan3A_159, %dma_wait3A_606, %dma_wait3A_607] : memref<2x24x128xi32, #tpu.memory_space<vmem>> -> memref<1x24x128xi32, #tpu.memory_space<vmem>>
      %dma_wait3A_609 = tpu.memref_squeeze %dma_wait3A_608 : memref<1x24x128xi32, #tpu.memory_space<vmem>> -> memref<24x128xi32, #tpu.memory_space<vmem>>
      %dma_wait3A_610 = arith.constant 0 : i32
      %dma_wait3A_611 = tpu.memref_slice %dma_wait3A_609[%add3A_605, %dma_wait3A_610] : memref<24x128xi32, #tpu.memory_space<vmem>> -> memref<1x128xi32, #tpu.memory_space<vmem>>
      %dma_wait3A_612 = tpu.memref_squeeze %dma_wait3A_611 : memref<1x128xi32, #tpu.memory_space<vmem>> -> memref<128xi32, #tpu.memory_space<vmem>>
      %dma_wait3A_613 = arith.constant 0 : i32
      %dma_wait3A_614 = arith.constant 0 : i32
      %dma_wait3A_615 = tpu.memref_slice %arg2[%dma_wait3A_613, %dma_wait3A_614] : memref<10000x128xf32, #tpu.memory_space<hbm>> -> memref<10000x128xf32, #tpu.memory_space<hbm>>
      tpu.wait_indirect_dma semaphore(%arg14 : memref<!tpu.dma_semaphore, #tpu.memory_space<semaphore_mem>>) src(%dma_wait3A_615 : memref<10000x128xf32, #tpu.memory_space<hbm>>) dst(%arg11 : memref<128x128xf32, #tpu.memory_space<vmem>>)
      "tpu.region"() ({
        %run_scoped3A_628 = tpu.sem_alloc : memref<!tpu.dma_semaphore, #tpu.memory_space<semaphore_mem>>
        %dma_start3A_629 = arith.constant 0 : i32
        %dma_start3A_630 = arith.constant 0 : i32
        %dma_start3A_631 = tpu.memref_slice %arg9[%scan3A_160, %dma_start3A_629, %dma_start3A_630] : memref<2x24x128xi32, #tpu.memory_space<vmem>> -> memref<1x24x128xi32, #tpu.memory_space<vmem>>
        %dma_start3A_632 = tpu.memref_squeeze %dma_start3A_631 : memref<1x24x128xi32, #tpu.memory_space<vmem>> -> memref<24x128xi32, #tpu.memory_space<vmem>>
        %dma_start3A_633 = arith.constant 0 : i32
        %dma_start3A_634 = tpu.memref_slice %dma_start3A_632[%add3A_605, %dma_start3A_633] : memref<24x128xi32, #tpu.memory_space<vmem>> -> memref<1x128xi32, #tpu.memory_space<vmem>>
        %dma_start3A_635 = tpu.memref_squeeze %dma_start3A_634 : memref<1x128xi32, #tpu.memory_space<vmem>> -> memref<128xi32, #tpu.memory_space<vmem>>
        %dma_start3A_636 = arith.constant 0 : i32
        %dma_start3A_637 = arith.constant 0 : i32
        %dma_start3A_638 = tpu.memref_slice %arg12[%dma_start3A_636, %dma_start3A_637] : memref<10112x128xf32, #tpu.memory_space<vmem_shared>> -> memref<10112x128xf32, #tpu.memory_space<vmem_shared>>
        tpu.enqueue_indirect_dma source(%arg11 : memref<128x128xf32, #tpu.memory_space<vmem>>) target(%dma_start3A_638 : memref<10112x128xf32, #tpu.memory_space<vmem_shared>>) offsets(%dma_start3A_635 : memref<128xi32, #tpu.memory_space<vmem>>) semaphore(%run_scoped3A_628 : memref<!tpu.dma_semaphore, #tpu.memory_space<semaphore_mem>>) {add = true}
        %dma_wait3A_639 = arith.constant 0 : i32
        %dma_wait3A_640 = arith.constant 0 : i32
        %dma_wait3A_641 = tpu.memref_slice %arg9[%scan3A_160, %dma_wait3A_639, %dma_wait3A_640] : memref<2x24x128xi32, #tpu.memory_space<vmem>> -> memref<1x24x128xi32, #tpu.memory_space<vmem>>
        %dma_wait3A_642 = tpu.memref_squeeze %dma_wait3A_641 : memref<1x24x128xi32, #tpu.memory_space<vmem>> -> memref<24x128xi32, #tpu.memory_space<vmem>>
        %dma_wait3A_643 = arith.constant 0 : i32
        %dma_wait3A_644 = tpu.memref_slice %dma_wait3A_642[%add3A_605, %dma_wait3A_643] : memref<24x128xi32, #tpu.memory_space<vmem>> -> memref<1x128xi32, #tpu.memory_space<vmem>>
        %dma_wait3A_645 = tpu.memref_squeeze %dma_wait3A_644 : memref<1x128xi32, #tpu.memory_space<vmem>> -> memref<128xi32, #tpu.memory_space<vmem>>
        %dma_wait3A_646 = arith.constant 0 : i32
        %dma_wait3A_647 = arith.constant 0 : i32
        %dma_wait3A_648 = tpu.memref_slice %arg12[%dma_wait3A_646, %dma_wait3A_647] : memref<10112x128xf32, #tpu.memory_space<vmem_shared>> -> memref<10112x128xf32, #tpu.memory_space<vmem_shared>>
        tpu.wait_indirect_dma semaphore(%run_scoped3A_628 : memref<!tpu.dma_semaphore, #tpu.memory_space<semaphore_mem>>) src(%arg11 : memref<128x128xf32, #tpu.memory_space<vmem>>) dst(%dma_wait3A_648 : memref<10112x128xf32, #tpu.memory_space<vmem_shared>>)
        tpu.yield
      }) : () -> ()
      %add3A_616 = arith.constant 2 : i32
      %add3A_617 = arith.addi %add3A_605, %add3A_616 : i32
      %dma_start3A_618 = arith.constant 0 : i32
      %dma_start3A_619 = arith.constant 0 : i32
      %dma_start3A_620 = tpu.memref_slice %arg8[%scan3A_159, %dma_start3A_618, %dma_start3A_619] : memref<2x24x128xi32, #tpu.memory_space<vmem>> -> memref<1x24x128xi32, #tpu.memory_space<vmem>>
      %dma_start3A_621 = tpu.memref_squeeze %dma_start3A_620 : memref<1x24x128xi32, #tpu.memory_space<vmem>> -> memref<24x128xi32, #tpu.memory_space<vmem>>
      %dma_start3A_622 = arith.constant 0 : i32
      %dma_start3A_623 = tpu.memref_slice %dma_start3A_621[%add3A_617, %dma_start3A_622] : memref<24x128xi32, #tpu.memory_space<vmem>> -> memref<1x128xi32, #tpu.memory_space<vmem>>
      %dma_start3A_624 = tpu.memref_squeeze %dma_start3A_623 : memref<1x128xi32, #tpu.memory_space<vmem>> -> memref<128xi32, #tpu.memory_space<vmem>>
      %dma_start3A_625 = arith.constant 0 : i32
      %dma_start3A_626 = arith.constant 0 : i32
      %dma_start3A_627 = tpu.memref_slice %arg2[%dma_start3A_625, %dma_start3A_626] : memref<10000x128xf32, #tpu.memory_space<hbm>> -> memref<10000x128xf32, #tpu.memory_space<hbm>>
      tpu.enqueue_indirect_dma source(%dma_start3A_627 : memref<10000x128xf32, #tpu.memory_space<hbm>>) target(%arg11 : memref<128x128xf32, #tpu.memory_space<vmem>>) offsets(%dma_start3A_624 : memref<128xi32, #tpu.memory_space<vmem>>) semaphore(%arg14 : memref<!tpu.dma_semaphore, #tpu.memory_space<semaphore_mem>>)
    }
    %scan3A_165 = arith.constant 11 : i32
    %dma_wait3A_166 = arith.constant 0 : i32
    %dma_wait3A_167 = arith.constant 22 : i32
    %dma_wait3A_168 = arith.constant 0 : i32
    %dma_wait3A_169 = arith.constant 0 : i32
    %dma_wait3A_170 = tpu.memref_slice %arg8[%dma_wait3A_166, %dma_wait3A_168, %dma_wait3A_169] : memref<2x24x128xi32, #tpu.memory_space<vmem>> -> memref<1x24x128xi32, #tpu.memory_space<vmem>>
    %dma_wait3A_171 = tpu.memref_squeeze %dma_wait3A_170 : memref<1x24x128xi32, #tpu.memory_space<vmem>> -> memref<24x128xi32, #tpu.memory_space<vmem>>
    %dma_wait3A_172 = arith.constant 0 : i32
    %dma_wait3A_173 = tpu.memref_slice %dma_wait3A_171[%dma_wait3A_167, %dma_wait3A_172] : memref<24x128xi32, #tpu.memory_space<vmem>> -> memref<1x128xi32, #tpu.memory_space<vmem>>
    %dma_wait3A_174 = tpu.memref_squeeze %dma_wait3A_173 : memref<1x128xi32, #tpu.memory_space<vmem>> -> memref<128xi32, #tpu.memory_space<vmem>>
    %dma_wait3A_175 = arith.constant 0 : i32
    %dma_wait3A_176 = arith.constant 0 : i32
    %dma_wait3A_177 = tpu.memref_slice %arg2[%dma_wait3A_175, %dma_wait3A_176] : memref<10000x128xf32, #tpu.memory_space<hbm>> -> memref<10000x128xf32, #tpu.memory_space<hbm>>
    tpu.wait_indirect_dma semaphore(%arg13 : memref<!tpu.dma_semaphore, #tpu.memory_space<semaphore_mem>>) src(%dma_wait3A_177 : memref<10000x128xf32, #tpu.memory_space<hbm>>) dst(%arg10 : memref<128x128xf32, #tpu.memory_space<vmem>>)
    %run_scoped3A = arith.constant 0 : i32
    %run_scoped3A_178 = arith.constant 22 : i32
    "tpu.region"() ({
      %run_scoped3A_575 = tpu.sem_alloc : memref<!tpu.dma_semaphore, #tpu.memory_space<semaphore_mem>>
      %dma_start3A_576 = arith.constant 0 : i32
      %dma_start3A_577 = arith.constant 0 : i32
      %dma_start3A_578 = tpu.memref_slice %arg9[%run_scoped3A, %dma_start3A_576, %dma_start3A_577] : memref<2x24x128xi32, #tpu.memory_space<vmem>> -> memref<1x24x128xi32, #tpu.memory_space<vmem>>
      %dma_start3A_579 = tpu.memref_squeeze %dma_start3A_578 : memref<1x24x128xi32, #tpu.memory_space<vmem>> -> memref<24x128xi32, #tpu.memory_space<vmem>>
      %dma_start3A_580 = arith.constant 0 : i32
      %dma_start3A_581 = tpu.memref_slice %dma_start3A_579[%run_scoped3A_178, %dma_start3A_580] : memref<24x128xi32, #tpu.memory_space<vmem>> -> memref<1x128xi32, #tpu.memory_space<vmem>>
      %dma_start3A_582 = tpu.memref_squeeze %dma_start3A_581 : memref<1x128xi32, #tpu.memory_space<vmem>> -> memref<128xi32, #tpu.memory_space<vmem>>
      %dma_start3A_583 = arith.constant 0 : i32
      %dma_start3A_584 = arith.constant 0 : i32
      %dma_start3A_585 = tpu.memref_slice %arg12[%dma_start3A_583, %dma_start3A_584] : memref<10112x128xf32, #tpu.memory_space<vmem_shared>> -> memref<10112x128xf32, #tpu.memory_space<vmem_shared>>
      tpu.enqueue_indirect_dma source(%arg10 : memref<128x128xf32, #tpu.memory_space<vmem>>) target(%dma_start3A_585 : memref<10112x128xf32, #tpu.memory_space<vmem_shared>>) offsets(%dma_start3A_582 : memref<128xi32, #tpu.memory_space<vmem>>) semaphore(%run_scoped3A_575 : memref<!tpu.dma_semaphore, #tpu.memory_space<semaphore_mem>>) {add = true}
      %dma_wait3A_586 = arith.constant 0 : i32
      %dma_wait3A_587 = arith.constant 0 : i32
      %dma_wait3A_588 = tpu.memref_slice %arg9[%run_scoped3A, %dma_wait3A_586, %dma_wait3A_587] : memref<2x24x128xi32, #tpu.memory_space<vmem>> -> memref<1x24x128xi32, #tpu.memory_space<vmem>>
      %dma_wait3A_589 = tpu.memref_squeeze %dma_wait3A_588 : memref<1x24x128xi32, #tpu.memory_space<vmem>> -> memref<24x128xi32, #tpu.memory_space<vmem>>
      %dma_wait3A_590 = arith.constant 0 : i32
      %dma_wait3A_591 = tpu.memref_slice %dma_wait3A_589[%run_scoped3A_178, %dma_wait3A_590] : memref<24x128xi32, #tpu.memory_space<vmem>> -> memref<1x128xi32, #tpu.memory_space<vmem>>
      %dma_wait3A_592 = tpu.memref_squeeze %dma_wait3A_591 : memref<1x128xi32, #tpu.memory_space<vmem>> -> memref<128xi32, #tpu.memory_space<vmem>>
      %dma_wait3A_593 = arith.constant 0 : i32
      %dma_wait3A_594 = arith.constant 0 : i32
      %dma_wait3A_595 = tpu.memref_slice %arg12[%dma_wait3A_593, %dma_wait3A_594] : memref<10112x128xf32, #tpu.memory_space<vmem_shared>> -> memref<10112x128xf32, #tpu.memory_space<vmem_shared>>
      tpu.wait_indirect_dma semaphore(%run_scoped3A_575 : memref<!tpu.dma_semaphore, #tpu.memory_space<semaphore_mem>>) src(%arg10 : memref<128x128xf32, #tpu.memory_space<vmem>>) dst(%dma_wait3A_595 : memref<10112x128xf32, #tpu.memory_space<vmem_shared>>)
      tpu.yield
    }) : () -> ()
    %dma_wait3A_179 = arith.constant 0 : i32
    %dma_wait3A_180 = arith.constant 23 : i32
    %dma_wait3A_181 = arith.constant 0 : i32
    %dma_wait3A_182 = arith.constant 0 : i32
    %dma_wait3A_183 = tpu.memref_slice %arg8[%dma_wait3A_179, %dma_wait3A_181, %dma_wait3A_182] : memref<2x24x128xi32, #tpu.memory_space<vmem>> -> memref<1x24x128xi32, #tpu.memory_space<vmem>>
    %dma_wait3A_184 = tpu.memref_squeeze %dma_wait3A_183 : memref<1x24x128xi32, #tpu.memory_space<vmem>> -> memref<24x128xi32, #tpu.memory_space<vmem>>
    %dma_wait3A_185 = arith.constant 0 : i32
    %dma_wait3A_186 = tpu.memref_slice %dma_wait3A_184[%dma_wait3A_180, %dma_wait3A_185] : memref<24x128xi32, #tpu.memory_space<vmem>> -> memref<1x128xi32, #tpu.memory_space<vmem>>
    %dma_wait3A_187 = tpu.memref_squeeze %dma_wait3A_186 : memref<1x128xi32, #tpu.memory_space<vmem>> -> memref<128xi32, #tpu.memory_space<vmem>>
    %dma_wait3A_188 = arith.constant 0 : i32
    %dma_wait3A_189 = arith.constant 0 : i32
    %dma_wait3A_190 = tpu.memref_slice %arg2[%dma_wait3A_188, %dma_wait3A_189] : memref<10000x128xf32, #tpu.memory_space<hbm>> -> memref<10000x128xf32, #tpu.memory_space<hbm>>
    tpu.wait_indirect_dma semaphore(%arg14 : memref<!tpu.dma_semaphore, #tpu.memory_space<semaphore_mem>>) src(%dma_wait3A_190 : memref<10000x128xf32, #tpu.memory_space<hbm>>) dst(%arg11 : memref<128x128xf32, #tpu.memory_space<vmem>>)
    %run_scoped3A_191 = arith.constant 0 : i32
    %run_scoped3A_192 = arith.constant 23 : i32
    "tpu.region"() ({
      %run_scoped3A_575 = tpu.sem_alloc : memref<!tpu.dma_semaphore, #tpu.memory_space<semaphore_mem>>
      %dma_start3A_576 = arith.constant 0 : i32
      %dma_start3A_577 = arith.constant 0 : i32
      %dma_start3A_578 = tpu.memref_slice %arg9[%run_scoped3A_191, %dma_start3A_576, %dma_start3A_577] : memref<2x24x128xi32, #tpu.memory_space<vmem>> -> memref<1x24x128xi32, #tpu.memory_space<vmem>>
      %dma_start3A_579 = tpu.memref_squeeze %dma_start3A_578 : memref<1x24x128xi32, #tpu.memory_space<vmem>> -> memref<24x128xi32, #tpu.memory_space<vmem>>
      %dma_start3A_580 = arith.constant 0 : i32
      %dma_start3A_581 = tpu.memref_slice %dma_start3A_579[%run_scoped3A_192, %dma_start3A_580] : memref<24x128xi32, #tpu.memory_space<vmem>> -> memref<1x128xi32, #tpu.memory_space<vmem>>
      %dma_start3A_582 = tpu.memref_squeeze %dma_start3A_581 : memref<1x128xi32, #tpu.memory_space<vmem>> -> memref<128xi32, #tpu.memory_space<vmem>>
      %dma_start3A_583 = arith.constant 0 : i32
      %dma_start3A_584 = arith.constant 0 : i32
      %dma_start3A_585 = tpu.memref_slice %arg12[%dma_start3A_583, %dma_start3A_584] : memref<10112x128xf32, #tpu.memory_space<vmem_shared>> -> memref<10112x128xf32, #tpu.memory_space<vmem_shared>>
      tpu.enqueue_indirect_dma source(%arg11 : memref<128x128xf32, #tpu.memory_space<vmem>>) target(%dma_start3A_585 : memref<10112x128xf32, #tpu.memory_space<vmem_shared>>) offsets(%dma_start3A_582 : memref<128xi32, #tpu.memory_space<vmem>>) semaphore(%run_scoped3A_575 : memref<!tpu.dma_semaphore, #tpu.memory_space<semaphore_mem>>) {add = true}
      %dma_wait3A_586 = arith.constant 0 : i32
      %dma_wait3A_587 = arith.constant 0 : i32
      %dma_wait3A_588 = tpu.memref_slice %arg9[%run_scoped3A_191, %dma_wait3A_586, %dma_wait3A_587] : memref<2x24x128xi32, #tpu.memory_space<vmem>> -> memref<1x24x128xi32, #tpu.memory_space<vmem>>
      %dma_wait3A_589 = tpu.memref_squeeze %dma_wait3A_588 : memref<1x24x128xi32, #tpu.memory_space<vmem>> -> memref<24x128xi32, #tpu.memory_space<vmem>>
      %dma_wait3A_590 = arith.constant 0 : i32
      %dma_wait3A_591 = tpu.memref_slice %dma_wait3A_589[%run_scoped3A_192, %dma_wait3A_590] : memref<24x128xi32, #tpu.memory_space<vmem>> -> memref<1x128xi32, #tpu.memory_space<vmem>>
      %dma_wait3A_592 = tpu.memref_squeeze %dma_wait3A_591 : memref<1x128xi32, #tpu.memory_space<vmem>> -> memref<128xi32, #tpu.memory_space<vmem>>
      %dma_wait3A_593 = arith.constant 0 : i32
      %dma_wait3A_594 = arith.constant 0 : i32
      %dma_wait3A_595 = tpu.memref_slice %arg12[%dma_wait3A_593, %dma_wait3A_594] : memref<10112x128xf32, #tpu.memory_space<vmem_shared>> -> memref<10112x128xf32, #tpu.memory_space<vmem_shared>>
      tpu.wait_indirect_dma semaphore(%run_scoped3A_575 : memref<!tpu.dma_semaphore, #tpu.memory_space<semaphore_mem>>) src(%arg11 : memref<128x128xf32, #tpu.memory_space<vmem>>) dst(%dma_wait3A_595 : memref<10112x128xf32, #tpu.memory_space<vmem_shared>>)
      tpu.yield
    }) : () -> ()
    %add3A_193 = arith.constant 24 : i32
    %add3A_194 = arith.addi %mul3A_16, %add3A_193 : i32
    %dma_wait3A_195 = arith.constant 1 : i32
    %dma_wait3A_196 = arith.constant 0 : i32
    %dma_wait3A_197 = arith.constant 0 : i32
    %dma_wait3A_198 = tpu.memref_slice %arg8[%dma_wait3A_195, %dma_wait3A_196, %dma_wait3A_197] : memref<2x24x128xi32, #tpu.memory_space<vmem>> -> memref<1x24x128xi32, #tpu.memory_space<vmem>>
    %dma_wait3A_199 = tpu.memref_squeeze %dma_wait3A_198 : memref<1x24x128xi32, #tpu.memory_space<vmem>> -> memref<24x128xi32, #tpu.memory_space<vmem>>
    %dma_wait3A_200 = arith.constant 0 : i32
    %dma_wait3A_201 = arith.constant 0 : i32
    %dma_wait3A_202 = tpu.memref_slice %dma_wait3A_199[%dma_wait3A_200, %dma_wait3A_201] : memref<24x128xi32, #tpu.memory_space<vmem>> -> memref<24x128xi32, #tpu.memory_space<vmem>>
    %dma_wait3A_203 = arith.constant 0 : i32
    %dma_wait3A_204 = tpu.memref_slice %arg3[%add3A_194, %dma_wait3A_203] : memref<2304x128xi32, #tpu.memory_space<hbm>> -> memref<24x128xi32, #tpu.memory_space<hbm>>
    %dma_wait3A_205 = arith.constant 0 : i32
    %dma_wait3A_206 = arith.constant 0 : i32
    %dma_wait3A_207 = tpu.memref_slice %arg8[%dma_wait3A_195, %dma_wait3A_205, %dma_wait3A_206] : memref<2x24x128xi32, #tpu.memory_space<vmem>> -> memref<1x24x128xi32, #tpu.memory_space<vmem>>
    %dma_wait3A_208 = tpu.memref_squeeze %dma_wait3A_207 : memref<1x24x128xi32, #tpu.memory_space<vmem>> -> memref<24x128xi32, #tpu.memory_space<vmem>>
    %dma_wait3A_209 = arith.constant 0 : i32
    %dma_wait3A_210 = arith.constant 0 : i32
    %dma_wait3A_211 = tpu.memref_slice %dma_wait3A_208[%dma_wait3A_209, %dma_wait3A_210] : memref<24x128xi32, #tpu.memory_space<vmem>> -> memref<24x128xi32, #tpu.memory_space<vmem>>
    %dma_wait3A_212 = arith.constant 0 : i32
    %dma_wait3A_213 = tpu.memref_slice %arg3[%add3A_194, %dma_wait3A_212] : memref<2304x128xi32, #tpu.memory_space<hbm>> -> memref<24x128xi32, #tpu.memory_space<hbm>>
    tpu.wait_dma2 semaphore(%arg15 : memref<!tpu.dma_semaphore, #tpu.memory_space<semaphore_mem>>) src(%dma_wait3A_213 : memref<24x128xi32, #tpu.memory_space<hbm>>) dst(%dma_wait3A_211 : memref<24x128xi32, #tpu.memory_space<vmem>>)
    %dma_wait3A_214 = arith.constant 1 : i32
    %dma_wait3A_215 = arith.constant 0 : i32
    %dma_wait3A_216 = arith.constant 0 : i32
    %dma_wait3A_217 = tpu.memref_slice %arg9[%dma_wait3A_214, %dma_wait3A_215, %dma_wait3A_216] : memref<2x24x128xi32, #tpu.memory_space<vmem>> -> memref<1x24x128xi32, #tpu.memory_space<vmem>>
    %dma_wait3A_218 = tpu.memref_squeeze %dma_wait3A_217 : memref<1x24x128xi32, #tpu.memory_space<vmem>> -> memref<24x128xi32, #tpu.memory_space<vmem>>
    %dma_wait3A_219 = arith.constant 0 : i32
    %dma_wait3A_220 = arith.constant 0 : i32
    %dma_wait3A_221 = tpu.memref_slice %dma_wait3A_218[%dma_wait3A_219, %dma_wait3A_220] : memref<24x128xi32, #tpu.memory_space<vmem>> -> memref<24x128xi32, #tpu.memory_space<vmem>>
    %dma_wait3A_222 = arith.constant 0 : i32
    %dma_wait3A_223 = tpu.memref_slice %arg4[%add3A_194, %dma_wait3A_222] : memref<2304x128xi32, #tpu.memory_space<hbm>> -> memref<24x128xi32, #tpu.memory_space<hbm>>
    %dma_wait3A_224 = arith.constant 0 : i32
    %dma_wait3A_225 = arith.constant 0 : i32
    %dma_wait3A_226 = tpu.memref_slice %arg9[%dma_wait3A_214, %dma_wait3A_224, %dma_wait3A_225] : memref<2x24x128xi32, #tpu.memory_space<vmem>> -> memref<1x24x128xi32, #tpu.memory_space<vmem>>
    %dma_wait3A_227 = tpu.memref_squeeze %dma_wait3A_226 : memref<1x24x128xi32, #tpu.memory_space<vmem>> -> memref<24x128xi32, #tpu.memory_space<vmem>>
    %dma_wait3A_228 = arith.constant 0 : i32
    %dma_wait3A_229 = arith.constant 0 : i32
    %dma_wait3A_230 = tpu.memref_slice %dma_wait3A_227[%dma_wait3A_228, %dma_wait3A_229] : memref<24x128xi32, #tpu.memory_space<vmem>> -> memref<24x128xi32, #tpu.memory_space<vmem>>
    %dma_wait3A_231 = arith.constant 0 : i32
    %dma_wait3A_232 = tpu.memref_slice %arg4[%add3A_194, %dma_wait3A_231] : memref<2304x128xi32, #tpu.memory_space<hbm>> -> memref<24x128xi32, #tpu.memory_space<hbm>>
    tpu.wait_dma2 semaphore(%arg16 : memref<!tpu.dma_semaphore, #tpu.memory_space<semaphore_mem>>) src(%dma_wait3A_232 : memref<24x128xi32, #tpu.memory_space<hbm>>) dst(%dma_wait3A_230 : memref<24x128xi32, #tpu.memory_space<vmem>>)
    %add3A_233 = arith.constant 48 : i32
    %add3A_234 = arith.addi %mul3A_16, %add3A_233 : i32
    %dma_start3A_235 = arith.constant 0 : i32
    %dma_start3A_236 = arith.constant 0 : i32
    %dma_start3A_237 = arith.constant 0 : i32
    %dma_start3A_238 = tpu.memref_slice %arg8[%dma_start3A_235, %dma_start3A_236, %dma_start3A_237] : memref<2x24x128xi32, #tpu.memory_space<vmem>> -> memref<1x24x128xi32, #tpu.memory_space<vmem>>
    %dma_start3A_239 = tpu.memref_squeeze %dma_start3A_238 : memref<1x24x128xi32, #tpu.memory_space<vmem>> -> memref<24x128xi32, #tpu.memory_space<vmem>>
    %dma_start3A_240 = arith.constant 0 : i32
    %dma_start3A_241 = arith.constant 0 : i32
    %dma_start3A_242 = tpu.memref_slice %dma_start3A_239[%dma_start3A_240, %dma_start3A_241] : memref<24x128xi32, #tpu.memory_space<vmem>> -> memref<24x128xi32, #tpu.memory_space<vmem>>
    %dma_start3A_243 = arith.constant 0 : i32
    %dma_start3A_244 = tpu.memref_slice %arg3[%add3A_234, %dma_start3A_243] : memref<2304x128xi32, #tpu.memory_space<hbm>> -> memref<24x128xi32, #tpu.memory_space<hbm>>
    %dma_start3A_245 = arith.constant 0 : i32
    %dma_start3A_246 = arith.constant 0 : i32
    %dma_start3A_247 = tpu.memref_slice %arg8[%dma_start3A_235, %dma_start3A_245, %dma_start3A_246] : memref<2x24x128xi32, #tpu.memory_space<vmem>> -> memref<1x24x128xi32, #tpu.memory_space<vmem>>
    %dma_start3A_248 = tpu.memref_squeeze %dma_start3A_247 : memref<1x24x128xi32, #tpu.memory_space<vmem>> -> memref<24x128xi32, #tpu.memory_space<vmem>>
    %dma_start3A_249 = arith.constant 0 : i32
    %dma_start3A_250 = arith.constant 0 : i32
    %dma_start3A_251 = tpu.memref_slice %dma_start3A_248[%dma_start3A_249, %dma_start3A_250] : memref<24x128xi32, #tpu.memory_space<vmem>> -> memref<24x128xi32, #tpu.memory_space<vmem>>
    %dma_start3A_252 = arith.constant 0 : i32
    %dma_start3A_253 = tpu.memref_slice %arg3[%add3A_234, %dma_start3A_252] : memref<2304x128xi32, #tpu.memory_space<hbm>> -> memref<24x128xi32, #tpu.memory_space<hbm>>
    tpu.enqueue_dma source(%dma_start3A_253 : memref<24x128xi32, #tpu.memory_space<hbm>>) target(%dma_start3A_251 : memref<24x128xi32, #tpu.memory_space<vmem>>) target_semaphore(%arg15 : memref<!tpu.dma_semaphore, #tpu.memory_space<semaphore_mem>>)
    %dma_start3A_254 = arith.constant 0 : i32
    %dma_start3A_255 = arith.constant 0 : i32
    %dma_start3A_256 = arith.constant 0 : i32
    %dma_start3A_257 = tpu.memref_slice %arg9[%dma_start3A_254, %dma_start3A_255, %dma_start3A_256] : memref<2x24x128xi32, #tpu.memory_space<vmem>> -> memref<1x24x128xi32, #tpu.memory_space<vmem>>
    %dma_start3A_258 = tpu.memref_squeeze %dma_start3A_257 : memref<1x24x128xi32, #tpu.memory_space<vmem>> -> memref<24x128xi32, #tpu.memory_space<vmem>>
    %dma_start3A_259 = arith.constant 0 : i32
    %dma_start3A_260 = arith.constant 0 : i32
    %dma_start3A_261 = tpu.memref_slice %dma_start3A_258[%dma_start3A_259, %dma_start3A_260] : memref<24x128xi32, #tpu.memory_space<vmem>> -> memref<24x128xi32, #tpu.memory_space<vmem>>
    %dma_start3A_262 = arith.constant 0 : i32
    %dma_start3A_263 = tpu.memref_slice %arg4[%add3A_234, %dma_start3A_262] : memref<2304x128xi32, #tpu.memory_space<hbm>> -> memref<24x128xi32, #tpu.memory_space<hbm>>
    %dma_start3A_264 = arith.constant 0 : i32
    %dma_start3A_265 = arith.constant 0 : i32
    %dma_start3A_266 = tpu.memref_slice %arg9[%dma_start3A_254, %dma_start3A_264, %dma_start3A_265] : memref<2x24x128xi32, #tpu.memory_space<vmem>> -> memref<1x24x128xi32, #tpu.memory_space<vmem>>
    %dma_start3A_267 = tpu.memref_squeeze %dma_start3A_266 : memref<1x24x128xi32, #tpu.memory_space<vmem>> -> memref<24x128xi32, #tpu.memory_space<vmem>>
    %dma_start3A_268 = arith.constant 0 : i32
    %dma_start3A_269 = arith.constant 0 : i32
    %dma_start3A_270 = tpu.memref_slice %dma_start3A_267[%dma_start3A_268, %dma_start3A_269] : memref<24x128xi32, #tpu.memory_space<vmem>> -> memref<24x128xi32, #tpu.memory_space<vmem>>
    %dma_start3A_271 = arith.constant 0 : i32
    %dma_start3A_272 = tpu.memref_slice %arg4[%add3A_234, %dma_start3A_271] : memref<2304x128xi32, #tpu.memory_space<hbm>> -> memref<24x128xi32, #tpu.memory_space<hbm>>
    tpu.enqueue_dma source(%dma_start3A_272 : memref<24x128xi32, #tpu.memory_space<hbm>>) target(%dma_start3A_270 : memref<24x128xi32, #tpu.memory_space<vmem>>) target_semaphore(%arg16 : memref<!tpu.dma_semaphore, #tpu.memory_space<semaphore_mem>>)
    %dma_start3A_273 = arith.constant 1 : i32
    %dma_start3A_274 = arith.constant 0 : i32
    %dma_start3A_275 = arith.constant 0 : i32
    %dma_start3A_276 = arith.constant 0 : i32
    %dma_start3A_277 = tpu.memref_slice %arg8[%dma_start3A_273, %dma_start3A_275, %dma_start3A_276] : memref<2x24x128xi32, #tpu.memory_space<vmem>> -> memref<1x24x128xi32, #tpu.memory_space<vmem>>
    %dma_start3A_278 = tpu.memref_squeeze %dma_start3A_277 : memref<1x24x128xi32, #tpu.memory_space<vmem>> -> memref<24x128xi32, #tpu.memory_space<vmem>>
    %dma_start3A_279 = arith.constant 0 : i32
    %dma_start3A_280 = tpu.memref_slice %dma_start3A_278[%dma_start3A_274, %dma_start3A_279] : memref<24x128xi32, #tpu.memory_space<vmem>> -> memref<1x128xi32, #tpu.memory_space<vmem>>
    %dma_start3A_281 = tpu.memref_squeeze %dma_start3A_280 : memref<1x128xi32, #tpu.memory_space<vmem>> -> memref<128xi32, #tpu.memory_space<vmem>>
    %dma_start3A_282 = arith.constant 0 : i32
    %dma_start3A_283 = arith.constant 0 : i32
    %dma_start3A_284 = tpu.memref_slice %arg2[%dma_start3A_282, %dma_start3A_283] : memref<10000x128xf32, #tpu.memory_space<hbm>> -> memref<10000x128xf32, #tpu.memory_space<hbm>>
    tpu.enqueue_indirect_dma source(%dma_start3A_284 : memref<10000x128xf32, #tpu.memory_space<hbm>>) target(%arg10 : memref<128x128xf32, #tpu.memory_space<vmem>>) offsets(%dma_start3A_281 : memref<128xi32, #tpu.memory_space<vmem>>) semaphore(%arg13 : memref<!tpu.dma_semaphore, #tpu.memory_space<semaphore_mem>>)
    %dma_start3A_285 = arith.constant 1 : i32
    %dma_start3A_286 = arith.constant 1 : i32
    %dma_start3A_287 = arith.constant 0 : i32
    %dma_start3A_288 = arith.constant 0 : i32
    %dma_start3A_289 = tpu.memref_slice %arg8[%dma_start3A_285, %dma_start3A_287, %dma_start3A_288] : memref<2x24x128xi32, #tpu.memory_space<vmem>> -> memref<1x24x128xi32, #tpu.memory_space<vmem>>
    %dma_start3A_290 = tpu.memref_squeeze %dma_start3A_289 : memref<1x24x128xi32, #tpu.memory_space<vmem>> -> memref<24x128xi32, #tpu.memory_space<vmem>>
    %dma_start3A_291 = arith.constant 0 : i32
    %dma_start3A_292 = tpu.memref_slice %dma_start3A_290[%dma_start3A_286, %dma_start3A_291] : memref<24x128xi32, #tpu.memory_space<vmem>> -> memref<1x128xi32, #tpu.memory_space<vmem>>
    %dma_start3A_293 = tpu.memref_squeeze %dma_start3A_292 : memref<1x128xi32, #tpu.memory_space<vmem>> -> memref<128xi32, #tpu.memory_space<vmem>>
    %dma_start3A_294 = arith.constant 0 : i32
    %dma_start3A_295 = arith.constant 0 : i32
    %dma_start3A_296 = tpu.memref_slice %arg2[%dma_start3A_294, %dma_start3A_295] : memref<10000x128xf32, #tpu.memory_space<hbm>> -> memref<10000x128xf32, #tpu.memory_space<hbm>>
    tpu.enqueue_indirect_dma source(%dma_start3A_296 : memref<10000x128xf32, #tpu.memory_space<hbm>>) target(%arg11 : memref<128x128xf32, #tpu.memory_space<vmem>>) offsets(%dma_start3A_293 : memref<128xi32, #tpu.memory_space<vmem>>) semaphore(%arg14 : memref<!tpu.dma_semaphore, #tpu.memory_space<semaphore_mem>>)
    %scan3A_297 = arith.constant 1 : i32
    %scan3A_298 = arith.constant 1 : i32
    %scan3A_299 = arith.constant 0 : i32
    %scan3A_300 = arith.constant 11 : i32
    %scan3A_301 = arith.addi %scan3A_299, %scan3A_300 : i32
    %scan3A_302 = arith.constant 1 : i32
    scf.for %scan3A_575 = %scan3A_299 to %scan3A_301 step %scan3A_302  : i32 {
      %mul3A_576 = arith.constant 2 : i32
      %mul3A_577 = arith.muli %scan3A_575, %mul3A_576 : i32
      %add3A_578 = arith.constant 0 : i32
      %add3A_579 = arith.addi %add3A_578, %mul3A_577 : i32
      %add3A_580 = arith.constant 0 : i32
      %add3A_581 = arith.addi %add3A_579, %add3A_580 : i32
      %dma_wait3A_582 = arith.constant 0 : i32
      %dma_wait3A_583 = arith.constant 0 : i32
      %dma_wait3A_584 = tpu.memref_slice %arg8[%scan3A_297, %dma_wait3A_582, %dma_wait3A_583] : memref<2x24x128xi32, #tpu.memory_space<vmem>> -> memref<1x24x128xi32, #tpu.memory_space<vmem>>
      %dma_wait3A_585 = tpu.memref_squeeze %dma_wait3A_584 : memref<1x24x128xi32, #tpu.memory_space<vmem>> -> memref<24x128xi32, #tpu.memory_space<vmem>>
      %dma_wait3A_586 = arith.constant 0 : i32
      %dma_wait3A_587 = tpu.memref_slice %dma_wait3A_585[%add3A_581, %dma_wait3A_586] : memref<24x128xi32, #tpu.memory_space<vmem>> -> memref<1x128xi32, #tpu.memory_space<vmem>>
      %dma_wait3A_588 = tpu.memref_squeeze %dma_wait3A_587 : memref<1x128xi32, #tpu.memory_space<vmem>> -> memref<128xi32, #tpu.memory_space<vmem>>
      %dma_wait3A_589 = arith.constant 0 : i32
      %dma_wait3A_590 = arith.constant 0 : i32
      %dma_wait3A_591 = tpu.memref_slice %arg2[%dma_wait3A_589, %dma_wait3A_590] : memref<10000x128xf32, #tpu.memory_space<hbm>> -> memref<10000x128xf32, #tpu.memory_space<hbm>>
      tpu.wait_indirect_dma semaphore(%arg13 : memref<!tpu.dma_semaphore, #tpu.memory_space<semaphore_mem>>) src(%dma_wait3A_591 : memref<10000x128xf32, #tpu.memory_space<hbm>>) dst(%arg10 : memref<128x128xf32, #tpu.memory_space<vmem>>)
      "tpu.region"() ({
        %run_scoped3A_628 = tpu.sem_alloc : memref<!tpu.dma_semaphore, #tpu.memory_space<semaphore_mem>>
        %dma_start3A_629 = arith.constant 0 : i32
        %dma_start3A_630 = arith.constant 0 : i32
        %dma_start3A_631 = tpu.memref_slice %arg9[%scan3A_298, %dma_start3A_629, %dma_start3A_630] : memref<2x24x128xi32, #tpu.memory_space<vmem>> -> memref<1x24x128xi32, #tpu.memory_space<vmem>>
        %dma_start3A_632 = tpu.memref_squeeze %dma_start3A_631 : memref<1x24x128xi32, #tpu.memory_space<vmem>> -> memref<24x128xi32, #tpu.memory_space<vmem>>
        %dma_start3A_633 = arith.constant 0 : i32
        %dma_start3A_634 = tpu.memref_slice %dma_start3A_632[%add3A_581, %dma_start3A_633] : memref<24x128xi32, #tpu.memory_space<vmem>> -> memref<1x128xi32, #tpu.memory_space<vmem>>
        %dma_start3A_635 = tpu.memref_squeeze %dma_start3A_634 : memref<1x128xi32, #tpu.memory_space<vmem>> -> memref<128xi32, #tpu.memory_space<vmem>>
        %dma_start3A_636 = arith.constant 0 : i32
        %dma_start3A_637 = arith.constant 0 : i32
        %dma_start3A_638 = tpu.memref_slice %arg12[%dma_start3A_636, %dma_start3A_637] : memref<10112x128xf32, #tpu.memory_space<vmem_shared>> -> memref<10112x128xf32, #tpu.memory_space<vmem_shared>>
        tpu.enqueue_indirect_dma source(%arg10 : memref<128x128xf32, #tpu.memory_space<vmem>>) target(%dma_start3A_638 : memref<10112x128xf32, #tpu.memory_space<vmem_shared>>) offsets(%dma_start3A_635 : memref<128xi32, #tpu.memory_space<vmem>>) semaphore(%run_scoped3A_628 : memref<!tpu.dma_semaphore, #tpu.memory_space<semaphore_mem>>) {add = true}
        %dma_wait3A_639 = arith.constant 0 : i32
        %dma_wait3A_640 = arith.constant 0 : i32
        %dma_wait3A_641 = tpu.memref_slice %arg9[%scan3A_298, %dma_wait3A_639, %dma_wait3A_640] : memref<2x24x128xi32, #tpu.memory_space<vmem>> -> memref<1x24x128xi32, #tpu.memory_space<vmem>>
        %dma_wait3A_642 = tpu.memref_squeeze %dma_wait3A_641 : memref<1x24x128xi32, #tpu.memory_space<vmem>> -> memref<24x128xi32, #tpu.memory_space<vmem>>
        %dma_wait3A_643 = arith.constant 0 : i32
        %dma_wait3A_644 = tpu.memref_slice %dma_wait3A_642[%add3A_581, %dma_wait3A_643] : memref<24x128xi32, #tpu.memory_space<vmem>> -> memref<1x128xi32, #tpu.memory_space<vmem>>
        %dma_wait3A_645 = tpu.memref_squeeze %dma_wait3A_644 : memref<1x128xi32, #tpu.memory_space<vmem>> -> memref<128xi32, #tpu.memory_space<vmem>>
        %dma_wait3A_646 = arith.constant 0 : i32
        %dma_wait3A_647 = arith.constant 0 : i32
        %dma_wait3A_648 = tpu.memref_slice %arg12[%dma_wait3A_646, %dma_wait3A_647] : memref<10112x128xf32, #tpu.memory_space<vmem_shared>> -> memref<10112x128xf32, #tpu.memory_space<vmem_shared>>
        tpu.wait_indirect_dma semaphore(%run_scoped3A_628 : memref<!tpu.dma_semaphore, #tpu.memory_space<semaphore_mem>>) src(%arg10 : memref<128x128xf32, #tpu.memory_space<vmem>>) dst(%dma_wait3A_648 : memref<10112x128xf32, #tpu.memory_space<vmem_shared>>)
        tpu.yield
      }) : () -> ()
      %add3A_592 = arith.constant 2 : i32
      %add3A_593 = arith.addi %add3A_581, %add3A_592 : i32
      %dma_start3A_594 = arith.constant 0 : i32
      %dma_start3A_595 = arith.constant 0 : i32
      %dma_start3A_596 = tpu.memref_slice %arg8[%scan3A_297, %dma_start3A_594, %dma_start3A_595] : memref<2x24x128xi32, #tpu.memory_space<vmem>> -> memref<1x24x128xi32, #tpu.memory_space<vmem>>
      %dma_start3A_597 = tpu.memref_squeeze %dma_start3A_596 : memref<1x24x128xi32, #tpu.memory_space<vmem>> -> memref<24x128xi32, #tpu.memory_space<vmem>>
      %dma_start3A_598 = arith.constant 0 : i32
      %dma_start3A_599 = tpu.memref_slice %dma_start3A_597[%add3A_593, %dma_start3A_598] : memref<24x128xi32, #tpu.memory_space<vmem>> -> memref<1x128xi32, #tpu.memory_space<vmem>>
      %dma_start3A_600 = tpu.memref_squeeze %dma_start3A_599 : memref<1x128xi32, #tpu.memory_space<vmem>> -> memref<128xi32, #tpu.memory_space<vmem>>
      %dma_start3A_601 = arith.constant 0 : i32
      %dma_start3A_602 = arith.constant 0 : i32
      %dma_start3A_603 = tpu.memref_slice %arg2[%dma_start3A_601, %dma_start3A_602] : memref<10000x128xf32, #tpu.memory_space<hbm>> -> memref<10000x128xf32, #tpu.memory_space<hbm>>
      tpu.enqueue_indirect_dma source(%dma_start3A_603 : memref<10000x128xf32, #tpu.memory_space<hbm>>) target(%arg10 : memref<128x128xf32, #tpu.memory_space<vmem>>) offsets(%dma_start3A_600 : memref<128xi32, #tpu.memory_space<vmem>>) semaphore(%arg13 : memref<!tpu.dma_semaphore, #tpu.memory_space<semaphore_mem>>)
      %add3A_604 = arith.constant 1 : i32
      %add3A_605 = arith.addi %add3A_579, %add3A_604 : i32
      %dma_wait3A_606 = arith.constant 0 : i32
      %dma_wait3A_607 = arith.constant 0 : i32
      %dma_wait3A_608 = tpu.memref_slice %arg8[%scan3A_297, %dma_wait3A_606, %dma_wait3A_607] : memref<2x24x128xi32, #tpu.memory_space<vmem>> -> memref<1x24x128xi32, #tpu.memory_space<vmem>>
      %dma_wait3A_609 = tpu.memref_squeeze %dma_wait3A_608 : memref<1x24x128xi32, #tpu.memory_space<vmem>> -> memref<24x128xi32, #tpu.memory_space<vmem>>
      %dma_wait3A_610 = arith.constant 0 : i32
      %dma_wait3A_611 = tpu.memref_slice %dma_wait3A_609[%add3A_605, %dma_wait3A_610] : memref<24x128xi32, #tpu.memory_space<vmem>> -> memref<1x128xi32, #tpu.memory_space<vmem>>
      %dma_wait3A_612 = tpu.memref_squeeze %dma_wait3A_611 : memref<1x128xi32, #tpu.memory_space<vmem>> -> memref<128xi32, #tpu.memory_space<vmem>>
      %dma_wait3A_613 = arith.constant 0 : i32
      %dma_wait3A_614 = arith.constant 0 : i32
      %dma_wait3A_615 = tpu.memref_slice %arg2[%dma_wait3A_613, %dma_wait3A_614] : memref<10000x128xf32, #tpu.memory_space<hbm>> -> memref<10000x128xf32, #tpu.memory_space<hbm>>
      tpu.wait_indirect_dma semaphore(%arg14 : memref<!tpu.dma_semaphore, #tpu.memory_space<semaphore_mem>>) src(%dma_wait3A_615 : memref<10000x128xf32, #tpu.memory_space<hbm>>) dst(%arg11 : memref<128x128xf32, #tpu.memory_space<vmem>>)
      "tpu.region"() ({
        %run_scoped3A_628 = tpu.sem_alloc : memref<!tpu.dma_semaphore, #tpu.memory_space<semaphore_mem>>
        %dma_start3A_629 = arith.constant 0 : i32
        %dma_start3A_630 = arith.constant 0 : i32
        %dma_start3A_631 = tpu.memref_slice %arg9[%scan3A_298, %dma_start3A_629, %dma_start3A_630] : memref<2x24x128xi32, #tpu.memory_space<vmem>> -> memref<1x24x128xi32, #tpu.memory_space<vmem>>
        %dma_start3A_632 = tpu.memref_squeeze %dma_start3A_631 : memref<1x24x128xi32, #tpu.memory_space<vmem>> -> memref<24x128xi32, #tpu.memory_space<vmem>>
        %dma_start3A_633 = arith.constant 0 : i32
        %dma_start3A_634 = tpu.memref_slice %dma_start3A_632[%add3A_605, %dma_start3A_633] : memref<24x128xi32, #tpu.memory_space<vmem>> -> memref<1x128xi32, #tpu.memory_space<vmem>>
        %dma_start3A_635 = tpu.memref_squeeze %dma_start3A_634 : memref<1x128xi32, #tpu.memory_space<vmem>> -> memref<128xi32, #tpu.memory_space<vmem>>
        %dma_start3A_636 = arith.constant 0 : i32
        %dma_start3A_637 = arith.constant 0 : i32
        %dma_start3A_638 = tpu.memref_slice %arg12[%dma_start3A_636, %dma_start3A_637] : memref<10112x128xf32, #tpu.memory_space<vmem_shared>> -> memref<10112x128xf32, #tpu.memory_space<vmem_shared>>
        tpu.enqueue_indirect_dma source(%arg11 : memref<128x128xf32, #tpu.memory_space<vmem>>) target(%dma_start3A_638 : memref<10112x128xf32, #tpu.memory_space<vmem_shared>>) offsets(%dma_start3A_635 : memref<128xi32, #tpu.memory_space<vmem>>) semaphore(%run_scoped3A_628 : memref<!tpu.dma_semaphore, #tpu.memory_space<semaphore_mem>>) {add = true}
        %dma_wait3A_639 = arith.constant 0 : i32
        %dma_wait3A_640 = arith.constant 0 : i32
        %dma_wait3A_641 = tpu.memref_slice %arg9[%scan3A_298, %dma_wait3A_639, %dma_wait3A_640] : memref<2x24x128xi32, #tpu.memory_space<vmem>> -> memref<1x24x128xi32, #tpu.memory_space<vmem>>
        %dma_wait3A_642 = tpu.memref_squeeze %dma_wait3A_641 : memref<1x24x128xi32, #tpu.memory_space<vmem>> -> memref<24x128xi32, #tpu.memory_space<vmem>>
        %dma_wait3A_643 = arith.constant 0 : i32
        %dma_wait3A_644 = tpu.memref_slice %dma_wait3A_642[%add3A_605, %dma_wait3A_643] : memref<24x128xi32, #tpu.memory_space<vmem>> -> memref<1x128xi32, #tpu.memory_space<vmem>>
        %dma_wait3A_645 = tpu.memref_squeeze %dma_wait3A_644 : memref<1x128xi32, #tpu.memory_space<vmem>> -> memref<128xi32, #tpu.memory_space<vmem>>
        %dma_wait3A_646 = arith.constant 0 : i32
        %dma_wait3A_647 = arith.constant 0 : i32
        %dma_wait3A_648 = tpu.memref_slice %arg12[%dma_wait3A_646, %dma_wait3A_647] : memref<10112x128xf32, #tpu.memory_space<vmem_shared>> -> memref<10112x128xf32, #tpu.memory_space<vmem_shared>>
        tpu.wait_indirect_dma semaphore(%run_scoped3A_628 : memref<!tpu.dma_semaphore, #tpu.memory_space<semaphore_mem>>) src(%arg11 : memref<128x128xf32, #tpu.memory_space<vmem>>) dst(%dma_wait3A_648 : memref<10112x128xf32, #tpu.memory_space<vmem_shared>>)
        tpu.yield
      }) : () -> ()
      %add3A_616 = arith.constant 2 : i32
      %add3A_617 = arith.addi %add3A_605, %add3A_616 : i32
      %dma_start3A_618 = arith.constant 0 : i32
      %dma_start3A_619 = arith.constant 0 : i32
      %dma_start3A_620 = tpu.memref_slice %arg8[%scan3A_297, %dma_start3A_618, %dma_start3A_619] : memref<2x24x128xi32, #tpu.memory_space<vmem>> -> memref<1x24x128xi32, #tpu.memory_space<vmem>>
      %dma_start3A_621 = tpu.memref_squeeze %dma_start3A_620 : memref<1x24x128xi32, #tpu.memory_space<vmem>> -> memref<24x128xi32, #tpu.memory_space<vmem>>
      %dma_start3A_622 = arith.constant 0 : i32
      %dma_start3A_623 = tpu.memref_slice %dma_start3A_621[%add3A_617, %dma_start3A_622] : memref<24x128xi32, #tpu.memory_space<vmem>> -> memref<1x128xi32, #tpu.memory_space<vmem>>
      %dma_start3A_624 = tpu.memref_squeeze %dma_start3A_623 : memref<1x128xi32, #tpu.memory_space<vmem>> -> memref<128xi32, #tpu.memory_space<vmem>>
      %dma_start3A_625 = arith.constant 0 : i32
      %dma_start3A_626 = arith.constant 0 : i32
      %dma_start3A_627 = tpu.memref_slice %arg2[%dma_start3A_625, %dma_start3A_626] : memref<10000x128xf32, #tpu.memory_space<hbm>> -> memref<10000x128xf32, #tpu.memory_space<hbm>>
      tpu.enqueue_indirect_dma source(%dma_start3A_627 : memref<10000x128xf32, #tpu.memory_space<hbm>>) target(%arg11 : memref<128x128xf32, #tpu.memory_space<vmem>>) offsets(%dma_start3A_624 : memref<128xi32, #tpu.memory_space<vmem>>) semaphore(%arg14 : memref<!tpu.dma_semaphore, #tpu.memory_space<semaphore_mem>>)
    }
    %scan3A_303 = arith.constant 11 : i32
    %dma_wait3A_304 = arith.constant 1 : i32
    %dma_wait3A_305 = arith.constant 22 : i32
    %dma_wait3A_306 = arith.constant 0 : i32
    %dma_wait3A_307 = arith.constant 0 : i32
    %dma_wait3A_308 = tpu.memref_slice %arg8[%dma_wait3A_304, %dma_wait3A_306, %dma_wait3A_307] : memref<2x24x128xi32, #tpu.memory_space<vmem>> -> memref<1x24x128xi32, #tpu.memory_space<vmem>>
    %dma_wait3A_309 = tpu.memref_squeeze %dma_wait3A_308 : memref<1x24x128xi32, #tpu.memory_space<vmem>> -> memref<24x128xi32, #tpu.memory_space<vmem>>
    %dma_wait3A_310 = arith.constant 0 : i32
    %dma_wait3A_311 = tpu.memref_slice %dma_wait3A_309[%dma_wait3A_305, %dma_wait3A_310] : memref<24x128xi32, #tpu.memory_space<vmem>> -> memref<1x128xi32, #tpu.memory_space<vmem>>
    %dma_wait3A_312 = tpu.memref_squeeze %dma_wait3A_311 : memref<1x128xi32, #tpu.memory_space<vmem>> -> memref<128xi32, #tpu.memory_space<vmem>>
    %dma_wait3A_313 = arith.constant 0 : i32
    %dma_wait3A_314 = arith.constant 0 : i32
    %dma_wait3A_315 = tpu.memref_slice %arg2[%dma_wait3A_313, %dma_wait3A_314] : memref<10000x128xf32, #tpu.memory_space<hbm>> -> memref<10000x128xf32, #tpu.memory_space<hbm>>
    tpu.wait_indirect_dma semaphore(%arg13 : memref<!tpu.dma_semaphore, #tpu.memory_space<semaphore_mem>>) src(%dma_wait3A_315 : memref<10000x128xf32, #tpu.memory_space<hbm>>) dst(%arg10 : memref<128x128xf32, #tpu.memory_space<vmem>>)
    %run_scoped3A_316 = arith.constant 1 : i32
    %run_scoped3A_317 = arith.constant 22 : i32
    "tpu.region"() ({
      %run_scoped3A_575 = tpu.sem_alloc : memref<!tpu.dma_semaphore, #tpu.memory_space<semaphore_mem>>
      %dma_start3A_576 = arith.constant 0 : i32
      %dma_start3A_577 = arith.constant 0 : i32
      %dma_start3A_578 = tpu.memref_slice %arg9[%run_scoped3A_316, %dma_start3A_576, %dma_start3A_577] : memref<2x24x128xi32, #tpu.memory_space<vmem>> -> memref<1x24x128xi32, #tpu.memory_space<vmem>>
      %dma_start3A_579 = tpu.memref_squeeze %dma_start3A_578 : memref<1x24x128xi32, #tpu.memory_space<vmem>> -> memref<24x128xi32, #tpu.memory_space<vmem>>
      %dma_start3A_580 = arith.constant 0 : i32
      %dma_start3A_581 = tpu.memref_slice %dma_start3A_579[%run_scoped3A_317, %dma_start3A_580] : memref<24x128xi32, #tpu.memory_space<vmem>> -> memref<1x128xi32, #tpu.memory_space<vmem>>
      %dma_start3A_582 = tpu.memref_squeeze %dma_start3A_581 : memref<1x128xi32, #tpu.memory_space<vmem>> -> memref<128xi32, #tpu.memory_space<vmem>>
      %dma_start3A_583 = arith.constant 0 : i32
      %dma_start3A_584 = arith.constant 0 : i32
      %dma_start3A_585 = tpu.memref_slice %arg12[%dma_start3A_583, %dma_start3A_584] : memref<10112x128xf32, #tpu.memory_space<vmem_shared>> -> memref<10112x128xf32, #tpu.memory_space<vmem_shared>>
      tpu.enqueue_indirect_dma source(%arg10 : memref<128x128xf32, #tpu.memory_space<vmem>>) target(%dma_start3A_585 : memref<10112x128xf32, #tpu.memory_space<vmem_shared>>) offsets(%dma_start3A_582 : memref<128xi32, #tpu.memory_space<vmem>>) semaphore(%run_scoped3A_575 : memref<!tpu.dma_semaphore, #tpu.memory_space<semaphore_mem>>) {add = true}
      %dma_wait3A_586 = arith.constant 0 : i32
      %dma_wait3A_587 = arith.constant 0 : i32
      %dma_wait3A_588 = tpu.memref_slice %arg9[%run_scoped3A_316, %dma_wait3A_586, %dma_wait3A_587] : memref<2x24x128xi32, #tpu.memory_space<vmem>> -> memref<1x24x128xi32, #tpu.memory_space<vmem>>
      %dma_wait3A_589 = tpu.memref_squeeze %dma_wait3A_588 : memref<1x24x128xi32, #tpu.memory_space<vmem>> -> memref<24x128xi32, #tpu.memory_space<vmem>>
      %dma_wait3A_590 = arith.constant 0 : i32
      %dma_wait3A_591 = tpu.memref_slice %dma_wait3A_589[%run_scoped3A_317, %dma_wait3A_590] : memref<24x128xi32, #tpu.memory_space<vmem>> -> memref<1x128xi32, #tpu.memory_space<vmem>>
      %dma_wait3A_592 = tpu.memref_squeeze %dma_wait3A_591 : memref<1x128xi32, #tpu.memory_space<vmem>> -> memref<128xi32, #tpu.memory_space<vmem>>
      %dma_wait3A_593 = arith.constant 0 : i32
      %dma_wait3A_594 = arith.constant 0 : i32
      %dma_wait3A_595 = tpu.memref_slice %arg12[%dma_wait3A_593, %dma_wait3A_594] : memref<10112x128xf32, #tpu.memory_space<vmem_shared>> -> memref<10112x128xf32, #tpu.memory_space<vmem_shared>>
      tpu.wait_indirect_dma semaphore(%run_scoped3A_575 : memref<!tpu.dma_semaphore, #tpu.memory_space<semaphore_mem>>) src(%arg10 : memref<128x128xf32, #tpu.memory_space<vmem>>) dst(%dma_wait3A_595 : memref<10112x128xf32, #tpu.memory_space<vmem_shared>>)
      tpu.yield
    }) : () -> ()
    %dma_wait3A_318 = arith.constant 1 : i32
    %dma_wait3A_319 = arith.constant 23 : i32
    %dma_wait3A_320 = arith.constant 0 : i32
    %dma_wait3A_321 = arith.constant 0 : i32
    %dma_wait3A_322 = tpu.memref_slice %arg8[%dma_wait3A_318, %dma_wait3A_320, %dma_wait3A_321] : memref<2x24x128xi32, #tpu.memory_space<vmem>> -> memref<1x24x128xi32, #tpu.memory_space<vmem>>
    %dma_wait3A_323 = tpu.memref_squeeze %dma_wait3A_322 : memref<1x24x128xi32, #tpu.memory_space<vmem>> -> memref<24x128xi32, #tpu.memory_space<vmem>>
    %dma_wait3A_324 = arith.constant 0 : i32
    %dma_wait3A_325 = tpu.memref_slice %dma_wait3A_323[%dma_wait3A_319, %dma_wait3A_324] : memref<24x128xi32, #tpu.memory_space<vmem>> -> memref<1x128xi32, #tpu.memory_space<vmem>>
    %dma_wait3A_326 = tpu.memref_squeeze %dma_wait3A_325 : memref<1x128xi32, #tpu.memory_space<vmem>> -> memref<128xi32, #tpu.memory_space<vmem>>
    %dma_wait3A_327 = arith.constant 0 : i32
    %dma_wait3A_328 = arith.constant 0 : i32
    %dma_wait3A_329 = tpu.memref_slice %arg2[%dma_wait3A_327, %dma_wait3A_328] : memref<10000x128xf32, #tpu.memory_space<hbm>> -> memref<10000x128xf32, #tpu.memory_space<hbm>>
    tpu.wait_indirect_dma semaphore(%arg14 : memref<!tpu.dma_semaphore, #tpu.memory_space<semaphore_mem>>) src(%dma_wait3A_329 : memref<10000x128xf32, #tpu.memory_space<hbm>>) dst(%arg11 : memref<128x128xf32, #tpu.memory_space<vmem>>)
    %run_scoped3A_330 = arith.constant 1 : i32
    %run_scoped3A_331 = arith.constant 23 : i32
    "tpu.region"() ({
      %run_scoped3A_575 = tpu.sem_alloc : memref<!tpu.dma_semaphore, #tpu.memory_space<semaphore_mem>>
      %dma_start3A_576 = arith.constant 0 : i32
      %dma_start3A_577 = arith.constant 0 : i32
      %dma_start3A_578 = tpu.memref_slice %arg9[%run_scoped3A_330, %dma_start3A_576, %dma_start3A_577] : memref<2x24x128xi32, #tpu.memory_space<vmem>> -> memref<1x24x128xi32, #tpu.memory_space<vmem>>
      %dma_start3A_579 = tpu.memref_squeeze %dma_start3A_578 : memref<1x24x128xi32, #tpu.memory_space<vmem>> -> memref<24x128xi32, #tpu.memory_space<vmem>>
      %dma_start3A_580 = arith.constant 0 : i32
      %dma_start3A_581 = tpu.memref_slice %dma_start3A_579[%run_scoped3A_331, %dma_start3A_580] : memref<24x128xi32, #tpu.memory_space<vmem>> -> memref<1x128xi32, #tpu.memory_space<vmem>>
      %dma_start3A_582 = tpu.memref_squeeze %dma_start3A_581 : memref<1x128xi32, #tpu.memory_space<vmem>> -> memref<128xi32, #tpu.memory_space<vmem>>
      %dma_start3A_583 = arith.constant 0 : i32
      %dma_start3A_584 = arith.constant 0 : i32
      %dma_start3A_585 = tpu.memref_slice %arg12[%dma_start3A_583, %dma_start3A_584] : memref<10112x128xf32, #tpu.memory_space<vmem_shared>> -> memref<10112x128xf32, #tpu.memory_space<vmem_shared>>
      tpu.enqueue_indirect_dma source(%arg11 : memref<128x128xf32, #tpu.memory_space<vmem>>) target(%dma_start3A_585 : memref<10112x128xf32, #tpu.memory_space<vmem_shared>>) offsets(%dma_start3A_582 : memref<128xi32, #tpu.memory_space<vmem>>) semaphore(%run_scoped3A_575 : memref<!tpu.dma_semaphore, #tpu.memory_space<semaphore_mem>>) {add = true}
      %dma_wait3A_586 = arith.constant 0 : i32
      %dma_wait3A_587 = arith.constant 0 : i32
      %dma_wait3A_588 = tpu.memref_slice %arg9[%run_scoped3A_330, %dma_wait3A_586, %dma_wait3A_587] : memref<2x24x128xi32, #tpu.memory_space<vmem>> -> memref<1x24x128xi32, #tpu.memory_space<vmem>>
      %dma_wait3A_589 = tpu.memref_squeeze %dma_wait3A_588 : memref<1x24x128xi32, #tpu.memory_space<vmem>> -> memref<24x128xi32, #tpu.memory_space<vmem>>
      %dma_wait3A_590 = arith.constant 0 : i32
      %dma_wait3A_591 = tpu.memref_slice %dma_wait3A_589[%run_scoped3A_331, %dma_wait3A_590] : memref<24x128xi32, #tpu.memory_space<vmem>> -> memref<1x128xi32, #tpu.memory_space<vmem>>
      %dma_wait3A_592 = tpu.memref_squeeze %dma_wait3A_591 : memref<1x128xi32, #tpu.memory_space<vmem>> -> memref<128xi32, #tpu.memory_space<vmem>>
      %dma_wait3A_593 = arith.constant 0 : i32
      %dma_wait3A_594 = arith.constant 0 : i32
      %dma_wait3A_595 = tpu.memref_slice %arg12[%dma_wait3A_593, %dma_wait3A_594] : memref<10112x128xf32, #tpu.memory_space<vmem_shared>> -> memref<10112x128xf32, #tpu.memory_space<vmem_shared>>
      tpu.wait_indirect_dma semaphore(%run_scoped3A_575 : memref<!tpu.dma_semaphore, #tpu.memory_space<semaphore_mem>>) src(%arg11 : memref<128x128xf32, #tpu.memory_space<vmem>>) dst(%dma_wait3A_595 : memref<10112x128xf32, #tpu.memory_space<vmem_shared>>)
      tpu.yield
    }) : () -> ()
    %add3A_332 = arith.constant 48 : i32
    %add3A_333 = arith.addi %mul3A_16, %add3A_332 : i32
    %dma_wait3A_334 = arith.constant 0 : i32
    %dma_wait3A_335 = arith.constant 0 : i32
    %dma_wait3A_336 = arith.constant 0 : i32
    %dma_wait3A_337 = tpu.memref_slice %arg8[%dma_wait3A_334, %dma_wait3A_335, %dma_wait3A_336] : memref<2x24x128xi32, #tpu.memory_space<vmem>> -> memref<1x24x128xi32, #tpu.memory_space<vmem>>
    %dma_wait3A_338 = tpu.memref_squeeze %dma_wait3A_337 : memref<1x24x128xi32, #tpu.memory_space<vmem>> -> memref<24x128xi32, #tpu.memory_space<vmem>>
    %dma_wait3A_339 = arith.constant 0 : i32
    %dma_wait3A_340 = arith.constant 0 : i32
    %dma_wait3A_341 = tpu.memref_slice %dma_wait3A_338[%dma_wait3A_339, %dma_wait3A_340] : memref<24x128xi32, #tpu.memory_space<vmem>> -> memref<24x128xi32, #tpu.memory_space<vmem>>
    %dma_wait3A_342 = arith.constant 0 : i32
    %dma_wait3A_343 = tpu.memref_slice %arg3[%add3A_333, %dma_wait3A_342] : memref<2304x128xi32, #tpu.memory_space<hbm>> -> memref<24x128xi32, #tpu.memory_space<hbm>>
    %dma_wait3A_344 = arith.constant 0 : i32
    %dma_wait3A_345 = arith.constant 0 : i32
    %dma_wait3A_346 = tpu.memref_slice %arg8[%dma_wait3A_334, %dma_wait3A_344, %dma_wait3A_345] : memref<2x24x128xi32, #tpu.memory_space<vmem>> -> memref<1x24x128xi32, #tpu.memory_space<vmem>>
    %dma_wait3A_347 = tpu.memref_squeeze %dma_wait3A_346 : memref<1x24x128xi32, #tpu.memory_space<vmem>> -> memref<24x128xi32, #tpu.memory_space<vmem>>
    %dma_wait3A_348 = arith.constant 0 : i32
    %dma_wait3A_349 = arith.constant 0 : i32
    %dma_wait3A_350 = tpu.memref_slice %dma_wait3A_347[%dma_wait3A_348, %dma_wait3A_349] : memref<24x128xi32, #tpu.memory_space<vmem>> -> memref<24x128xi32, #tpu.memory_space<vmem>>
    %dma_wait3A_351 = arith.constant 0 : i32
    %dma_wait3A_352 = tpu.memref_slice %arg3[%add3A_333, %dma_wait3A_351] : memref<2304x128xi32, #tpu.memory_space<hbm>> -> memref<24x128xi32, #tpu.memory_space<hbm>>
    tpu.wait_dma2 semaphore(%arg15 : memref<!tpu.dma_semaphore, #tpu.memory_space<semaphore_mem>>) src(%dma_wait3A_352 : memref<24x128xi32, #tpu.memory_space<hbm>>) dst(%dma_wait3A_350 : memref<24x128xi32, #tpu.memory_space<vmem>>)
    %dma_wait3A_353 = arith.constant 0 : i32
    %dma_wait3A_354 = arith.constant 0 : i32
    %dma_wait3A_355 = arith.constant 0 : i32
    %dma_wait3A_356 = tpu.memref_slice %arg9[%dma_wait3A_353, %dma_wait3A_354, %dma_wait3A_355] : memref<2x24x128xi32, #tpu.memory_space<vmem>> -> memref<1x24x128xi32, #tpu.memory_space<vmem>>
    %dma_wait3A_357 = tpu.memref_squeeze %dma_wait3A_356 : memref<1x24x128xi32, #tpu.memory_space<vmem>> -> memref<24x128xi32, #tpu.memory_space<vmem>>
    %dma_wait3A_358 = arith.constant 0 : i32
    %dma_wait3A_359 = arith.constant 0 : i32
    %dma_wait3A_360 = tpu.memref_slice %dma_wait3A_357[%dma_wait3A_358, %dma_wait3A_359] : memref<24x128xi32, #tpu.memory_space<vmem>> -> memref<24x128xi32, #tpu.memory_space<vmem>>
    %dma_wait3A_361 = arith.constant 0 : i32
    %dma_wait3A_362 = tpu.memref_slice %arg4[%add3A_333, %dma_wait3A_361] : memref<2304x128xi32, #tpu.memory_space<hbm>> -> memref<24x128xi32, #tpu.memory_space<hbm>>
    %dma_wait3A_363 = arith.constant 0 : i32
    %dma_wait3A_364 = arith.constant 0 : i32
    %dma_wait3A_365 = tpu.memref_slice %arg9[%dma_wait3A_353, %dma_wait3A_363, %dma_wait3A_364] : memref<2x24x128xi32, #tpu.memory_space<vmem>> -> memref<1x24x128xi32, #tpu.memory_space<vmem>>
    %dma_wait3A_366 = tpu.memref_squeeze %dma_wait3A_365 : memref<1x24x128xi32, #tpu.memory_space<vmem>> -> memref<24x128xi32, #tpu.memory_space<vmem>>
    %dma_wait3A_367 = arith.constant 0 : i32
    %dma_wait3A_368 = arith.constant 0 : i32
    %dma_wait3A_369 = tpu.memref_slice %dma_wait3A_366[%dma_wait3A_367, %dma_wait3A_368] : memref<24x128xi32, #tpu.memory_space<vmem>> -> memref<24x128xi32, #tpu.memory_space<vmem>>
    %dma_wait3A_370 = arith.constant 0 : i32
    %dma_wait3A_371 = tpu.memref_slice %arg4[%add3A_333, %dma_wait3A_370] : memref<2304x128xi32, #tpu.memory_space<hbm>> -> memref<24x128xi32, #tpu.memory_space<hbm>>
    tpu.wait_dma2 semaphore(%arg16 : memref<!tpu.dma_semaphore, #tpu.memory_space<semaphore_mem>>) src(%dma_wait3A_371 : memref<24x128xi32, #tpu.memory_space<hbm>>) dst(%dma_wait3A_369 : memref<24x128xi32, #tpu.memory_space<vmem>>)
    %dma_start3A_372 = arith.constant 0 : i32
    %dma_start3A_373 = arith.constant 0 : i32
    %dma_start3A_374 = arith.constant 0 : i32
    %dma_start3A_375 = arith.constant 0 : i32
    %dma_start3A_376 = tpu.memref_slice %arg8[%dma_start3A_372, %dma_start3A_374, %dma_start3A_375] : memref<2x24x128xi32, #tpu.memory_space<vmem>> -> memref<1x24x128xi32, #tpu.memory_space<vmem>>
    %dma_start3A_377 = tpu.memref_squeeze %dma_start3A_376 : memref<1x24x128xi32, #tpu.memory_space<vmem>> -> memref<24x128xi32, #tpu.memory_space<vmem>>
    %dma_start3A_378 = arith.constant 0 : i32
    %dma_start3A_379 = tpu.memref_slice %dma_start3A_377[%dma_start3A_373, %dma_start3A_378] : memref<24x128xi32, #tpu.memory_space<vmem>> -> memref<1x128xi32, #tpu.memory_space<vmem>>
    %dma_start3A_380 = tpu.memref_squeeze %dma_start3A_379 : memref<1x128xi32, #tpu.memory_space<vmem>> -> memref<128xi32, #tpu.memory_space<vmem>>
    %dma_start3A_381 = arith.constant 0 : i32
    %dma_start3A_382 = arith.constant 0 : i32
    %dma_start3A_383 = tpu.memref_slice %arg2[%dma_start3A_381, %dma_start3A_382] : memref<10000x128xf32, #tpu.memory_space<hbm>> -> memref<10000x128xf32, #tpu.memory_space<hbm>>
    tpu.enqueue_indirect_dma source(%dma_start3A_383 : memref<10000x128xf32, #tpu.memory_space<hbm>>) target(%arg10 : memref<128x128xf32, #tpu.memory_space<vmem>>) offsets(%dma_start3A_380 : memref<128xi32, #tpu.memory_space<vmem>>) semaphore(%arg13 : memref<!tpu.dma_semaphore, #tpu.memory_space<semaphore_mem>>)
    %dma_start3A_384 = arith.constant 0 : i32
    %dma_start3A_385 = arith.constant 1 : i32
    %dma_start3A_386 = arith.constant 0 : i32
    %dma_start3A_387 = arith.constant 0 : i32
    %dma_start3A_388 = tpu.memref_slice %arg8[%dma_start3A_384, %dma_start3A_386, %dma_start3A_387] : memref<2x24x128xi32, #tpu.memory_space<vmem>> -> memref<1x24x128xi32, #tpu.memory_space<vmem>>
    %dma_start3A_389 = tpu.memref_squeeze %dma_start3A_388 : memref<1x24x128xi32, #tpu.memory_space<vmem>> -> memref<24x128xi32, #tpu.memory_space<vmem>>
    %dma_start3A_390 = arith.constant 0 : i32
    %dma_start3A_391 = tpu.memref_slice %dma_start3A_389[%dma_start3A_385, %dma_start3A_390] : memref<24x128xi32, #tpu.memory_space<vmem>> -> memref<1x128xi32, #tpu.memory_space<vmem>>
    %dma_start3A_392 = tpu.memref_squeeze %dma_start3A_391 : memref<1x128xi32, #tpu.memory_space<vmem>> -> memref<128xi32, #tpu.memory_space<vmem>>
    %dma_start3A_393 = arith.constant 0 : i32
    %dma_start3A_394 = arith.constant 0 : i32
    %dma_start3A_395 = tpu.memref_slice %arg2[%dma_start3A_393, %dma_start3A_394] : memref<10000x128xf32, #tpu.memory_space<hbm>> -> memref<10000x128xf32, #tpu.memory_space<hbm>>
    tpu.enqueue_indirect_dma source(%dma_start3A_395 : memref<10000x128xf32, #tpu.memory_space<hbm>>) target(%arg11 : memref<128x128xf32, #tpu.memory_space<vmem>>) offsets(%dma_start3A_392 : memref<128xi32, #tpu.memory_space<vmem>>) semaphore(%arg14 : memref<!tpu.dma_semaphore, #tpu.memory_space<semaphore_mem>>)
    %scan3A_396 = arith.constant 0 : i32
    %scan3A_397 = arith.constant 0 : i32
    %scan3A_398 = arith.constant 0 : i32
    %scan3A_399 = arith.constant 11 : i32
    %scan3A_400 = arith.addi %scan3A_398, %scan3A_399 : i32
    %scan3A_401 = arith.constant 1 : i32
    scf.for %scan3A_575 = %scan3A_398 to %scan3A_400 step %scan3A_401  : i32 {
      %mul3A_576 = arith.constant 2 : i32
      %mul3A_577 = arith.muli %scan3A_575, %mul3A_576 : i32
      %add3A_578 = arith.constant 0 : i32
      %add3A_579 = arith.addi %add3A_578, %mul3A_577 : i32
      %add3A_580 = arith.constant 0 : i32
      %add3A_581 = arith.addi %add3A_579, %add3A_580 : i32
      %dma_wait3A_582 = arith.constant 0 : i32
      %dma_wait3A_583 = arith.constant 0 : i32
      %dma_wait3A_584 = tpu.memref_slice %arg8[%scan3A_396, %dma_wait3A_582, %dma_wait3A_583] : memref<2x24x128xi32, #tpu.memory_space<vmem>> -> memref<1x24x128xi32, #tpu.memory_space<vmem>>
      %dma_wait3A_585 = tpu.memref_squeeze %dma_wait3A_584 : memref<1x24x128xi32, #tpu.memory_space<vmem>> -> memref<24x128xi32, #tpu.memory_space<vmem>>
      %dma_wait3A_586 = arith.constant 0 : i32
      %dma_wait3A_587 = tpu.memref_slice %dma_wait3A_585[%add3A_581, %dma_wait3A_586] : memref<24x128xi32, #tpu.memory_space<vmem>> -> memref<1x128xi32, #tpu.memory_space<vmem>>
      %dma_wait3A_588 = tpu.memref_squeeze %dma_wait3A_587 : memref<1x128xi32, #tpu.memory_space<vmem>> -> memref<128xi32, #tpu.memory_space<vmem>>
      %dma_wait3A_589 = arith.constant 0 : i32
      %dma_wait3A_590 = arith.constant 0 : i32
      %dma_wait3A_591 = tpu.memref_slice %arg2[%dma_wait3A_589, %dma_wait3A_590] : memref<10000x128xf32, #tpu.memory_space<hbm>> -> memref<10000x128xf32, #tpu.memory_space<hbm>>
      tpu.wait_indirect_dma semaphore(%arg13 : memref<!tpu.dma_semaphore, #tpu.memory_space<semaphore_mem>>) src(%dma_wait3A_591 : memref<10000x128xf32, #tpu.memory_space<hbm>>) dst(%arg10 : memref<128x128xf32, #tpu.memory_space<vmem>>)
      "tpu.region"() ({
        %run_scoped3A_628 = tpu.sem_alloc : memref<!tpu.dma_semaphore, #tpu.memory_space<semaphore_mem>>
        %dma_start3A_629 = arith.constant 0 : i32
        %dma_start3A_630 = arith.constant 0 : i32
        %dma_start3A_631 = tpu.memref_slice %arg9[%scan3A_397, %dma_start3A_629, %dma_start3A_630] : memref<2x24x128xi32, #tpu.memory_space<vmem>> -> memref<1x24x128xi32, #tpu.memory_space<vmem>>
        %dma_start3A_632 = tpu.memref_squeeze %dma_start3A_631 : memref<1x24x128xi32, #tpu.memory_space<vmem>> -> memref<24x128xi32, #tpu.memory_space<vmem>>
        %dma_start3A_633 = arith.constant 0 : i32
        %dma_start3A_634 = tpu.memref_slice %dma_start3A_632[%add3A_581, %dma_start3A_633] : memref<24x128xi32, #tpu.memory_space<vmem>> -> memref<1x128xi32, #tpu.memory_space<vmem>>
        %dma_start3A_635 = tpu.memref_squeeze %dma_start3A_634 : memref<1x128xi32, #tpu.memory_space<vmem>> -> memref<128xi32, #tpu.memory_space<vmem>>
        %dma_start3A_636 = arith.constant 0 : i32
        %dma_start3A_637 = arith.constant 0 : i32
        %dma_start3A_638 = tpu.memref_slice %arg12[%dma_start3A_636, %dma_start3A_637] : memref<10112x128xf32, #tpu.memory_space<vmem_shared>> -> memref<10112x128xf32, #tpu.memory_space<vmem_shared>>
        tpu.enqueue_indirect_dma source(%arg10 : memref<128x128xf32, #tpu.memory_space<vmem>>) target(%dma_start3A_638 : memref<10112x128xf32, #tpu.memory_space<vmem_shared>>) offsets(%dma_start3A_635 : memref<128xi32, #tpu.memory_space<vmem>>) semaphore(%run_scoped3A_628 : memref<!tpu.dma_semaphore, #tpu.memory_space<semaphore_mem>>) {add = true}
        %dma_wait3A_639 = arith.constant 0 : i32
        %dma_wait3A_640 = arith.constant 0 : i32
        %dma_wait3A_641 = tpu.memref_slice %arg9[%scan3A_397, %dma_wait3A_639, %dma_wait3A_640] : memref<2x24x128xi32, #tpu.memory_space<vmem>> -> memref<1x24x128xi32, #tpu.memory_space<vmem>>
        %dma_wait3A_642 = tpu.memref_squeeze %dma_wait3A_641 : memref<1x24x128xi32, #tpu.memory_space<vmem>> -> memref<24x128xi32, #tpu.memory_space<vmem>>
        %dma_wait3A_643 = arith.constant 0 : i32
        %dma_wait3A_644 = tpu.memref_slice %dma_wait3A_642[%add3A_581, %dma_wait3A_643] : memref<24x128xi32, #tpu.memory_space<vmem>> -> memref<1x128xi32, #tpu.memory_space<vmem>>
        %dma_wait3A_645 = tpu.memref_squeeze %dma_wait3A_644 : memref<1x128xi32, #tpu.memory_space<vmem>> -> memref<128xi32, #tpu.memory_space<vmem>>
        %dma_wait3A_646 = arith.constant 0 : i32
        %dma_wait3A_647 = arith.constant 0 : i32
        %dma_wait3A_648 = tpu.memref_slice %arg12[%dma_wait3A_646, %dma_wait3A_647] : memref<10112x128xf32, #tpu.memory_space<vmem_shared>> -> memref<10112x128xf32, #tpu.memory_space<vmem_shared>>
        tpu.wait_indirect_dma semaphore(%run_scoped3A_628 : memref<!tpu.dma_semaphore, #tpu.memory_space<semaphore_mem>>) src(%arg10 : memref<128x128xf32, #tpu.memory_space<vmem>>) dst(%dma_wait3A_648 : memref<10112x128xf32, #tpu.memory_space<vmem_shared>>)
        tpu.yield
      }) : () -> ()
      %add3A_592 = arith.constant 2 : i32
      %add3A_593 = arith.addi %add3A_581, %add3A_592 : i32
      %dma_start3A_594 = arith.constant 0 : i32
      %dma_start3A_595 = arith.constant 0 : i32
      %dma_start3A_596 = tpu.memref_slice %arg8[%scan3A_396, %dma_start3A_594, %dma_start3A_595] : memref<2x24x128xi32, #tpu.memory_space<vmem>> -> memref<1x24x128xi32, #tpu.memory_space<vmem>>
      %dma_start3A_597 = tpu.memref_squeeze %dma_start3A_596 : memref<1x24x128xi32, #tpu.memory_space<vmem>> -> memref<24x128xi32, #tpu.memory_space<vmem>>
      %dma_start3A_598 = arith.constant 0 : i32
      %dma_start3A_599 = tpu.memref_slice %dma_start3A_597[%add3A_593, %dma_start3A_598] : memref<24x128xi32, #tpu.memory_space<vmem>> -> memref<1x128xi32, #tpu.memory_space<vmem>>
      %dma_start3A_600 = tpu.memref_squeeze %dma_start3A_599 : memref<1x128xi32, #tpu.memory_space<vmem>> -> memref<128xi32, #tpu.memory_space<vmem>>
      %dma_start3A_601 = arith.constant 0 : i32
      %dma_start3A_602 = arith.constant 0 : i32
      %dma_start3A_603 = tpu.memref_slice %arg2[%dma_start3A_601, %dma_start3A_602] : memref<10000x128xf32, #tpu.memory_space<hbm>> -> memref<10000x128xf32, #tpu.memory_space<hbm>>
      tpu.enqueue_indirect_dma source(%dma_start3A_603 : memref<10000x128xf32, #tpu.memory_space<hbm>>) target(%arg10 : memref<128x128xf32, #tpu.memory_space<vmem>>) offsets(%dma_start3A_600 : memref<128xi32, #tpu.memory_space<vmem>>) semaphore(%arg13 : memref<!tpu.dma_semaphore, #tpu.memory_space<semaphore_mem>>)
      %add3A_604 = arith.constant 1 : i32
      %add3A_605 = arith.addi %add3A_579, %add3A_604 : i32
      %dma_wait3A_606 = arith.constant 0 : i32
      %dma_wait3A_607 = arith.constant 0 : i32
      %dma_wait3A_608 = tpu.memref_slice %arg8[%scan3A_396, %dma_wait3A_606, %dma_wait3A_607] : memref<2x24x128xi32, #tpu.memory_space<vmem>> -> memref<1x24x128xi32, #tpu.memory_space<vmem>>
      %dma_wait3A_609 = tpu.memref_squeeze %dma_wait3A_608 : memref<1x24x128xi32, #tpu.memory_space<vmem>> -> memref<24x128xi32, #tpu.memory_space<vmem>>
      %dma_wait3A_610 = arith.constant 0 : i32
      %dma_wait3A_611 = tpu.memref_slice %dma_wait3A_609[%add3A_605, %dma_wait3A_610] : memref<24x128xi32, #tpu.memory_space<vmem>> -> memref<1x128xi32, #tpu.memory_space<vmem>>
      %dma_wait3A_612 = tpu.memref_squeeze %dma_wait3A_611 : memref<1x128xi32, #tpu.memory_space<vmem>> -> memref<128xi32, #tpu.memory_space<vmem>>
      %dma_wait3A_613 = arith.constant 0 : i32
      %dma_wait3A_614 = arith.constant 0 : i32
      %dma_wait3A_615 = tpu.memref_slice %arg2[%dma_wait3A_613, %dma_wait3A_614] : memref<10000x128xf32, #tpu.memory_space<hbm>> -> memref<10000x128xf32, #tpu.memory_space<hbm>>
      tpu.wait_indirect_dma semaphore(%arg14 : memref<!tpu.dma_semaphore, #tpu.memory_space<semaphore_mem>>) src(%dma_wait3A_615 : memref<10000x128xf32, #tpu.memory_space<hbm>>) dst(%arg11 : memref<128x128xf32, #tpu.memory_space<vmem>>)
      "tpu.region"() ({
        %run_scoped3A_628 = tpu.sem_alloc : memref<!tpu.dma_semaphore, #tpu.memory_space<semaphore_mem>>
        %dma_start3A_629 = arith.constant 0 : i32
        %dma_start3A_630 = arith.constant 0 : i32
        %dma_start3A_631 = tpu.memref_slice %arg9[%scan3A_397, %dma_start3A_629, %dma_start3A_630] : memref<2x24x128xi32, #tpu.memory_space<vmem>> -> memref<1x24x128xi32, #tpu.memory_space<vmem>>
        %dma_start3A_632 = tpu.memref_squeeze %dma_start3A_631 : memref<1x24x128xi32, #tpu.memory_space<vmem>> -> memref<24x128xi32, #tpu.memory_space<vmem>>
        %dma_start3A_633 = arith.constant 0 : i32
        %dma_start3A_634 = tpu.memref_slice %dma_start3A_632[%add3A_605, %dma_start3A_633] : memref<24x128xi32, #tpu.memory_space<vmem>> -> memref<1x128xi32, #tpu.memory_space<vmem>>
        %dma_start3A_635 = tpu.memref_squeeze %dma_start3A_634 : memref<1x128xi32, #tpu.memory_space<vmem>> -> memref<128xi32, #tpu.memory_space<vmem>>
        %dma_start3A_636 = arith.constant 0 : i32
        %dma_start3A_637 = arith.constant 0 : i32
        %dma_start3A_638 = tpu.memref_slice %arg12[%dma_start3A_636, %dma_start3A_637] : memref<10112x128xf32, #tpu.memory_space<vmem_shared>> -> memref<10112x128xf32, #tpu.memory_space<vmem_shared>>
        tpu.enqueue_indirect_dma source(%arg11 : memref<128x128xf32, #tpu.memory_space<vmem>>) target(%dma_start3A_638 : memref<10112x128xf32, #tpu.memory_space<vmem_shared>>) offsets(%dma_start3A_635 : memref<128xi32, #tpu.memory_space<vmem>>) semaphore(%run_scoped3A_628 : memref<!tpu.dma_semaphore, #tpu.memory_space<semaphore_mem>>) {add = true}
        %dma_wait3A_639 = arith.constant 0 : i32
        %dma_wait3A_640 = arith.constant 0 : i32
        %dma_wait3A_641 = tpu.memref_slice %arg9[%scan3A_397, %dma_wait3A_639, %dma_wait3A_640] : memref<2x24x128xi32, #tpu.memory_space<vmem>> -> memref<1x24x128xi32, #tpu.memory_space<vmem>>
        %dma_wait3A_642 = tpu.memref_squeeze %dma_wait3A_641 : memref<1x24x128xi32, #tpu.memory_space<vmem>> -> memref<24x128xi32, #tpu.memory_space<vmem>>
        %dma_wait3A_643 = arith.constant 0 : i32
        %dma_wait3A_644 = tpu.memref_slice %dma_wait3A_642[%add3A_605, %dma_wait3A_643] : memref<24x128xi32, #tpu.memory_space<vmem>> -> memref<1x128xi32, #tpu.memory_space<vmem>>
        %dma_wait3A_645 = tpu.memref_squeeze %dma_wait3A_644 : memref<1x128xi32, #tpu.memory_space<vmem>> -> memref<128xi32, #tpu.memory_space<vmem>>
        %dma_wait3A_646 = arith.constant 0 : i32
        %dma_wait3A_647 = arith.constant 0 : i32
        %dma_wait3A_648 = tpu.memref_slice %arg12[%dma_wait3A_646, %dma_wait3A_647] : memref<10112x128xf32, #tpu.memory_space<vmem_shared>> -> memref<10112x128xf32, #tpu.memory_space<vmem_shared>>
        tpu.wait_indirect_dma semaphore(%run_scoped3A_628 : memref<!tpu.dma_semaphore, #tpu.memory_space<semaphore_mem>>) src(%arg11 : memref<128x128xf32, #tpu.memory_space<vmem>>) dst(%dma_wait3A_648 : memref<10112x128xf32, #tpu.memory_space<vmem_shared>>)
        tpu.yield
      }) : () -> ()
      %add3A_616 = arith.constant 2 : i32
      %add3A_617 = arith.addi %add3A_605, %add3A_616 : i32
      %dma_start3A_618 = arith.constant 0 : i32
      %dma_start3A_619 = arith.constant 0 : i32
      %dma_start3A_620 = tpu.memref_slice %arg8[%scan3A_396, %dma_start3A_618, %dma_start3A_619] : memref<2x24x128xi32, #tpu.memory_space<vmem>> -> memref<1x24x128xi32, #tpu.memory_space<vmem>>
      %dma_start3A_621 = tpu.memref_squeeze %dma_start3A_620 : memref<1x24x128xi32, #tpu.memory_space<vmem>> -> memref<24x128xi32, #tpu.memory_space<vmem>>
      %dma_start3A_622 = arith.constant 0 : i32
      %dma_start3A_623 = tpu.memref_slice %dma_start3A_621[%add3A_617, %dma_start3A_622] : memref<24x128xi32, #tpu.memory_space<vmem>> -> memref<1x128xi32, #tpu.memory_space<vmem>>
      %dma_start3A_624 = tpu.memref_squeeze %dma_start3A_623 : memref<1x128xi32, #tpu.memory_space<vmem>> -> memref<128xi32, #tpu.memory_space<vmem>>
      %dma_start3A_625 = arith.constant 0 : i32
      %dma_start3A_626 = arith.constant 0 : i32
      %dma_start3A_627 = tpu.memref_slice %arg2[%dma_start3A_625, %dma_start3A_626] : memref<10000x128xf32, #tpu.memory_space<hbm>> -> memref<10000x128xf32, #tpu.memory_space<hbm>>
      tpu.enqueue_indirect_dma source(%dma_start3A_627 : memref<10000x128xf32, #tpu.memory_space<hbm>>) target(%arg11 : memref<128x128xf32, #tpu.memory_space<vmem>>) offsets(%dma_start3A_624 : memref<128xi32, #tpu.memory_space<vmem>>) semaphore(%arg14 : memref<!tpu.dma_semaphore, #tpu.memory_space<semaphore_mem>>)
    }
    %scan3A_402 = arith.constant 11 : i32
    %dma_wait3A_403 = arith.constant 0 : i32
    %dma_wait3A_404 = arith.constant 22 : i32
    %dma_wait3A_405 = arith.constant 0 : i32
    %dma_wait3A_406 = arith.constant 0 : i32
    %dma_wait3A_407 = tpu.memref_slice %arg8[%dma_wait3A_403, %dma_wait3A_405, %dma_wait3A_406] : memref<2x24x128xi32, #tpu.memory_space<vmem>> -> memref<1x24x128xi32, #tpu.memory_space<vmem>>
    %dma_wait3A_408 = tpu.memref_squeeze %dma_wait3A_407 : memref<1x24x128xi32, #tpu.memory_space<vmem>> -> memref<24x128xi32, #tpu.memory_space<vmem>>
    %dma_wait3A_409 = arith.constant 0 : i32
    %dma_wait3A_410 = tpu.memref_slice %dma_wait3A_408[%dma_wait3A_404, %dma_wait3A_409] : memref<24x128xi32, #tpu.memory_space<vmem>> -> memref<1x128xi32, #tpu.memory_space<vmem>>
    %dma_wait3A_411 = tpu.memref_squeeze %dma_wait3A_410 : memref<1x128xi32, #tpu.memory_space<vmem>> -> memref<128xi32, #tpu.memory_space<vmem>>
    %dma_wait3A_412 = arith.constant 0 : i32
    %dma_wait3A_413 = arith.constant 0 : i32
    %dma_wait3A_414 = tpu.memref_slice %arg2[%dma_wait3A_412, %dma_wait3A_413] : memref<10000x128xf32, #tpu.memory_space<hbm>> -> memref<10000x128xf32, #tpu.memory_space<hbm>>
    tpu.wait_indirect_dma semaphore(%arg13 : memref<!tpu.dma_semaphore, #tpu.memory_space<semaphore_mem>>) src(%dma_wait3A_414 : memref<10000x128xf32, #tpu.memory_space<hbm>>) dst(%arg10 : memref<128x128xf32, #tpu.memory_space<vmem>>)
    %run_scoped3A_415 = arith.constant 0 : i32
    %run_scoped3A_416 = arith.constant 22 : i32
    "tpu.region"() ({
      %run_scoped3A_575 = tpu.sem_alloc : memref<!tpu.dma_semaphore, #tpu.memory_space<semaphore_mem>>
      %dma_start3A_576 = arith.constant 0 : i32
      %dma_start3A_577 = arith.constant 0 : i32
      %dma_start3A_578 = tpu.memref_slice %arg9[%run_scoped3A_415, %dma_start3A_576, %dma_start3A_577] : memref<2x24x128xi32, #tpu.memory_space<vmem>> -> memref<1x24x128xi32, #tpu.memory_space<vmem>>
      %dma_start3A_579 = tpu.memref_squeeze %dma_start3A_578 : memref<1x24x128xi32, #tpu.memory_space<vmem>> -> memref<24x128xi32, #tpu.memory_space<vmem>>
      %dma_start3A_580 = arith.constant 0 : i32
      %dma_start3A_581 = tpu.memref_slice %dma_start3A_579[%run_scoped3A_416, %dma_start3A_580] : memref<24x128xi32, #tpu.memory_space<vmem>> -> memref<1x128xi32, #tpu.memory_space<vmem>>
      %dma_start3A_582 = tpu.memref_squeeze %dma_start3A_581 : memref<1x128xi32, #tpu.memory_space<vmem>> -> memref<128xi32, #tpu.memory_space<vmem>>
      %dma_start3A_583 = arith.constant 0 : i32
      %dma_start3A_584 = arith.constant 0 : i32
      %dma_start3A_585 = tpu.memref_slice %arg12[%dma_start3A_583, %dma_start3A_584] : memref<10112x128xf32, #tpu.memory_space<vmem_shared>> -> memref<10112x128xf32, #tpu.memory_space<vmem_shared>>
      tpu.enqueue_indirect_dma source(%arg10 : memref<128x128xf32, #tpu.memory_space<vmem>>) target(%dma_start3A_585 : memref<10112x128xf32, #tpu.memory_space<vmem_shared>>) offsets(%dma_start3A_582 : memref<128xi32, #tpu.memory_space<vmem>>) semaphore(%run_scoped3A_575 : memref<!tpu.dma_semaphore, #tpu.memory_space<semaphore_mem>>) {add = true}
      %dma_wait3A_586 = arith.constant 0 : i32
      %dma_wait3A_587 = arith.constant 0 : i32
      %dma_wait3A_588 = tpu.memref_slice %arg9[%run_scoped3A_415, %dma_wait3A_586, %dma_wait3A_587] : memref<2x24x128xi32, #tpu.memory_space<vmem>> -> memref<1x24x128xi32, #tpu.memory_space<vmem>>
      %dma_wait3A_589 = tpu.memref_squeeze %dma_wait3A_588 : memref<1x24x128xi32, #tpu.memory_space<vmem>> -> memref<24x128xi32, #tpu.memory_space<vmem>>
      %dma_wait3A_590 = arith.constant 0 : i32
      %dma_wait3A_591 = tpu.memref_slice %dma_wait3A_589[%run_scoped3A_416, %dma_wait3A_590] : memref<24x128xi32, #tpu.memory_space<vmem>> -> memref<1x128xi32, #tpu.memory_space<vmem>>
      %dma_wait3A_592 = tpu.memref_squeeze %dma_wait3A_591 : memref<1x128xi32, #tpu.memory_space<vmem>> -> memref<128xi32, #tpu.memory_space<vmem>>
      %dma_wait3A_593 = arith.constant 0 : i32
      %dma_wait3A_594 = arith.constant 0 : i32
      %dma_wait3A_595 = tpu.memref_slice %arg12[%dma_wait3A_593, %dma_wait3A_594] : memref<10112x128xf32, #tpu.memory_space<vmem_shared>> -> memref<10112x128xf32, #tpu.memory_space<vmem_shared>>
      tpu.wait_indirect_dma semaphore(%run_scoped3A_575 : memref<!tpu.dma_semaphore, #tpu.memory_space<semaphore_mem>>) src(%arg10 : memref<128x128xf32, #tpu.memory_space<vmem>>) dst(%dma_wait3A_595 : memref<10112x128xf32, #tpu.memory_space<vmem_shared>>)
      tpu.yield
    }) : () -> ()
    %dma_wait3A_417 = arith.constant 0 : i32
    %dma_wait3A_418 = arith.constant 23 : i32
    %dma_wait3A_419 = arith.constant 0 : i32
    %dma_wait3A_420 = arith.constant 0 : i32
    %dma_wait3A_421 = tpu.memref_slice %arg8[%dma_wait3A_417, %dma_wait3A_419, %dma_wait3A_420] : memref<2x24x128xi32, #tpu.memory_space<vmem>> -> memref<1x24x128xi32, #tpu.memory_space<vmem>>
    %dma_wait3A_422 = tpu.memref_squeeze %dma_wait3A_421 : memref<1x24x128xi32, #tpu.memory_space<vmem>> -> memref<24x128xi32, #tpu.memory_space<vmem>>
    %dma_wait3A_423 = arith.constant 0 : i32
    %dma_wait3A_424 = tpu.memref_slice %dma_wait3A_422[%dma_wait3A_418, %dma_wait3A_423] : memref<24x128xi32, #tpu.memory_space<vmem>> -> memref<1x128xi32, #tpu.memory_space<vmem>>
    %dma_wait3A_425 = tpu.memref_squeeze %dma_wait3A_424 : memref<1x128xi32, #tpu.memory_space<vmem>> -> memref<128xi32, #tpu.memory_space<vmem>>
    %dma_wait3A_426 = arith.constant 0 : i32
    %dma_wait3A_427 = arith.constant 0 : i32
    %dma_wait3A_428 = tpu.memref_slice %arg2[%dma_wait3A_426, %dma_wait3A_427] : memref<10000x128xf32, #tpu.memory_space<hbm>> -> memref<10000x128xf32, #tpu.memory_space<hbm>>
    tpu.wait_indirect_dma semaphore(%arg14 : memref<!tpu.dma_semaphore, #tpu.memory_space<semaphore_mem>>) src(%dma_wait3A_428 : memref<10000x128xf32, #tpu.memory_space<hbm>>) dst(%arg11 : memref<128x128xf32, #tpu.memory_space<vmem>>)
    %run_scoped3A_429 = arith.constant 0 : i32
    %run_scoped3A_430 = arith.constant 23 : i32
    "tpu.region"() ({
      %run_scoped3A_575 = tpu.sem_alloc : memref<!tpu.dma_semaphore, #tpu.memory_space<semaphore_mem>>
      %dma_start3A_576 = arith.constant 0 : i32
      %dma_start3A_577 = arith.constant 0 : i32
      %dma_start3A_578 = tpu.memref_slice %arg9[%run_scoped3A_429, %dma_start3A_576, %dma_start3A_577] : memref<2x24x128xi32, #tpu.memory_space<vmem>> -> memref<1x24x128xi32, #tpu.memory_space<vmem>>
      %dma_start3A_579 = tpu.memref_squeeze %dma_start3A_578 : memref<1x24x128xi32, #tpu.memory_space<vmem>> -> memref<24x128xi32, #tpu.memory_space<vmem>>
      %dma_start3A_580 = arith.constant 0 : i32
      %dma_start3A_581 = tpu.memref_slice %dma_start3A_579[%run_scoped3A_430, %dma_start3A_580] : memref<24x128xi32, #tpu.memory_space<vmem>> -> memref<1x128xi32, #tpu.memory_space<vmem>>
      %dma_start3A_582 = tpu.memref_squeeze %dma_start3A_581 : memref<1x128xi32, #tpu.memory_space<vmem>> -> memref<128xi32, #tpu.memory_space<vmem>>
      %dma_start3A_583 = arith.constant 0 : i32
      %dma_start3A_584 = arith.constant 0 : i32
      %dma_start3A_585 = tpu.memref_slice %arg12[%dma_start3A_583, %dma_start3A_584] : memref<10112x128xf32, #tpu.memory_space<vmem_shared>> -> memref<10112x128xf32, #tpu.memory_space<vmem_shared>>
      tpu.enqueue_indirect_dma source(%arg11 : memref<128x128xf32, #tpu.memory_space<vmem>>) target(%dma_start3A_585 : memref<10112x128xf32, #tpu.memory_space<vmem_shared>>) offsets(%dma_start3A_582 : memref<128xi32, #tpu.memory_space<vmem>>) semaphore(%run_scoped3A_575 : memref<!tpu.dma_semaphore, #tpu.memory_space<semaphore_mem>>) {add = true}
      %dma_wait3A_586 = arith.constant 0 : i32
      %dma_wait3A_587 = arith.constant 0 : i32
      %dma_wait3A_588 = tpu.memref_slice %arg9[%run_scoped3A_429, %dma_wait3A_586, %dma_wait3A_587] : memref<2x24x128xi32, #tpu.memory_space<vmem>> -> memref<1x24x128xi32, #tpu.memory_space<vmem>>
      %dma_wait3A_589 = tpu.memref_squeeze %dma_wait3A_588 : memref<1x24x128xi32, #tpu.memory_space<vmem>> -> memref<24x128xi32, #tpu.memory_space<vmem>>
      %dma_wait3A_590 = arith.constant 0 : i32
      %dma_wait3A_591 = tpu.memref_slice %dma_wait3A_589[%run_scoped3A_430, %dma_wait3A_590] : memref<24x128xi32, #tpu.memory_space<vmem>> -> memref<1x128xi32, #tpu.memory_space<vmem>>
      %dma_wait3A_592 = tpu.memref_squeeze %dma_wait3A_591 : memref<1x128xi32, #tpu.memory_space<vmem>> -> memref<128xi32, #tpu.memory_space<vmem>>
      %dma_wait3A_593 = arith.constant 0 : i32
      %dma_wait3A_594 = arith.constant 0 : i32
      %dma_wait3A_595 = tpu.memref_slice %arg12[%dma_wait3A_593, %dma_wait3A_594] : memref<10112x128xf32, #tpu.memory_space<vmem_shared>> -> memref<10112x128xf32, #tpu.memory_space<vmem_shared>>
      tpu.wait_indirect_dma semaphore(%run_scoped3A_575 : memref<!tpu.dma_semaphore, #tpu.memory_space<semaphore_mem>>) src(%arg11 : memref<128x128xf32, #tpu.memory_space<vmem>>) dst(%dma_wait3A_595 : memref<10112x128xf32, #tpu.memory_space<vmem_shared>>)
      tpu.yield
    }) : () -> ()
    %mul3A_431 = arith.constant 8 : i32
    %mul3A_432 = arith.muli %add3A_14, %mul3A_431 : i32
    %add3A_433 = arith.constant 0 : i32
    %add3A_434 = arith.addi %mul3A_432, %add3A_433 : i32
    %dma_start3A_435 = arith.constant 0 : i32
    %dma_start3A_436 = arith.constant 0 : i32
    %dma_start3A_437 = arith.constant 0 : i32
    %dma_start3A_438 = tpu.memref_slice %arg8[%dma_start3A_435, %dma_start3A_436, %dma_start3A_437] : memref<2x24x128xi32, #tpu.memory_space<vmem>> -> memref<1x24x128xi32, #tpu.memory_space<vmem>>
    %dma_start3A_439 = tpu.memref_squeeze %dma_start3A_438 : memref<1x24x128xi32, #tpu.memory_space<vmem>> -> memref<24x128xi32, #tpu.memory_space<vmem>>
    %dma_start3A_440 = arith.constant 0 : i32
    %dma_start3A_441 = arith.constant 0 : i32
    %dma_start3A_442 = tpu.memref_slice %dma_start3A_439[%dma_start3A_440, %dma_start3A_441] : memref<24x128xi32, #tpu.memory_space<vmem>> -> memref<8x128xi32, #tpu.memory_space<vmem>>
    %dma_start3A_443 = arith.constant 0 : i32
    %dma_start3A_444 = tpu.memref_slice %arg5[%add3A_434, %dma_start3A_443] : memref<256x128xi32, #tpu.memory_space<hbm>> -> memref<8x128xi32, #tpu.memory_space<hbm>>
    %dma_start3A_445 = arith.constant 0 : i32
    %dma_start3A_446 = arith.constant 0 : i32
    %dma_start3A_447 = tpu.memref_slice %arg8[%dma_start3A_435, %dma_start3A_445, %dma_start3A_446] : memref<2x24x128xi32, #tpu.memory_space<vmem>> -> memref<1x24x128xi32, #tpu.memory_space<vmem>>
    %dma_start3A_448 = tpu.memref_squeeze %dma_start3A_447 : memref<1x24x128xi32, #tpu.memory_space<vmem>> -> memref<24x128xi32, #tpu.memory_space<vmem>>
    %dma_start3A_449 = arith.constant 0 : i32
    %dma_start3A_450 = arith.constant 0 : i32
    %dma_start3A_451 = tpu.memref_slice %dma_start3A_448[%dma_start3A_449, %dma_start3A_450] : memref<24x128xi32, #tpu.memory_space<vmem>> -> memref<8x128xi32, #tpu.memory_space<vmem>>
    %dma_start3A_452 = arith.constant 0 : i32
    %dma_start3A_453 = tpu.memref_slice %arg5[%add3A_434, %dma_start3A_452] : memref<256x128xi32, #tpu.memory_space<hbm>> -> memref<8x128xi32, #tpu.memory_space<hbm>>
    tpu.enqueue_dma source(%dma_start3A_453 : memref<8x128xi32, #tpu.memory_space<hbm>>) target(%dma_start3A_451 : memref<8x128xi32, #tpu.memory_space<vmem>>) target_semaphore(%arg15 : memref<!tpu.dma_semaphore, #tpu.memory_space<semaphore_mem>>)
    %dma_start3A_454 = arith.constant 0 : i32
    %dma_start3A_455 = arith.constant 0 : i32
    %dma_start3A_456 = arith.constant 0 : i32
    %dma_start3A_457 = tpu.memref_slice %arg9[%dma_start3A_454, %dma_start3A_455, %dma_start3A_456] : memref<2x24x128xi32, #tpu.memory_space<vmem>> -> memref<1x24x128xi32, #tpu.memory_space<vmem>>
    %dma_start3A_458 = tpu.memref_squeeze %dma_start3A_457 : memref<1x24x128xi32, #tpu.memory_space<vmem>> -> memref<24x128xi32, #tpu.memory_space<vmem>>
    %dma_start3A_459 = arith.constant 0 : i32
    %dma_start3A_460 = arith.constant 0 : i32
    %dma_start3A_461 = tpu.memref_slice %dma_start3A_458[%dma_start3A_459, %dma_start3A_460] : memref<24x128xi32, #tpu.memory_space<vmem>> -> memref<8x128xi32, #tpu.memory_space<vmem>>
    %dma_start3A_462 = arith.constant 0 : i32
    %dma_start3A_463 = tpu.memref_slice %arg6[%add3A_434, %dma_start3A_462] : memref<256x128xi32, #tpu.memory_space<hbm>> -> memref<8x128xi32, #tpu.memory_space<hbm>>
    %dma_start3A_464 = arith.constant 0 : i32
    %dma_start3A_465 = arith.constant 0 : i32
    %dma_start3A_466 = tpu.memref_slice %arg9[%dma_start3A_454, %dma_start3A_464, %dma_start3A_465] : memref<2x24x128xi32, #tpu.memory_space<vmem>> -> memref<1x24x128xi32, #tpu.memory_space<vmem>>
    %dma_start3A_467 = tpu.memref_squeeze %dma_start3A_466 : memref<1x24x128xi32, #tpu.memory_space<vmem>> -> memref<24x128xi32, #tpu.memory_space<vmem>>
    %dma_start3A_468 = arith.constant 0 : i32
    %dma_start3A_469 = arith.constant 0 : i32
    %dma_start3A_470 = tpu.memref_slice %dma_start3A_467[%dma_start3A_468, %dma_start3A_469] : memref<24x128xi32, #tpu.memory_space<vmem>> -> memref<8x128xi32, #tpu.memory_space<vmem>>
    %dma_start3A_471 = arith.constant 0 : i32
    %dma_start3A_472 = tpu.memref_slice %arg6[%add3A_434, %dma_start3A_471] : memref<256x128xi32, #tpu.memory_space<hbm>> -> memref<8x128xi32, #tpu.memory_space<hbm>>
    tpu.enqueue_dma source(%dma_start3A_472 : memref<8x128xi32, #tpu.memory_space<hbm>>) target(%dma_start3A_470 : memref<8x128xi32, #tpu.memory_space<vmem>>) target_semaphore(%arg16 : memref<!tpu.dma_semaphore, #tpu.memory_space<semaphore_mem>>)
    %add3A_473 = arith.constant 0 : i32
    %add3A_474 = arith.addi %mul3A_432, %add3A_473 : i32
    %dma_wait3A_475 = arith.constant 0 : i32
    %dma_wait3A_476 = arith.constant 0 : i32
    %dma_wait3A_477 = arith.constant 0 : i32
    %dma_wait3A_478 = tpu.memref_slice %arg8[%dma_wait3A_475, %dma_wait3A_476, %dma_wait3A_477] : memref<2x24x128xi32, #tpu.memory_space<vmem>> -> memref<1x24x128xi32, #tpu.memory_space<vmem>>
    %dma_wait3A_479 = tpu.memref_squeeze %dma_wait3A_478 : memref<1x24x128xi32, #tpu.memory_space<vmem>> -> memref<24x128xi32, #tpu.memory_space<vmem>>
    %dma_wait3A_480 = arith.constant 0 : i32
    %dma_wait3A_481 = arith.constant 0 : i32
    %dma_wait3A_482 = tpu.memref_slice %dma_wait3A_479[%dma_wait3A_480, %dma_wait3A_481] : memref<24x128xi32, #tpu.memory_space<vmem>> -> memref<8x128xi32, #tpu.memory_space<vmem>>
    %dma_wait3A_483 = arith.constant 0 : i32
    %dma_wait3A_484 = tpu.memref_slice %arg5[%add3A_474, %dma_wait3A_483] : memref<256x128xi32, #tpu.memory_space<hbm>> -> memref<8x128xi32, #tpu.memory_space<hbm>>
    %dma_wait3A_485 = arith.constant 0 : i32
    %dma_wait3A_486 = arith.constant 0 : i32
    %dma_wait3A_487 = tpu.memref_slice %arg8[%dma_wait3A_475, %dma_wait3A_485, %dma_wait3A_486] : memref<2x24x128xi32, #tpu.memory_space<vmem>> -> memref<1x24x128xi32, #tpu.memory_space<vmem>>
    %dma_wait3A_488 = tpu.memref_squeeze %dma_wait3A_487 : memref<1x24x128xi32, #tpu.memory_space<vmem>> -> memref<24x128xi32, #tpu.memory_space<vmem>>
    %dma_wait3A_489 = arith.constant 0 : i32
    %dma_wait3A_490 = arith.constant 0 : i32
    %dma_wait3A_491 = tpu.memref_slice %dma_wait3A_488[%dma_wait3A_489, %dma_wait3A_490] : memref<24x128xi32, #tpu.memory_space<vmem>> -> memref<8x128xi32, #tpu.memory_space<vmem>>
    %dma_wait3A_492 = arith.constant 0 : i32
    %dma_wait3A_493 = tpu.memref_slice %arg5[%add3A_474, %dma_wait3A_492] : memref<256x128xi32, #tpu.memory_space<hbm>> -> memref<8x128xi32, #tpu.memory_space<hbm>>
    tpu.wait_dma2 semaphore(%arg15 : memref<!tpu.dma_semaphore, #tpu.memory_space<semaphore_mem>>) src(%dma_wait3A_493 : memref<8x128xi32, #tpu.memory_space<hbm>>) dst(%dma_wait3A_491 : memref<8x128xi32, #tpu.memory_space<vmem>>)
    %dma_wait3A_494 = arith.constant 0 : i32
    %dma_wait3A_495 = arith.constant 0 : i32
    %dma_wait3A_496 = arith.constant 0 : i32
    %dma_wait3A_497 = tpu.memref_slice %arg9[%dma_wait3A_494, %dma_wait3A_495, %dma_wait3A_496] : memref<2x24x128xi32, #tpu.memory_space<vmem>> -> memref<1x24x128xi32, #tpu.memory_space<vmem>>
    %dma_wait3A_498 = tpu.memref_squeeze %dma_wait3A_497 : memref<1x24x128xi32, #tpu.memory_space<vmem>> -> memref<24x128xi32, #tpu.memory_space<vmem>>
    %dma_wait3A_499 = arith.constant 0 : i32
    %dma_wait3A_500 = arith.constant 0 : i32
    %dma_wait3A_501 = tpu.memref_slice %dma_wait3A_498[%dma_wait3A_499, %dma_wait3A_500] : memref<24x128xi32, #tpu.memory_space<vmem>> -> memref<8x128xi32, #tpu.memory_space<vmem>>
    %dma_wait3A_502 = arith.constant 0 : i32
    %dma_wait3A_503 = tpu.memref_slice %arg6[%add3A_474, %dma_wait3A_502] : memref<256x128xi32, #tpu.memory_space<hbm>> -> memref<8x128xi32, #tpu.memory_space<hbm>>
    %dma_wait3A_504 = arith.constant 0 : i32
    %dma_wait3A_505 = arith.constant 0 : i32
    %dma_wait3A_506 = tpu.memref_slice %arg9[%dma_wait3A_494, %dma_wait3A_504, %dma_wait3A_505] : memref<2x24x128xi32, #tpu.memory_space<vmem>> -> memref<1x24x128xi32, #tpu.memory_space<vmem>>
    %dma_wait3A_507 = tpu.memref_squeeze %dma_wait3A_506 : memref<1x24x128xi32, #tpu.memory_space<vmem>> -> memref<24x128xi32, #tpu.memory_space<vmem>>
    %dma_wait3A_508 = arith.constant 0 : i32
    %dma_wait3A_509 = arith.constant 0 : i32
    %dma_wait3A_510 = tpu.memref_slice %dma_wait3A_507[%dma_wait3A_508, %dma_wait3A_509] : memref<24x128xi32, #tpu.memory_space<vmem>> -> memref<8x128xi32, #tpu.memory_space<vmem>>
    %dma_wait3A_511 = arith.constant 0 : i32
    %dma_wait3A_512 = tpu.memref_slice %arg6[%add3A_474, %dma_wait3A_511] : memref<256x128xi32, #tpu.memory_space<hbm>> -> memref<8x128xi32, #tpu.memory_space<hbm>>
    tpu.wait_dma2 semaphore(%arg16 : memref<!tpu.dma_semaphore, #tpu.memory_space<semaphore_mem>>) src(%dma_wait3A_512 : memref<8x128xi32, #tpu.memory_space<hbm>>) dst(%dma_wait3A_510 : memref<8x128xi32, #tpu.memory_space<vmem>>)
    %dma_start3A_513 = arith.constant 0 : i32
    %dma_start3A_514 = arith.constant 0 : i32
    %dma_start3A_515 = arith.constant 0 : i32
    %dma_start3A_516 = arith.constant 0 : i32
    %dma_start3A_517 = tpu.memref_slice %arg8[%dma_start3A_513, %dma_start3A_515, %dma_start3A_516] : memref<2x24x128xi32, #tpu.memory_space<vmem>> -> memref<1x24x128xi32, #tpu.memory_space<vmem>>
    %dma_start3A_518 = tpu.memref_squeeze %dma_start3A_517 : memref<1x24x128xi32, #tpu.memory_space<vmem>> -> memref<24x128xi32, #tpu.memory_space<vmem>>
    %dma_start3A_519 = arith.constant 0 : i32
    %dma_start3A_520 = tpu.memref_slice %dma_start3A_518[%dma_start3A_514, %dma_start3A_519] : memref<24x128xi32, #tpu.memory_space<vmem>> -> memref<1x128xi32, #tpu.memory_space<vmem>>
    %dma_start3A_521 = tpu.memref_squeeze %dma_start3A_520 : memref<1x128xi32, #tpu.memory_space<vmem>> -> memref<128xi32, #tpu.memory_space<vmem>>
    %dma_start3A_522 = arith.constant 0 : i32
    %dma_start3A_523 = arith.constant 0 : i32
    %dma_start3A_524 = tpu.memref_slice %arg2[%dma_start3A_522, %dma_start3A_523] : memref<10000x128xf32, #tpu.memory_space<hbm>> -> memref<10000x128xf32, #tpu.memory_space<hbm>>
    tpu.enqueue_indirect_dma source(%dma_start3A_524 : memref<10000x128xf32, #tpu.memory_space<hbm>>) target(%arg10 : memref<128x128xf32, #tpu.memory_space<vmem>>) offsets(%dma_start3A_521 : memref<128xi32, #tpu.memory_space<vmem>>) semaphore(%arg13 : memref<!tpu.dma_semaphore, #tpu.memory_space<semaphore_mem>>)
    %dma_start3A_525 = arith.constant 0 : i32
    %dma_start3A_526 = arith.constant 1 : i32
    %dma_start3A_527 = arith.constant 0 : i32
    %dma_start3A_528 = arith.constant 0 : i32
    %dma_start3A_529 = tpu.memref_slice %arg8[%dma_start3A_525, %dma_start3A_527, %dma_start3A_528] : memref<2x24x128xi32, #tpu.memory_space<vmem>> -> memref<1x24x128xi32, #tpu.memory_space<vmem>>
    %dma_start3A_530 = tpu.memref_squeeze %dma_start3A_529 : memref<1x24x128xi32, #tpu.memory_space<vmem>> -> memref<24x128xi32, #tpu.memory_space<vmem>>
    %dma_start3A_531 = arith.constant 0 : i32
    %dma_start3A_532 = tpu.memref_slice %dma_start3A_530[%dma_start3A_526, %dma_start3A_531] : memref<24x128xi32, #tpu.memory_space<vmem>> -> memref<1x128xi32, #tpu.memory_space<vmem>>
    %dma_start3A_533 = tpu.memref_squeeze %dma_start3A_532 : memref<1x128xi32, #tpu.memory_space<vmem>> -> memref<128xi32, #tpu.memory_space<vmem>>
    %dma_start3A_534 = arith.constant 0 : i32
    %dma_start3A_535 = arith.constant 0 : i32
    %dma_start3A_536 = tpu.memref_slice %arg2[%dma_start3A_534, %dma_start3A_535] : memref<10000x128xf32, #tpu.memory_space<hbm>> -> memref<10000x128xf32, #tpu.memory_space<hbm>>
    tpu.enqueue_indirect_dma source(%dma_start3A_536 : memref<10000x128xf32, #tpu.memory_space<hbm>>) target(%arg11 : memref<128x128xf32, #tpu.memory_space<vmem>>) offsets(%dma_start3A_533 : memref<128xi32, #tpu.memory_space<vmem>>) semaphore(%arg14 : memref<!tpu.dma_semaphore, #tpu.memory_space<semaphore_mem>>)
    %scan3A_537 = arith.constant 0 : i32
    %scan3A_538 = arith.constant 0 : i32
    %scan3A_539 = arith.constant 0 : i32
    %scan3A_540 = arith.constant 3 : i32
    %scan3A_541 = arith.addi %scan3A_539, %scan3A_540 : i32
    %scan3A_542 = arith.constant 1 : i32
    scf.for %scan3A_575 = %scan3A_539 to %scan3A_541 step %scan3A_542  : i32 {
      %mul3A_576 = arith.constant 2 : i32
      %mul3A_577 = arith.muli %scan3A_575, %mul3A_576 : i32
      %add3A_578 = arith.constant 0 : i32
      %add3A_579 = arith.addi %add3A_578, %mul3A_577 : i32
      %add3A_580 = arith.constant 0 : i32
      %add3A_581 = arith.addi %add3A_579, %add3A_580 : i32
      %dma_wait3A_582 = arith.constant 0 : i32
      %dma_wait3A_583 = arith.constant 0 : i32
      %dma_wait3A_584 = tpu.memref_slice %arg8[%scan3A_537, %dma_wait3A_582, %dma_wait3A_583] : memref<2x24x128xi32, #tpu.memory_space<vmem>> -> memref<1x24x128xi32, #tpu.memory_space<vmem>>
      %dma_wait3A_585 = tpu.memref_squeeze %dma_wait3A_584 : memref<1x24x128xi32, #tpu.memory_space<vmem>> -> memref<24x128xi32, #tpu.memory_space<vmem>>
      %dma_wait3A_586 = arith.constant 0 : i32
      %dma_wait3A_587 = tpu.memref_slice %dma_wait3A_585[%add3A_581, %dma_wait3A_586] : memref<24x128xi32, #tpu.memory_space<vmem>> -> memref<1x128xi32, #tpu.memory_space<vmem>>
      %dma_wait3A_588 = tpu.memref_squeeze %dma_wait3A_587 : memref<1x128xi32, #tpu.memory_space<vmem>> -> memref<128xi32, #tpu.memory_space<vmem>>
      %dma_wait3A_589 = arith.constant 0 : i32
      %dma_wait3A_590 = arith.constant 0 : i32
      %dma_wait3A_591 = tpu.memref_slice %arg2[%dma_wait3A_589, %dma_wait3A_590] : memref<10000x128xf32, #tpu.memory_space<hbm>> -> memref<10000x128xf32, #tpu.memory_space<hbm>>
      tpu.wait_indirect_dma semaphore(%arg13 : memref<!tpu.dma_semaphore, #tpu.memory_space<semaphore_mem>>) src(%dma_wait3A_591 : memref<10000x128xf32, #tpu.memory_space<hbm>>) dst(%arg10 : memref<128x128xf32, #tpu.memory_space<vmem>>)
      "tpu.region"() ({
        %run_scoped3A_628 = tpu.sem_alloc : memref<!tpu.dma_semaphore, #tpu.memory_space<semaphore_mem>>
        %dma_start3A_629 = arith.constant 0 : i32
        %dma_start3A_630 = arith.constant 0 : i32
        %dma_start3A_631 = tpu.memref_slice %arg9[%scan3A_538, %dma_start3A_629, %dma_start3A_630] : memref<2x24x128xi32, #tpu.memory_space<vmem>> -> memref<1x24x128xi32, #tpu.memory_space<vmem>>
        %dma_start3A_632 = tpu.memref_squeeze %dma_start3A_631 : memref<1x24x128xi32, #tpu.memory_space<vmem>> -> memref<24x128xi32, #tpu.memory_space<vmem>>
        %dma_start3A_633 = arith.constant 0 : i32
        %dma_start3A_634 = tpu.memref_slice %dma_start3A_632[%add3A_581, %dma_start3A_633] : memref<24x128xi32, #tpu.memory_space<vmem>> -> memref<1x128xi32, #tpu.memory_space<vmem>>
        %dma_start3A_635 = tpu.memref_squeeze %dma_start3A_634 : memref<1x128xi32, #tpu.memory_space<vmem>> -> memref<128xi32, #tpu.memory_space<vmem>>
        %dma_start3A_636 = arith.constant 0 : i32
        %dma_start3A_637 = arith.constant 0 : i32
        %dma_start3A_638 = tpu.memref_slice %arg12[%dma_start3A_636, %dma_start3A_637] : memref<10112x128xf32, #tpu.memory_space<vmem_shared>> -> memref<10112x128xf32, #tpu.memory_space<vmem_shared>>
        tpu.enqueue_indirect_dma source(%arg10 : memref<128x128xf32, #tpu.memory_space<vmem>>) target(%dma_start3A_638 : memref<10112x128xf32, #tpu.memory_space<vmem_shared>>) offsets(%dma_start3A_635 : memref<128xi32, #tpu.memory_space<vmem>>) semaphore(%run_scoped3A_628 : memref<!tpu.dma_semaphore, #tpu.memory_space<semaphore_mem>>) {add = true}
        %dma_wait3A_639 = arith.constant 0 : i32
        %dma_wait3A_640 = arith.constant 0 : i32
        %dma_wait3A_641 = tpu.memref_slice %arg9[%scan3A_538, %dma_wait3A_639, %dma_wait3A_640] : memref<2x24x128xi32, #tpu.memory_space<vmem>> -> memref<1x24x128xi32, #tpu.memory_space<vmem>>
        %dma_wait3A_642 = tpu.memref_squeeze %dma_wait3A_641 : memref<1x24x128xi32, #tpu.memory_space<vmem>> -> memref<24x128xi32, #tpu.memory_space<vmem>>
        %dma_wait3A_643 = arith.constant 0 : i32
        %dma_wait3A_644 = tpu.memref_slice %dma_wait3A_642[%add3A_581, %dma_wait3A_643] : memref<24x128xi32, #tpu.memory_space<vmem>> -> memref<1x128xi32, #tpu.memory_space<vmem>>
        %dma_wait3A_645 = tpu.memref_squeeze %dma_wait3A_644 : memref<1x128xi32, #tpu.memory_space<vmem>> -> memref<128xi32, #tpu.memory_space<vmem>>
        %dma_wait3A_646 = arith.constant 0 : i32
        %dma_wait3A_647 = arith.constant 0 : i32
        %dma_wait3A_648 = tpu.memref_slice %arg12[%dma_wait3A_646, %dma_wait3A_647] : memref<10112x128xf32, #tpu.memory_space<vmem_shared>> -> memref<10112x128xf32, #tpu.memory_space<vmem_shared>>
        tpu.wait_indirect_dma semaphore(%run_scoped3A_628 : memref<!tpu.dma_semaphore, #tpu.memory_space<semaphore_mem>>) src(%arg10 : memref<128x128xf32, #tpu.memory_space<vmem>>) dst(%dma_wait3A_648 : memref<10112x128xf32, #tpu.memory_space<vmem_shared>>)
        tpu.yield
      }) : () -> ()
      %add3A_592 = arith.constant 2 : i32
      %add3A_593 = arith.addi %add3A_581, %add3A_592 : i32
      %dma_start3A_594 = arith.constant 0 : i32
      %dma_start3A_595 = arith.constant 0 : i32
      %dma_start3A_596 = tpu.memref_slice %arg8[%scan3A_537, %dma_start3A_594, %dma_start3A_595] : memref<2x24x128xi32, #tpu.memory_space<vmem>> -> memref<1x24x128xi32, #tpu.memory_space<vmem>>
      %dma_start3A_597 = tpu.memref_squeeze %dma_start3A_596 : memref<1x24x128xi32, #tpu.memory_space<vmem>> -> memref<24x128xi32, #tpu.memory_space<vmem>>
      %dma_start3A_598 = arith.constant 0 : i32
      %dma_start3A_599 = tpu.memref_slice %dma_start3A_597[%add3A_593, %dma_start3A_598] : memref<24x128xi32, #tpu.memory_space<vmem>> -> memref<1x128xi32, #tpu.memory_space<vmem>>
      %dma_start3A_600 = tpu.memref_squeeze %dma_start3A_599 : memref<1x128xi32, #tpu.memory_space<vmem>> -> memref<128xi32, #tpu.memory_space<vmem>>
      %dma_start3A_601 = arith.constant 0 : i32
      %dma_start3A_602 = arith.constant 0 : i32
      %dma_start3A_603 = tpu.memref_slice %arg2[%dma_start3A_601, %dma_start3A_602] : memref<10000x128xf32, #tpu.memory_space<hbm>> -> memref<10000x128xf32, #tpu.memory_space<hbm>>
      tpu.enqueue_indirect_dma source(%dma_start3A_603 : memref<10000x128xf32, #tpu.memory_space<hbm>>) target(%arg10 : memref<128x128xf32, #tpu.memory_space<vmem>>) offsets(%dma_start3A_600 : memref<128xi32, #tpu.memory_space<vmem>>) semaphore(%arg13 : memref<!tpu.dma_semaphore, #tpu.memory_space<semaphore_mem>>)
      %add3A_604 = arith.constant 1 : i32
      %add3A_605 = arith.addi %add3A_579, %add3A_604 : i32
      %dma_wait3A_606 = arith.constant 0 : i32
      %dma_wait3A_607 = arith.constant 0 : i32
      %dma_wait3A_608 = tpu.memref_slice %arg8[%scan3A_537, %dma_wait3A_606, %dma_wait3A_607] : memref<2x24x128xi32, #tpu.memory_space<vmem>> -> memref<1x24x128xi32, #tpu.memory_space<vmem>>
      %dma_wait3A_609 = tpu.memref_squeeze %dma_wait3A_608 : memref<1x24x128xi32, #tpu.memory_space<vmem>> -> memref<24x128xi32, #tpu.memory_space<vmem>>
      %dma_wait3A_610 = arith.constant 0 : i32
      %dma_wait3A_611 = tpu.memref_slice %dma_wait3A_609[%add3A_605, %dma_wait3A_610] : memref<24x128xi32, #tpu.memory_space<vmem>> -> memref<1x128xi32, #tpu.memory_space<vmem>>
      %dma_wait3A_612 = tpu.memref_squeeze %dma_wait3A_611 : memref<1x128xi32, #tpu.memory_space<vmem>> -> memref<128xi32, #tpu.memory_space<vmem>>
      %dma_wait3A_613 = arith.constant 0 : i32
      %dma_wait3A_614 = arith.constant 0 : i32
      %dma_wait3A_615 = tpu.memref_slice %arg2[%dma_wait3A_613, %dma_wait3A_614] : memref<10000x128xf32, #tpu.memory_space<hbm>> -> memref<10000x128xf32, #tpu.memory_space<hbm>>
      tpu.wait_indirect_dma semaphore(%arg14 : memref<!tpu.dma_semaphore, #tpu.memory_space<semaphore_mem>>) src(%dma_wait3A_615 : memref<10000x128xf32, #tpu.memory_space<hbm>>) dst(%arg11 : memref<128x128xf32, #tpu.memory_space<vmem>>)
      "tpu.region"() ({
        %run_scoped3A_628 = tpu.sem_alloc : memref<!tpu.dma_semaphore, #tpu.memory_space<semaphore_mem>>
        %dma_start3A_629 = arith.constant 0 : i32
        %dma_start3A_630 = arith.constant 0 : i32
        %dma_start3A_631 = tpu.memref_slice %arg9[%scan3A_538, %dma_start3A_629, %dma_start3A_630] : memref<2x24x128xi32, #tpu.memory_space<vmem>> -> memref<1x24x128xi32, #tpu.memory_space<vmem>>
        %dma_start3A_632 = tpu.memref_squeeze %dma_start3A_631 : memref<1x24x128xi32, #tpu.memory_space<vmem>> -> memref<24x128xi32, #tpu.memory_space<vmem>>
        %dma_start3A_633 = arith.constant 0 : i32
        %dma_start3A_634 = tpu.memref_slice %dma_start3A_632[%add3A_605, %dma_start3A_633] : memref<24x128xi32, #tpu.memory_space<vmem>> -> memref<1x128xi32, #tpu.memory_space<vmem>>
        %dma_start3A_635 = tpu.memref_squeeze %dma_start3A_634 : memref<1x128xi32, #tpu.memory_space<vmem>> -> memref<128xi32, #tpu.memory_space<vmem>>
        %dma_start3A_636 = arith.constant 0 : i32
        %dma_start3A_637 = arith.constant 0 : i32
        %dma_start3A_638 = tpu.memref_slice %arg12[%dma_start3A_636, %dma_start3A_637] : memref<10112x128xf32, #tpu.memory_space<vmem_shared>> -> memref<10112x128xf32, #tpu.memory_space<vmem_shared>>
        tpu.enqueue_indirect_dma source(%arg11 : memref<128x128xf32, #tpu.memory_space<vmem>>) target(%dma_start3A_638 : memref<10112x128xf32, #tpu.memory_space<vmem_shared>>) offsets(%dma_start3A_635 : memref<128xi32, #tpu.memory_space<vmem>>) semaphore(%run_scoped3A_628 : memref<!tpu.dma_semaphore, #tpu.memory_space<semaphore_mem>>) {add = true}
        %dma_wait3A_639 = arith.constant 0 : i32
        %dma_wait3A_640 = arith.constant 0 : i32
        %dma_wait3A_641 = tpu.memref_slice %arg9[%scan3A_538, %dma_wait3A_639, %dma_wait3A_640] : memref<2x24x128xi32, #tpu.memory_space<vmem>> -> memref<1x24x128xi32, #tpu.memory_space<vmem>>
        %dma_wait3A_642 = tpu.memref_squeeze %dma_wait3A_641 : memref<1x24x128xi32, #tpu.memory_space<vmem>> -> memref<24x128xi32, #tpu.memory_space<vmem>>
        %dma_wait3A_643 = arith.constant 0 : i32
        %dma_wait3A_644 = tpu.memref_slice %dma_wait3A_642[%add3A_605, %dma_wait3A_643] : memref<24x128xi32, #tpu.memory_space<vmem>> -> memref<1x128xi32, #tpu.memory_space<vmem>>
        %dma_wait3A_645 = tpu.memref_squeeze %dma_wait3A_644 : memref<1x128xi32, #tpu.memory_space<vmem>> -> memref<128xi32, #tpu.memory_space<vmem>>
        %dma_wait3A_646 = arith.constant 0 : i32
        %dma_wait3A_647 = arith.constant 0 : i32
        %dma_wait3A_648 = tpu.memref_slice %arg12[%dma_wait3A_646, %dma_wait3A_647] : memref<10112x128xf32, #tpu.memory_space<vmem_shared>> -> memref<10112x128xf32, #tpu.memory_space<vmem_shared>>
        tpu.wait_indirect_dma semaphore(%run_scoped3A_628 : memref<!tpu.dma_semaphore, #tpu.memory_space<semaphore_mem>>) src(%arg11 : memref<128x128xf32, #tpu.memory_space<vmem>>) dst(%dma_wait3A_648 : memref<10112x128xf32, #tpu.memory_space<vmem_shared>>)
        tpu.yield
      }) : () -> ()
      %add3A_616 = arith.constant 2 : i32
      %add3A_617 = arith.addi %add3A_605, %add3A_616 : i32
      %dma_start3A_618 = arith.constant 0 : i32
      %dma_start3A_619 = arith.constant 0 : i32
      %dma_start3A_620 = tpu.memref_slice %arg8[%scan3A_537, %dma_start3A_618, %dma_start3A_619] : memref<2x24x128xi32, #tpu.memory_space<vmem>> -> memref<1x24x128xi32, #tpu.memory_space<vmem>>
      %dma_start3A_621 = tpu.memref_squeeze %dma_start3A_620 : memref<1x24x128xi32, #tpu.memory_space<vmem>> -> memref<24x128xi32, #tpu.memory_space<vmem>>
      %dma_start3A_622 = arith.constant 0 : i32
      %dma_start3A_623 = tpu.memref_slice %dma_start3A_621[%add3A_617, %dma_start3A_622] : memref<24x128xi32, #tpu.memory_space<vmem>> -> memref<1x128xi32, #tpu.memory_space<vmem>>
      %dma_start3A_624 = tpu.memref_squeeze %dma_start3A_623 : memref<1x128xi32, #tpu.memory_space<vmem>> -> memref<128xi32, #tpu.memory_space<vmem>>
      %dma_start3A_625 = arith.constant 0 : i32
      %dma_start3A_626 = arith.constant 0 : i32
      %dma_start3A_627 = tpu.memref_slice %arg2[%dma_start3A_625, %dma_start3A_626] : memref<10000x128xf32, #tpu.memory_space<hbm>> -> memref<10000x128xf32, #tpu.memory_space<hbm>>
      tpu.enqueue_indirect_dma source(%dma_start3A_627 : memref<10000x128xf32, #tpu.memory_space<hbm>>) target(%arg11 : memref<128x128xf32, #tpu.memory_space<vmem>>) offsets(%dma_start3A_624 : memref<128xi32, #tpu.memory_space<vmem>>) semaphore(%arg14 : memref<!tpu.dma_semaphore, #tpu.memory_space<semaphore_mem>>)
    }
    %scan3A_543 = arith.constant 3 : i32
    %dma_wait3A_544 = arith.constant 0 : i32
    %dma_wait3A_545 = arith.constant 6 : i32
    %dma_wait3A_546 = arith.constant 0 : i32
    %dma_wait3A_547 = arith.constant 0 : i32
    %dma_wait3A_548 = tpu.memref_slice %arg8[%dma_wait3A_544, %dma_wait3A_546, %dma_wait3A_547] : memref<2x24x128xi32, #tpu.memory_space<vmem>> -> memref<1x24x128xi32, #tpu.memory_space<vmem>>
    %dma_wait3A_549 = tpu.memref_squeeze %dma_wait3A_548 : memref<1x24x128xi32, #tpu.memory_space<vmem>> -> memref<24x128xi32, #tpu.memory_space<vmem>>
    %dma_wait3A_550 = arith.constant 0 : i32
    %dma_wait3A_551 = tpu.memref_slice %dma_wait3A_549[%dma_wait3A_545, %dma_wait3A_550] : memref<24x128xi32, #tpu.memory_space<vmem>> -> memref<1x128xi32, #tpu.memory_space<vmem>>
    %dma_wait3A_552 = tpu.memref_squeeze %dma_wait3A_551 : memref<1x128xi32, #tpu.memory_space<vmem>> -> memref<128xi32, #tpu.memory_space<vmem>>
    %dma_wait3A_553 = arith.constant 0 : i32
    %dma_wait3A_554 = arith.constant 0 : i32
    %dma_wait3A_555 = tpu.memref_slice %arg2[%dma_wait3A_553, %dma_wait3A_554] : memref<10000x128xf32, #tpu.memory_space<hbm>> -> memref<10000x128xf32, #tpu.memory_space<hbm>>
    tpu.wait_indirect_dma semaphore(%arg13 : memref<!tpu.dma_semaphore, #tpu.memory_space<semaphore_mem>>) src(%dma_wait3A_555 : memref<10000x128xf32, #tpu.memory_space<hbm>>) dst(%arg10 : memref<128x128xf32, #tpu.memory_space<vmem>>)
    %run_scoped3A_556 = arith.constant 0 : i32
    %run_scoped3A_557 = arith.constant 6 : i32
    "tpu.region"() ({
      %run_scoped3A_575 = tpu.sem_alloc : memref<!tpu.dma_semaphore, #tpu.memory_space<semaphore_mem>>
      %dma_start3A_576 = arith.constant 0 : i32
      %dma_start3A_577 = arith.constant 0 : i32
      %dma_start3A_578 = tpu.memref_slice %arg9[%run_scoped3A_556, %dma_start3A_576, %dma_start3A_577] : memref<2x24x128xi32, #tpu.memory_space<vmem>> -> memref<1x24x128xi32, #tpu.memory_space<vmem>>
      %dma_start3A_579 = tpu.memref_squeeze %dma_start3A_578 : memref<1x24x128xi32, #tpu.memory_space<vmem>> -> memref<24x128xi32, #tpu.memory_space<vmem>>
      %dma_start3A_580 = arith.constant 0 : i32
      %dma_start3A_581 = tpu.memref_slice %dma_start3A_579[%run_scoped3A_557, %dma_start3A_580] : memref<24x128xi32, #tpu.memory_space<vmem>> -> memref<1x128xi32, #tpu.memory_space<vmem>>
      %dma_start3A_582 = tpu.memref_squeeze %dma_start3A_581 : memref<1x128xi32, #tpu.memory_space<vmem>> -> memref<128xi32, #tpu.memory_space<vmem>>
      %dma_start3A_583 = arith.constant 0 : i32
      %dma_start3A_584 = arith.constant 0 : i32
      %dma_start3A_585 = tpu.memref_slice %arg12[%dma_start3A_583, %dma_start3A_584] : memref<10112x128xf32, #tpu.memory_space<vmem_shared>> -> memref<10112x128xf32, #tpu.memory_space<vmem_shared>>
      tpu.enqueue_indirect_dma source(%arg10 : memref<128x128xf32, #tpu.memory_space<vmem>>) target(%dma_start3A_585 : memref<10112x128xf32, #tpu.memory_space<vmem_shared>>) offsets(%dma_start3A_582 : memref<128xi32, #tpu.memory_space<vmem>>) semaphore(%run_scoped3A_575 : memref<!tpu.dma_semaphore, #tpu.memory_space<semaphore_mem>>) {add = true}
      %dma_wait3A_586 = arith.constant 0 : i32
      %dma_wait3A_587 = arith.constant 0 : i32
      %dma_wait3A_588 = tpu.memref_slice %arg9[%run_scoped3A_556, %dma_wait3A_586, %dma_wait3A_587] : memref<2x24x128xi32, #tpu.memory_space<vmem>> -> memref<1x24x128xi32, #tpu.memory_space<vmem>>
      %dma_wait3A_589 = tpu.memref_squeeze %dma_wait3A_588 : memref<1x24x128xi32, #tpu.memory_space<vmem>> -> memref<24x128xi32, #tpu.memory_space<vmem>>
      %dma_wait3A_590 = arith.constant 0 : i32
      %dma_wait3A_591 = tpu.memref_slice %dma_wait3A_589[%run_scoped3A_557, %dma_wait3A_590] : memref<24x128xi32, #tpu.memory_space<vmem>> -> memref<1x128xi32, #tpu.memory_space<vmem>>
      %dma_wait3A_592 = tpu.memref_squeeze %dma_wait3A_591 : memref<1x128xi32, #tpu.memory_space<vmem>> -> memref<128xi32, #tpu.memory_space<vmem>>
      %dma_wait3A_593 = arith.constant 0 : i32
      %dma_wait3A_594 = arith.constant 0 : i32
      %dma_wait3A_595 = tpu.memref_slice %arg12[%dma_wait3A_593, %dma_wait3A_594] : memref<10112x128xf32, #tpu.memory_space<vmem_shared>> -> memref<10112x128xf32, #tpu.memory_space<vmem_shared>>
      tpu.wait_indirect_dma semaphore(%run_scoped3A_575 : memref<!tpu.dma_semaphore, #tpu.memory_space<semaphore_mem>>) src(%arg10 : memref<128x128xf32, #tpu.memory_space<vmem>>) dst(%dma_wait3A_595 : memref<10112x128xf32, #tpu.memory_space<vmem_shared>>)
      tpu.yield
    }) : () -> ()
    %dma_wait3A_558 = arith.constant 0 : i32
    %dma_wait3A_559 = arith.constant 7 : i32
    %dma_wait3A_560 = arith.constant 0 : i32
    %dma_wait3A_561 = arith.constant 0 : i32
    %dma_wait3A_562 = tpu.memref_slice %arg8[%dma_wait3A_558, %dma_wait3A_560, %dma_wait3A_561] : memref<2x24x128xi32, #tpu.memory_space<vmem>> -> memref<1x24x128xi32, #tpu.memory_space<vmem>>
    %dma_wait3A_563 = tpu.memref_squeeze %dma_wait3A_562 : memref<1x24x128xi32, #tpu.memory_space<vmem>> -> memref<24x128xi32, #tpu.memory_space<vmem>>
    %dma_wait3A_564 = arith.constant 0 : i32
    %dma_wait3A_565 = tpu.memref_slice %dma_wait3A_563[%dma_wait3A_559, %dma_wait3A_564] : memref<24x128xi32, #tpu.memory_space<vmem>> -> memref<1x128xi32, #tpu.memory_space<vmem>>
    %dma_wait3A_566 = tpu.memref_squeeze %dma_wait3A_565 : memref<1x128xi32, #tpu.memory_space<vmem>> -> memref<128xi32, #tpu.memory_space<vmem>>
    %dma_wait3A_567 = arith.constant 0 : i32
    %dma_wait3A_568 = arith.constant 0 : i32
    %dma_wait3A_569 = tpu.memref_slice %arg2[%dma_wait3A_567, %dma_wait3A_568] : memref<10000x128xf32, #tpu.memory_space<hbm>> -> memref<10000x128xf32, #tpu.memory_space<hbm>>
    tpu.wait_indirect_dma semaphore(%arg14 : memref<!tpu.dma_semaphore, #tpu.memory_space<semaphore_mem>>) src(%dma_wait3A_569 : memref<10000x128xf32, #tpu.memory_space<hbm>>) dst(%arg11 : memref<128x128xf32, #tpu.memory_space<vmem>>)
    %run_scoped3A_570 = arith.constant 0 : i32
    %run_scoped3A_571 = arith.constant 7 : i32
    "tpu.region"() ({
      %run_scoped3A_575 = tpu.sem_alloc : memref<!tpu.dma_semaphore, #tpu.memory_space<semaphore_mem>>
      %dma_start3A_576 = arith.constant 0 : i32
      %dma_start3A_577 = arith.constant 0 : i32
      %dma_start3A_578 = tpu.memref_slice %arg9[%run_scoped3A_570, %dma_start3A_576, %dma_start3A_577] : memref<2x24x128xi32, #tpu.memory_space<vmem>> -> memref<1x24x128xi32, #tpu.memory_space<vmem>>
      %dma_start3A_579 = tpu.memref_squeeze %dma_start3A_578 : memref<1x24x128xi32, #tpu.memory_space<vmem>> -> memref<24x128xi32, #tpu.memory_space<vmem>>
      %dma_start3A_580 = arith.constant 0 : i32
      %dma_start3A_581 = tpu.memref_slice %dma_start3A_579[%run_scoped3A_571, %dma_start3A_580] : memref<24x128xi32, #tpu.memory_space<vmem>> -> memref<1x128xi32, #tpu.memory_space<vmem>>
      %dma_start3A_582 = tpu.memref_squeeze %dma_start3A_581 : memref<1x128xi32, #tpu.memory_space<vmem>> -> memref<128xi32, #tpu.memory_space<vmem>>
      %dma_start3A_583 = arith.constant 0 : i32
      %dma_start3A_584 = arith.constant 0 : i32
      %dma_start3A_585 = tpu.memref_slice %arg12[%dma_start3A_583, %dma_start3A_584] : memref<10112x128xf32, #tpu.memory_space<vmem_shared>> -> memref<10112x128xf32, #tpu.memory_space<vmem_shared>>
      tpu.enqueue_indirect_dma source(%arg11 : memref<128x128xf32, #tpu.memory_space<vmem>>) target(%dma_start3A_585 : memref<10112x128xf32, #tpu.memory_space<vmem_shared>>) offsets(%dma_start3A_582 : memref<128xi32, #tpu.memory_space<vmem>>) semaphore(%run_scoped3A_575 : memref<!tpu.dma_semaphore, #tpu.memory_space<semaphore_mem>>) {add = true}
      %dma_wait3A_586 = arith.constant 0 : i32
      %dma_wait3A_587 = arith.constant 0 : i32
      %dma_wait3A_588 = tpu.memref_slice %arg9[%run_scoped3A_570, %dma_wait3A_586, %dma_wait3A_587] : memref<2x24x128xi32, #tpu.memory_space<vmem>> -> memref<1x24x128xi32, #tpu.memory_space<vmem>>
      %dma_wait3A_589 = tpu.memref_squeeze %dma_wait3A_588 : memref<1x24x128xi32, #tpu.memory_space<vmem>> -> memref<24x128xi32, #tpu.memory_space<vmem>>
      %dma_wait3A_590 = arith.constant 0 : i32
      %dma_wait3A_591 = tpu.memref_slice %dma_wait3A_589[%run_scoped3A_571, %dma_wait3A_590] : memref<24x128xi32, #tpu.memory_space<vmem>> -> memref<1x128xi32, #tpu.memory_space<vmem>>
      %dma_wait3A_592 = tpu.memref_squeeze %dma_wait3A_591 : memref<1x128xi32, #tpu.memory_space<vmem>> -> memref<128xi32, #tpu.memory_space<vmem>>
      %dma_wait3A_593 = arith.constant 0 : i32
      %dma_wait3A_594 = arith.constant 0 : i32
      %dma_wait3A_595 = tpu.memref_slice %arg12[%dma_wait3A_593, %dma_wait3A_594] : memref<10112x128xf32, #tpu.memory_space<vmem_shared>> -> memref<10112x128xf32, #tpu.memory_space<vmem_shared>>
      tpu.wait_indirect_dma semaphore(%run_scoped3A_575 : memref<!tpu.dma_semaphore, #tpu.memory_space<semaphore_mem>>) src(%arg11 : memref<128x128xf32, #tpu.memory_space<vmem>>) dst(%dma_wait3A_595 : memref<10112x128xf32, #tpu.memory_space<vmem_shared>>)
      tpu.yield
    }) : () -> ()
    %barrier3A_572 = arith.constant 0 : index
    tpu.barrier barrier_id(%barrier3A_572)
    %mul3A_573 = arith.constant 632 : i32
    %mul3A_574 = arith.muli %arg1, %mul3A_573 : i32
    "tpu.region"() ({
      %run_scoped3A_575 = tpu.sem_alloc : memref<!tpu.dma_semaphore, #tpu.memory_space<semaphore_mem>>
      %dma_start3A_576 = arith.constant 0 : i32
      %dma_start3A_577 = arith.constant 0 : i32
      %dma_start3A_578 = tpu.memref_slice %arg7[%arg0, %arg1, %dma_start3A_576, %dma_start3A_577] : memref<2x16x632x128xf32, #tpu.memory_space<hbm>> -> memref<1x1x632x128xf32, #tpu.memory_space<hbm>>
      %dma_start3A_579 = tpu.memref_squeeze %dma_start3A_578 : memref<1x1x632x128xf32, #tpu.memory_space<hbm>> -> memref<632x128xf32, #tpu.memory_space<hbm>>
      %dma_start3A_580 = arith.constant 0 : i32
      %dma_start3A_581 = tpu.memref_slice %arg12[%mul3A_574, %dma_start3A_580] : memref<10112x128xf32, #tpu.memory_space<vmem_shared>> -> memref<632x128xf32, #tpu.memory_space<vmem_shared>>
      tpu.enqueue_dma source(%dma_start3A_581 : memref<632x128xf32, #tpu.memory_space<vmem_shared>>) target(%dma_start3A_579 : memref<632x128xf32, #tpu.memory_space<hbm>>) target_semaphore(%run_scoped3A_575 : memref<!tpu.dma_semaphore, #tpu.memory_space<semaphore_mem>>)
      %dma_wait3A_582 = arith.constant 0 : i32
      %dma_wait3A_583 = arith.constant 0 : i32
      %dma_wait3A_584 = tpu.memref_slice %arg7[%arg0, %arg1, %dma_wait3A_582, %dma_wait3A_583] : memref<2x16x632x128xf32, #tpu.memory_space<hbm>> -> memref<1x1x632x128xf32, #tpu.memory_space<hbm>>
      %dma_wait3A_585 = tpu.memref_squeeze %dma_wait3A_584 : memref<1x1x632x128xf32, #tpu.memory_space<hbm>> -> memref<632x128xf32, #tpu.memory_space<hbm>>
      %dma_wait3A_586 = arith.constant 0 : i32
      %dma_wait3A_587 = tpu.memref_slice %arg12[%mul3A_574, %dma_wait3A_586] : memref<10112x128xf32, #tpu.memory_space<vmem_shared>> -> memref<632x128xf32, #tpu.memory_space<vmem_shared>>
      tpu.wait_dma2 semaphore(%run_scoped3A_575 : memref<!tpu.dma_semaphore, #tpu.memory_space<semaphore_mem>>) src(%dma_wait3A_587 : memref<632x128xf32, #tpu.memory_space<vmem_shared>>) dst(%dma_wait3A_585 : memref<632x128xf32, #tpu.memory_space<hbm>>)
      tpu.yield
    }) : () -> ()
    return
  }
}

module attributes {stable_mosaic.version = 14 : i64} {
  func.func @body(%arg0: i32, %arg1: memref<2000x128xf32, #tpu.memory_space<vmem>>, %arg2: memref<128x128xf32, #tpu.memory_space<vmem>>, %arg3: memref<2000x128xf32, #tpu.memory_space<vmem>>) attributes {dimension_semantics = [#tpu.dimension_semantics<arbitrary>], iteration_bounds = array<i64: 5>, scalar_prefetch = 0 : i64, scratch_operands = 0 : i64, tpu.core_type = #tpu.core_type<tc>, window_params = [{transform_indices = @transform_0, window_bounds = array<i64: 2000, 128>}, {pipeline_mode = #tpu.pipeline_mode<synchronous>, transform_indices = @transform_1, window_bounds = array<i64: 128, 128>}, {transform_indices = @transform_2, window_bounds = array<i64: 2000, 128>}]} {
    %get3A = arith.constant 0 : index
    %get3A_0 = arith.constant 0 : index
    %get3A_1 = vector.load %arg1[%get3A, %get3A_0] : memref<2000x128xf32, #tpu.memory_space<vmem>>, vector<2000x128xf32>
    %get3A_2 = arith.constant 0 : index
    %get3A_3 = arith.constant 0 : index
    %get3A_4 = vector.load %arg2[%get3A_2, %get3A_3] : memref<128x128xf32, #tpu.memory_space<vmem>>, vector<128x128xf32>
    %dot_general3A = arith.constant dense<0.000000e+00> : vector<2000x128xf32>
    %dot_general3A_5 = tpu.matmul %get3A_1, %get3A_4, %dot_general3A {dimension_numbers = #tpu.dot_dimension_numbers<[1], [0], [0], [1], [0, 0, 1, 1], [], []>, transpose_lhs_hint = false} : vector<2000x128xf32>, vector<128x128xf32>, vector<2000x128xf32> -> vector<2000x128xf32>
    %swap3A = arith.constant 0 : index
    %swap3A_6 = arith.constant 0 : index
    %swap3A_7 = vector.load %arg3[%swap3A, %swap3A_6] : memref<2000x128xf32, #tpu.memory_space<vmem>>, vector<2000x128xf32>
    tpu.vector_store %arg3[%swap3A, %swap3A_6], %dot_general3A_5 {strides = array<i32>} : memref<2000x128xf32, #tpu.memory_space<vmem>>, vector<2000x128xf32>,
    return
  }
  func.func @transform_0(%arg0: i32) -> (i32, i32) {
    %c0_i32 = arith.constant 0 : i32
    %c0_i32_0 = arith.constant 0 : i32
    return %arg0, %c0_i32 : i32, i32
  }
  func.func @transform_1(%arg0: i32) -> (i32, i32) {
    %c0_i32 = arith.constant 0 : i32
    %c0_i32_0 = arith.constant 0 : i32
    %c0_i32_1 = arith.constant 0 : i32
    return %c0_i32, %c0_i32_0 : i32, i32
  }
  func.func @transform_2(%arg0: i32) -> (i32, i32) {
    %c0_i32 = arith.constant 0 : i32
    %c0_i32_0 = arith.constant 0 : i32
    return %arg0, %c0_i32 : i32, i32
  }
}

module attributes {stable_mosaic.version = 14 : i64} {
  func.func @body(%arg0: i32, %arg1: memref<2000x128xf32, #tpu.memory_space<vmem>>, %arg2: memref<2000x1xf32, #tpu.memory_space<vmem>>, %arg3: memref<2000x1xf32, #tpu.memory_space<vmem>>, %arg4: memref<2000x128xf32, #tpu.memory_space<vmem>>, %arg5: memref<2000x1xf32, #tpu.memory_space<vmem>>) attributes {dimension_semantics = [#tpu.dimension_semantics<arbitrary>], iteration_bounds = array<i64: 5>, scalar_prefetch = 0 : i64, scratch_operands = 0 : i64, tpu.core_type = #tpu.core_type<tc>, window_params = [{transform_indices = @transform_0, window_bounds = array<i64: 2000, 128>}, {transform_indices = @transform_1, window_bounds = array<i64: 2000, 1>}, {transform_indices = @transform_2, window_bounds = array<i64: 2000, 1>}, {transform_indices = @transform_3, window_bounds = array<i64: 2000, 128>}, {transform_indices = @transform_4, window_bounds = array<i64: 2000, 1>}]} {
    %get3A = arith.constant 0 : index
    %get3A_0 = arith.constant 0 : index
    %get3A_1 = vector.load %arg2[%get3A, %get3A_0] : memref<2000x1xf32, #tpu.memory_space<vmem>>, vector<2000x1xf32>
    %get3A_2 = arith.constant 0 : index
    %get3A_3 = arith.constant 0 : index
    %get3A_4 = vector.load %arg3[%get3A_2, %get3A_3] : memref<2000x1xf32, #tpu.memory_space<vmem>>, vector<2000x1xf32>
    %add3A = arith.addf %get3A_1, %get3A_4 : vector<2000x1xf32>
    %add3A_5 = arith.constant 1.000000e+00 : f32
    %add3A_6 = vector.broadcast %add3A_5 : f32 to vector<2000x1xf32>
    %add3A_7 = arith.addf %add3A, %add3A_6 : vector<2000x1xf32>
    %rsqrt3A = math.rsqrt %add3A_7 : vector<2000x1xf32>
    %swap3A = arith.constant 0 : index
    %swap3A_8 = arith.constant 0 : index
    %swap3A_9 = vector.load %arg5[%swap3A, %swap3A_8] : memref<2000x1xf32, #tpu.memory_space<vmem>>, vector<2000x1xf32>
    tpu.vector_store %arg5[%swap3A, %swap3A_8], %rsqrt3A {strides = array<i32>} : memref<2000x1xf32, #tpu.memory_space<vmem>>, vector<2000x1xf32>,
    %get3A_10 = arith.constant 0 : index
    %get3A_11 = arith.constant 0 : index
    %get3A_12 = vector.load %arg1[%get3A_10, %get3A_11] : memref<2000x128xf32, #tpu.memory_space<vmem>>, vector<2000x128xf32>
    %mul3A = vector.broadcast %rsqrt3A : vector<2000x1xf32> to vector<2000x128xf32>
    %mul3A_13 = arith.mulf %get3A_12, %mul3A : vector<2000x128xf32>
    %swap3A_14 = arith.constant 0 : index
    %swap3A_15 = arith.constant 0 : index
    %swap3A_16 = vector.load %arg4[%swap3A_14, %swap3A_15] : memref<2000x128xf32, #tpu.memory_space<vmem>>, vector<2000x128xf32>
    tpu.vector_store %arg4[%swap3A_14, %swap3A_15], %mul3A_13 {strides = array<i32>} : memref<2000x128xf32, #tpu.memory_space<vmem>>, vector<2000x128xf32>,
    return
  }
  func.func @transform_0(%arg0: i32) -> (i32, i32) {
    %c0_i32 = arith.constant 0 : i32
    %c0_i32_0 = arith.constant 0 : i32
    return %arg0, %c0_i32 : i32, i32
  }
  func.func @transform_1(%arg0: i32) -> (i32, i32) {
    %c0_i32 = arith.constant 0 : i32
    %c0_i32_0 = arith.constant 0 : i32
    return %arg0, %c0_i32 : i32, i32
  }
  func.func @transform_2(%arg0: i32) -> (i32, i32) {
    %c0_i32 = arith.constant 0 : i32
    %c0_i32_0 = arith.constant 0 : i32
    return %arg0, %c0_i32 : i32, i32
  }
  func.func @transform_3(%arg0: i32) -> (i32, i32) {
    %c0_i32 = arith.constant 0 : i32
    %c0_i32_0 = arith.constant 0 : i32
    return %arg0, %c0_i32 : i32, i32
  }
  func.func @transform_4(%arg0: i32) -> (i32, i32) {
    %c0_i32 = arith.constant 0 : i32
    %c0_i32_0 = arith.constant 0 : i32
    return %arg0, %c0_i32 : i32, i32
  }
}

module attributes {stable_mosaic.version = 14 : i64} {
  func.func @body(%arg0: i32, %arg1: memref<2x2000x128xf32, #tpu.memory_space<vmem>>, %arg2: memref<2000x128xf32, #tpu.memory_space<vmem>>, %arg3: memref<2000x1xf32, #tpu.memory_space<vmem>>, %arg4: memref<1x128xf32, #tpu.memory_space<vmem>>, %arg5: memref<128x128xf32, #tpu.memory_space<vmem>>, %arg6: memref<2000x128xf32, #tpu.memory_space<vmem>>) attributes {dimension_semantics = [#tpu.dimension_semantics<arbitrary>], iteration_bounds = array<i64: 5>, scalar_prefetch = 0 : i64, scratch_operands = 0 : i64, tpu.core_type = #tpu.core_type<tc>, window_params = [{transform_indices = @transform_0, window_bounds = array<i64: 2, 2000, 128>}, {transform_indices = @transform_1, window_bounds = array<i64: 2000, 128>}, {transform_indices = @transform_2, window_bounds = array<i64: 2000, 1>}, {pipeline_mode = #tpu.pipeline_mode<synchronous>, transform_indices = @transform_3, window_bounds = array<i64: 1, 128>}, {pipeline_mode = #tpu.pipeline_mode<synchronous>, transform_indices = @transform_4, window_bounds = array<i64: 128, 128>}, {transform_indices = @transform_5, window_bounds = array<i64: 2000, 128>}]} {
    %get3A = arith.constant 0 : index
    %get3A_0 = arith.constant 0 : index
    %get3A_1 = arith.constant 0 : index
    %get3A_2 = vector.load %arg1[%get3A, %get3A_0, %get3A_1] : memref<2x2000x128xf32, #tpu.memory_space<vmem>>, vector<1x2000x128xf32>
    %get3A_3 = vector.shape_cast %get3A_2 : vector<1x2000x128xf32> to vector<2000x128xf32>
    %get3A_4 = arith.constant 1 : index
    %get3A_5 = arith.constant 0 : index
    %get3A_6 = arith.constant 0 : index
    %get3A_7 = vector.load %arg1[%get3A_4, %get3A_5, %get3A_6] : memref<2x2000x128xf32, #tpu.memory_space<vmem>>, vector<1x2000x128xf32>
    %get3A_8 = vector.shape_cast %get3A_7 : vector<1x2000x128xf32> to vector<2000x128xf32>
    %add3A = arith.addf %get3A_3, %get3A_8 : vector<2000x128xf32>
    %get3A_9 = arith.constant 0 : index
    %get3A_10 = arith.constant 0 : index
    %get3A_11 = vector.load %arg2[%get3A_9, %get3A_10] : memref<2000x128xf32, #tpu.memory_space<vmem>>, vector<2000x128xf32>
    %add3A_12 = arith.addf %add3A, %get3A_11 : vector<2000x128xf32>
    %get3A_13 = arith.constant 0 : index
    %get3A_14 = arith.constant 0 : index
    %get3A_15 = vector.load %arg3[%get3A_13, %get3A_14] : memref<2000x1xf32, #tpu.memory_space<vmem>>, vector<2000x1xf32>
    %mul3A = vector.broadcast %get3A_15 : vector<2000x1xf32> to vector<2000x128xf32>
    %mul3A_16 = arith.mulf %add3A_12, %mul3A : vector<2000x128xf32>
    %get3A_17 = arith.constant 0 : index
    %get3A_18 = arith.constant 0 : index
    %get3A_19 = vector.load %arg4[%get3A_17, %get3A_18] : memref<1x128xf32, #tpu.memory_space<vmem>>, vector<1x128xf32>
    %add3A_20 = vector.broadcast %get3A_19 : vector<1x128xf32> to vector<2000x128xf32>
    %add3A_21 = arith.addf %mul3A_16, %add3A_20 : vector<2000x128xf32>
    %max3A = arith.constant 0.000000e+00 : f32
    %max3A_22 = vector.broadcast %max3A : f32 to vector<2000x128xf32>
    %max3A_23 = arith.maximumf %add3A_21, %max3A_22 : vector<2000x128xf32>
    %get3A_24 = arith.constant 0 : index
    %get3A_25 = arith.constant 0 : index
    %get3A_26 = vector.load %arg5[%get3A_24, %get3A_25] : memref<128x128xf32, #tpu.memory_space<vmem>>, vector<128x128xf32>
    %dot_general3A = arith.constant dense<0.000000e+00> : vector<2000x128xf32>
    %dot_general3A_27 = tpu.matmul %max3A_23, %get3A_26, %dot_general3A {dimension_numbers = #tpu.dot_dimension_numbers<[1], [0], [0], [1], [0, 0, 1, 1], [], []>, transpose_lhs_hint = false} : vector<2000x128xf32>, vector<128x128xf32>, vector<2000x128xf32> -> vector<2000x128xf32>
    %get3A_28 = arith.constant 0 : index
    %get3A_29 = arith.constant 0 : index
    %get3A_30 = vector.load %arg3[%get3A_28, %get3A_29] : memref<2000x1xf32, #tpu.memory_space<vmem>>, vector<2000x1xf32>
    %mul3A_31 = vector.broadcast %get3A_30 : vector<2000x1xf32> to vector<2000x128xf32>
    %mul3A_32 = arith.mulf %dot_general3A_27, %mul3A_31 : vector<2000x128xf32>
    %swap3A = arith.constant 0 : index
    %swap3A_33 = arith.constant 0 : index
    %swap3A_34 = vector.load %arg6[%swap3A, %swap3A_33] : memref<2000x128xf32, #tpu.memory_space<vmem>>, vector<2000x128xf32>
    tpu.vector_store %arg6[%swap3A, %swap3A_33], %mul3A_32 {strides = array<i32>} : memref<2000x128xf32, #tpu.memory_space<vmem>>, vector<2000x128xf32>,
    return
  }
  func.func @transform_0(%arg0: i32) -> (i32, i32, i32) {
    %c0_i32 = arith.constant 0 : i32
    %c0_i32_0 = arith.constant 0 : i32
    %c0_i32_1 = arith.constant 0 : i32
    return %c0_i32, %arg0, %c0_i32_0 : i32, i32, i32
  }
  func.func @transform_1(%arg0: i32) -> (i32, i32) {
    %c0_i32 = arith.constant 0 : i32
    %c0_i32_0 = arith.constant 0 : i32
    return %arg0, %c0_i32 : i32, i32
  }
  func.func @transform_2(%arg0: i32) -> (i32, i32) {
    %c0_i32 = arith.constant 0 : i32
    %c0_i32_0 = arith.constant 0 : i32
    return %arg0, %c0_i32 : i32, i32
  }
  func.func @transform_3(%arg0: i32) -> (i32, i32) {
    %c0_i32 = arith.constant 0 : i32
    %c0_i32_0 = arith.constant 0 : i32
    %c0_i32_1 = arith.constant 0 : i32
    return %c0_i32, %c0_i32_0 : i32, i32
  }
  func.func @transform_4(%arg0: i32) -> (i32, i32) {
    %c0_i32 = arith.constant 0 : i32
    %c0_i32_0 = arith.constant 0 : i32
    %c0_i32_1 = arith.constant 0 : i32
    return %c0_i32, %c0_i32_0 : i32, i32
  }
  func.func @transform_5(%arg0: i32) -> (i32, i32) {
    %c0_i32 = arith.constant 0 : i32
    %c0_i32_0 = arith.constant 0 : i32
    return %arg0, %c0_i32 : i32, i32
  }
}

module attributes {stable_mosaic.version = 14 : i64} {
  func.func @body(%arg0: i32, %arg1: memref<2x2000x128xf32, #tpu.memory_space<vmem>>, %arg2: memref<2000x128xf32, #tpu.memory_space<vmem>>, %arg3: memref<2000x1xf32, #tpu.memory_space<vmem>>, %arg4: memref<1x128xf32, #tpu.memory_space<vmem>>, %arg5: memref<1x128xf32, #tpu.memory_space<vmem>>) attributes {dimension_semantics = [#tpu.dimension_semantics<arbitrary>], iteration_bounds = array<i64: 5>, scalar_prefetch = 0 : i64, scratch_operands = 0 : i64, tpu.core_type = #tpu.core_type<tc>, window_params = [{transform_indices = @transform_0, window_bounds = array<i64: 2, 2000, 128>}, {transform_indices = @transform_1, window_bounds = array<i64: 2000, 128>}, {transform_indices = @transform_2, window_bounds = array<i64: 2000, 1>}, {pipeline_mode = #tpu.pipeline_mode<synchronous>, transform_indices = @transform_3, window_bounds = array<i64: 1, 128>}, {pipeline_mode = #tpu.pipeline_mode<synchronous>, transform_indices = @transform_4, window_bounds = array<i64: 1, 128>}]} {
    %get3A = arith.constant 0 : index
    %get3A_0 = arith.constant 0 : index
    %get3A_1 = arith.constant 0 : index
    %get3A_2 = vector.load %arg1[%get3A, %get3A_0, %get3A_1] : memref<2x2000x128xf32, #tpu.memory_space<vmem>>, vector<1x2000x128xf32>
    %get3A_3 = vector.shape_cast %get3A_2 : vector<1x2000x128xf32> to vector<2000x128xf32>
    %get3A_4 = arith.constant 1 : index
    %get3A_5 = arith.constant 0 : index
    %get3A_6 = arith.constant 0 : index
    %get3A_7 = vector.load %arg1[%get3A_4, %get3A_5, %get3A_6] : memref<2x2000x128xf32, #tpu.memory_space<vmem>>, vector<1x2000x128xf32>
    %get3A_8 = vector.shape_cast %get3A_7 : vector<1x2000x128xf32> to vector<2000x128xf32>
    %add3A = arith.addf %get3A_3, %get3A_8 : vector<2000x128xf32>
    %get3A_9 = arith.constant 0 : index
    %get3A_10 = arith.constant 0 : index
    %get3A_11 = vector.load %arg2[%get3A_9, %get3A_10] : memref<2000x128xf32, #tpu.memory_space<vmem>>, vector<2000x128xf32>
    %add3A_12 = arith.addf %add3A, %get3A_11 : vector<2000x128xf32>
    %get3A_13 = arith.constant 0 : index
    %get3A_14 = arith.constant 0 : index
    %get3A_15 = vector.load %arg3[%get3A_13, %get3A_14] : memref<2000x1xf32, #tpu.memory_space<vmem>>, vector<2000x1xf32>
    %mul3A = vector.broadcast %get3A_15 : vector<2000x1xf32> to vector<2000x128xf32>
    %mul3A_16 = arith.mulf %add3A_12, %mul3A : vector<2000x128xf32>
    %get3A_17 = arith.constant 0 : index
    %get3A_18 = arith.constant 0 : index
    %get3A_19 = vector.load %arg4[%get3A_17, %get3A_18] : memref<1x128xf32, #tpu.memory_space<vmem>>, vector<1x128xf32>
    %add3A_20 = vector.broadcast %get3A_19 : vector<1x128xf32> to vector<2000x128xf32>
    %add3A_21 = arith.addf %mul3A_16, %add3A_20 : vector<2000x128xf32>
    %max3A = arith.constant 0.000000e+00 : f32
    %max3A_22 = vector.broadcast %max3A : f32 to vector<2000x128xf32>
    %max3A_23 = arith.maximumf %add3A_21, %max3A_22 : vector<2000x128xf32>
    %eq3A = arith.constant 0 : i32
    %eq3A_24 = arith.cmpi eq, %arg0, %eq3A : i32
    %convert_element_type3A = arith.extui %eq3A_24 : i1 to i32
    %cond3A = arith.constant 0 : i32
    %cond3A_25 = arith.cmpi ne, %convert_element_type3A, %cond3A : i32
    scf.if %cond3A_25 {
      %broadcast_in_dim3A_38 = arith.constant 0.000000e+00 : f32
      %broadcast_in_dim3A_39 = vector.broadcast %broadcast_in_dim3A_38 : f32 to vector<1x128xf32>
      %swap3A_40 = arith.constant 0 : index
      %swap3A_41 = arith.constant 0 : index
      %swap3A_42 = vector.load %arg5[%swap3A_40, %swap3A_41] : memref<1x128xf32, #tpu.memory_space<vmem>>, vector<1x128xf32>
      tpu.vector_store %arg5[%swap3A_40, %swap3A_41], %broadcast_in_dim3A_39 {strides = array<i32>} : memref<1x128xf32, #tpu.memory_space<vmem>>, vector<1x128xf32>,
    } else {
    }
    %get3A_26 = arith.constant 0 : index
    %get3A_27 = arith.constant 0 : index
    %get3A_28 = vector.load %arg5[%get3A_26, %get3A_27] : memref<1x128xf32, #tpu.memory_space<vmem>>, vector<1x128xf32>
    %reduce_sum3A = arith.constant dense<0.000000e+00> : vector<128xf32>
    %reduce_sum3A_29 = vector.multi_reduction <add>, %max3A_23, %reduce_sum3A [0] : vector<2000x128xf32> to vector<128xf32>
    %broadcast_in_dim3A = vector.shape_cast %reduce_sum3A_29 : vector<128xf32> to vector<1x128xf32>
    %add3A_30 = arith.addf %get3A_28, %broadcast_in_dim3A : vector<1x128xf32>
    %swap3A = arith.constant 0 : index
    %swap3A_31 = arith.constant 0 : index
    %swap3A_32 = vector.load %arg5[%swap3A, %swap3A_31] : memref<1x128xf32, #tpu.memory_space<vmem>>, vector<1x128xf32>
    tpu.vector_store %arg5[%swap3A, %swap3A_31], %add3A_30 {strides = array<i32>} : memref<1x128xf32, #tpu.memory_space<vmem>>, vector<1x128xf32>,
    %eq3A_33 = arith.constant 4 : i32
    %eq3A_34 = arith.cmpi eq, %arg0, %eq3A_33 : i32
    %convert_element_type3A_35 = arith.extui %eq3A_34 : i1 to i32
    %cond3A_36 = arith.constant 0 : i32
    %cond3A_37 = arith.cmpi ne, %convert_element_type3A_35, %cond3A_36 : i32
    scf.if %cond3A_37 {
      %get3A_38 = arith.constant 0 : index
      %get3A_39 = arith.constant 0 : index
      %get3A_40 = vector.load %arg5[%get3A_38, %get3A_39] : memref<1x128xf32, #tpu.memory_space<vmem>>, vector<1x128xf32>
      %mul3A_41 = arith.constant 9.99999974E-5 : f32
      %mul3A_42 = vector.broadcast %mul3A_41 : f32 to vector<1x128xf32>
      %mul3A_43 = arith.mulf %get3A_40, %mul3A_42 : vector<1x128xf32>
      %swap3A_44 = arith.constant 0 : index
      %swap3A_45 = arith.constant 0 : index
      %swap3A_46 = vector.load %arg5[%swap3A_44, %swap3A_45] : memref<1x128xf32, #tpu.memory_space<vmem>>, vector<1x128xf32>
      tpu.vector_store %arg5[%swap3A_44, %swap3A_45], %mul3A_43 {strides = array<i32>} : memref<1x128xf32, #tpu.memory_space<vmem>>, vector<1x128xf32>,
    } else {
    }
    return
  }
  func.func @transform_0(%arg0: i32) -> (i32, i32, i32) {
    %c0_i32 = arith.constant 0 : i32
    %c0_i32_0 = arith.constant 0 : i32
    %c0_i32_1 = arith.constant 0 : i32
    return %c0_i32, %arg0, %c0_i32_0 : i32, i32, i32
  }
  func.func @transform_1(%arg0: i32) -> (i32, i32) {
    %c0_i32 = arith.constant 0 : i32
    %c0_i32_0 = arith.constant 0 : i32
    return %arg0, %c0_i32 : i32, i32
  }
  func.func @transform_2(%arg0: i32) -> (i32, i32) {
    %c0_i32 = arith.constant 0 : i32
    %c0_i32_0 = arith.constant 0 : i32
    return %arg0, %c0_i32 : i32, i32
  }
  func.func @transform_3(%arg0: i32) -> (i32, i32) {
    %c0_i32 = arith.constant 0 : i32
    %c0_i32_0 = arith.constant 0 : i32
    %c0_i32_1 = arith.constant 0 : i32
    return %c0_i32, %c0_i32_0 : i32, i32
  }
  func.func @transform_4(%arg0: i32) -> (i32, i32) {
    %c0_i32 = arith.constant 0 : i32
    %c0_i32_0 = arith.constant 0 : i32
    %c0_i32_1 = arith.constant 0 : i32
    return %c0_i32, %c0_i32_0 : i32, i32
  }
}

</mosaic_0001>

<sc_bundles>
// kernel: kernel.12.cloned.1.call-start
scs
__scs_entry_jumppad:
0x0: {  	(pc) =	sbr.rel $0x88, $3  }
0x1: {  	(tag) =	ssettag $0x0;
	lr =	simm.s32 $0x1  }
0x2: {  	[smem:$0x3F9B] =	sst lr;
	_ =	strace $0xD0000000  }
0x3: {  	_ = 	snop  }
0x4: {  	_ = 	snop  }
0x5: {  	_ = 	snop  }
0x6: {  	_ = 	snop  }
0x7: {  	_ = 	snop  }
__scs_overlays_trampoline_lowered:
0x8: {  	[smem:$0x3FAA] =	sst s0  }
0x9: {  	[smem:$0x3FAB] =	sst s1  }
0xa: {  	[smem:$0x3FAC] =	sst s2  }
0xb: {  	[smem:$0x3FAD] =	sst s3  }
0xc: {  	[smem:$0x3FAE] =	sst s4  }
0xd: {  	[smem:$0x3FAF] =	sst s5  }
0xe: {  	[smem:$0x3FB0] =	sst s6  }
0xf: {  	[smem:$0x3FB1] =	sst s7  }
0x10: {  	[smem:$0x3FB2] =	sst s8  }
0x11: {  	[smem:$0x3FB3] =	sst s9;
	s0 =	simm.s32 @!p0 $0x0  }
0x12: {  	s1 =	sld [smem:$0x3F99];
	s0 =	simm.s32 @p0 $0x1  }
0x13: {  	[smem:$0x3FB4] =	sst s0;
	s0 =	simm.s32 @!p1 $0x0  }
0x14: {  	s2 =	sld [smem:$0x3F98];
	s0 =	simm.s32 @p1 $0x1  }
0x15: {  	[smem:$0x3FB5] =	sst s0;
	s0 =	simm.s32 @!p2 $0x0  }
0x16: {  	s3 =	sld [smem:$0x3FDB];
	s0 =	simm.s32 @p2 $0x1  }
0x17: {  	s4 =	simm.s32 $0x1BF5;
	[smem:$0x3FB7] =	sst s0  }
0x18: {  	s0 =	sld [smem:$0x3F9A];
	_ =	swait.ge [sflag:s4], $0x0  }
0x19: {  	s7 =	sld [smem:$0x3F9B]  }
0x1a: {  	s8 =	sadd.s32 $0xFFFFE003, lr  }
0x1b: {  	s9 =	sadd.s32 $0xFFFFFEF7, lr;
	s5 =	simm.s32 $0xFFFFFFFF;
	p2 =	slt.u32 s8, $0xFFFFF086  }
0x1c: {  	p1 =	slt.u32 s9, $0xF7A;
	s5 =	simm.s32 @!p2 $0x0  }
0x1d: {  	s5 =	simm.s32 @p1 $0x1;
	p0 =	seq.s32 s7, s2  }
0x1e: {  	s7 =	smul.u32 @!p0 $0xF7A, s2;
	p2 =	seq.s32 @!p0 s5, $0x0  }
0x1f: {  	s9 =	smul.u32 $0xF7A, s1;
	s8 =	simm.s32 @!p0 $0x1BF5;
	p2 =	por !p2, p0  }
0x20: {  	[sflag:s8] =	ssyncset.s32 @!p0 $0xFFFFF086;
	s6 =	sadd.s32 @!p0 s3, s7;
	s7 =	simm.s32 @!p0 $0x108  }
0x21: {  	s3 =	sadd.s32 s3, s9;
	s6 =	sadd.s32 @!p0 $0x88, s6;
	s7 =	simm.s32 @p2 $0x1082  }
0x22: {  	[simem:s7], [sflag:s8] =	dma.local @!p0 [hbm:s6], $0xF7A  }
0x23: {  	s9 =	sor.u32 $0xD0000000, s2;
	s6 =	simm.s32 $0x108;
	_ =	swait.ge @!p0 [sflag:s8], $0x0  }
0x24: {  	s3 =	sadd.s32 $0x88, s3;
	s6 =	simm.s32 @!p1 $0x1082;
	[sflag:s4] =	ssyncset.s32 $0xFFFFF086  }
0x25: {  	[simem:s6], [sflag:s4] =	dma.local [hbm:s3], $0xF7A  }
0x26: {  	[smem:$0x3F9B] =	sst s1;
	(tag) =	ssettag s2;
	_ =	strace s9  }
0x27: {  	s1 =	sld [smem:$0x3FAB]  }
0x28: {  	s2 =	sld [smem:$0x3FAC]  }
0x29: {  	s4 =	sld [smem:$0x3FAE]  }
0x2a: {  	p0 =	seq.s32 s5, $0x0;
	s5 =	sld [smem:$0x3FAF]  }
0x2b: {  	s6 =	sld [smem:$0x3FB0]  }
0x2c: {  	s7 =	sld [smem:$0x3FB1]  }
0x2d: {  	s3 =	simm.s32 $0x108;
	s8 =	sld [smem:$0x3FB2]  }
0x2e: {  	s3 =	simm.s32 @!p0 $0x1082;
	s9 =	sld [smem:$0x3FB3]  }
0x2f: {  	lr =	sadd.s32 s0, s3;
	s0 =	sld [smem:$0x3FAA]  }
0x30: {  	s3 =	sld [smem:$0x3FAD]  }
0x31: {  	[smem:$0x3FB6] =	sst s10  }
0x32: {  	s10 =	sld [smem:$0x3FB4];
	_ =	sdelay $0x3  }
0x33: {  	p0 =	seq.s32 s10, $0x1;
	s10 =	sld [smem:$0x3FB6];
	_ =	sdelay $0x3  }
0x34: {  	[smem:$0x3FB6] =	sst s10  }
0x35: {  	s10 =	sld [smem:$0x3FB5];
	_ =	sdelay $0x3  }
0x36: {  	p1 =	seq.s32 s10, $0x1;
	s10 =	sld [smem:$0x3FB6];
	_ =	sdelay $0x3  }
0x37: {  	[smem:$0x3FB6] =	sst s10  }
0x38: {  	s10 =	sld [smem:$0x3FB7]  }
0x39: {  	_ = 	snop;
	(pc) =	sbr.ind lr, $3  }
0x3a: {  	_ = 	snop  }
0x3b: {  	_ = 	snop  }
0x3c: {  	p2 =	seq.s32 s10, $0x1;
	s10 =	sld [smem:$0x3FB6]  }
0x3d: {  	_ =	shalt  }
0x3e: {  	_ =	shalt  }
0x3f: {  	_ =	shalt  }
0x40: {  	_ =	shalt  }
0x41: {  	_ =	shalt  }
0x42: {  	_ =	shalt  }
0x43: {  	_ =	shalt  }
0x44: {  	_ =	shalt  }
0x45: {  	_ =	shalt  }
0x46: {  	_ =	shalt  }
0x47: {  	_ =	shalt  }
0x48: {  	_ =	shalt  }
0x49: {  	_ =	shalt  }
0x4a: {  	_ =	shalt  }
0x4b: {  	_ =	shalt  }
0x4c: {  	_ =	shalt  }
0x4d: {  	_ =	shalt  }
0x4e: {  	_ =	shalt  }
0x4f: {  	_ =	shalt  }
0x50: {  	_ =	shalt  }
0x51: {  	_ =	shalt  }
0x52: {  	_ =	shalt  }
0x53: {  	_ =	shalt  }
0x54: {  	_ =	shalt  }
0x55: {  	_ =	shalt  }
0x56: {  	_ =	shalt  }
0x57: {  	_ =	shalt  }
0x58: {  	_ =	shalt  }
0x59: {  	_ =	shalt  }
0x5a: {  	_ =	shalt  }
0x5b: {  	_ =	shalt  }
0x5c: {  	_ =	shalt  }
0x5d: {  	_ =	shalt  }
0x5e: {  	_ =	shalt  }
0x5f: {  	_ =	shalt  }
0x60: {  	_ =	shalt  }
0x61: {  	_ =	shalt  }
0x62: {  	_ =	shalt  }
0x63: {  	_ =	shalt  }
0x64: {  	_ =	shalt  }
0x65: {  	_ =	shalt  }
0x66: {  	_ =	shalt  }
0x67: {  	_ =	shalt  }
0x68: {  	_ =	shalt  }
0x69: {  	_ =	shalt  }
0x6a: {  	_ =	shalt  }
0x6b: {  	_ =	shalt  }
0x6c: {  	_ =	shalt  }
0x6d: {  	_ =	shalt  }
0x6e: {  	_ =	shalt  }
0x6f: {  	_ =	shalt  }
0x70: {  	_ =	shalt  }
0x71: {  	_ =	shalt  }
0x72: {  	_ =	shalt  }
0x73: {  	_ =	shalt  }
0x74: {  	_ =	shalt  }
0x75: {  	_ =	shalt  }
0x76: {  	_ =	shalt  }
0x77: {  	_ =	shalt  }
0x78: {  	_ =	shalt  }
0x79: {  	_ =	shalt  }
0x7a: {  	_ =	shalt  }
0x7b: {  	_ =	shalt  }
0x7c: {  	_ =	shalt  }
0x7d: {  	_ =	shalt  }
0x7e: {  	_ =	shalt  }
0x7f: {  	_ =	shalt  }
0x80: {  	_ =	shalt  }
0x81: {  	_ =	shalt  }
0x82: {  	_ =	shalt  }
0x83: {  	_ =	shalt  }
0x84: {  	_ =	shalt  }
0x85: {  	_ =	shalt  }
0x86: {  	_ =	shalt  }
0x87: {  	_ =	shalt  }
.Lfunc_end0:
.L_simem_size_0:
called_computation.1_lowered:
.L_overlay_start_0:
0x88: {  	s2 =	sld [smem:$0x3FD9]  }
0x89: {  	s3 =	sld [smem:$0x3FFE];
	_ =	sdelay $0x1  }
0x8a: {  	s1 =	srdreg.scid  }
0x8b: {  	s0 =	sand.u32 $0x1, s1  }
0x8c: {  	s16 =	sshll.u32 s0, $0xA;
	s2 =	sadd.s32 s3, s2  }
0x8d: {  	s2 =	sadd.s32 s2, s16  }
0x8e: {  	[smem:$0x3FC2] =	sst s2  }
0x8f: {  	_ = 	snop  }
0x90: {  	(tm) =	ssettm $0x1  }
0x91: {  	s17 =	sld [smem:$0x3FFB];
	_ =	sdelay $0x3  }
0x92: {  	_ =	strace s17  }
0x93: {  	s2 =	sld [smem:$0x3FFC];
	_ =	sdelay $0x3  }
0x94: {  	_ =	strace s2  }
0x95: {  	s2 =	sld [smem:$0x3FFD];
	_ =	sdelay $0x3  }
0x96: {  	_ =	strace s2  }
0x97: {  	_ =	strace $0x8FFFFFFF  }
0x98: {  	s18 =	sld [smem:$0x3FDB];
	_ =	sdelay $0x1  }
0x99: {  	s19 =	simm.s32 $_scs_section_size  }
0x9a: {  	s4 =	simm.s32 $_size__tile_overlayer_lowered;
	s5 =	simm.s32 $_tile_overlayer_lowered  }
0x9b: {  	s22 =	simm.s32 $0x1BFF;
	s21 =	sshll.u32 s5, $0x1;
	s2 =	sadd.s32 s19, s18  }
0x9c: {  	s6 =	simm.s32 $0x0;
	s20 =	sshll.u32 s4, $0x1;
	s4 =	sadd.s32 s21, s2  }
0x9d: {  	[timem:s6], [sflag:s22] =	dma.local [hbm:s4], s20  }
0x9e: {  	_ =	swait.ge [sflag:s22], s20  }
0x9f: {  	s3 =	ssub.s32 $0x0, s20;
	[sflag:s22] =	ssyncset.done $0x0  }
0xa0: {  	[sflag:s22] =	ssyncadd.s32 s3;
	_ =	sdelay $0x1  }
0xa1: {  	s23 =	simm.s32 $0x1B8B  }
0xa2: {  	_ =	swait.ge [sflag:s23], $0x1  }
0xa3: {  	[sflag:s23] =	ssyncset.done $0x0  }
0xa4: {  	s25 =	simm.s32 $0x1B8E;
	s24 =	sld [smem:$0x3FFE];
	[sflag:s23] =	ssyncadd.s32 $0xFFFFFFFF  }
0xa5: {  	s26 =	simm.s32 $execute0_lowered;
	[smem:$0x3FD2] =	sst s25  }
0xa6: {  	s4 =	sshll.u32 s26, $0x1;
	_ =	strace $0x80000049;
	[dreg:$0x1] =	wrdreg $0xFFFFFFFF  }
0xa7: {  	s28 =	simm.s32 $_size_execute0_lowered;
	s2 =	sadd.s32 s2, s4;
	[dreg:$0x0] =	wrdreg $0x0  }
0xa8: {  	s4 =	sshll.u32 s28, $0x1;
	[dreg:$0x2] =	wrdreg s2  }
0xa9: {  	[dreg:$0x3] =	wrdreg s4  }
0xaa: {  	[dreg:$0x4] =	wrdreg $0xC0  }
0xab: {  	_ =	task [dreg:s6], $0x5FFFF  }
0xac: {  	[dreg:$0x1] =	wrdreg $0xFFFFFFFF  }
0xad: {  	[dreg:$0x0] =	wrdreg $0x60  }
0xae: {  	[dreg:$0x2] =	wrdreg s24  }
0xaf: {  	[dreg:$0x3] =	wrdreg $0xB0000  }
0xb0: {  	[dreg:$0x4] =	wrdreg $0x9  }
0xb1: {  	_ =	task.clear_ibuf [dreg:s6], $0x5FFFF;
	_ =	strace $0x90000049  }
0xb2: {  	s29 =	simm.s32 $0x9;
	_ =	strace $0x8000004B  }
0xb3: {  	_ =	swait.ge [sflag:s29], $0x1  }
0xb4: {  	[sflag:s29] =	ssyncadd.s32 $0xFFFFFFFF  }
0xb5: {  	_ =	strace $0x9000004B  }
0xb6: {  	_ =	sfence  }
0xb7: {  	s30 =	sld [smem:$0x0];
	_ =	sdelay $0x2  }
0xb8: {  	s31 =	sshll.u32 s1, $0xD;
	s1 =	sshrl.u32 s1, $0x2  }
0xb9: {  	s3 =	sand.u32 $0x4000, s31;
	s1 =	sadd.s32 s1, s30  }
0xba: {  	s0 =	sor.u32 s3, s0;
	s1 =	sshll.u32 s1, $0x11  }
0xbb: {  	s0 =	sor.u32 s1, s0  }
0xbc: {  	s0 =	sadd.s32 $0x8F2B, s0  }
0xbd: {  	[sflag:s0] =	ssyncadd.remote.s32 $0x1  }
0xbe: {  	_ =	sfence.sel $0xFFFF  }
0xbf: {  	[dreg:$0x0] =	wrdreg $0xFFFFFFFF;
	(pc) =	sbr.abs _section_cstart, $3  }
0xc0: {  	[dreg:$0x1] =	wrdreg $0xFFFFFFFF  }
0xc1: {  	_ =	task.clear_ibuf [dreg:s6], $0x2FFFF;
	_ =	strace $0x9FFFFFFF  }
0xc2: {  	(tm) =	ssettm $0x7FFFFFFF  }
0xc3: {  	_ =	shalt  }
tec
execute0_lowered:
.L_overlay_start_1:
0x0: {  	(tag) =	ssettag $0x1  }
0x1: {  	s0 =	rddreg [dreg:$0x0]  }
0x2: {  	s1 =	rddreg [dreg:$0x1];
	s2 =	srdreg.scid;
	s3 =	simm.s32 $0x0  }
0x3: {  	s8 =	stileid.u32;
	s28 =	simm.s32 $0x80;
	s29 =	simm.s32 $0x7000  }
0x4: {  	s30 =	simm.s32 $0x1;
	s31 =	simm.s32 $0x2;
	s2 =	sand.u32 $0x1, s2  }
0x5: {  	[smem:$0x7FF] =	sst s3;
	s6 =	smul.u32 $0x13C00, s8;
	s4 =	sadd.s32 $0x16C00, s0  }
0x6: {  	s7 =	sshll.u32 s8, $0x1;
	s11 =	sadd.s32 $0x2C00, s0;
	s8 =	smul.u32 $0x4F000, s8  }
0x7: {  	s12 =	sadd.s32 $0xBC00, s0;
	s5 =	smul.u32 $0x13C000, s2;
	s7 =	sor.u32 s2, s7  }
0x8: {  	_ =	strace $0x8000004A;
	s2 =	ssub.s32 $0x2, s2;
	s20 =	sshll.u32 s7, $0x7  }
0x9: {  	s21 =	sshrl.u32 s8, $0x2;
	s22 =	smul.u32 $0x2400, s7;
	s9 =	sshrl.u32 s2, $0x1  }
0xa: {  	s7 =	smul.u32 $0x480, s7;
	s5 =	sadd.s32 s6, s5;
	s6 =	sadd.s32 s20, s0  }
0xb: {  	s2 =	ssub.s32 s2, s9;
	s20 =	simm.s32 $0x3000;
	s5 =	sshrl.u32 s5, $0x3  }
0xc: {  	s13 =	sshrl.u32 s22, $0x3;
	s24 =	sadd.s32 s11, s7;
	s7 =	sadd.s32 s12, s7  }
0xd: {  	s14 =	sadd.s32 $0x14C00, s6;
	s16 =	smax.u32 s2, $0x1;
	s22 =	simm.s32 $0x1800  }
0xe: {  	s2 =	simm.s32 $0x0;
	s0 =	sadd.s32 s5, s0;
	[dreg:$0x4] =	wrdreg s24  }
0xf: {  	s5 =	sadd.s32 s21, s1;
	[dreg:$0x5] =	wrdreg s7;
	s25 =	sadd.s32 $0x180, s13  }
0x10: {  	s26 =	sadd.s32 $0x300, s13;
	s13 =	sadd.s32 $0x15C00, s6;
	s21 =	simm.s32 $0x5  }
0x11: {  	s24 =	simm.s32 $0x4;
	s23 =	sadd.s32 $0x10000, s5;
	s9 =	sadd.s32 s11, s25  }
0x12: {  	s10 =	sadd.s32 s12, s25;
	s11 =	sadd.s32 s11, s26;
	s12 =	sadd.s32 s12, s26  }
0x13: {  	s15 =	sadd.s32 $0x3DE00, s0;
	s17 =	sadd.s32 $0x4000, s5;
	s18 =	sadd.s32 $0x8000, s5  }
0x14: {  	s19 =	sadd.s32 $0xC000, s5;
	s25 =	simm.s32 $0xC00;
	s0 =	simm.s32 $0x2300  }
0x15: {  	v0 =	vimm.f32 $0.0e+00;
	s26 =	simm.s32 $0x2380;
	[dreg:$0x3] =	wrdreg s23;
	s23 =	simm.s32 $0x3  }
.LBB2_1:
0x16: {  	s6 =	simm.s32 $0x0;
	s7 =	simm.s32 $0x200  }
.LBB2_2:
0x17: {  	p0 =	sne.s32 s7, $0xFE00;
	[tilespmem:s6+$0x3070] =	vst v0  }
0x18: {  	[tilespmem:s6+$0x3000] =	vst v0  }
0x19: {  	[tilespmem:s6+$0x3010] =	vst v0  }
.Ltmp0:
0x1a: {  	[tilespmem:s6+$0x3020] =	vst v0;
	(pc) =	sbr.rel @p0 .LBB2_2-.Ltmp0, $4  }
0x1b: {  	[tilespmem:s6+$0x3030] =	vst v0  }
0x1c: {  	[tilespmem:s6+$0x3040] =	vst v0  }
0x1d: {  	[tilespmem:s6+$0x3050] =	vst v0  }
0x1e: {  	[tilespmem:s6+$0x3060] =	vst v0;
	s6 =	sshra.s32 s7, $0x2;
	s7 =	sadd.s32 $0x200, s7  }
0x1f: {  	[tilespmem:s6+$0x3070] =	vst v0  }
0x20: {  	[tilespmem:s6+$0x3000] =	vst v0  }
0x21: {  	[tilespmem:s6+$0x3010] =	vst v0  }
0x22: {  	[tilespmem:s6+$0x3020] =	vst v0  }
0x23: {  	[tilespmem:s6+$0x3030] =	vst v0  }
0x24: {  	[tilespmem:s6+$0x3040] =	vst v0  }
0x25: {  	[tilespmem:s6+$0x3050] =	vst v0  }
0x26: {  	[tilespmem:s6+$0x3060] =	vst v0  }
0x27: {  	[spmem:s5] =	stream.linear.scatter [tilespmem:s20], [sflag:$0x5], $0x4000, $0x38;
	[tilespmem:$0x1EC00] =	vst v63  }
0x28: {  	_ =	swait.ge [sflag:s21], $0x4000  }
0x29: {  	[sflag:s21] =	ssyncset.done $0x0  }
0x2a: {  	[sflag:s21] =	ssyncadd.s32 $0xFFFFC000  }
0x2b: {  	[spmem:s17] =	stream.linear.scatter [tilespmem:s20], [sflag:$0x5], $0x4000, $0x38;
	[tilespmem:$0x1EC00] =	vst v63  }
0x2c: {  	_ =	swait.ge [sflag:s21], $0x4000  }
0x2d: {  	[sflag:s21] =	ssyncset.done $0x0  }
0x2e: {  	[sflag:s21] =	ssyncadd.s32 $0xFFFFC000  }
0x2f: {  	[spmem:s18] =	stream.linear.scatter [tilespmem:s20], [sflag:$0x5], $0x4000, $0x38;
	[tilespmem:$0x1EC00] =	vst v63  }
0x30: {  	_ =	swait.ge [sflag:s21], $0x4000  }
0x31: {  	[sflag:s21] =	ssyncset.done $0x0  }
0x32: {  	[sflag:s21] =	ssyncadd.s32 $0xFFFFC000  }
0x33: {  	[spmem:s19] =	stream.linear.scatter [tilespmem:s20], [sflag:$0x5], $0x4000, $0x38;
	[tilespmem:$0x1EC00] =	vst v63  }
0x34: {  	_ =	swait.ge [sflag:s21], $0x4000  }
0x35: {  	[sflag:s21] =	ssyncset.done $0x0  }
0x36: {  	s7 =	rddreg [dreg:$0x3];
	[sflag:s21] =	ssyncadd.s32 $0xFFFFC000  }
0x37: {  	[spmem:s7] =	stream.linear.scatter [tilespmem:s20], [sflag:$0x5], $0x3C00, $0x38;
	[tilespmem:$0x1EC00] =	vst v63  }
0x38: {  	_ =	swait.ge [sflag:s21], $0x3C00  }
0x39: {  	[sflag:s21] =	ssyncset.done $0x0  }
0x3a: {  	[sflag:s21] =	ssyncadd.s32 $0xFFFFC400  }
0x3b: {  	[bflag:$0x0] =	sbarrier.arrive $0xFFFF  }
0x3c: {  	s6 =	simm.s32 $0x0;
	s7 =	rddreg [dreg:$0x4]  }
0x3d: {  	[tilespmem:s6], [sflag:$0x3] =	stream.linear.gather [hbm4b:s7+s6], $0xC00, $0x38;
	[tilespmem:$0x1EC00] =	vst v63  }
0x3e: {  	s8 =	rddreg [dreg:$0x5]  }
0x3f: {  	[tilespmem:s22], [sflag:$0x4] =	stream.linear.gather [hbm4b:s8+s6], $0xC00, $0x38;
	[tilespmem:$0x1EC00] =	vst v63  }
0x40: {  	_ =	swait.ge [sflag:s23], $0xC00  }
0x41: {  	[sflag:s23] =	ssyncset.done $0x0  }
0x42: {  	[sflag:s23] =	ssyncadd.s32 $0xFFFFF400  }
0x43: {  	_ =	swait.ge [sflag:s24], $0xC00  }
0x44: {  	[sflag:s24] =	ssyncset.done $0x0  }
0x45: {  	[sflag:s24] =	ssyncadd.s32 $0xFFFFF400  }
0x46: {  	[tilespmem:s25], [sflag:$0x3] =	stream.linear.gather [hbm4b:s9+s6], $0xC00, $0x38;
	[tilespmem:$0x1EC00] =	vst v63  }
0x47: {  	s8 =	simm.s32 $0x2400  }
0x48: {  	[tilespmem:s8], [sflag:$0x4] =	stream.linear.gather [hbm4b:s10+s6], $0xC00, $0x38;
	[tilespmem:$0x1EC00] =	vst v63  }
0x49: {  	_ = 	snop  }
0x4a: {  	[tilespmem:s20], [sflag:$0x1] =	stream.indirect.gather [hbm4b:s4+s28], $0x80, s6, s28, $0xb8;
	[tilespmem:$0x1EC00] =	vst v63  }
0x4b: {  	_ = 	snop  }
0x4c: {  	[tilespmem:s29], [sflag:$0x2] =	stream.indirect.gather [hbm4b:s4+s28], $0x80, s28, s28, $0xb8;
	[tilespmem:$0x1EC00] =	vst v63  }
0x4d: {  	_ =	swait.ge [sflag:s30], $0x4000  }
0x4e: {  	[sflag:s30] =	ssyncset.done $0x0  }
0x4f: {  	s8 =	simm.s32 $0x1800;
	[sflag:s30] =	ssyncadd.s32 $0xFFFFC000  }
0x50: {  	[spmem:s1] =	stream.indirect.scatter.add.f32 [tilespmem:s20], [sflag:$0x5], $0x80, s8, s28, $0xb8;
	[tilespmem:$0x1EC00] =	vst v63  }
0x51: {  	_ =	swait.ge [sflag:s21], $0x4000  }
0x52: {  	[sflag:s21] =	ssyncset.done $0x0  }
0x53: {  	s7 =	simm.s32 $0x100;
	[sflag:s21] =	ssyncadd.s32 $0xFFFFC000  }
0x54: {  	[tilespmem:s20], [sflag:$0x1] =	stream.indirect.gather [hbm4b:s4+s28], $0x80, s7, s28, $0xb8;
	[tilespmem:$0x1EC00] =	vst v63  }
0x55: {  	_ =	swait.ge [sflag:s31], $0x4000  }
0x56: {  	[sflag:s31] =	ssyncset.done $0x0  }
0x57: {  	s8 =	simm.s32 $0x1880;
	[sflag:s31] =	ssyncadd.s32 $0xFFFFC000  }
0x58: {  	[spmem:s1] =	stream.indirect.scatter.add.f32 [tilespmem:s29], [sflag:$0x5], $0x80, s8, s28, $0xb8;
	[tilespmem:$0x1EC00] =	vst v63  }
0x59: {  	_ =	swait.ge [sflag:s21], $0x4000  }
0x5a: {  	[sflag:s21] =	ssyncset.done $0x0  }
0x5b: {  	s6 =	simm.s32 $0x400;
	s7 =	simm.s32 $0x180;
	[sflag:s21] =	ssyncadd.s32 $0xFFFFC000  }
.LBB2_4:
0x5c: {  	[tilespmem:s29], [sflag:$0x2] =	stream.indirect.gather [hbm4b:s4+s28], $0x80, s7, s28, $0xb8;
	[tilespmem:$0x1EC00] =	vst v63  }
0x5d: {  	s7 =	smov.u32 s6  }
0x5e: {  	p0 =	sne.s32 s6, $0x2800;
	s6 =	sadd.s32 $0x400, s6;
	_ =	swait.ge [sflag:s30], $0x4000  }
0x5f: {  	s7 =	sshra.s32 s7, $0x2;
	[sflag:s30] =	ssyncset.done $0x0  }
0x60: {  	s8 =	sadd.s32 $0x1800, s7;
	[sflag:s30] =	ssyncadd.s32 $0xFFFFC000  }
0x61: {  	[spmem:s1] =	stream.indirect.scatter.add.f32 [tilespmem:s20], [sflag:$0x5], $0x80, s8, s28, $0xb8;
	[tilespmem:$0x1EC00] =	vst v63  }
0x62: {  	_ =	swait.ge [sflag:s21], $0x4000  }
0x63: {  	[sflag:s21] =	ssyncset.done $0x0  }
0x64: {  	s8 =	sadd.s32 $0x100, s7;
	[sflag:s21] =	ssyncadd.s32 $0xFFFFC000  }
0x65: {  	[tilespmem:s20], [sflag:$0x1] =	stream.indirect.gather [hbm4b:s4+s28], $0x80, s8, s28, $0xb8;
	[tilespmem:$0x1EC00] =	vst v63  }
0x66: {  	_ =	swait.ge [sflag:s31], $0x4000  }
0x67: {  	[sflag:s31] =	ssyncset.done $0x0  }
.Ltmp1:
0x68: {  	s8 =	sadd.s32 $0x1880, s7;
	[sflag:s31] =	ssyncadd.s32 $0xFFFFC000;
	(pc) =	sbr.rel @p0 .LBB2_4-.Ltmp1, $4  }
0x69: {  	[spmem:s1] =	stream.indirect.scatter.add.f32 [tilespmem:s29], [sflag:$0x5], $0x80, s8, s28, $0xb8;
	[tilespmem:$0x1EC00] =	vst v63  }
0x6a: {  	_ =	swait.ge [sflag:s21], $0x4000  }
0x6b: {  	[sflag:s21] =	ssyncset.done $0x0  }
0x6c: {  	s7 =	sadd.s32 $0x180, s7;
	[sflag:s21] =	ssyncadd.s32 $0xFFFFC000  }
0x6d: {  	[tilespmem:s29], [sflag:$0x2] =	stream.indirect.gather [hbm4b:s4+s28], $0x80, s7, s28, $0xb8;
	[tilespmem:$0x1EC00] =	vst v63  }
0x6e: {  	_ =	swait.ge [sflag:s30], $0x4000  }
0x6f: {  	[sflag:s30] =	ssyncset.done $0x0  }
0x70: {  	[sflag:s30] =	ssyncadd.s32 $0xFFFFC000  }
0x71: {  	[spmem:s1] =	stream.indirect.scatter.add.f32 [tilespmem:s20], [sflag:$0x5], $0x80, s0, s28, $0xb8;
	[tilespmem:$0x1EC00] =	vst v63  }
0x72: {  	_ =	swait.ge [sflag:s21], $0x4000  }
0x73: {  	[sflag:s21] =	ssyncset.done $0x0  }
0x74: {  	[sflag:s21] =	ssyncadd.s32 $0xFFFFC000  }
0x75: {  	_ =	swait.ge [sflag:s31], $0x4000  }
0x76: {  	[sflag:s31] =	ssyncset.done $0x0  }
0x77: {  	[sflag:s31] =	ssyncadd.s32 $0xFFFFC000  }
0x78: {  	[spmem:s1] =	stream.indirect.scatter.add.f32 [tilespmem:s29], [sflag:$0x5], $0x80, s26, s28, $0xb8;
	[tilespmem:$0x1EC00] =	vst v63  }
0x79: {  	_ =	swait.ge [sflag:s21], $0x4000  }
0x7a: {  	[sflag:s21] =	ssyncset.done $0x0  }
0x7b: {  	[sflag:s21] =	ssyncadd.s32 $0xFFFFC000  }
0x7c: {  	_ =	swait.ge [sflag:s23], $0xC00  }
0x7d: {  	[sflag:s23] =	ssyncset.done $0x0  }
0x7e: {  	[sflag:s23] =	ssyncadd.s32 $0xFFFFF400  }
0x7f: {  	_ =	swait.ge [sflag:s24], $0xC00  }
0x80: {  	[sflag:s24] =	ssyncset.done $0x0  }
0x81: {  	[sflag:s24] =	ssyncadd.s32 $0xFFFFF400  }
0x82: {  	[tilespmem:s3], [sflag:$0x3] =	stream.linear.gather [hbm4b:s11+s3], $0xC00, $0x38;
	[tilespmem:$0x1EC00] =	vst v63  }
0x83: {  	_ = 	snop  }
0x84: {  	[tilespmem:s22], [sflag:$0x4] =	stream.linear.gather [hbm4b:s12+s3], $0xC00, $0x38;
	[tilespmem:$0x1EC00] =	vst v63  }
0x85: {  	_ = 	snop  }
0x86: {  	[tilespmem:s20], [sflag:$0x1] =	stream.indirect.gather [hbm4b:s4+s28], $0x80, s25, s28, $0xb8;
	[tilespmem:$0x1EC00] =	vst v63  }
0x87: {  	s6 =	simm.s32 $0xC80  }
0x88: {  	[tilespmem:s29], [sflag:$0x2] =	stream.indirect.gather [hbm4b:s4+s28], $0x80, s6, s28, $0xb8;
	[tilespmem:$0x1EC00] =	vst v63  }
0x89: {  	_ =	swait.ge [sflag:s30], $0x4000  }
0x8a: {  	[sflag:s30] =	ssyncset.done $0x0  }
0x8b: {  	s8 =	simm.s32 $0x2400;
	[sflag:s30] =	ssyncadd.s32 $0xFFFFC000  }
0x8c: {  	[spmem:s1] =	stream.indirect.scatter.add.f32 [tilespmem:s20], [sflag:$0x5], $0x80, s8, s28, $0xb8;
	[tilespmem:$0x1EC00] =	vst v63  }
0x8d: {  	_ =	swait.ge [sflag:s21], $0x4000  }
0x8e: {  	[sflag:s21] =	ssyncset.done $0x0  }
0x8f: {  	s7 =	simm.s32 $0xD00;
	[sflag:s21] =	ssyncadd.s32 $0xFFFFC000  }
0x90: {  	[tilespmem:s20], [sflag:$0x1] =	stream.indirect.gather [hbm4b:s4+s28], $0x80, s7, s28, $0xb8;
	[tilespmem:$0x1EC00] =	vst v63  }
0x91: {  	_ =	swait.ge [sflag:s31], $0x4000  }
0x92: {  	[sflag:s31] =	ssyncset.done $0x0  }
0x93: {  	s8 =	simm.s32 $0x2480;
	[sflag:s31] =	ssyncadd.s32 $0xFFFFC000  }
0x94: {  	[spmem:s1] =	stream.indirect.scatter.add.f32 [tilespmem:s29], [sflag:$0x5], $0x80, s8, s28, $0xb8;
	[tilespmem:$0x1EC00] =	vst v63  }
0x95: {  	_ =	swait.ge [sflag:s21], $0x4000  }
0x96: {  	[sflag:s21] =	ssyncset.done $0x0  }
0x97: {  	s6 =	simm.s32 $0xFFFFD800;
	s7 =	simm.s32 $0xD80;
	[sflag:s21] =	ssyncadd.s32 $0xFFFFC000  }
.LBB2_6:
0x98: {  	[tilespmem:s29], [sflag:$0x2] =	stream.indirect.gather [hbm4b:s4+s28], $0x80, s7, s28, $0xb8;
	[tilespmem:$0x1EC00] =	vst v63  }
0x99: {  	s7 =	smov.u32 s6  }
0x9a: {  	p0 =	sne.s32 s6, $0xFFFFFC00;
	s6 =	sadd.s32 $0x400, s6;
	_ =	swait.ge [sflag:s30], $0x4000  }
0x9b: {  	s7 =	sshra.s32 s7, $0x2;
	[sflag:s30] =	ssyncset.done $0x0  }
0x9c: {  	s8 =	sadd.s32 $0x2F00, s7;
	[sflag:s30] =	ssyncadd.s32 $0xFFFFC000  }
0x9d: {  	[spmem:s1] =	stream.indirect.scatter.add.f32 [tilespmem:s20], [sflag:$0x5], $0x80, s8, s28, $0xb8;
	[tilespmem:$0x1EC00] =	vst v63  }
0x9e: {  	_ =	swait.ge [sflag:s21], $0x4000  }
0x9f: {  	[sflag:s21] =	ssyncset.done $0x0  }
0xa0: {  	s8 =	sadd.s32 $0x1800, s7;
	[sflag:s21] =	ssyncadd.s32 $0xFFFFC000  }
0xa1: {  	[tilespmem:s20], [sflag:$0x1] =	stream.indirect.gather [hbm4b:s4+s28], $0x80, s8, s28, $0xb8;
	[tilespmem:$0x1EC00] =	vst v63  }
0xa2: {  	_ =	swait.ge [sflag:s31], $0x4000  }
0xa3: {  	[sflag:s31] =	ssyncset.done $0x0  }
.Ltmp2:
0xa4: {  	s8 =	sadd.s32 $0x2F80, s7;
	[sflag:s31] =	ssyncadd.s32 $0xFFFFC000;
	(pc) =	sbr.rel @p0 .LBB2_6-.Ltmp2, $4  }
0xa5: {  	[spmem:s1] =	stream.indirect.scatter.add.f32 [tilespmem:s29], [sflag:$0x5], $0x80, s8, s28, $0xb8;
	[tilespmem:$0x1EC00] =	vst v63  }
0xa6: {  	_ =	swait.ge [sflag:s21], $0x4000  }
0xa7: {  	[sflag:s21] =	ssyncset.done $0x0  }
0xa8: {  	s7 =	sadd.s32 $0x1880, s7;
	[sflag:s21] =	ssyncadd.s32 $0xFFFFC000  }
0xa9: {  	[tilespmem:s29], [sflag:$0x2] =	stream.indirect.gather [hbm4b:s4+s28], $0x80, s7, s28, $0xb8;
	[tilespmem:$0x1EC00] =	vst v63  }
0xaa: {  	_ =	swait.ge [sflag:s30], $0x4000  }
0xab: {  	[sflag:s30] =	ssyncset.done $0x0  }
0xac: {  	s6 =	simm.s32 $0x2F00;
	[sflag:s30] =	ssyncadd.s32 $0xFFFFC000  }
0xad: {  	[spmem:s1] =	stream.indirect.scatter.add.f32 [tilespmem:s20], [sflag:$0x5], $0x80, s6, s28, $0xb8;
	[tilespmem:$0x1EC00] =	vst v63  }
0xae: {  	_ =	swait.ge [sflag:s21], $0x4000  }
0xaf: {  	[sflag:s21] =	ssyncset.done $0x0  }
0xb0: {  	[sflag:s21] =	ssyncadd.s32 $0xFFFFC000  }
0xb1: {  	_ =	swait.ge [sflag:s31], $0x4000  }
0xb2: {  	[sflag:s31] =	ssyncset.done $0x0  }
0xb3: {  	s8 =	simm.s32 $0x2F80;
	[sflag:s31] =	ssyncadd.s32 $0xFFFFC000  }
0xb4: {  	[spmem:s1] =	stream.indirect.scatter.add.f32 [tilespmem:s29], [sflag:$0x5], $0x80, s8, s28, $0xb8;
	[tilespmem:$0x1EC00] =	vst v63  }
0xb5: {  	_ =	swait.ge [sflag:s21], $0x4000  }
0xb6: {  	[sflag:s21] =	ssyncset.done $0x0  }
0xb7: {  	[sflag:s21] =	ssyncadd.s32 $0xFFFFC000  }
0xb8: {  	_ =	swait.ge [sflag:s23], $0xC00  }
0xb9: {  	[sflag:s23] =	ssyncset.done $0x0  }
0xba: {  	[sflag:s23] =	ssyncadd.s32 $0xFFFFF400  }
0xbb: {  	_ =	swait.ge [sflag:s24], $0xC00  }
0xbc: {  	[sflag:s24] =	ssyncset.done $0x0  }
0xbd: {  	s7 =	simm.s32 $0x0;
	[sflag:s24] =	ssyncadd.s32 $0xFFFFF400  }
0xbe: {  	[tilespmem:s20], [sflag:$0x1] =	stream.indirect.gather [hbm4b:s4+s28], $0x80, s7, s28, $0xb8;
	[tilespmem:$0x1EC00] =	vst v63  }
0xbf: {  	_ = 	snop  }
0xc0: {  	[tilespmem:s29], [sflag:$0x2] =	stream.indirect.gather [hbm4b:s4+s28], $0x80, s28, s28, $0xb8;
	[tilespmem:$0x1EC00] =	vst v63  }
0xc1: {  	_ =	swait.ge [sflag:s30], $0x4000  }
0xc2: {  	[sflag:s30] =	ssyncset.done $0x0  }
0xc3: {  	s8 =	simm.s32 $0x1800;
	[sflag:s30] =	ssyncadd.s32 $0xFFFFC000  }
0xc4: {  	[spmem:s1] =	stream.indirect.scatter.add.f32 [tilespmem:s20], [sflag:$0x5], $0x80, s8, s28, $0xb8;
	[tilespmem:$0x1EC00] =	vst v63  }
0xc5: {  	_ =	swait.ge [sflag:s21], $0x4000  }
0xc6: {  	[sflag:s21] =	ssyncset.done $0x0  }
0xc7: {  	s7 =	simm.s32 $0x100;
	[sflag:s21] =	ssyncadd.s32 $0xFFFFC000  }
0xc8: {  	[tilespmem:s20], [sflag:$0x1] =	stream.indirect.gather [hbm4b:s4+s28], $0x80, s7, s28, $0xb8;
	[tilespmem:$0x1EC00] =	vst v63  }
0xc9: {  	_ =	swait.ge [sflag:s31], $0x4000  }
0xca: {  	[sflag:s31] =	ssyncset.done $0x0  }
0xcb: {  	s8 =	simm.s32 $0x1880;
	[sflag:s31] =	ssyncadd.s32 $0xFFFFC000  }
0xcc: {  	[spmem:s1] =	stream.indirect.scatter.add.f32 [tilespmem:s29], [sflag:$0x5], $0x80, s8, s28, $0xb8;
	[tilespmem:$0x1EC00] =	vst v63  }
0xcd: {  	_ =	swait.ge [sflag:s21], $0x4000  }
0xce: {  	[sflag:s21] =	ssyncset.done $0x0  }
0xcf: {  	s6 =	simm.s32 $0x400;
	s7 =	simm.s32 $0x180;
	[sflag:s21] =	ssyncadd.s32 $0xFFFFC000  }
.LBB2_8:
0xd0: {  	[tilespmem:s29], [sflag:$0x2] =	stream.indirect.gather [hbm4b:s4+s28], $0x80, s7, s28, $0xb8;
	[tilespmem:$0x1EC00] =	vst v63  }
0xd1: {  	s7 =	smov.u32 s6  }
0xd2: {  	p0 =	sne.s32 s6, $0x2800;
	s6 =	sadd.s32 $0x400, s6;
	_ =	swait.ge [sflag:s30], $0x4000  }
0xd3: {  	s7 =	sshra.s32 s7, $0x2;
	[sflag:s30] =	ssyncset.done $0x0  }
0xd4: {  	s8 =	sadd.s32 $0x1800, s7;
	[sflag:s30] =	ssyncadd.s32 $0xFFFFC000  }
0xd5: {  	[spmem:s1] =	stream.indirect.scatter.add.f32 [tilespmem:s20], [sflag:$0x5], $0x80, s8, s28, $0xb8;
	[tilespmem:$0x1EC00] =	vst v63  }
0xd6: {  	_ =	swait.ge [sflag:s21], $0x4000  }
0xd7: {  	[sflag:s21] =	ssyncset.done $0x0  }
0xd8: {  	s8 =	sadd.s32 $0x100, s7;
	[sflag:s21] =	ssyncadd.s32 $0xFFFFC000  }
0xd9: {  	[tilespmem:s20], [sflag:$0x1] =	stream.indirect.gather [hbm4b:s4+s28], $0x80, s8, s28, $0xb8;
	[tilespmem:$0x1EC00] =	vst v63  }
0xda: {  	_ =	swait.ge [sflag:s31], $0x4000  }
0xdb: {  	[sflag:s31] =	ssyncset.done $0x0  }
.Ltmp3:
0xdc: {  	s8 =	sadd.s32 $0x1880, s7;
	[sflag:s31] =	ssyncadd.s32 $0xFFFFC000;
	(pc) =	sbr.rel @p0 .LBB2_8-.Ltmp3, $4  }
0xdd: {  	[spmem:s1] =	stream.indirect.scatter.add.f32 [tilespmem:s29], [sflag:$0x5], $0x80, s8, s28, $0xb8;
	[tilespmem:$0x1EC00] =	vst v63  }
0xde: {  	_ =	swait.ge [sflag:s21], $0x4000  }
0xdf: {  	[sflag:s21] =	ssyncset.done $0x0  }
0xe0: {  	s7 =	sadd.s32 $0x180, s7;
	[sflag:s21] =	ssyncadd.s32 $0xFFFFC000  }
0xe1: {  	[tilespmem:s29], [sflag:$0x2] =	stream.indirect.gather [hbm4b:s4+s28], $0x80, s7, s28, $0xb8;
	[tilespmem:$0x1EC00] =	vst v63  }
0xe2: {  	_ =	swait.ge [sflag:s30], $0x4000  }
0xe3: {  	[sflag:s30] =	ssyncset.done $0x0  }
0xe4: {  	[sflag:s30] =	ssyncadd.s32 $0xFFFFC000  }
0xe5: {  	[spmem:s1] =	stream.indirect.scatter.add.f32 [tilespmem:s20], [sflag:$0x5], $0x80, s0, s28, $0xb8;
	[tilespmem:$0x1EC00] =	vst v63  }
0xe6: {  	_ =	swait.ge [sflag:s21], $0x4000  }
0xe7: {  	[sflag:s21] =	ssyncset.done $0x0  }
0xe8: {  	[sflag:s21] =	ssyncadd.s32 $0xFFFFC000  }
0xe9: {  	_ =	swait.ge [sflag:s31], $0x4000  }
0xea: {  	[sflag:s31] =	ssyncset.done $0x0  }
0xeb: {  	[sflag:s31] =	ssyncadd.s32 $0xFFFFC000  }
0xec: {  	[spmem:s1] =	stream.indirect.scatter.add.f32 [tilespmem:s29], [sflag:$0x5], $0x80, s26, s28, $0xb8;
	[tilespmem:$0x1EC00] =	vst v63  }
0xed: {  	_ =	swait.ge [sflag:s21], $0x4000  }
0xee: {  	[sflag:s21] =	ssyncset.done $0x0  }
0xef: {  	[sflag:s21] =	ssyncadd.s32 $0xFFFFC000  }
0xf0: {  	[tilespmem:s3], [sflag:$0x3] =	stream.linear.gather [hbm4b:s13+s3], $0x400, $0x38;
	[tilespmem:$0x1EC00] =	vst v63  }
0xf1: {  	_ = 	snop  }
0xf2: {  	[tilespmem:s22], [sflag:$0x4] =	stream.linear.gather [hbm4b:s14+s3], $0x400, $0x38;
	[tilespmem:$0x1EC00] =	vst v63  }
0xf3: {  	_ =	swait.ge [sflag:s23], $0x400  }
0xf4: {  	[sflag:s23] =	ssyncset.done $0x0  }
0xf5: {  	[sflag:s23] =	ssyncadd.s32 $0xFFFFFC00  }
0xf6: {  	_ =	swait.ge [sflag:s24], $0x400  }
0xf7: {  	[sflag:s24] =	ssyncset.done $0x0  }
0xf8: {  	[sflag:s24] =	ssyncadd.s32 $0xFFFFFC00  }
0xf9: {  	[tilespmem:s20], [sflag:$0x1] =	stream.indirect.gather [hbm4b:s4+s28], $0x80, s3, s28, $0xb8;
	[tilespmem:$0x1EC00] =	vst v63  }
0xfa: {  	_ = 	snop  }
0xfb: {  	[tilespmem:s29], [sflag:$0x2] =	stream.indirect.gather [hbm4b:s4+s28], $0x80, s28, s28, $0xb8;
	[tilespmem:$0x1EC00] =	vst v63  }
0xfc: {  	_ =	swait.ge [sflag:s30], $0x4000  }
0xfd: {  	[sflag:s30] =	ssyncset.done $0x0  }
0xfe: {  	[sflag:s30] =	ssyncadd.s32 $0xFFFFC000  }
0xff: {  	[spmem:s1] =	stream.indirect.scatter.add.f32 [tilespmem:s20], [sflag:$0x5], $0x80, s22, s28, $0xb8;
	[tilespmem:$0x1EC00] =	vst v63  }
0x100: {  	_ =	swait.ge [sflag:s21], $0x4000  }
0x101: {  	[sflag:s21] =	ssyncset.done $0x0  }
0x102: {  	s6 =	simm.s32 $0x100;
	[sflag:s21] =	ssyncadd.s32 $0xFFFFC000  }
0x103: {  	[tilespmem:s20], [sflag:$0x1] =	stream.indirect.gather [hbm4b:s4+s28], $0x80, s6, s28, $0xb8;
	[tilespmem:$0x1EC00] =	vst v63  }
0x104: {  	_ =	swait.ge [sflag:s31], $0x4000  }
0x105: {  	[sflag:s31] =	ssyncset.done $0x0  }
0x106: {  	s7 =	simm.s32 $0x1880;
	[sflag:s31] =	ssyncadd.s32 $0xFFFFC000  }
0x107: {  	[spmem:s1] =	stream.indirect.scatter.add.f32 [tilespmem:s29], [sflag:$0x5], $0x80, s7, s28, $0xb8;
	[tilespmem:$0x1EC00] =	vst v63  }
0x108: {  	_ =	swait.ge [sflag:s21], $0x4000  }
0x109: {  	[sflag:s21] =	ssyncset.done $0x0  }
0x10a: {  	s8 =	simm.s32 $0x180;
	[sflag:s21] =	ssyncadd.s32 $0xFFFFC000  }
0x10b: {  	[tilespmem:s29], [sflag:$0x2] =	stream.indirect.gather [hbm4b:s4+s28], $0x80, s8, s28, $0xb8;
	[tilespmem:$0x1EC00] =	vst v63  }
0x10c: {  	_ =	swait.ge [sflag:s30], $0x4000  }
0x10d: {  	[sflag:s30] =	ssyncset.done $0x0  }
0x10e: {  	s7 =	simm.s32 $0x1900;
	[sflag:s30] =	ssyncadd.s32 $0xFFFFC000  }
0x10f: {  	[spmem:s1] =	stream.indirect.scatter.add.f32 [tilespmem:s20], [sflag:$0x5], $0x80, s7, s28, $0xb8;
	[tilespmem:$0x1EC00] =	vst v63  }
0x110: {  	_ =	swait.ge [sflag:s21], $0x4000  }
0x111: {  	[sflag:s21] =	ssyncset.done $0x0  }
0x112: {  	s8 =	simm.s32 $0x200;
	[sflag:s21] =	ssyncadd.s32 $0xFFFFC000  }
0x113: {  	[tilespmem:s20], [sflag:$0x1] =	stream.indirect.gather [hbm4b:s4+s28], $0x80, s8, s28, $0xb8;
	[tilespmem:$0x1EC00] =	vst v63  }
0x114: {  	_ =	swait.ge [sflag:s31], $0x4000  }
0x115: {  	[sflag:s31] =	ssyncset.done $0x0  }
0x116: {  	s7 =	simm.s32 $0x1980;
	[sflag:s31] =	ssyncadd.s32 $0xFFFFC000  }
0x117: {  	[spmem:s1] =	stream.indirect.scatter.add.f32 [tilespmem:s29], [sflag:$0x5], $0x80, s7, s28, $0xb8;
	[tilespmem:$0x1EC00] =	vst v63  }
0x118: {  	_ =	swait.ge [sflag:s21], $0x4000  }
0x119: {  	[sflag:s21] =	ssyncset.done $0x0  }
0x11a: {  	s8 =	simm.s32 $0x280;
	[sflag:s21] =	ssyncadd.s32 $0xFFFFC000  }
0x11b: {  	[tilespmem:s29], [sflag:$0x2] =	stream.indirect.gather [hbm4b:s4+s28], $0x80, s8, s28, $0xb8;
	[tilespmem:$0x1EC00] =	vst v63  }
0x11c: {  	_ =	swait.ge [sflag:s30], $0x4000  }
0x11d: {  	[sflag:s30] =	ssyncset.done $0x0  }
0x11e: {  	s7 =	simm.s32 $0x1A00;
	[sflag:s30] =	ssyncadd.s32 $0xFFFFC000  }
0x11f: {  	[spmem:s1] =	stream.indirect.scatter.add.f32 [tilespmem:s20], [sflag:$0x5], $0x80, s7, s28, $0xb8;
	[tilespmem:$0x1EC00] =	vst v63  }
0x120: {  	_ =	swait.ge [sflag:s21], $0x4000  }
0x121: {  	[sflag:s21] =	ssyncset.done $0x0  }
0x122: {  	s8 =	simm.s32 $0x300;
	[sflag:s21] =	ssyncadd.s32 $0xFFFFC000  }
0x123: {  	[tilespmem:s20], [sflag:$0x1] =	stream.indirect.gather [hbm4b:s4+s28], $0x80, s8, s28, $0xb8;
	[tilespmem:$0x1EC00] =	vst v63  }
0x124: {  	_ =	swait.ge [sflag:s31], $0x4000  }
0x125: {  	[sflag:s31] =	ssyncset.done $0x0  }
0x126: {  	s7 =	simm.s32 $0x1A80;
	[sflag:s31] =	ssyncadd.s32 $0xFFFFC000  }
0x127: {  	[spmem:s1] =	stream.indirect.scatter.add.f32 [tilespmem:s29], [sflag:$0x5], $0x80, s7, s28, $0xb8;
	[tilespmem:$0x1EC00] =	vst v63  }
0x128: {  	_ =	swait.ge [sflag:s21], $0x4000  }
0x129: {  	[sflag:s21] =	ssyncset.done $0x0  }
0x12a: {  	s8 =	simm.s32 $0x380;
	[sflag:s21] =	ssyncadd.s32 $0xFFFFC000  }
0x12b: {  	[tilespmem:s29], [sflag:$0x2] =	stream.indirect.gather [hbm4b:s4+s28], $0x80, s8, s28, $0xb8;
	[tilespmem:$0x1EC00] =	vst v63  }
0x12c: {  	_ =	swait.ge [sflag:s30], $0x4000  }
0x12d: {  	[sflag:s30] =	ssyncset.done $0x0  }
0x12e: {  	s7 =	simm.s32 $0x1B00;
	[sflag:s30] =	ssyncadd.s32 $0xFFFFC000  }
0x12f: {  	[spmem:s1] =	stream.indirect.scatter.add.f32 [tilespmem:s20], [sflag:$0x5], $0x80, s7, s28, $0xb8;
	[tilespmem:$0x1EC00] =	vst v63  }
0x130: {  	_ =	swait.ge [sflag:s21], $0x4000  }
0x131: {  	[sflag:s21] =	ssyncset.done $0x0  }
0x132: {  	[sflag:s21] =	ssyncadd.s32 $0xFFFFC000  }
0x133: {  	_ =	swait.ge [sflag:s31], $0x4000  }
0x134: {  	[sflag:s31] =	ssyncset.done $0x0  }
0x135: {  	s8 =	simm.s32 $0x1B80;
	[sflag:s31] =	ssyncadd.s32 $0xFFFFC000  }
0x136: {  	[spmem:s1] =	stream.indirect.scatter.add.f32 [tilespmem:s29], [sflag:$0x5], $0x80, s8, s28, $0xb8;
	[tilespmem:$0x1EC00] =	vst v63  }
0x137: {  	s7 =	stileid.u32;
	_ =	swait.ge [sflag:s21], $0x4000  }
0x138: {  	s2 =	sadd.s32 $0x1, s2;
	s6 =	sshll.u32 s7, $0x6;
	[sflag:s21] =	ssyncset.done $0x0  }
0x139: {  	p0 =	sne.s32 s2, s16;
	s6 =	sor.u32 $0x1C05, s6;
	[sflag:s21] =	ssyncadd.s32 $0xFFFFC000  }
.Ltmp4:
0x13a: {  	s8 =	sshrl.u32 s5, $0x3;
	[bflag:$0x0] =	sbarrier.arrive $0xFFFF;
	(pc) =	sbr.rel @p0 .LBB2_1-.Ltmp4, $4  }
0x13b: {  	[hbm:s15], [sflag:s6] =	dma.local [spmem:s8], $0x2780  }
0x13c: {  	_ =	swait.ge [sflag:s21], $0x2780  }
0x13d: {  	[sflag:s21] =	ssyncset.done $0x0  }
0x13e: {  	[sflag:s21] =	ssyncadd.s32 $0xFFFFD880  }
0x13f: {  	_ =	sfence.sel $0x180000  }
0x140: {  	[bflag:$0x0] =	sbarrier.arrive $0xFFFF  }
0x141: {  	_ =	strace $0x9000004A  }
0x142: {  	s0 =	stileid.u32;
	[bflag:$0x2] =	sbarrier.arrive $0xFFFF  }
0x143: {  	p0 =	sne.s32 s0, $0x0;
	s0 =	rddreg [dreg:$0x2]  }
0x144: {  	s0 =	sadd.s32 @!p0 $0x100000, s0  }
0x145: {  	[sflag:s0] =	ssyncadd.tile.s32 @!p0 $0x1;
	_ =	shalt  }
.Lfunc_end2:
_tile_overlayer_lowered:
.L_overlay_start_2:
0x146: {  	(tag) =	ssettag $0x2  }
0x147: {  	s0 =	rddreg [dreg:$0x0];
	s2 =	stileid.u32  }
0x148: {  	s1 =	rddreg [dreg:$0x1];
	p0 =	sne.s32 s2, $0x0  }
0x149: {  	s3 =	rddreg [dreg:$0x2];
	[bflag:$0x3] =	sbarrier.arrive $0xFFFF;
	s2 =	simm.s32 @!p0 $0x1C05  }
0x14a: {  	[timem:s3], [sflag:s2] =	dma.local @!p0 [hbm:s0], s1  }
0x14b: {  	s0 =	simm.s32 @!p0 $0x5  }
0x14c: {  	_ =	swait.ge @!p0 [sflag:s0], s1  }
0x14d: {  	s1 =	ssub.s32 @!p0 $0x0, s1;
	[sflag:s0] =	ssyncset.done @!p0 $0x0  }
0x14e: {  	[sflag:s0] =	ssyncadd.s32 @!p0 s1  }
0x14f: {  	[bflag:$0x3] =	sbarrier.arrive $0xFFFF  }
0x150: {  	_ =	shalt  }

// kernel: kernel.15.cloned.1.call-start
scs
__scs_entry_jumppad:
0x0: {  	(pc) =	sbr.rel $0x88, $3  }
0x1: {  	(tag) =	ssettag $0x0;
	lr =	simm.s32 $0x1  }
0x2: {  	[smem:$0x3F9B] =	sst lr;
	_ =	strace $0xD0000000  }
0x3: {  	_ = 	snop  }
0x4: {  	_ = 	snop  }
0x5: {  	_ = 	snop  }
0x6: {  	_ = 	snop  }
0x7: {  	_ = 	snop  }
__scs_overlays_trampoline_lowered:
0x8: {  	[smem:$0x3FAA] =	sst s0  }
0x9: {  	[smem:$0x3FAB] =	sst s1  }
0xa: {  	[smem:$0x3FAC] =	sst s2  }
0xb: {  	[smem:$0x3FAD] =	sst s3  }
0xc: {  	[smem:$0x3FAE] =	sst s4  }
0xd: {  	[smem:$0x3FAF] =	sst s5  }
0xe: {  	[smem:$0x3FB0] =	sst s6  }
0xf: {  	[smem:$0x3FB1] =	sst s7  }
0x10: {  	[smem:$0x3FB2] =	sst s8  }
0x11: {  	[smem:$0x3FB3] =	sst s9;
	s0 =	simm.s32 @!p0 $0x0  }
0x12: {  	s1 =	sld [smem:$0x3F99];
	s0 =	simm.s32 @p0 $0x1  }
0x13: {  	[smem:$0x3FB4] =	sst s0;
	s0 =	simm.s32 @!p1 $0x0  }
0x14: {  	s2 =	sld [smem:$0x3F98];
	s0 =	simm.s32 @p1 $0x1  }
0x15: {  	[smem:$0x3FB5] =	sst s0;
	s0 =	simm.s32 @!p2 $0x0  }
0x16: {  	s3 =	sld [smem:$0x3FDB];
	s0 =	simm.s32 @p2 $0x1  }
0x17: {  	s4 =	simm.s32 $0x1BF5;
	[smem:$0x3FB7] =	sst s0  }
0x18: {  	s0 =	sld [smem:$0x3F9A];
	_ =	swait.ge [sflag:s4], $0x0  }
0x19: {  	s7 =	sld [smem:$0x3F9B]  }
0x1a: {  	s8 =	sadd.s32 $0xFFFFE003, lr  }
0x1b: {  	s9 =	sadd.s32 $0xFFFFFEF7, lr;
	s5 =	simm.s32 $0xFFFFFFFF;
	p2 =	slt.u32 s8, $0xFFFFF086  }
0x1c: {  	p1 =	slt.u32 s9, $0xF7A;
	s5 =	simm.s32 @!p2 $0x0  }
0x1d: {  	s5 =	simm.s32 @p1 $0x1;
	p0 =	seq.s32 s7, s2  }
0x1e: {  	s7 =	smul.u32 @!p0 $0xF7A, s2;
	p2 =	seq.s32 @!p0 s5, $0x0  }
0x1f: {  	s9 =	smul.u32 $0xF7A, s1;
	s8 =	simm.s32 @!p0 $0x1BF5;
	p2 =	por !p2, p0  }
0x20: {  	[sflag:s8] =	ssyncset.s32 @!p0 $0xFFFFF086;
	s6 =	sadd.s32 @!p0 s3, s7;
	s7 =	simm.s32 @!p0 $0x108  }
0x21: {  	s3 =	sadd.s32 s3, s9;
	s6 =	sadd.s32 @!p0 $0x88, s6;
	s7 =	simm.s32 @p2 $0x1082  }
0x22: {  	[simem:s7], [sflag:s8] =	dma.local @!p0 [hbm:s6], $0xF7A  }
0x23: {  	s9 =	sor.u32 $0xD0000000, s2;
	s6 =	simm.s32 $0x108;
	_ =	swait.ge @!p0 [sflag:s8], $0x0  }
0x24: {  	s3 =	sadd.s32 $0x88, s3;
	s6 =	simm.s32 @!p1 $0x1082;
	[sflag:s4] =	ssyncset.s32 $0xFFFFF086  }
0x25: {  	[simem:s6], [sflag:s4] =	dma.local [hbm:s3], $0xF7A  }
0x26: {  	[smem:$0x3F9B] =	sst s1;
	(tag) =	ssettag s2;
	_ =	strace s9  }
0x27: {  	s1 =	sld [smem:$0x3FAB]  }
0x28: {  	s2 =	sld [smem:$0x3FAC]  }
0x29: {  	s4 =	sld [smem:$0x3FAE]  }
0x2a: {  	p0 =	seq.s32 s5, $0x0;
	s5 =	sld [smem:$0x3FAF]  }
0x2b: {  	s6 =	sld [smem:$0x3FB0]  }
0x2c: {  	s7 =	sld [smem:$0x3FB1]  }
0x2d: {  	s3 =	simm.s32 $0x108;
	s8 =	sld [smem:$0x3FB2]  }
0x2e: {  	s3 =	simm.s32 @!p0 $0x1082;
	s9 =	sld [smem:$0x3FB3]  }
0x2f: {  	lr =	sadd.s32 s0, s3;
	s0 =	sld [smem:$0x3FAA]  }
0x30: {  	s3 =	sld [smem:$0x3FAD]  }
0x31: {  	[smem:$0x3FB6] =	sst s10  }
0x32: {  	s10 =	sld [smem:$0x3FB4];
	_ =	sdelay $0x3  }
0x33: {  	p0 =	seq.s32 s10, $0x1;
	s10 =	sld [smem:$0x3FB6];
	_ =	sdelay $0x3  }
0x34: {  	[smem:$0x3FB6] =	sst s10  }
0x35: {  	s10 =	sld [smem:$0x3FB5];
	_ =	sdelay $0x3  }
0x36: {  	p1 =	seq.s32 s10, $0x1;
	s10 =	sld [smem:$0x3FB6];
	_ =	sdelay $0x3  }
0x37: {  	[smem:$0x3FB6] =	sst s10  }
0x38: {  	s10 =	sld [smem:$0x3FB7]  }
0x39: {  	_ = 	snop;
	(pc) =	sbr.ind lr, $3  }
0x3a: {  	_ = 	snop  }
0x3b: {  	_ = 	snop  }
0x3c: {  	p2 =	seq.s32 s10, $0x1;
	s10 =	sld [smem:$0x3FB6]  }
0x3d: {  	_ =	shalt  }
0x3e: {  	_ =	shalt  }
0x3f: {  	_ =	shalt  }
0x40: {  	_ =	shalt  }
0x41: {  	_ =	shalt  }
0x42: {  	_ =	shalt  }
0x43: {  	_ =	shalt  }
0x44: {  	_ =	shalt  }
0x45: {  	_ =	shalt  }
0x46: {  	_ =	shalt  }
0x47: {  	_ =	shalt  }
0x48: {  	_ =	shalt  }
0x49: {  	_ =	shalt  }
0x4a: {  	_ =	shalt  }
0x4b: {  	_ =	shalt  }
0x4c: {  	_ =	shalt  }
0x4d: {  	_ =	shalt  }
0x4e: {  	_ =	shalt  }
0x4f: {  	_ =	shalt  }
0x50: {  	_ =	shalt  }
0x51: {  	_ =	shalt  }
0x52: {  	_ =	shalt  }
0x53: {  	_ =	shalt  }
0x54: {  	_ =	shalt  }
0x55: {  	_ =	shalt  }
0x56: {  	_ =	shalt  }
0x57: {  	_ =	shalt  }
0x58: {  	_ =	shalt  }
0x59: {  	_ =	shalt  }
0x5a: {  	_ =	shalt  }
0x5b: {  	_ =	shalt  }
0x5c: {  	_ =	shalt  }
0x5d: {  	_ =	shalt  }
0x5e: {  	_ =	shalt  }
0x5f: {  	_ =	shalt  }
0x60: {  	_ =	shalt  }
0x61: {  	_ =	shalt  }
0x62: {  	_ =	shalt  }
0x63: {  	_ =	shalt  }
0x64: {  	_ =	shalt  }
0x65: {  	_ =	shalt  }
0x66: {  	_ =	shalt  }
0x67: {  	_ =	shalt  }
0x68: {  	_ =	shalt  }
0x69: {  	_ =	shalt  }
0x6a: {  	_ =	shalt  }
0x6b: {  	_ =	shalt  }
0x6c: {  	_ =	shalt  }
0x6d: {  	_ =	shalt  }
0x6e: {  	_ =	shalt  }
0x6f: {  	_ =	shalt  }
0x70: {  	_ =	shalt  }
0x71: {  	_ =	shalt  }
0x72: {  	_ =	shalt  }
0x73: {  	_ =	shalt  }
0x74: {  	_ =	shalt  }
0x75: {  	_ =	shalt  }
0x76: {  	_ =	shalt  }
0x77: {  	_ =	shalt  }
0x78: {  	_ =	shalt  }
0x79: {  	_ =	shalt  }
0x7a: {  	_ =	shalt  }
0x7b: {  	_ =	shalt  }
0x7c: {  	_ =	shalt  }
0x7d: {  	_ =	shalt  }
0x7e: {  	_ =	shalt  }
0x7f: {  	_ =	shalt  }
0x80: {  	_ =	shalt  }
0x81: {  	_ =	shalt  }
0x82: {  	_ =	shalt  }
0x83: {  	_ =	shalt  }
0x84: {  	_ =	shalt  }
0x85: {  	_ =	shalt  }
0x86: {  	_ =	shalt  }
0x87: {  	_ =	shalt  }
.Lfunc_end0:
.L_simem_size_0:
called_computation.2_lowered:
.L_overlay_start_0:
0x88: {  	s2 =	sld [smem:$0x3FD9]  }
0x89: {  	s3 =	sld [smem:$0x3FFE];
	_ =	sdelay $0x1  }
0x8a: {  	s1 =	srdreg.scid  }
0x8b: {  	s0 =	sand.u32 $0x1, s1  }
0x8c: {  	s16 =	sshll.u32 s0, $0xA;
	s2 =	sadd.s32 s3, s2  }
0x8d: {  	s2 =	sadd.s32 s2, s16  }
0x8e: {  	[smem:$0x3FC2] =	sst s2  }
0x8f: {  	_ = 	snop  }
0x90: {  	(tm) =	ssettm $0x1  }
0x91: {  	s17 =	sld [smem:$0x3FFB];
	_ =	sdelay $0x3  }
0x92: {  	_ =	strace s17  }
0x93: {  	s2 =	sld [smem:$0x3FFC];
	_ =	sdelay $0x3  }
0x94: {  	_ =	strace s2  }
0x95: {  	s2 =	sld [smem:$0x3FFD];
	_ =	sdelay $0x3  }
0x96: {  	_ =	strace s2  }
0x97: {  	_ =	strace $0x8FFFFFFF  }
0x98: {  	s18 =	sld [smem:$0x3FDB];
	_ =	sdelay $0x1  }
0x99: {  	s19 =	simm.s32 $_scs_section_size  }
0x9a: {  	s4 =	simm.s32 $_size__tile_overlayer_lowered;
	s5 =	simm.s32 $_tile_overlayer_lowered  }
0x9b: {  	s22 =	simm.s32 $0x1BFF;
	s21 =	sshll.u32 s5, $0x1;
	s2 =	sadd.s32 s19, s18  }
0x9c: {  	s6 =	simm.s32 $0x0;
	s20 =	sshll.u32 s4, $0x1;
	s4 =	sadd.s32 s21, s2  }
0x9d: {  	[timem:s6], [sflag:s22] =	dma.local [hbm:s4], s20  }
0x9e: {  	_ =	swait.ge [sflag:s22], s20  }
0x9f: {  	s3 =	ssub.s32 $0x0, s20;
	[sflag:s22] =	ssyncset.done $0x0  }
0xa0: {  	[sflag:s22] =	ssyncadd.s32 s3;
	_ =	sdelay $0x1  }
0xa1: {  	s23 =	simm.s32 $0x1B8B  }
0xa2: {  	_ =	swait.ge [sflag:s23], $0x1  }
0xa3: {  	[sflag:s23] =	ssyncset.done $0x0  }
0xa4: {  	s25 =	simm.s32 $0x1B8E;
	s24 =	sld [smem:$0x3FFE];
	[sflag:s23] =	ssyncadd.s32 $0xFFFFFFFF  }
0xa5: {  	s26 =	simm.s32 $execute0_lowered;
	[smem:$0x3FD2] =	sst s25  }
0xa6: {  	s4 =	sshll.u32 s26, $0x1;
	_ =	strace $0x8000004C;
	[dreg:$0x1] =	wrdreg $0xFFFFFFFF  }
0xa7: {  	s28 =	simm.s32 $_size_execute0_lowered;
	s2 =	sadd.s32 s2, s4;
	[dreg:$0x0] =	wrdreg $0x0  }
0xa8: {  	s4 =	sshll.u32 s28, $0x1;
	[dreg:$0x2] =	wrdreg s2  }
0xa9: {  	[dreg:$0x3] =	wrdreg s4  }
0xaa: {  	[dreg:$0x4] =	wrdreg $0xC0  }
0xab: {  	_ =	task [dreg:s6], $0x5FFFF  }
0xac: {  	[dreg:$0x1] =	wrdreg $0xFFFFFFFF  }
0xad: {  	[dreg:$0x0] =	wrdreg $0x60  }
0xae: {  	[dreg:$0x2] =	wrdreg s24  }
0xaf: {  	[dreg:$0x3] =	wrdreg $0xB0000  }
0xb0: {  	[dreg:$0x4] =	wrdreg $0x9  }
0xb1: {  	_ =	task.clear_ibuf [dreg:s6], $0x5FFFF;
	_ =	strace $0x9000004C  }
0xb2: {  	s29 =	simm.s32 $0x9;
	_ =	strace $0x8000004E  }
0xb3: {  	_ =	swait.ge [sflag:s29], $0x1  }
0xb4: {  	[sflag:s29] =	ssyncadd.s32 $0xFFFFFFFF  }
0xb5: {  	_ =	strace $0x9000004E  }
0xb6: {  	_ =	sfence  }
0xb7: {  	s30 =	sld [smem:$0x0];
	_ =	sdelay $0x2  }
0xb8: {  	s31 =	sshll.u32 s1, $0xD;
	s1 =	sshrl.u32 s1, $0x2  }
0xb9: {  	s3 =	sand.u32 $0x4000, s31;
	s1 =	sadd.s32 s1, s30  }
0xba: {  	s0 =	sor.u32 s3, s0;
	s1 =	sshll.u32 s1, $0x11  }
0xbb: {  	s0 =	sor.u32 s1, s0  }
0xbc: {  	s0 =	sadd.s32 $0x8F2B, s0  }
0xbd: {  	[sflag:s0] =	ssyncadd.remote.s32 $0x1  }
0xbe: {  	_ =	sfence.sel $0xFFFF  }
0xbf: {  	[dreg:$0x0] =	wrdreg $0xFFFFFFFF;
	(pc) =	sbr.abs _section_cstart, $3  }
0xc0: {  	[dreg:$0x1] =	wrdreg $0xFFFFFFFF  }
0xc1: {  	_ =	task.clear_ibuf [dreg:s6], $0x2FFFF;
	_ =	strace $0x9FFFFFFF  }
0xc2: {  	(tm) =	ssettm $0x7FFFFFFF  }
0xc3: {  	_ =	shalt  }
tec
execute0_lowered:
.L_overlay_start_1:
0x0: {  	(tag) =	ssettag $0x1  }
0x1: {  	s0 =	rddreg [dreg:$0x0]  }
0x2: {  	s1 =	rddreg [dreg:$0x1];
	s2 =	srdreg.scid;
	s3 =	simm.s32 $0x0  }
0x3: {  	s8 =	stileid.u32;
	s28 =	simm.s32 $0x80;
	s29 =	simm.s32 $0x7000  }
0x4: {  	s30 =	simm.s32 $0x1;
	s31 =	simm.s32 $0x2;
	s2 =	sand.u32 $0x1, s2  }
0x5: {  	[smem:$0x7FF] =	sst s3;
	s6 =	smul.u32 $0x13C00, s8;
	s4 =	sadd.s32 $0x16C00, s0  }
0x6: {  	s7 =	sshll.u32 s8, $0x1;
	s11 =	sadd.s32 $0x2C00, s0;
	s8 =	smul.u32 $0x4F000, s8  }
0x7: {  	s12 =	sadd.s32 $0xBC00, s0;
	s5 =	smul.u32 $0x13C000, s2;
	s7 =	sor.u32 s2, s7  }
0x8: {  	_ =	strace $0x8000004D;
	s2 =	ssub.s32 $0x2, s2;
	s20 =	sshll.u32 s7, $0x7  }
0x9: {  	s21 =	sshrl.u32 s8, $0x2;
	s22 =	smul.u32 $0x2400, s7;
	s9 =	sshrl.u32 s2, $0x1  }
0xa: {  	s7 =	smul.u32 $0x480, s7;
	s5 =	sadd.s32 s6, s5;
	s6 =	sadd.s32 s20, s0  }
0xb: {  	s2 =	ssub.s32 s2, s9;
	s20 =	simm.s32 $0x3000;
	s5 =	sshrl.u32 s5, $0x3  }
0xc: {  	s13 =	sshrl.u32 s22, $0x3;
	s24 =	sadd.s32 s11, s7;
	s7 =	sadd.s32 s12, s7  }
0xd: {  	s14 =	sadd.s32 $0x14C00, s6;
	s16 =	smax.u32 s2, $0x1;
	s22 =	simm.s32 $0x1800  }
0xe: {  	s2 =	simm.s32 $0x0;
	s0 =	sadd.s32 s5, s0;
	[dreg:$0x4] =	wrdreg s24  }
0xf: {  	s5 =	sadd.s32 s21, s1;
	[dreg:$0x5] =	wrdreg s7;
	s25 =	sadd.s32 $0x180, s13  }
0x10: {  	s26 =	sadd.s32 $0x300, s13;
	s13 =	sadd.s32 $0x15C00, s6;
	s21 =	simm.s32 $0x5  }
0x11: {  	s24 =	simm.s32 $0x4;
	s23 =	sadd.s32 $0x10000, s5;
	s9 =	sadd.s32 s11, s25  }
0x12: {  	s10 =	sadd.s32 s12, s25;
	s11 =	sadd.s32 s11, s26;
	s12 =	sadd.s32 s12, s26  }
0x13: {  	s15 =	sadd.s32 $0x3DE00, s0;
	s17 =	sadd.s32 $0x4000, s5;
	s18 =	sadd.s32 $0x8000, s5  }
0x14: {  	s19 =	sadd.s32 $0xC000, s5;
	s25 =	simm.s32 $0xC00;
	s0 =	simm.s32 $0x2300  }
0x15: {  	v0 =	vimm.f32 $0.0e+00;
	s26 =	simm.s32 $0x2380;
	[dreg:$0x3] =	wrdreg s23;
	s23 =	simm.s32 $0x3  }
.LBB2_1:
0x16: {  	s6 =	simm.s32 $0x0;
	s7 =	simm.s32 $0x200  }
.LBB2_2:
0x17: {  	p0 =	sne.s32 s7, $0xFE00;
	[tilespmem:s6+$0x3070] =	vst v0  }
0x18: {  	[tilespmem:s6+$0x3000] =	vst v0  }
0x19: {  	[tilespmem:s6+$0x3010] =	vst v0  }
.Ltmp0:
0x1a: {  	[tilespmem:s6+$0x3020] =	vst v0;
	(pc) =	sbr.rel @p0 .LBB2_2-.Ltmp0, $4  }
0x1b: {  	[tilespmem:s6+$0x3030] =	vst v0  }
0x1c: {  	[tilespmem:s6+$0x3040] =	vst v0  }
0x1d: {  	[tilespmem:s6+$0x3050] =	vst v0  }
0x1e: {  	[tilespmem:s6+$0x3060] =	vst v0;
	s6 =	sshra.s32 s7, $0x2;
	s7 =	sadd.s32 $0x200, s7  }
0x1f: {  	[tilespmem:s6+$0x3070] =	vst v0  }
0x20: {  	[tilespmem:s6+$0x3000] =	vst v0  }
0x21: {  	[tilespmem:s6+$0x3010] =	vst v0  }
0x22: {  	[tilespmem:s6+$0x3020] =	vst v0  }
0x23: {  	[tilespmem:s6+$0x3030] =	vst v0  }
0x24: {  	[tilespmem:s6+$0x3040] =	vst v0  }
0x25: {  	[tilespmem:s6+$0x3050] =	vst v0  }
0x26: {  	[tilespmem:s6+$0x3060] =	vst v0  }
0x27: {  	[spmem:s5] =	stream.linear.scatter [tilespmem:s20], [sflag:$0x5], $0x4000, $0x38;
	[tilespmem:$0x1EC00] =	vst v63  }
0x28: {  	_ =	swait.ge [sflag:s21], $0x4000  }
0x29: {  	[sflag:s21] =	ssyncset.done $0x0  }
0x2a: {  	[sflag:s21] =	ssyncadd.s32 $0xFFFFC000  }
0x2b: {  	[spmem:s17] =	stream.linear.scatter [tilespmem:s20], [sflag:$0x5], $0x4000, $0x38;
	[tilespmem:$0x1EC00] =	vst v63  }
0x2c: {  	_ =	swait.ge [sflag:s21], $0x4000  }
0x2d: {  	[sflag:s21] =	ssyncset.done $0x0  }
0x2e: {  	[sflag:s21] =	ssyncadd.s32 $0xFFFFC000  }
0x2f: {  	[spmem:s18] =	stream.linear.scatter [tilespmem:s20], [sflag:$0x5], $0x4000, $0x38;
	[tilespmem:$0x1EC00] =	vst v63  }
0x30: {  	_ =	swait.ge [sflag:s21], $0x4000  }
0x31: {  	[sflag:s21] =	ssyncset.done $0x0  }
0x32: {  	[sflag:s21] =	ssyncadd.s32 $0xFFFFC000  }
0x33: {  	[spmem:s19] =	stream.linear.scatter [tilespmem:s20], [sflag:$0x5], $0x4000, $0x38;
	[tilespmem:$0x1EC00] =	vst v63  }
0x34: {  	_ =	swait.ge [sflag:s21], $0x4000  }
0x35: {  	[sflag:s21] =	ssyncset.done $0x0  }
0x36: {  	s7 =	rddreg [dreg:$0x3];
	[sflag:s21] =	ssyncadd.s32 $0xFFFFC000  }
0x37: {  	[spmem:s7] =	stream.linear.scatter [tilespmem:s20], [sflag:$0x5], $0x3C00, $0x38;
	[tilespmem:$0x1EC00] =	vst v63  }
0x38: {  	_ =	swait.ge [sflag:s21], $0x3C00  }
0x39: {  	[sflag:s21] =	ssyncset.done $0x0  }
0x3a: {  	[sflag:s21] =	ssyncadd.s32 $0xFFFFC400  }
0x3b: {  	[bflag:$0x0] =	sbarrier.arrive $0xFFFF  }
0x3c: {  	s6 =	simm.s32 $0x0;
	s7 =	rddreg [dreg:$0x4]  }
0x3d: {  	[tilespmem:s6], [sflag:$0x3] =	stream.linear.gather [hbm4b:s7+s6], $0xC00, $0x38;
	[tilespmem:$0x1EC00] =	vst v63  }
0x3e: {  	s8 =	rddreg [dreg:$0x5]  }
0x3f: {  	[tilespmem:s22], [sflag:$0x4] =	stream.linear.gather [hbm4b:s8+s6], $0xC00, $0x38;
	[tilespmem:$0x1EC00] =	vst v63  }
0x40: {  	_ =	swait.ge [sflag:s23], $0xC00  }
0x41: {  	[sflag:s23] =	ssyncset.done $0x0  }
0x42: {  	[sflag:s23] =	ssyncadd.s32 $0xFFFFF400  }
0x43: {  	_ =	swait.ge [sflag:s24], $0xC00  }
0x44: {  	[sflag:s24] =	ssyncset.done $0x0  }
0x45: {  	[sflag:s24] =	ssyncadd.s32 $0xFFFFF400  }
0x46: {  	[tilespmem:s25], [sflag:$0x3] =	stream.linear.gather [hbm4b:s9+s6], $0xC00, $0x38;
	[tilespmem:$0x1EC00] =	vst v63  }
0x47: {  	s8 =	simm.s32 $0x2400  }
0x48: {  	[tilespmem:s8], [sflag:$0x4] =	stream.linear.gather [hbm4b:s10+s6], $0xC00, $0x38;
	[tilespmem:$0x1EC00] =	vst v63  }
0x49: {  	_ = 	snop  }
0x4a: {  	[tilespmem:s20], [sflag:$0x1] =	stream.indirect.gather [hbm4b:s4+s28], $0x80, s6, s28, $0xb8;
	[tilespmem:$0x1EC00] =	vst v63  }
0x4b: {  	_ = 	snop  }
0x4c: {  	[tilespmem:s29], [sflag:$0x2] =	stream.indirect.gather [hbm4b:s4+s28], $0x80, s28, s28, $0xb8;
	[tilespmem:$0x1EC00] =	vst v63  }
0x4d: {  	_ =	swait.ge [sflag:s30], $0x4000  }
0x4e: {  	[sflag:s30] =	ssyncset.done $0x0  }
0x4f: {  	s8 =	simm.s32 $0x1800;
	[sflag:s30] =	ssyncadd.s32 $0xFFFFC000  }
0x50: {  	[spmem:s1] =	stream.indirect.scatter.add.f32 [tilespmem:s20], [sflag:$0x5], $0x80, s8, s28, $0xb8;
	[tilespmem:$0x1EC00] =	vst v63  }
0x51: {  	_ =	swait.ge [sflag:s21], $0x4000  }
0x52: {  	[sflag:s21] =	ssyncset.done $0x0  }
0x53: {  	s7 =	simm.s32 $0x100;
	[sflag:s21] =	ssyncadd.s32 $0xFFFFC000  }
0x54: {  	[tilespmem:s20], [sflag:$0x1] =	stream.indirect.gather [hbm4b:s4+s28], $0x80, s7, s28, $0xb8;
	[tilespmem:$0x1EC00] =	vst v63  }
0x55: {  	_ =	swait.ge [sflag:s31], $0x4000  }
0x56: {  	[sflag:s31] =	ssyncset.done $0x0  }
0x57: {  	s8 =	simm.s32 $0x1880;
	[sflag:s31] =	ssyncadd.s32 $0xFFFFC000  }
0x58: {  	[spmem:s1] =	stream.indirect.scatter.add.f32 [tilespmem:s29], [sflag:$0x5], $0x80, s8, s28, $0xb8;
	[tilespmem:$0x1EC00] =	vst v63  }
0x59: {  	_ =	swait.ge [sflag:s21], $0x4000  }
0x5a: {  	[sflag:s21] =	ssyncset.done $0x0  }
0x5b: {  	s6 =	simm.s32 $0x400;
	s7 =	simm.s32 $0x180;
	[sflag:s21] =	ssyncadd.s32 $0xFFFFC000  }
.LBB2_4:
0x5c: {  	[tilespmem:s29], [sflag:$0x2] =	stream.indirect.gather [hbm4b:s4+s28], $0x80, s7, s28, $0xb8;
	[tilespmem:$0x1EC00] =	vst v63  }
0x5d: {  	s7 =	smov.u32 s6  }
0x5e: {  	p0 =	sne.s32 s6, $0x2800;
	s6 =	sadd.s32 $0x400, s6;
	_ =	swait.ge [sflag:s30], $0x4000  }
0x5f: {  	s7 =	sshra.s32 s7, $0x2;
	[sflag:s30] =	ssyncset.done $0x0  }
0x60: {  	s8 =	sadd.s32 $0x1800, s7;
	[sflag:s30] =	ssyncadd.s32 $0xFFFFC000  }
0x61: {  	[spmem:s1] =	stream.indirect.scatter.add.f32 [tilespmem:s20], [sflag:$0x5], $0x80, s8, s28, $0xb8;
	[tilespmem:$0x1EC00] =	vst v63  }
0x62: {  	_ =	swait.ge [sflag:s21], $0x4000  }
0x63: {  	[sflag:s21] =	ssyncset.done $0x0  }
0x64: {  	s8 =	sadd.s32 $0x100, s7;
	[sflag:s21] =	ssyncadd.s32 $0xFFFFC000  }
0x65: {  	[tilespmem:s20], [sflag:$0x1] =	stream.indirect.gather [hbm4b:s4+s28], $0x80, s8, s28, $0xb8;
	[tilespmem:$0x1EC00] =	vst v63  }
0x66: {  	_ =	swait.ge [sflag:s31], $0x4000  }
0x67: {  	[sflag:s31] =	ssyncset.done $0x0  }
.Ltmp1:
0x68: {  	s8 =	sadd.s32 $0x1880, s7;
	[sflag:s31] =	ssyncadd.s32 $0xFFFFC000;
	(pc) =	sbr.rel @p0 .LBB2_4-.Ltmp1, $4  }
0x69: {  	[spmem:s1] =	stream.indirect.scatter.add.f32 [tilespmem:s29], [sflag:$0x5], $0x80, s8, s28, $0xb8;
	[tilespmem:$0x1EC00] =	vst v63  }
0x6a: {  	_ =	swait.ge [sflag:s21], $0x4000  }
0x6b: {  	[sflag:s21] =	ssyncset.done $0x0  }
0x6c: {  	s7 =	sadd.s32 $0x180, s7;
	[sflag:s21] =	ssyncadd.s32 $0xFFFFC000  }
0x6d: {  	[tilespmem:s29], [sflag:$0x2] =	stream.indirect.gather [hbm4b:s4+s28], $0x80, s7, s28, $0xb8;
	[tilespmem:$0x1EC00] =	vst v63  }
0x6e: {  	_ =	swait.ge [sflag:s30], $0x4000  }
0x6f: {  	[sflag:s30] =	ssyncset.done $0x0  }
0x70: {  	[sflag:s30] =	ssyncadd.s32 $0xFFFFC000  }
0x71: {  	[spmem:s1] =	stream.indirect.scatter.add.f32 [tilespmem:s20], [sflag:$0x5], $0x80, s0, s28, $0xb8;
	[tilespmem:$0x1EC00] =	vst v63  }
0x72: {  	_ =	swait.ge [sflag:s21], $0x4000  }
0x73: {  	[sflag:s21] =	ssyncset.done $0x0  }
0x74: {  	[sflag:s21] =	ssyncadd.s32 $0xFFFFC000  }
0x75: {  	_ =	swait.ge [sflag:s31], $0x4000  }
0x76: {  	[sflag:s31] =	ssyncset.done $0x0  }
0x77: {  	[sflag:s31] =	ssyncadd.s32 $0xFFFFC000  }
0x78: {  	[spmem:s1] =	stream.indirect.scatter.add.f32 [tilespmem:s29], [sflag:$0x5], $0x80, s26, s28, $0xb8;
	[tilespmem:$0x1EC00] =	vst v63  }
0x79: {  	_ =	swait.ge [sflag:s21], $0x4000  }
0x7a: {  	[sflag:s21] =	ssyncset.done $0x0  }
0x7b: {  	[sflag:s21] =	ssyncadd.s32 $0xFFFFC000  }
0x7c: {  	_ =	swait.ge [sflag:s23], $0xC00  }
0x7d: {  	[sflag:s23] =	ssyncset.done $0x0  }
0x7e: {  	[sflag:s23] =	ssyncadd.s32 $0xFFFFF400  }
0x7f: {  	_ =	swait.ge [sflag:s24], $0xC00  }
0x80: {  	[sflag:s24] =	ssyncset.done $0x0  }
0x81: {  	[sflag:s24] =	ssyncadd.s32 $0xFFFFF400  }
0x82: {  	[tilespmem:s3], [sflag:$0x3] =	stream.linear.gather [hbm4b:s11+s3], $0xC00, $0x38;
	[tilespmem:$0x1EC00] =	vst v63  }
0x83: {  	_ = 	snop  }
0x84: {  	[tilespmem:s22], [sflag:$0x4] =	stream.linear.gather [hbm4b:s12+s3], $0xC00, $0x38;
	[tilespmem:$0x1EC00] =	vst v63  }
0x85: {  	_ = 	snop  }
0x86: {  	[tilespmem:s20], [sflag:$0x1] =	stream.indirect.gather [hbm4b:s4+s28], $0x80, s25, s28, $0xb8;
	[tilespmem:$0x1EC00] =	vst v63  }
0x87: {  	s6 =	simm.s32 $0xC80  }
0x88: {  	[tilespmem:s29], [sflag:$0x2] =	stream.indirect.gather [hbm4b:s4+s28], $0x80, s6, s28, $0xb8;
	[tilespmem:$0x1EC00] =	vst v63  }
0x89: {  	_ =	swait.ge [sflag:s30], $0x4000  }
0x8a: {  	[sflag:s30] =	ssyncset.done $0x0  }
0x8b: {  	s8 =	simm.s32 $0x2400;
	[sflag:s30] =	ssyncadd.s32 $0xFFFFC000  }
0x8c: {  	[spmem:s1] =	stream.indirect.scatter.add.f32 [tilespmem:s20], [sflag:$0x5], $0x80, s8, s28, $0xb8;
	[tilespmem:$0x1EC00] =	vst v63  }
0x8d: {  	_ =	swait.ge [sflag:s21], $0x4000  }
0x8e: {  	[sflag:s21] =	ssyncset.done $0x0  }
0x8f: {  	s7 =	simm.s32 $0xD00;
	[sflag:s21] =	ssyncadd.s32 $0xFFFFC000  }
0x90: {  	[tilespmem:s20], [sflag:$0x1] =	stream.indirect.gather [hbm4b:s4+s28], $0x80, s7, s28, $0xb8;
	[tilespmem:$0x1EC00] =	vst v63  }
0x91: {  	_ =	swait.ge [sflag:s31], $0x4000  }
0x92: {  	[sflag:s31] =	ssyncset.done $0x0  }
0x93: {  	s8 =	simm.s32 $0x2480;
	[sflag:s31] =	ssyncadd.s32 $0xFFFFC000  }
0x94: {  	[spmem:s1] =	stream.indirect.scatter.add.f32 [tilespmem:s29], [sflag:$0x5], $0x80, s8, s28, $0xb8;
	[tilespmem:$0x1EC00] =	vst v63  }
0x95: {  	_ =	swait.ge [sflag:s21], $0x4000  }
0x96: {  	[sflag:s21] =	ssyncset.done $0x0  }
0x97: {  	s6 =	simm.s32 $0xFFFFD800;
	s7 =	simm.s32 $0xD80;
	[sflag:s21] =	ssyncadd.s32 $0xFFFFC000  }
.LBB2_6:
0x98: {  	[tilespmem:s29], [sflag:$0x2] =	stream.indirect.gather [hbm4b:s4+s28], $0x80, s7, s28, $0xb8;
	[tilespmem:$0x1EC00] =	vst v63  }
0x99: {  	s7 =	smov.u32 s6  }
0x9a: {  	p0 =	sne.s32 s6, $0xFFFFFC00;
	s6 =	sadd.s32 $0x400, s6;
	_ =	swait.ge [sflag:s30], $0x4000  }
0x9b: {  	s7 =	sshra.s32 s7, $0x2;
	[sflag:s30] =	ssyncset.done $0x0  }
0x9c: {  	s8 =	sadd.s32 $0x2F00, s7;
	[sflag:s30] =	ssyncadd.s32 $0xFFFFC000  }
0x9d: {  	[spmem:s1] =	stream.indirect.scatter.add.f32 [tilespmem:s20], [sflag:$0x5], $0x80, s8, s28, $0xb8;
	[tilespmem:$0x1EC00] =	vst v63  }
0x9e: {  	_ =	swait.ge [sflag:s21], $0x4000  }
0x9f: {  	[sflag:s21] =	ssyncset.done $0x0  }
0xa0: {  	s8 =	sadd.s32 $0x1800, s7;
	[sflag:s21] =	ssyncadd.s32 $0xFFFFC000  }
0xa1: {  	[tilespmem:s20], [sflag:$0x1] =	stream.indirect.gather [hbm4b:s4+s28], $0x80, s8, s28, $0xb8;
	[tilespmem:$0x1EC00] =	vst v63  }
0xa2: {  	_ =	swait.ge [sflag:s31], $0x4000  }
0xa3: {  	[sflag:s31] =	ssyncset.done $0x0  }
.Ltmp2:
0xa4: {  	s8 =	sadd.s32 $0x2F80, s7;
	[sflag:s31] =	ssyncadd.s32 $0xFFFFC000;
	(pc) =	sbr.rel @p0 .LBB2_6-.Ltmp2, $4  }
0xa5: {  	[spmem:s1] =	stream.indirect.scatter.add.f32 [tilespmem:s29], [sflag:$0x5], $0x80, s8, s28, $0xb8;
	[tilespmem:$0x1EC00] =	vst v63  }
0xa6: {  	_ =	swait.ge [sflag:s21], $0x4000  }
0xa7: {  	[sflag:s21] =	ssyncset.done $0x0  }
0xa8: {  	s7 =	sadd.s32 $0x1880, s7;
	[sflag:s21] =	ssyncadd.s32 $0xFFFFC000  }
0xa9: {  	[tilespmem:s29], [sflag:$0x2] =	stream.indirect.gather [hbm4b:s4+s28], $0x80, s7, s28, $0xb8;
	[tilespmem:$0x1EC00] =	vst v63  }
0xaa: {  	_ =	swait.ge [sflag:s30], $0x4000  }
0xab: {  	[sflag:s30] =	ssyncset.done $0x0  }
0xac: {  	s6 =	simm.s32 $0x2F00;
	[sflag:s30] =	ssyncadd.s32 $0xFFFFC000  }
0xad: {  	[spmem:s1] =	stream.indirect.scatter.add.f32 [tilespmem:s20], [sflag:$0x5], $0x80, s6, s28, $0xb8;
	[tilespmem:$0x1EC00] =	vst v63  }
0xae: {  	_ =	swait.ge [sflag:s21], $0x4000  }
0xaf: {  	[sflag:s21] =	ssyncset.done $0x0  }
0xb0: {  	[sflag:s21] =	ssyncadd.s32 $0xFFFFC000  }
0xb1: {  	_ =	swait.ge [sflag:s31], $0x4000  }
0xb2: {  	[sflag:s31] =	ssyncset.done $0x0  }
0xb3: {  	s8 =	simm.s32 $0x2F80;
	[sflag:s31] =	ssyncadd.s32 $0xFFFFC000  }
0xb4: {  	[spmem:s1] =	stream.indirect.scatter.add.f32 [tilespmem:s29], [sflag:$0x5], $0x80, s8, s28, $0xb8;
	[tilespmem:$0x1EC00] =	vst v63  }
0xb5: {  	_ =	swait.ge [sflag:s21], $0x4000  }
0xb6: {  	[sflag:s21] =	ssyncset.done $0x0  }
0xb7: {  	[sflag:s21] =	ssyncadd.s32 $0xFFFFC000  }
0xb8: {  	_ =	swait.ge [sflag:s23], $0xC00  }
0xb9: {  	[sflag:s23] =	ssyncset.done $0x0  }
0xba: {  	[sflag:s23] =	ssyncadd.s32 $0xFFFFF400  }
0xbb: {  	_ =	swait.ge [sflag:s24], $0xC00  }
0xbc: {  	[sflag:s24] =	ssyncset.done $0x0  }
0xbd: {  	s7 =	simm.s32 $0x0;
	[sflag:s24] =	ssyncadd.s32 $0xFFFFF400  }
0xbe: {  	[tilespmem:s20], [sflag:$0x1] =	stream.indirect.gather [hbm4b:s4+s28], $0x80, s7, s28, $0xb8;
	[tilespmem:$0x1EC00] =	vst v63  }
0xbf: {  	_ = 	snop  }
0xc0: {  	[tilespmem:s29], [sflag:$0x2] =	stream.indirect.gather [hbm4b:s4+s28], $0x80, s28, s28, $0xb8;
	[tilespmem:$0x1EC00] =	vst v63  }
0xc1: {  	_ =	swait.ge [sflag:s30], $0x4000  }
0xc2: {  	[sflag:s30] =	ssyncset.done $0x0  }
0xc3: {  	s8 =	simm.s32 $0x1800;
	[sflag:s30] =	ssyncadd.s32 $0xFFFFC000  }
0xc4: {  	[spmem:s1] =	stream.indirect.scatter.add.f32 [tilespmem:s20], [sflag:$0x5], $0x80, s8, s28, $0xb8;
	[tilespmem:$0x1EC00] =	vst v63  }
0xc5: {  	_ =	swait.ge [sflag:s21], $0x4000  }
0xc6: {  	[sflag:s21] =	ssyncset.done $0x0  }
0xc7: {  	s7 =	simm.s32 $0x100;
	[sflag:s21] =	ssyncadd.s32 $0xFFFFC000  }
0xc8: {  	[tilespmem:s20], [sflag:$0x1] =	stream.indirect.gather [hbm4b:s4+s28], $0x80, s7, s28, $0xb8;
	[tilespmem:$0x1EC00] =	vst v63  }
0xc9: {  	_ =	swait.ge [sflag:s31], $0x4000  }
0xca: {  	[sflag:s31] =	ssyncset.done $0x0  }
0xcb: {  	s8 =	simm.s32 $0x1880;
	[sflag:s31] =	ssyncadd.s32 $0xFFFFC000  }
0xcc: {  	[spmem:s1] =	stream.indirect.scatter.add.f32 [tilespmem:s29], [sflag:$0x5], $0x80, s8, s28, $0xb8;
	[tilespmem:$0x1EC00] =	vst v63  }
0xcd: {  	_ =	swait.ge [sflag:s21], $0x4000  }
0xce: {  	[sflag:s21] =	ssyncset.done $0x0  }
0xcf: {  	s6 =	simm.s32 $0x400;
	s7 =	simm.s32 $0x180;
	[sflag:s21] =	ssyncadd.s32 $0xFFFFC000  }
.LBB2_8:
0xd0: {  	[tilespmem:s29], [sflag:$0x2] =	stream.indirect.gather [hbm4b:s4+s28], $0x80, s7, s28, $0xb8;
	[tilespmem:$0x1EC00] =	vst v63  }
0xd1: {  	s7 =	smov.u32 s6  }
0xd2: {  	p0 =	sne.s32 s6, $0x2800;
	s6 =	sadd.s32 $0x400, s6;
	_ =	swait.ge [sflag:s30], $0x4000  }
0xd3: {  	s7 =	sshra.s32 s7, $0x2;
	[sflag:s30] =	ssyncset.done $0x0  }
0xd4: {  	s8 =	sadd.s32 $0x1800, s7;
	[sflag:s30] =	ssyncadd.s32 $0xFFFFC000  }
0xd5: {  	[spmem:s1] =	stream.indirect.scatter.add.f32 [tilespmem:s20], [sflag:$0x5], $0x80, s8, s28, $0xb8;
	[tilespmem:$0x1EC00] =	vst v63  }
0xd6: {  	_ =	swait.ge [sflag:s21], $0x4000  }
0xd7: {  	[sflag:s21] =	ssyncset.done $0x0  }
0xd8: {  	s8 =	sadd.s32 $0x100, s7;
	[sflag:s21] =	ssyncadd.s32 $0xFFFFC000  }
0xd9: {  	[tilespmem:s20], [sflag:$0x1] =	stream.indirect.gather [hbm4b:s4+s28], $0x80, s8, s28, $0xb8;
	[tilespmem:$0x1EC00] =	vst v63  }
0xda: {  	_ =	swait.ge [sflag:s31], $0x4000  }
0xdb: {  	[sflag:s31] =	ssyncset.done $0x0  }
.Ltmp3:
0xdc: {  	s8 =	sadd.s32 $0x1880, s7;
	[sflag:s31] =	ssyncadd.s32 $0xFFFFC000;
	(pc) =	sbr.rel @p0 .LBB2_8-.Ltmp3, $4  }
0xdd: {  	[spmem:s1] =	stream.indirect.scatter.add.f32 [tilespmem:s29], [sflag:$0x5], $0x80, s8, s28, $0xb8;
	[tilespmem:$0x1EC00] =	vst v63  }
0xde: {  	_ =	swait.ge [sflag:s21], $0x4000  }
0xdf: {  	[sflag:s21] =	ssyncset.done $0x0  }
0xe0: {  	s7 =	sadd.s32 $0x180, s7;
	[sflag:s21] =	ssyncadd.s32 $0xFFFFC000  }
0xe1: {  	[tilespmem:s29], [sflag:$0x2] =	stream.indirect.gather [hbm4b:s4+s28], $0x80, s7, s28, $0xb8;
	[tilespmem:$0x1EC00] =	vst v63  }
0xe2: {  	_ =	swait.ge [sflag:s30], $0x4000  }
0xe3: {  	[sflag:s30] =	ssyncset.done $0x0  }
0xe4: {  	[sflag:s30] =	ssyncadd.s32 $0xFFFFC000  }
0xe5: {  	[spmem:s1] =	stream.indirect.scatter.add.f32 [tilespmem:s20], [sflag:$0x5], $0x80, s0, s28, $0xb8;
	[tilespmem:$0x1EC00] =	vst v63  }
0xe6: {  	_ =	swait.ge [sflag:s21], $0x4000  }
0xe7: {  	[sflag:s21] =	ssyncset.done $0x0  }
0xe8: {  	[sflag:s21] =	ssyncadd.s32 $0xFFFFC000  }
0xe9: {  	_ =	swait.ge [sflag:s31], $0x4000  }
0xea: {  	[sflag:s31] =	ssyncset.done $0x0  }
0xeb: {  	[sflag:s31] =	ssyncadd.s32 $0xFFFFC000  }
0xec: {  	[spmem:s1] =	stream.indirect.scatter.add.f32 [tilespmem:s29], [sflag:$0x5], $0x80, s26, s28, $0xb8;
	[tilespmem:$0x1EC00] =	vst v63  }
0xed: {  	_ =	swait.ge [sflag:s21], $0x4000  }
0xee: {  	[sflag:s21] =	ssyncset.done $0x0  }
0xef: {  	[sflag:s21] =	ssyncadd.s32 $0xFFFFC000  }
0xf0: {  	[tilespmem:s3], [sflag:$0x3] =	stream.linear.gather [hbm4b:s13+s3], $0x400, $0x38;
	[tilespmem:$0x1EC00] =	vst v63  }
0xf1: {  	_ = 	snop  }
0xf2: {  	[tilespmem:s22], [sflag:$0x4] =	stream.linear.gather [hbm4b:s14+s3], $0x400, $0x38;
	[tilespmem:$0x1EC00] =	vst v63  }
0xf3: {  	_ =	swait.ge [sflag:s23], $0x400  }
0xf4: {  	[sflag:s23] =	ssyncset.done $0x0  }
0xf5: {  	[sflag:s23] =	ssyncadd.s32 $0xFFFFFC00  }
0xf6: {  	_ =	swait.ge [sflag:s24], $0x400  }
0xf7: {  	[sflag:s24] =	ssyncset.done $0x0  }
0xf8: {  	[sflag:s24] =	ssyncadd.s32 $0xFFFFFC00  }
0xf9: {  	[tilespmem:s20], [sflag:$0x1] =	stream.indirect.gather [hbm4b:s4+s28], $0x80, s3, s28, $0xb8;
	[tilespmem:$0x1EC00] =	vst v63  }
0xfa: {  	_ = 	snop  }
0xfb: {  	[tilespmem:s29], [sflag:$0x2] =	stream.indirect.gather [hbm4b:s4+s28], $0x80, s28, s28, $0xb8;
	[tilespmem:$0x1EC00] =	vst v63  }
0xfc: {  	_ =	swait.ge [sflag:s30], $0x4000  }
0xfd: {  	[sflag:s30] =	ssyncset.done $0x0  }
0xfe: {  	[sflag:s30] =	ssyncadd.s32 $0xFFFFC000  }
0xff: {  	[spmem:s1] =	stream.indirect.scatter.add.f32 [tilespmem:s20], [sflag:$0x5], $0x80, s22, s28, $0xb8;
	[tilespmem:$0x1EC00] =	vst v63  }
0x100: {  	_ =	swait.ge [sflag:s21], $0x4000  }
0x101: {  	[sflag:s21] =	ssyncset.done $0x0  }
0x102: {  	s6 =	simm.s32 $0x100;
	[sflag:s21] =	ssyncadd.s32 $0xFFFFC000  }
0x103: {  	[tilespmem:s20], [sflag:$0x1] =	stream.indirect.gather [hbm4b:s4+s28], $0x80, s6, s28, $0xb8;
	[tilespmem:$0x1EC00] =	vst v63  }
0x104: {  	_ =	swait.ge [sflag:s31], $0x4000  }
0x105: {  	[sflag:s31] =	ssyncset.done $0x0  }
0x106: {  	s7 =	simm.s32 $0x1880;
	[sflag:s31] =	ssyncadd.s32 $0xFFFFC000  }
0x107: {  	[spmem:s1] =	stream.indirect.scatter.add.f32 [tilespmem:s29], [sflag:$0x5], $0x80, s7, s28, $0xb8;
	[tilespmem:$0x1EC00] =	vst v63  }
0x108: {  	_ =	swait.ge [sflag:s21], $0x4000  }
0x109: {  	[sflag:s21] =	ssyncset.done $0x0  }
0x10a: {  	s8 =	simm.s32 $0x180;
	[sflag:s21] =	ssyncadd.s32 $0xFFFFC000  }
0x10b: {  	[tilespmem:s29], [sflag:$0x2] =	stream.indirect.gather [hbm4b:s4+s28], $0x80, s8, s28, $0xb8;
	[tilespmem:$0x1EC00] =	vst v63  }
0x10c: {  	_ =	swait.ge [sflag:s30], $0x4000  }
0x10d: {  	[sflag:s30] =	ssyncset.done $0x0  }
0x10e: {  	s7 =	simm.s32 $0x1900;
	[sflag:s30] =	ssyncadd.s32 $0xFFFFC000  }
0x10f: {  	[spmem:s1] =	stream.indirect.scatter.add.f32 [tilespmem:s20], [sflag:$0x5], $0x80, s7, s28, $0xb8;
	[tilespmem:$0x1EC00] =	vst v63  }
0x110: {  	_ =	swait.ge [sflag:s21], $0x4000  }
0x111: {  	[sflag:s21] =	ssyncset.done $0x0  }
0x112: {  	s8 =	simm.s32 $0x200;
	[sflag:s21] =	ssyncadd.s32 $0xFFFFC000  }
0x113: {  	[tilespmem:s20], [sflag:$0x1] =	stream.indirect.gather [hbm4b:s4+s28], $0x80, s8, s28, $0xb8;
	[tilespmem:$0x1EC00] =	vst v63  }
0x114: {  	_ =	swait.ge [sflag:s31], $0x4000  }
0x115: {  	[sflag:s31] =	ssyncset.done $0x0  }
0x116: {  	s7 =	simm.s32 $0x1980;
	[sflag:s31] =	ssyncadd.s32 $0xFFFFC000  }
0x117: {  	[spmem:s1] =	stream.indirect.scatter.add.f32 [tilespmem:s29], [sflag:$0x5], $0x80, s7, s28, $0xb8;
	[tilespmem:$0x1EC00] =	vst v63  }
0x118: {  	_ =	swait.ge [sflag:s21], $0x4000  }
0x119: {  	[sflag:s21] =	ssyncset.done $0x0  }
0x11a: {  	s8 =	simm.s32 $0x280;
	[sflag:s21] =	ssyncadd.s32 $0xFFFFC000  }
0x11b: {  	[tilespmem:s29], [sflag:$0x2] =	stream.indirect.gather [hbm4b:s4+s28], $0x80, s8, s28, $0xb8;
	[tilespmem:$0x1EC00] =	vst v63  }
0x11c: {  	_ =	swait.ge [sflag:s30], $0x4000  }
0x11d: {  	[sflag:s30] =	ssyncset.done $0x0  }
0x11e: {  	s7 =	simm.s32 $0x1A00;
	[sflag:s30] =	ssyncadd.s32 $0xFFFFC000  }
0x11f: {  	[spmem:s1] =	stream.indirect.scatter.add.f32 [tilespmem:s20], [sflag:$0x5], $0x80, s7, s28, $0xb8;
	[tilespmem:$0x1EC00] =	vst v63  }
0x120: {  	_ =	swait.ge [sflag:s21], $0x4000  }
0x121: {  	[sflag:s21] =	ssyncset.done $0x0  }
0x122: {  	s8 =	simm.s32 $0x300;
	[sflag:s21] =	ssyncadd.s32 $0xFFFFC000  }
0x123: {  	[tilespmem:s20], [sflag:$0x1] =	stream.indirect.gather [hbm4b:s4+s28], $0x80, s8, s28, $0xb8;
	[tilespmem:$0x1EC00] =	vst v63  }
0x124: {  	_ =	swait.ge [sflag:s31], $0x4000  }
0x125: {  	[sflag:s31] =	ssyncset.done $0x0  }
0x126: {  	s7 =	simm.s32 $0x1A80;
	[sflag:s31] =	ssyncadd.s32 $0xFFFFC000  }
0x127: {  	[spmem:s1] =	stream.indirect.scatter.add.f32 [tilespmem:s29], [sflag:$0x5], $0x80, s7, s28, $0xb8;
	[tilespmem:$0x1EC00] =	vst v63  }
0x128: {  	_ =	swait.ge [sflag:s21], $0x4000  }
0x129: {  	[sflag:s21] =	ssyncset.done $0x0  }
0x12a: {  	s8 =	simm.s32 $0x380;
	[sflag:s21] =	ssyncadd.s32 $0xFFFFC000  }
0x12b: {  	[tilespmem:s29], [sflag:$0x2] =	stream.indirect.gather [hbm4b:s4+s28], $0x80, s8, s28, $0xb8;
	[tilespmem:$0x1EC00] =	vst v63  }
0x12c: {  	_ =	swait.ge [sflag:s30], $0x4000  }
0x12d: {  	[sflag:s30] =	ssyncset.done $0x0  }
0x12e: {  	s7 =	simm.s32 $0x1B00;
	[sflag:s30] =	ssyncadd.s32 $0xFFFFC000  }
0x12f: {  	[spmem:s1] =	stream.indirect.scatter.add.f32 [tilespmem:s20], [sflag:$0x5], $0x80, s7, s28, $0xb8;
	[tilespmem:$0x1EC00] =	vst v63  }
0x130: {  	_ =	swait.ge [sflag:s21], $0x4000  }
0x131: {  	[sflag:s21] =	ssyncset.done $0x0  }
0x132: {  	[sflag:s21] =	ssyncadd.s32 $0xFFFFC000  }
0x133: {  	_ =	swait.ge [sflag:s31], $0x4000  }
0x134: {  	[sflag:s31] =	ssyncset.done $0x0  }
0x135: {  	s8 =	simm.s32 $0x1B80;
	[sflag:s31] =	ssyncadd.s32 $0xFFFFC000  }
0x136: {  	[spmem:s1] =	stream.indirect.scatter.add.f32 [tilespmem:s29], [sflag:$0x5], $0x80, s8, s28, $0xb8;
	[tilespmem:$0x1EC00] =	vst v63  }
0x137: {  	s7 =	stileid.u32;
	_ =	swait.ge [sflag:s21], $0x4000  }
0x138: {  	s2 =	sadd.s32 $0x1, s2;
	s6 =	sshll.u32 s7, $0x6;
	[sflag:s21] =	ssyncset.done $0x0  }
0x139: {  	p0 =	sne.s32 s2, s16;
	s6 =	sor.u32 $0x1C05, s6;
	[sflag:s21] =	ssyncadd.s32 $0xFFFFC000  }
.Ltmp4:
0x13a: {  	s8 =	sshrl.u32 s5, $0x3;
	[bflag:$0x0] =	sbarrier.arrive $0xFFFF;
	(pc) =	sbr.rel @p0 .LBB2_1-.Ltmp4, $4  }
0x13b: {  	[hbm:s15], [sflag:s6] =	dma.local [spmem:s8], $0x2780  }
0x13c: {  	_ =	swait.ge [sflag:s21], $0x2780  }
0x13d: {  	[sflag:s21] =	ssyncset.done $0x0  }
0x13e: {  	[sflag:s21] =	ssyncadd.s32 $0xFFFFD880  }
0x13f: {  	_ =	sfence.sel $0x180000  }
0x140: {  	[bflag:$0x0] =	sbarrier.arrive $0xFFFF  }
0x141: {  	_ =	strace $0x9000004D  }
0x142: {  	s0 =	stileid.u32;
	[bflag:$0x2] =	sbarrier.arrive $0xFFFF  }
0x143: {  	p0 =	sne.s32 s0, $0x0;
	s0 =	rddreg [dreg:$0x2]  }
0x144: {  	s0 =	sadd.s32 @!p0 $0x100000, s0  }
0x145: {  	[sflag:s0] =	ssyncadd.tile.s32 @!p0 $0x1;
	_ =	shalt  }
.Lfunc_end2:
_tile_overlayer_lowered:
.L_overlay_start_2:
0x146: {  	(tag) =	ssettag $0x2  }
0x147: {  	s0 =	rddreg [dreg:$0x0];
	s2 =	stileid.u32  }
0x148: {  	s1 =	rddreg [dreg:$0x1];
	p0 =	sne.s32 s2, $0x0  }
0x149: {  	s3 =	rddreg [dreg:$0x2];
	[bflag:$0x3] =	sbarrier.arrive $0xFFFF;
	s2 =	simm.s32 @!p0 $0x1C05  }
0x14a: {  	[timem:s3], [sflag:s2] =	dma.local @!p0 [hbm:s0], s1  }
0x14b: {  	s0 =	simm.s32 @!p0 $0x5  }
0x14c: {  	_ =	swait.ge @!p0 [sflag:s0], s1  }
0x14d: {  	s1 =	ssub.s32 @!p0 $0x0, s1;
	[sflag:s0] =	ssyncset.done @!p0 $0x0  }
0x14e: {  	[sflag:s0] =	ssyncadd.s32 @!p0 s1  }
0x14f: {  	[bflag:$0x3] =	sbarrier.arrive $0xFFFF  }
0x150: {  	_ =	shalt  }

// kernel: kernel.9.cloned.1.call-start
scs
__scs_entry_jumppad:
0x0: {  	(pc) =	sbr.rel $0x88, $3  }
0x1: {  	(tag) =	ssettag $0x0;
	lr =	simm.s32 $0x1  }
0x2: {  	[smem:$0x3F9B] =	sst lr;
	_ =	strace $0xD0000000  }
0x3: {  	_ = 	snop  }
0x4: {  	_ = 	snop  }
0x5: {  	_ = 	snop  }
0x6: {  	_ = 	snop  }
0x7: {  	_ = 	snop  }
__scs_overlays_trampoline_lowered:
0x8: {  	[smem:$0x3FAA] =	sst s0  }
0x9: {  	[smem:$0x3FAB] =	sst s1  }
0xa: {  	[smem:$0x3FAC] =	sst s2  }
0xb: {  	[smem:$0x3FAD] =	sst s3  }
0xc: {  	[smem:$0x3FAE] =	sst s4  }
0xd: {  	[smem:$0x3FAF] =	sst s5  }
0xe: {  	[smem:$0x3FB0] =	sst s6  }
0xf: {  	[smem:$0x3FB1] =	sst s7  }
0x10: {  	[smem:$0x3FB2] =	sst s8  }
0x11: {  	[smem:$0x3FB3] =	sst s9;
	s0 =	simm.s32 @!p0 $0x0  }
0x12: {  	s1 =	sld [smem:$0x3F99];
	s0 =	simm.s32 @p0 $0x1  }
0x13: {  	[smem:$0x3FB4] =	sst s0;
	s0 =	simm.s32 @!p1 $0x0  }
0x14: {  	s2 =	sld [smem:$0x3F98];
	s0 =	simm.s32 @p1 $0x1  }
0x15: {  	[smem:$0x3FB5] =	sst s0;
	s0 =	simm.s32 @!p2 $0x0  }
0x16: {  	s3 =	sld [smem:$0x3FDB];
	s0 =	simm.s32 @p2 $0x1  }
0x17: {  	s4 =	simm.s32 $0x1BF5;
	[smem:$0x3FB7] =	sst s0  }
0x18: {  	s0 =	sld [smem:$0x3F9A];
	_ =	swait.ge [sflag:s4], $0x0  }
0x19: {  	s7 =	sld [smem:$0x3F9B]  }
0x1a: {  	s8 =	sadd.s32 $0xFFFFE003, lr  }
0x1b: {  	s9 =	sadd.s32 $0xFFFFFEF7, lr;
	s5 =	simm.s32 $0xFFFFFFFF;
	p2 =	slt.u32 s8, $0xFFFFF086  }
0x1c: {  	p1 =	slt.u32 s9, $0xF7A;
	s5 =	simm.s32 @!p2 $0x0  }
0x1d: {  	s5 =	simm.s32 @p1 $0x1;
	p0 =	seq.s32 s7, s2  }
0x1e: {  	s7 =	smul.u32 @!p0 $0xF7A, s2;
	p2 =	seq.s32 @!p0 s5, $0x0  }
0x1f: {  	s9 =	smul.u32 $0xF7A, s1;
	s8 =	simm.s32 @!p0 $0x1BF5;
	p2 =	por !p2, p0  }
0x20: {  	[sflag:s8] =	ssyncset.s32 @!p0 $0xFFFFF086;
	s6 =	sadd.s32 @!p0 s3, s7;
	s7 =	simm.s32 @!p0 $0x108  }
0x21: {  	s3 =	sadd.s32 s3, s9;
	s6 =	sadd.s32 @!p0 $0x88, s6;
	s7 =	simm.s32 @p2 $0x1082  }
0x22: {  	[simem:s7], [sflag:s8] =	dma.local @!p0 [hbm:s6], $0xF7A  }
0x23: {  	s9 =	sor.u32 $0xD0000000, s2;
	s6 =	simm.s32 $0x108;
	_ =	swait.ge @!p0 [sflag:s8], $0x0  }
0x24: {  	s3 =	sadd.s32 $0x88, s3;
	s6 =	simm.s32 @!p1 $0x1082;
	[sflag:s4] =	ssyncset.s32 $0xFFFFF086  }
0x25: {  	[simem:s6], [sflag:s4] =	dma.local [hbm:s3], $0xF7A  }
0x26: {  	[smem:$0x3F9B] =	sst s1;
	(tag) =	ssettag s2;
	_ =	strace s9  }
0x27: {  	s1 =	sld [smem:$0x3FAB]  }
0x28: {  	s2 =	sld [smem:$0x3FAC]  }
0x29: {  	s4 =	sld [smem:$0x3FAE]  }
0x2a: {  	p0 =	seq.s32 s5, $0x0;
	s5 =	sld [smem:$0x3FAF]  }
0x2b: {  	s6 =	sld [smem:$0x3FB0]  }
0x2c: {  	s7 =	sld [smem:$0x3FB1]  }
0x2d: {  	s3 =	simm.s32 $0x108;
	s8 =	sld [smem:$0x3FB2]  }
0x2e: {  	s3 =	simm.s32 @!p0 $0x1082;
	s9 =	sld [smem:$0x3FB3]  }
0x2f: {  	lr =	sadd.s32 s0, s3;
	s0 =	sld [smem:$0x3FAA]  }
0x30: {  	s3 =	sld [smem:$0x3FAD]  }
0x31: {  	[smem:$0x3FB6] =	sst s10  }
0x32: {  	s10 =	sld [smem:$0x3FB4];
	_ =	sdelay $0x3  }
0x33: {  	p0 =	seq.s32 s10, $0x1;
	s10 =	sld [smem:$0x3FB6];
	_ =	sdelay $0x3  }
0x34: {  	[smem:$0x3FB6] =	sst s10  }
0x35: {  	s10 =	sld [smem:$0x3FB5];
	_ =	sdelay $0x3  }
0x36: {  	p1 =	seq.s32 s10, $0x1;
	s10 =	sld [smem:$0x3FB6];
	_ =	sdelay $0x3  }
0x37: {  	[smem:$0x3FB6] =	sst s10  }
0x38: {  	s10 =	sld [smem:$0x3FB7]  }
0x39: {  	_ = 	snop;
	(pc) =	sbr.ind lr, $3  }
0x3a: {  	_ = 	snop  }
0x3b: {  	_ = 	snop  }
0x3c: {  	p2 =	seq.s32 s10, $0x1;
	s10 =	sld [smem:$0x3FB6]  }
0x3d: {  	_ =	shalt  }
0x3e: {  	_ =	shalt  }
0x3f: {  	_ =	shalt  }
0x40: {  	_ =	shalt  }
0x41: {  	_ =	shalt  }
0x42: {  	_ =	shalt  }
0x43: {  	_ =	shalt  }
0x44: {  	_ =	shalt  }
0x45: {  	_ =	shalt  }
0x46: {  	_ =	shalt  }
0x47: {  	_ =	shalt  }
0x48: {  	_ =	shalt  }
0x49: {  	_ =	shalt  }
0x4a: {  	_ =	shalt  }
0x4b: {  	_ =	shalt  }
0x4c: {  	_ =	shalt  }
0x4d: {  	_ =	shalt  }
0x4e: {  	_ =	shalt  }
0x4f: {  	_ =	shalt  }
0x50: {  	_ =	shalt  }
0x51: {  	_ =	shalt  }
0x52: {  	_ =	shalt  }
0x53: {  	_ =	shalt  }
0x54: {  	_ =	shalt  }
0x55: {  	_ =	shalt  }
0x56: {  	_ =	shalt  }
0x57: {  	_ =	shalt  }
0x58: {  	_ =	shalt  }
0x59: {  	_ =	shalt  }
0x5a: {  	_ =	shalt  }
0x5b: {  	_ =	shalt  }
0x5c: {  	_ =	shalt  }
0x5d: {  	_ =	shalt  }
0x5e: {  	_ =	shalt  }
0x5f: {  	_ =	shalt  }
0x60: {  	_ =	shalt  }
0x61: {  	_ =	shalt  }
0x62: {  	_ =	shalt  }
0x63: {  	_ =	shalt  }
0x64: {  	_ =	shalt  }
0x65: {  	_ =	shalt  }
0x66: {  	_ =	shalt  }
0x67: {  	_ =	shalt  }
0x68: {  	_ =	shalt  }
0x69: {  	_ =	shalt  }
0x6a: {  	_ =	shalt  }
0x6b: {  	_ =	shalt  }
0x6c: {  	_ =	shalt  }
0x6d: {  	_ =	shalt  }
0x6e: {  	_ =	shalt  }
0x6f: {  	_ =	shalt  }
0x70: {  	_ =	shalt  }
0x71: {  	_ =	shalt  }
0x72: {  	_ =	shalt  }
0x73: {  	_ =	shalt  }
0x74: {  	_ =	shalt  }
0x75: {  	_ =	shalt  }
0x76: {  	_ =	shalt  }
0x77: {  	_ =	shalt  }
0x78: {  	_ =	shalt  }
0x79: {  	_ =	shalt  }
0x7a: {  	_ =	shalt  }
0x7b: {  	_ =	shalt  }
0x7c: {  	_ =	shalt  }
0x7d: {  	_ =	shalt  }
0x7e: {  	_ =	shalt  }
0x7f: {  	_ =	shalt  }
0x80: {  	_ =	shalt  }
0x81: {  	_ =	shalt  }
0x82: {  	_ =	shalt  }
0x83: {  	_ =	shalt  }
0x84: {  	_ =	shalt  }
0x85: {  	_ =	shalt  }
0x86: {  	_ =	shalt  }
0x87: {  	_ =	shalt  }
.Lfunc_end0:
.L_simem_size_0:
called_computation_lowered:
.L_overlay_start_0:
0x88: {  	s2 =	sld [smem:$0x3FD9]  }
0x89: {  	s3 =	sld [smem:$0x3FFE];
	_ =	sdelay $0x1  }
0x8a: {  	s1 =	srdreg.scid  }
0x8b: {  	s0 =	sand.u32 $0x1, s1  }
0x8c: {  	s16 =	sshll.u32 s0, $0xA;
	s2 =	sadd.s32 s3, s2  }
0x8d: {  	s2 =	sadd.s32 s2, s16  }
0x8e: {  	[smem:$0x3FC2] =	sst s2  }
0x8f: {  	_ = 	snop  }
0x90: {  	(tm) =	ssettm $0x1  }
0x91: {  	s17 =	sld [smem:$0x3FFB];
	_ =	sdelay $0x3  }
0x92: {  	_ =	strace s17  }
0x93: {  	s2 =	sld [smem:$0x3FFC];
	_ =	sdelay $0x3  }
0x94: {  	_ =	strace s2  }
0x95: {  	s2 =	sld [smem:$0x3FFD];
	_ =	sdelay $0x3  }
0x96: {  	_ =	strace s2  }
0x97: {  	_ =	strace $0x8FFFFFFF  }
0x98: {  	s18 =	sld [smem:$0x3FDB];
	_ =	sdelay $0x1  }
0x99: {  	s19 =	simm.s32 $_scs_section_size  }
0x9a: {  	s4 =	simm.s32 $_size__tile_overlayer_lowered;
	s5 =	simm.s32 $_tile_overlayer_lowered  }
0x9b: {  	s22 =	simm.s32 $0x1BFF;
	s21 =	sshll.u32 s5, $0x1;
	s2 =	sadd.s32 s19, s18  }
0x9c: {  	s6 =	simm.s32 $0x0;
	s20 =	sshll.u32 s4, $0x1;
	s4 =	sadd.s32 s21, s2  }
0x9d: {  	[timem:s6], [sflag:s22] =	dma.local [hbm:s4], s20  }
0x9e: {  	_ =	swait.ge [sflag:s22], s20  }
0x9f: {  	s3 =	ssub.s32 $0x0, s20;
	[sflag:s22] =	ssyncset.done $0x0  }
0xa0: {  	[sflag:s22] =	ssyncadd.s32 s3;
	_ =	sdelay $0x1  }
0xa1: {  	s23 =	simm.s32 $0x1B8B  }
0xa2: {  	_ =	swait.ge [sflag:s23], $0x1  }
0xa3: {  	[sflag:s23] =	ssyncset.done $0x0  }
0xa4: {  	s25 =	simm.s32 $0x1B8E;
	s24 =	sld [smem:$0x3FFE];
	[sflag:s23] =	ssyncadd.s32 $0xFFFFFFFF  }
0xa5: {  	s26 =	simm.s32 $execute0_lowered;
	[smem:$0x3FD2] =	sst s25  }
0xa6: {  	s4 =	sshll.u32 s26, $0x1;
	_ =	strace $0x80000046;
	[dreg:$0x1] =	wrdreg $0xFFFFFFFF  }
0xa7: {  	s28 =	simm.s32 $_size_execute0_lowered;
	s2 =	sadd.s32 s2, s4;
	[dreg:$0x0] =	wrdreg $0x0  }
0xa8: {  	s4 =	sshll.u32 s28, $0x1;
	[dreg:$0x2] =	wrdreg s2  }
0xa9: {  	[dreg:$0x3] =	wrdreg s4  }
0xaa: {  	[dreg:$0x4] =	wrdreg $0xC0  }
0xab: {  	_ =	task [dreg:s6], $0x5FFFF  }
0xac: {  	[dreg:$0x1] =	wrdreg $0xFFFFFFFF  }
0xad: {  	[dreg:$0x0] =	wrdreg $0x60  }
0xae: {  	[dreg:$0x2] =	wrdreg s24  }
0xaf: {  	[dreg:$0x3] =	wrdreg $0x28800  }
0xb0: {  	[dreg:$0x4] =	wrdreg $0x9  }
0xb1: {  	_ =	task.clear_ibuf [dreg:s6], $0x5FFFF;
	_ =	strace $0x90000046  }
0xb2: {  	s29 =	simm.s32 $0x9;
	_ =	strace $0x80000048  }
0xb3: {  	_ =	swait.ge [sflag:s29], $0x1  }
0xb4: {  	[sflag:s29] =	ssyncadd.s32 $0xFFFFFFFF  }
0xb5: {  	_ =	strace $0x90000048  }
0xb6: {  	_ =	sfence  }
0xb7: {  	s30 =	sld [smem:$0x0];
	_ =	sdelay $0x2  }
0xb8: {  	s31 =	sshll.u32 s1, $0xD;
	s1 =	sshrl.u32 s1, $0x2  }
0xb9: {  	s3 =	sand.u32 $0x4000, s31;
	s1 =	sadd.s32 s1, s30  }
0xba: {  	s0 =	sor.u32 s3, s0;
	s1 =	sshll.u32 s1, $0x11  }
0xbb: {  	s0 =	sor.u32 s1, s0  }
0xbc: {  	s0 =	sadd.s32 $0x8F2B, s0  }
0xbd: {  	[sflag:s0] =	ssyncadd.remote.s32 $0x1  }
0xbe: {  	_ =	sfence.sel $0xFFFF  }
0xbf: {  	[dreg:$0x0] =	wrdreg $0xFFFFFFFF;
	(pc) =	sbr.abs _section_cstart, $3  }
0xc0: {  	[dreg:$0x1] =	wrdreg $0xFFFFFFFF  }
0xc1: {  	_ =	task.clear_ibuf [dreg:s6], $0x2FFFF;
	_ =	strace $0x9FFFFFFF  }
0xc2: {  	(tm) =	ssettm $0x7FFFFFFF  }
0xc3: {  	_ =	shalt  }
tec
execute0_lowered:
.L_overlay_start_1:
0x0: {  	(tag) =	ssettag $0x1  }
0x1: {  	s1 =	srdreg.scid;
	s5 =	rddreg [dreg:$0x0]  }
0x2: {  	s0 =	stileid.u32;
	s2 =	rddreg [dreg:$0x1];
	s3 =	simm.s32 $0x0  }
0x3: {  	s13 =	simm.s32 $0x80;
	s14 =	simm.s32 $0x2800;
	s15 =	simm.s32 $0x10  }
0x4: {  	s16 =	simm.s32 $0x0;
	s6 =	sand.u32 $0x1, s1;
	s25 =	sshll.u32 s0, $0x1  }
0x5: {  	s1 =	rddreg [dreg:$0x2];
	s9 =	sshrl.u32 s0, $0x3;
	s29 =	smul.u32 $0xA00, s0  }
0x6: {  	[smem:$0x7FF] =	sst s3;
	s10 =	sshll.u32 s0, $0x7;
	s8 =	smul.u32 $0x2800, s6  }
0x7: {  	s31 =	sshll.u32 s0, $0x6;
	s4 =	sor.u32 s6, s25;
	s9 =	smul.u32 $0x1400, s9  }
0x8: {  	_ =	strace $0x80000047;
	s26 =	sand.u32 $0x380, s10;
	s6 =	ssub.s32 $0x2, s6  }
0x9: {  	s7 =	smul.u32 $0x480, s4;
	s4 =	sshll.u32 s4, $0x7;
	s30 =	sshrl.u32 s6, $0x1  }
0xa: {  	s8 =	sadd.s32 s8, s9;
	s28 =	sadd.s32 s4, s5;
	s4 =	sadd.s32 $0x16C00, s5  }
0xb: {  	s9 =	sshrl.u32 s29, $0x2;
	s11 =	ssub.s32 s6, s30;
	s7 =	sadd.s32 s7, s5  }
0xc: {  	s8 =	sor.u32 s26, s8;
	s12 =	sadd.s32 s9, s2;
	s9 =	smax.u32 s11, $0x1  }
0xd: {  	s11 =	simm.s32 $0x1;
	s8 =	sshrl.u32 s8, $0x3;
	s6 =	sadd.s32 $0xBC00, s7  }
0xe: {  	s7 =	sadd.s32 $0x14C00, s28;
	s10 =	sshrl.u32 s12, $0x3;
	s8 =	sadd.s32 s8, s5  }
0xf: {  	v0 =	vimm.f32 $1.000000000e+00;
	s12 =	simm.s32 $0x2400;
	s5 =	sor.u32 $0x1C01, s31;
	s8 =	sadd.s32 $0x16E00, s8  }
.LBB2_1:
0x10: {  	[spmem:s10], [sflag:s5] =	dma.local [hbm:s4], $0x50  }
0x11: {  	_ =	swait.ge [sflag:s11], $0x50  }
0x12: {  	[sflag:s11] =	ssyncset.done $0x0  }
0x13: {  	[sflag:s11] =	ssyncadd.s32 $0xFFFFFFB0  }
0x14: {  	[tilespmem:$0x2800] =	vst v0  }
0x15: {  	[tilespmem:$0x2810] =	vst v0  }
0x16: {  	[tilespmem:$0x2820] =	vst v0  }
0x17: {  	[tilespmem:$0x2830] =	vst v0  }
0x18: {  	[tilespmem:$0x2840] =	vst v0  }
0x19: {  	[tilespmem:$0x2850] =	vst v0  }
0x1a: {  	[tilespmem:$0x2860] =	vst v0  }
0x1b: {  	[tilespmem:$0x2870] =	vst v0  }
0x1c: {  	[tilespmem:s3], [sflag:$0x1] =	stream.linear.gather [hbm4b:s6+s3], $0x2400, $0x38;
	[tilespmem:$0x2B00] =	vst v63  }
0x1d: {  	_ =	swait.ge [sflag:s11], $0x2400  }
0x1e: {  	[sflag:s11] =	ssyncset.done $0x0  }
0x1f: {  	[sflag:s11] =	ssyncadd.s32 $0xFFFFDC00  }
0x20: {  	[tilespmem:s12], [sflag:$0x1] =	stream.linear.gather [hbm4b:s7+s3], $0x400, $0x38;
	[tilespmem:$0x2B00] =	vst v63  }
0x21: {  	_ =	swait.ge [sflag:s11], $0x400  }
0x22: {  	[sflag:s11] =	ssyncset.done $0x0  }
0x23: {  	[sflag:s11] =	ssyncadd.s32 $0xFFFFFC00  }
0x24: {  	s17 =	simm.s32 $0x0;
	[bflag:$0x0] =	sbarrier.arrive $0xFFFF  }
0x25: {  	[spmem:s2] =	stream.indirect.scatter.add.f32 [tilespmem:s14], [sflag:$0x1], $0x1, s17, s13, $0xb8;
	[tilespmem:$0x2B00] =	vst v63  }
0x26: {  	_ =	swait.ge [sflag:s11], $0x80  }
0x27: {  	s17 =	simm.s32 $0x200;
	[sflag:s11] =	ssyncset.done $0x0  }
.LBB2_2:
0x28: {  	s18 =	sshra.s32 s17, $0x2;
	[sflag:s11] =	ssyncadd.s32 $0xFFFFFF80;
	p0 =	sne.s32 s17, $0x9E00  }
0x29: {  	[spmem:s2] =	stream.indirect.scatter.add.f32 [tilespmem:s14], [sflag:$0x1], $0x1, s18, s13, $0xb8;
	[tilespmem:$0x2B00] =	vst v63  }
.Ltmp0:
0x2a: {  	_ = 	snop;
	(pc) =	sbr.rel @p0 .LBB2_2-.Ltmp0, $4  }
0x2b: {  	_ = 	snop  }
0x2c: {  	s17 =	sadd.s32 $0x200, s17  }
0x2d: {  	_ =	swait.ge [sflag:s11], $0x80  }
0x2e: {  	[sflag:s11] =	ssyncset.done $0x0  }
0x2f: {  	s16 =	sadd.s32 $0x1, s16  }
0x30: {  	[sflag:s11] =	ssyncadd.s32 $0xFFFFFF80;
	p0 =	sne.s32 s16, s9  }
.Ltmp1:
0x31: {  	[bflag:$0x0] =	sbarrier.arrive $0xFFFF;
	(pc) =	sbr.rel @p0 .LBB2_1-.Ltmp1, $4  }
0x32: {  	[hbm:s8@s13], [sflag:s5] =	dma.strided [spmem:s10@s15], $0x50, s11, $0x10   }
0x33: {  	_ =	swait.ge [sflag:s11], $0x50  }
0x34: {  	[sflag:s11] =	ssyncset.done $0x0  }
0x35: {  	[sflag:s11] =	ssyncadd.s32 $0xFFFFFFB0  }
0x36: {  	_ =	sfence.sel $0x180000  }
0x37: {  	[bflag:$0x0] =	sbarrier.arrive $0xFFFF  }
0x38: {  	p0 =	sne.s32 s0, $0x0;
	_ =	strace $0x90000047  }
0x39: {  	s0 =	sadd.s32 @!p0 $0x100000, s1;
	[bflag:$0x2] =	sbarrier.arrive $0xFFFF  }
0x3a: {  	[sflag:s0] =	ssyncadd.tile.s32 @!p0 $0x1;
	_ =	shalt  }
.Lfunc_end2:
_tile_overlayer_lowered:
.L_overlay_start_2:
0x3b: {  	(tag) =	ssettag $0x2  }
0x3c: {  	s0 =	rddreg [dreg:$0x0];
	s2 =	stileid.u32  }
0x3d: {  	s1 =	rddreg [dreg:$0x1];
	p0 =	sne.s32 s2, $0x0  }
0x3e: {  	s3 =	rddreg [dreg:$0x2];
	[bflag:$0x3] =	sbarrier.arrive $0xFFFF;
	s2 =	simm.s32 @!p0 $0x1C01  }
0x3f: {  	[timem:s3], [sflag:s2] =	dma.local @!p0 [hbm:s0], s1  }
0x40: {  	s0 =	simm.s32 @!p0 $0x1  }
0x41: {  	_ =	swait.ge @!p0 [sflag:s0], s1  }
0x42: {  	s1 =	ssub.s32 @!p0 $0x0, s1;
	[sflag:s0] =	ssyncset.done @!p0 $0x0  }
0x43: {  	[sflag:s0] =	ssyncadd.s32 @!p0 s1  }
0x44: {  	[bflag:$0x3] =	sbarrier.arrive $0xFFFF  }
0x45: {  	_ =	shalt  }

</sc_bundles>
